<compile_context>
chip_gen: v7x
topology: tpu7x:2x2x1
jax: 0.10.2.dev20260603
libtpu: 0.0.44.dev20260713+nightly
codegen_flags: <defaults>
</compile_context>

<pallas_src>
import functools

import jax
import jax.numpy as jnp
from jax import lax
from jax.experimental import pallas as pl
from jax.experimental.pallas import tpu as pltpu
from jax.experimental.pallas import tpu_sc as plsc

N_CORES = 2
N_SUBCORES = 16
LANES = 16
N_WORKERS = N_CORES * N_SUBCORES

BATCH = 16384
D = 64
PER_W = BATCH // N_WORKERS
CH = 32
N_CH = PER_W // CH
G_PER_CH = CH // LANES


def _sc_body(uidx_hbm, iidx_hbm, uf_hbm, if_hbm, ub_hbm, ib_hbm, dummy_hbm,
             out_hbm, uidx_v, iidx_v, utile_v, itile_v,
             ubias_v, ibias_v, out_v, sem_u, sem_i, sem_b):
    wid = lax.axis_index("s") * N_CORES + lax.axis_index("c")

    pltpu.sync_copy(uidx_hbm.at[pl.ds(wid, 1)], uidx_v)
    pltpu.sync_copy(iidx_hbm.at[pl.ds(wid, 1)], iidx_v)

    def fire_bias(g, carry):
        uvals = uidx_v[0, pl.ds(g * LANES, LANES)]
        ivals = iidx_v[0, pl.ds(g * LANES, LANES)]
        for p in range(LANES):
            su = uvals[p]
            si = ivals[p]
            su_al = pl.multiple_of(su & ~7, 8)
            si_al = pl.multiple_of(si & ~7, 8)
            pb = pl.multiple_of((g * LANES + p) * 8, 8)
            pltpu.make_async_copy(
                ub_hbm.at[pl.ds(su_al, 8)], ubias_v.at[pl.ds(pb, 8)],
                sem_b).start()
            pltpu.make_async_copy(
                ib_hbm.at[pl.ds(si_al, 8)], ibias_v.at[pl.ds(pb, 8)],
                sem_b).start()
        return carry

    lax.fori_loop(0, PER_W // LANES, fire_bias, 0)
    pltpu.make_async_copy(ub_hbm.at[pl.ds(0, PER_W * 8)], ubias_v,
                          sem_b).wait()
    pltpu.make_async_copy(ib_hbm.at[pl.ds(0, PER_W * 8)], ibias_v,
                          sem_b).wait()

    lane = lax.iota(jnp.int32, LANES)
    zeros = lane * 0

    def chunk(c, carry):
        for g in range(G_PER_CH):
            uvals = uidx_v[0, pl.ds(c * CH + g * LANES, LANES)]
            ivals = iidx_v[0, pl.ds(c * CH + g * LANES, LANES)]
            for p in range(LANES):
                su = uvals[p]
                si = ivals[p]
                pltpu.make_async_copy(
                    uf_hbm.at[pl.ds(su >> 3, 1)],
                    utile_v.at[pl.ds(g * LANES + p, 1)], sem_u).start()
                pltpu.make_async_copy(
                    if_hbm.at[pl.ds(si >> 3, 1)],
                    itile_v.at[pl.ds(g * LANES + p, 1)], sem_i).start()
        pltpu.make_async_copy(dummy_hbm, utile_v, sem_u).wait()
        pltpu.make_async_copy(dummy_hbm, itile_v, sem_i).wait()

        for g in range(G_PER_CH):
            p_loc = g * LANES + lane
            rows16 = c * CH + p_loc
            uvals = uidx_v[0, pl.ds(c * CH + g * LANES, LANES)]
            ivals = iidx_v[0, pl.ds(c * CH + g * LANES, LANES)]
            urow = uvals & 7
            irow = ivals & 7
            acc = plsc.load_gather(ubias_v, [rows16 * 8 + urow])
            acc = acc + plsc.load_gather(ibias_v, [rows16 * 8 + irow])
            for j in range(D):
                colj = zeros + j
                u = plsc.load_gather(utile_v, [p_loc, urow, colj])
                v = plsc.load_gather(itile_v, [p_loc, irow, colj])
                acc = acc + u * v
            acc = 1.0 / (1.0 + jnp.exp(-acc))
            out_v[pl.ds(c * CH + g * LANES, LANES)] = acc
        return carry

    lax.fori_loop(0, N_CH, chunk, 0)
    pltpu.sync_copy(out_v, out_hbm.at[pl.ds(wid * PER_W, PER_W)])


@jax.jit
def _baseline_cf_sc(uidx, iidx, uf3, if3, user_bias, item_bias, dummy):
    mesh = plsc.VectorSubcoreMesh(core_axis_name="c", subcore_axis_name="s")
    run = functools.partial(
        pl.kernel,
        mesh=mesh,
        compiler_params=pltpu.CompilerParams(needs_layout_passes=False),
        out_type=jax.ShapeDtypeStruct((BATCH,), jnp.float32),
        scratch_types=[
            pltpu.VMEM((1, PER_W), jnp.int32),
            pltpu.VMEM((1, PER_W), jnp.int32),
            pltpu.VMEM((CH, 8, D), jnp.float32),
            pltpu.VMEM((CH, 8, D), jnp.float32),
            pltpu.VMEM((PER_W * 8,), jnp.float32),
            pltpu.VMEM((PER_W * 8,), jnp.float32),
            pltpu.VMEM((PER_W,), jnp.float32),
            pltpu.SemaphoreType.DMA,
            pltpu.SemaphoreType.DMA,
            pltpu.SemaphoreType.DMA,
        ],
    )(_sc_body)
    return run(uidx, iidx, uf3, if3, user_bias, item_bias, dummy)


def kernel(data, user_factors, item_factors, user_bias, item_bias):
    uidx = data[:, 0].reshape(N_WORKERS, PER_W)
    iidx = data[:, 1].reshape(N_WORKERS, PER_W)
    uf3 = user_factors.reshape(125000, 8, D)
    if3 = item_factors.reshape(125000, 8, D)
    dummy = jnp.zeros((CH, 8, D), jnp.float32)
    out = _baseline_cf_sc(uidx, iidx, uf3, if3,
                          user_bias.reshape(-1), item_bias.reshape(-1), dummy)
    return out.reshape(BATCH, 1)

# --- scband reference (transcript-rebuilt; emitter-appended) ---
"""Pipeline reference for scband-baseline-cf-53661321396778 (READ-ONLY COPY).

The authoritative reference and input builder live on the scoring server;
editing this copy changes nothing except your own understanding.
"""

import jax, jax.numpy as jnp
import numpy as np

N_USERS = 1000000
N_ITEMS = 1000000
N_FACTORS = 64
BATCH = 16384


def setup_inputs(seed: int = 0) -> dict:
    key = jax.random.key(seed)
    k1, k2, k3, k4, k5 = jax.random.split(key, 5)
    data = jax.random.randint(k1, (BATCH, 2), 0, N_USERS, dtype=jnp.int32)
    user_factors = jax.random.normal(k2, (N_USERS, N_FACTORS), dtype=jnp.float32) * 0.01
    item_factors = jax.random.normal(k3, (N_ITEMS, N_FACTORS), dtype=jnp.float32) * 0.01
    user_bias = jax.random.normal(k4, (N_USERS, 1), dtype=jnp.float32) * 0.01
    item_bias = jax.random.normal(k5, (N_ITEMS, 1), dtype=jnp.float32) * 0.01
    return {
        "data": data,
        "user_factors": user_factors,
        "item_factors": item_factors,
        "user_bias": user_bias,
        "item_bias": item_bias,
    }


def reference(data, user_factors, item_factors, user_bias, item_bias):
    # Embedding lookups (gather)
    users = jnp.take(user_factors, data[:, 0], axis=0)
    items = jnp.take(item_factors, data[:, 1], axis=0)
    out = jnp.sum(users * items, axis=1, keepdims=True)
    out = out + jnp.take(user_bias, data[:, 0], axis=0) + jnp.take(item_bias, data[:, 1], axis=0)
    return jax.nn.sigmoid(out)

if __name__ == "__main__":
    import jax
    _d = setup_inputs()
    print(jax.jit(kernel)(*tuple(_d.values())))

</pallas_src>

<mosaic_0001>
#map = affine_map<(d0, d1) -> (0, 0)>
#map1 = affine_map<(d0, d1) -> (0, 0, 0)>
#map2 = affine_map<(d0, d1) -> (0)>
module attributes {stable_mosaic.version = 14 : i64} {
  func.func @_sc_body(%arg0: i32, %arg1: i32, %arg2: memref<32x512xi32, #tpu.memory_space<hbm>>, %arg3: memref<32x512xi32, #tpu.memory_space<hbm>>, %arg4: memref<125000x8x64xf32, #tpu.memory_space<hbm>>, %arg5: memref<125000x8x64xf32, #tpu.memory_space<hbm>>, %arg6: memref<1000000xf32, #tpu.memory_space<hbm>>, %arg7: memref<1000000xf32, #tpu.memory_space<hbm>>, %arg8: memref<32x8x64xf32, #tpu.memory_space<hbm>>, %arg9: memref<16384xf32, #tpu.memory_space<hbm>>, %arg10: memref<1x512xi32, #tpu.memory_space<vmem>>, %arg11: memref<1x512xi32, #tpu.memory_space<vmem>>, %arg12: memref<32x8x64xf32, #tpu.memory_space<vmem>>, %arg13: memref<32x8x64xf32, #tpu.memory_space<vmem>>, %arg14: memref<4096xf32, #tpu.memory_space<vmem>>, %arg15: memref<4096xf32, #tpu.memory_space<vmem>>, %arg16: memref<512xf32, #tpu.memory_space<vmem>>, %arg17: memref<!tpu.dma_semaphore, #tpu.memory_space<semaphore_mem>>, %arg18: memref<!tpu.dma_semaphore, #tpu.memory_space<semaphore_mem>>, %arg19: memref<!tpu.dma_semaphore, #tpu.memory_space<semaphore_mem>>) attributes {dimension_semantics = [#tpu.dimension_semantics<core_parallel>, #tpu.dimension_semantics<subcore_parallel>], iteration_bounds = array<i64: 2, 16>, scalar_prefetch = 0 : i64, scratch_operands = 10 : i64, tpu.core_type = #tpu.core_type<sc_vector_subcore>, window_params = [{transform_indices = #map}, {transform_indices = #map}, {transform_indices = #map1}, {transform_indices = #map1}, {transform_indices = #map2}, {transform_indices = #map2}, {transform_indices = #map1}, {transform_indices = #map2}]} {
    %mul3A = arith.constant 2 : i32
    %mul3A_0 = arith.muli %arg1, %mul3A : i32
    %add3A = arith.addi %mul3A_0, %arg0 : i32
    "tpu.region"() ({
      %run_scoped3A = tpu.sem_alloc : memref<!tpu.dma_semaphore, #tpu.memory_space<semaphore_mem>>
      %dma_start3A = arith.constant 0 : i32
      %dma_start3A_24 = tpu.memref_slice %arg2[%add3A, %dma_start3A] : memref<32x512xi32, #tpu.memory_space<hbm>> -> memref<1x512xi32, #tpu.memory_space<hbm>>
      %dma_start3A_25 = arith.constant 0 : i32
      %dma_start3A_26 = tpu.memref_slice %arg2[%add3A, %dma_start3A_25] : memref<32x512xi32, #tpu.memory_space<hbm>> -> memref<1x512xi32, #tpu.memory_space<hbm>>
      tpu.enqueue_dma source(%dma_start3A_26 : memref<1x512xi32, #tpu.memory_space<hbm>>) target(%arg10 : memref<1x512xi32, #tpu.memory_space<vmem>>) target_semaphore(%run_scoped3A : memref<!tpu.dma_semaphore, #tpu.memory_space<semaphore_mem>>)
      %dma_wait3A_27 = arith.constant 0 : i32
      %dma_wait3A_28 = tpu.memref_slice %arg2[%add3A, %dma_wait3A_27] : memref<32x512xi32, #tpu.memory_space<hbm>> -> memref<1x512xi32, #tpu.memory_space<hbm>>
      %dma_wait3A_29 = arith.constant 0 : i32
      %dma_wait3A_30 = tpu.memref_slice %arg2[%add3A, %dma_wait3A_29] : memref<32x512xi32, #tpu.memory_space<hbm>> -> memref<1x512xi32, #tpu.memory_space<hbm>>
      tpu.wait_dma2 semaphore(%run_scoped3A : memref<!tpu.dma_semaphore, #tpu.memory_space<semaphore_mem>>) src(%dma_wait3A_30 : memref<1x512xi32, #tpu.memory_space<hbm>>) dst(%arg10 : memref<1x512xi32, #tpu.memory_space<vmem>>)
      tpu.yield
    }) : () -> ()
    "tpu.region"() ({
      %run_scoped3A = tpu.sem_alloc : memref<!tpu.dma_semaphore, #tpu.memory_space<semaphore_mem>>
      %dma_start3A = arith.constant 0 : i32
      %dma_start3A_24 = tpu.memref_slice %arg3[%add3A, %dma_start3A] : memref<32x512xi32, #tpu.memory_space<hbm>> -> memref<1x512xi32, #tpu.memory_space<hbm>>
      %dma_start3A_25 = arith.constant 0 : i32
      %dma_start3A_26 = tpu.memref_slice %arg3[%add3A, %dma_start3A_25] : memref<32x512xi32, #tpu.memory_space<hbm>> -> memref<1x512xi32, #tpu.memory_space<hbm>>
      tpu.enqueue_dma source(%dma_start3A_26 : memref<1x512xi32, #tpu.memory_space<hbm>>) target(%arg11 : memref<1x512xi32, #tpu.memory_space<vmem>>) target_semaphore(%run_scoped3A : memref<!tpu.dma_semaphore, #tpu.memory_space<semaphore_mem>>)
      %dma_wait3A_27 = arith.constant 0 : i32
      %dma_wait3A_28 = tpu.memref_slice %arg3[%add3A, %dma_wait3A_27] : memref<32x512xi32, #tpu.memory_space<hbm>> -> memref<1x512xi32, #tpu.memory_space<hbm>>
      %dma_wait3A_29 = arith.constant 0 : i32
      %dma_wait3A_30 = tpu.memref_slice %arg3[%add3A, %dma_wait3A_29] : memref<32x512xi32, #tpu.memory_space<hbm>> -> memref<1x512xi32, #tpu.memory_space<hbm>>
      tpu.wait_dma2 semaphore(%run_scoped3A : memref<!tpu.dma_semaphore, #tpu.memory_space<semaphore_mem>>) src(%dma_wait3A_30 : memref<1x512xi32, #tpu.memory_space<hbm>>) dst(%arg11 : memref<1x512xi32, #tpu.memory_space<vmem>>)
      tpu.yield
    }) : () -> ()
    %scan3A = arith.constant 0 : i32
    %scan3A_1 = arith.constant 0 : i32
    %scan3A_2 = arith.constant 32 : i32
    %scan3A_3 = arith.addi %scan3A_1, %scan3A_2 : i32
    %scan3A_4 = arith.constant 1 : i32
    scf.for %scan3A_24 = %scan3A_1 to %scan3A_3 step %scan3A_4  : i32 {
      %mul3A_25 = arith.constant 16 : i32
      %mul3A_26 = arith.muli %scan3A_24, %mul3A_25 : i32
      %get3A = arith.constant 0 : i32
      %get3A_27 = arith.index_cast %get3A : i32 to index
      %get3A_28 = arith.index_cast %mul3A_26 : i32 to index
      %get3A_29 = tpu.vector_load %arg10[%get3A_27, %get3A_28] {strides = array<i32>} : memref<1x512xi32, #tpu.memory_space<vmem>>, vector<16xi32>,
      %mul3A_30 = arith.constant 16 : i32
      %mul3A_31 = arith.muli %scan3A_24, %mul3A_30 : i32
      %get3A_32 = arith.constant 0 : i32
      %get3A_33 = arith.index_cast %get3A_32 : i32 to index
      %get3A_34 = arith.index_cast %mul3A_31 : i32 to index
      %get3A_35 = tpu.vector_load %arg11[%get3A_33, %get3A_34] {strides = array<i32>} : memref<1x512xi32, #tpu.memory_space<vmem>>, vector<16xi32>,
      %slice3A = vector.extract_strided_slice %get3A_29 {offsets = [0], sizes = [1], strides = [1]} : vector<16xi32> to vector<1xi32>
      %squeeze3A = vector.extract %slice3A[0] : i32 from vector<1xi32>
      %slice3A_36 = vector.extract_strided_slice %get3A_35 {offsets = [0], sizes = [1], strides = [1]} : vector<16xi32> to vector<1xi32>
      %squeeze3A_37 = vector.extract %slice3A_36[0] : i32 from vector<1xi32>
      %and3A = arith.constant -8 : i32
      %and3A_38 = arith.andi %squeeze3A, %and3A : i32
      %multiple_of3A = tpu.assume_multiple %and3A_38, 8 : i32
      %and3A_39 = arith.constant -8 : i32
      %and3A_40 = arith.andi %squeeze3A_37, %and3A_39 : i32
      %multiple_of3A_41 = tpu.assume_multiple %and3A_40, 8 : i32
      %mul3A_42 = arith.constant 16 : i32
      %mul3A_43 = arith.muli %scan3A_24, %mul3A_42 : i32
      %add3A_44 = arith.constant 0 : i32
      %add3A_45 = arith.addi %mul3A_43, %add3A_44 : i32
      %mul3A_46 = arith.constant 8 : i32
      %mul3A_47 = arith.muli %add3A_45, %mul3A_46 : i32
      %multiple_of3A_48 = tpu.assume_multiple %mul3A_47, 8 : i32
      %dma_start3A = tpu.memref_slice %arg14[%multiple_of3A_48] : memref<4096xf32, #tpu.memory_space<vmem>> -> memref<8xf32, #tpu.memory_space<vmem>>
      %dma_start3A_49 = tpu.memref_slice %arg6[%multiple_of3A] : memref<1000000xf32, #tpu.memory_space<hbm>> -> memref<8xf32, #tpu.memory_space<hbm>>
      %dma_start3A_50 = tpu.memref_slice %arg14[%multiple_of3A_48] : memref<4096xf32, #tpu.memory_space<vmem>> -> memref<8xf32, #tpu.memory_space<vmem>>
      %dma_start3A_51 = tpu.memref_slice %arg6[%multiple_of3A] : memref<1000000xf32, #tpu.memory_space<hbm>> -> memref<8xf32, #tpu.memory_space<hbm>>
      tpu.enqueue_dma source(%dma_start3A_51 : memref<8xf32, #tpu.memory_space<hbm>>) target(%dma_start3A_50 : memref<8xf32, #tpu.memory_space<vmem>>) target_semaphore(%arg19 : memref<!tpu.dma_semaphore, #tpu.memory_space<semaphore_mem>>)
      %dma_start3A_52 = tpu.memref_slice %arg15[%multiple_of3A_48] : memref<4096xf32, #tpu.memory_space<vmem>> -> memref<8xf32, #tpu.memory_space<vmem>>
      %dma_start3A_53 = tpu.memref_slice %arg7[%multiple_of3A_41] : memref<1000000xf32, #tpu.memory_space<hbm>> -> memref<8xf32, #tpu.memory_space<hbm>>
      %dma_start3A_54 = tpu.memref_slice %arg15[%multiple_of3A_48] : memref<4096xf32, #tpu.memory_space<vmem>> -> memref<8xf32, #tpu.memory_space<vmem>>
      %dma_start3A_55 = tpu.memref_slice %arg7[%multiple_of3A_41] : memref<1000000xf32, #tpu.memory_space<hbm>> -> memref<8xf32, #tpu.memory_space<hbm>>
      tpu.enqueue_dma source(%dma_start3A_55 : memref<8xf32, #tpu.memory_space<hbm>>) target(%dma_start3A_54 : memref<8xf32, #tpu.memory_space<vmem>>) target_semaphore(%arg19 : memref<!tpu.dma_semaphore, #tpu.memory_space<semaphore_mem>>)
      %slice3A_56 = vector.extract_strided_slice %get3A_29 {offsets = [1], sizes = [1], strides = [1]} : vector<16xi32> to vector<1xi32>
      %squeeze3A_57 = vector.extract %slice3A_56[0] : i32 from vector<1xi32>
      %slice3A_58 = vector.extract_strided_slice %get3A_35 {offsets = [1], sizes = [1], strides = [1]} : vector<16xi32> to vector<1xi32>
      %squeeze3A_59 = vector.extract %slice3A_58[0] : i32 from vector<1xi32>
      %and3A_60 = arith.constant -8 : i32
      %and3A_61 = arith.andi %squeeze3A_57, %and3A_60 : i32
      %multiple_of3A_62 = tpu.assume_multiple %and3A_61, 8 : i32
      %and3A_63 = arith.constant -8 : i32
      %and3A_64 = arith.andi %squeeze3A_59, %and3A_63 : i32
      %multiple_of3A_65 = tpu.assume_multiple %and3A_64, 8 : i32
      %mul3A_66 = arith.constant 16 : i32
      %mul3A_67 = arith.muli %scan3A_24, %mul3A_66 : i32
      %add3A_68 = arith.constant 1 : i32
      %add3A_69 = arith.addi %mul3A_67, %add3A_68 : i32
      %mul3A_70 = arith.constant 8 : i32
      %mul3A_71 = arith.muli %add3A_69, %mul3A_70 : i32
      %multiple_of3A_72 = tpu.assume_multiple %mul3A_71, 8 : i32
      %dma_start3A_73 = tpu.memref_slice %arg14[%multiple_of3A_72] : memref<4096xf32, #tpu.memory_space<vmem>> -> memref<8xf32, #tpu.memory_space<vmem>>
      %dma_start3A_74 = tpu.memref_slice %arg6[%multiple_of3A_62] : memref<1000000xf32, #tpu.memory_space<hbm>> -> memref<8xf32, #tpu.memory_space<hbm>>
      %dma_start3A_75 = tpu.memref_slice %arg14[%multiple_of3A_72] : memref<4096xf32, #tpu.memory_space<vmem>> -> memref<8xf32, #tpu.memory_space<vmem>>
      %dma_start3A_76 = tpu.memref_slice %arg6[%multiple_of3A_62] : memref<1000000xf32, #tpu.memory_space<hbm>> -> memref<8xf32, #tpu.memory_space<hbm>>
      tpu.enqueue_dma source(%dma_start3A_76 : memref<8xf32, #tpu.memory_space<hbm>>) target(%dma_start3A_75 : memref<8xf32, #tpu.memory_space<vmem>>) target_semaphore(%arg19 : memref<!tpu.dma_semaphore, #tpu.memory_space<semaphore_mem>>)
      %dma_start3A_77 = tpu.memref_slice %arg15[%multiple_of3A_72] : memref<4096xf32, #tpu.memory_space<vmem>> -> memref<8xf32, #tpu.memory_space<vmem>>
      %dma_start3A_78 = tpu.memref_slice %arg7[%multiple_of3A_65] : memref<1000000xf32, #tpu.memory_space<hbm>> -> memref<8xf32, #tpu.memory_space<hbm>>
      %dma_start3A_79 = tpu.memref_slice %arg15[%multiple_of3A_72] : memref<4096xf32, #tpu.memory_space<vmem>> -> memref<8xf32, #tpu.memory_space<vmem>>
      %dma_start3A_80 = tpu.memref_slice %arg7[%multiple_of3A_65] : memref<1000000xf32, #tpu.memory_space<hbm>> -> memref<8xf32, #tpu.memory_space<hbm>>
      tpu.enqueue_dma source(%dma_start3A_80 : memref<8xf32, #tpu.memory_space<hbm>>) target(%dma_start3A_79 : memref<8xf32, #tpu.memory_space<vmem>>) target_semaphore(%arg19 : memref<!tpu.dma_semaphore, #tpu.memory_space<semaphore_mem>>)
      %slice3A_81 = vector.extract_strided_slice %get3A_29 {offsets = [2], sizes = [1], strides = [1]} : vector<16xi32> to vector<1xi32>
      %squeeze3A_82 = vector.extract %slice3A_81[0] : i32 from vector<1xi32>
      %slice3A_83 = vector.extract_strided_slice %get3A_35 {offsets = [2], sizes = [1], strides = [1]} : vector<16xi32> to vector<1xi32>
      %squeeze3A_84 = vector.extract %slice3A_83[0] : i32 from vector<1xi32>
      %and3A_85 = arith.constant -8 : i32
      %and3A_86 = arith.andi %squeeze3A_82, %and3A_85 : i32
      %multiple_of3A_87 = tpu.assume_multiple %and3A_86, 8 : i32
      %and3A_88 = arith.constant -8 : i32
      %and3A_89 = arith.andi %squeeze3A_84, %and3A_88 : i32
      %multiple_of3A_90 = tpu.assume_multiple %and3A_89, 8 : i32
      %mul3A_91 = arith.constant 16 : i32
      %mul3A_92 = arith.muli %scan3A_24, %mul3A_91 : i32
      %add3A_93 = arith.constant 2 : i32
      %add3A_94 = arith.addi %mul3A_92, %add3A_93 : i32
      %mul3A_95 = arith.constant 8 : i32
      %mul3A_96 = arith.muli %add3A_94, %mul3A_95 : i32
      %multiple_of3A_97 = tpu.assume_multiple %mul3A_96, 8 : i32
      %dma_start3A_98 = tpu.memref_slice %arg14[%multiple_of3A_97] : memref<4096xf32, #tpu.memory_space<vmem>> -> memref<8xf32, #tpu.memory_space<vmem>>
      %dma_start3A_99 = tpu.memref_slice %arg6[%multiple_of3A_87] : memref<1000000xf32, #tpu.memory_space<hbm>> -> memref<8xf32, #tpu.memory_space<hbm>>
      %dma_start3A_100 = tpu.memref_slice %arg14[%multiple_of3A_97] : memref<4096xf32, #tpu.memory_space<vmem>> -> memref<8xf32, #tpu.memory_space<vmem>>
      %dma_start3A_101 = tpu.memref_slice %arg6[%multiple_of3A_87] : memref<1000000xf32, #tpu.memory_space<hbm>> -> memref<8xf32, #tpu.memory_space<hbm>>
      tpu.enqueue_dma source(%dma_start3A_101 : memref<8xf32, #tpu.memory_space<hbm>>) target(%dma_start3A_100 : memref<8xf32, #tpu.memory_space<vmem>>) target_semaphore(%arg19 : memref<!tpu.dma_semaphore, #tpu.memory_space<semaphore_mem>>)
      %dma_start3A_102 = tpu.memref_slice %arg15[%multiple_of3A_97] : memref<4096xf32, #tpu.memory_space<vmem>> -> memref<8xf32, #tpu.memory_space<vmem>>
      %dma_start3A_103 = tpu.memref_slice %arg7[%multiple_of3A_90] : memref<1000000xf32, #tpu.memory_space<hbm>> -> memref<8xf32, #tpu.memory_space<hbm>>
      %dma_start3A_104 = tpu.memref_slice %arg15[%multiple_of3A_97] : memref<4096xf32, #tpu.memory_space<vmem>> -> memref<8xf32, #tpu.memory_space<vmem>>
      %dma_start3A_105 = tpu.memref_slice %arg7[%multiple_of3A_90] : memref<1000000xf32, #tpu.memory_space<hbm>> -> memref<8xf32, #tpu.memory_space<hbm>>
      tpu.enqueue_dma source(%dma_start3A_105 : memref<8xf32, #tpu.memory_space<hbm>>) target(%dma_start3A_104 : memref<8xf32, #tpu.memory_space<vmem>>) target_semaphore(%arg19 : memref<!tpu.dma_semaphore, #tpu.memory_space<semaphore_mem>>)
      %slice3A_106 = vector.extract_strided_slice %get3A_29 {offsets = [3], sizes = [1], strides = [1]} : vector<16xi32> to vector<1xi32>
      %squeeze3A_107 = vector.extract %slice3A_106[0] : i32 from vector<1xi32>
      %slice3A_108 = vector.extract_strided_slice %get3A_35 {offsets = [3], sizes = [1], strides = [1]} : vector<16xi32> to vector<1xi32>
      %squeeze3A_109 = vector.extract %slice3A_108[0] : i32 from vector<1xi32>
      %and3A_110 = arith.constant -8 : i32
      %and3A_111 = arith.andi %squeeze3A_107, %and3A_110 : i32
      %multiple_of3A_112 = tpu.assume_multiple %and3A_111, 8 : i32
      %and3A_113 = arith.constant -8 : i32
      %and3A_114 = arith.andi %squeeze3A_109, %and3A_113 : i32
      %multiple_of3A_115 = tpu.assume_multiple %and3A_114, 8 : i32
      %mul3A_116 = arith.constant 16 : i32
      %mul3A_117 = arith.muli %scan3A_24, %mul3A_116 : i32
      %add3A_118 = arith.constant 3 : i32
      %add3A_119 = arith.addi %mul3A_117, %add3A_118 : i32
      %mul3A_120 = arith.constant 8 : i32
      %mul3A_121 = arith.muli %add3A_119, %mul3A_120 : i32
      %multiple_of3A_122 = tpu.assume_multiple %mul3A_121, 8 : i32
      %dma_start3A_123 = tpu.memref_slice %arg14[%multiple_of3A_122] : memref<4096xf32, #tpu.memory_space<vmem>> -> memref<8xf32, #tpu.memory_space<vmem>>
      %dma_start3A_124 = tpu.memref_slice %arg6[%multiple_of3A_112] : memref<1000000xf32, #tpu.memory_space<hbm>> -> memref<8xf32, #tpu.memory_space<hbm>>
      %dma_start3A_125 = tpu.memref_slice %arg14[%multiple_of3A_122] : memref<4096xf32, #tpu.memory_space<vmem>> -> memref<8xf32, #tpu.memory_space<vmem>>
      %dma_start3A_126 = tpu.memref_slice %arg6[%multiple_of3A_112] : memref<1000000xf32, #tpu.memory_space<hbm>> -> memref<8xf32, #tpu.memory_space<hbm>>
      tpu.enqueue_dma source(%dma_start3A_126 : memref<8xf32, #tpu.memory_space<hbm>>) target(%dma_start3A_125 : memref<8xf32, #tpu.memory_space<vmem>>) target_semaphore(%arg19 : memref<!tpu.dma_semaphore, #tpu.memory_space<semaphore_mem>>)
      %dma_start3A_127 = tpu.memref_slice %arg15[%multiple_of3A_122] : memref<4096xf32, #tpu.memory_space<vmem>> -> memref<8xf32, #tpu.memory_space<vmem>>
      %dma_start3A_128 = tpu.memref_slice %arg7[%multiple_of3A_115] : memref<1000000xf32, #tpu.memory_space<hbm>> -> memref<8xf32, #tpu.memory_space<hbm>>
      %dma_start3A_129 = tpu.memref_slice %arg15[%multiple_of3A_122] : memref<4096xf32, #tpu.memory_space<vmem>> -> memref<8xf32, #tpu.memory_space<vmem>>
      %dma_start3A_130 = tpu.memref_slice %arg7[%multiple_of3A_115] : memref<1000000xf32, #tpu.memory_space<hbm>> -> memref<8xf32, #tpu.memory_space<hbm>>
      tpu.enqueue_dma source(%dma_start3A_130 : memref<8xf32, #tpu.memory_space<hbm>>) target(%dma_start3A_129 : memref<8xf32, #tpu.memory_space<vmem>>) target_semaphore(%arg19 : memref<!tpu.dma_semaphore, #tpu.memory_space<semaphore_mem>>)
      %slice3A_131 = vector.extract_strided_slice %get3A_29 {offsets = [4], sizes = [1], strides = [1]} : vector<16xi32> to vector<1xi32>
      %squeeze3A_132 = vector.extract %slice3A_131[0] : i32 from vector<1xi32>
      %slice3A_133 = vector.extract_strided_slice %get3A_35 {offsets = [4], sizes = [1], strides = [1]} : vector<16xi32> to vector<1xi32>
      %squeeze3A_134 = vector.extract %slice3A_133[0] : i32 from vector<1xi32>
      %and3A_135 = arith.constant -8 : i32
      %and3A_136 = arith.andi %squeeze3A_132, %and3A_135 : i32
      %multiple_of3A_137 = tpu.assume_multiple %and3A_136, 8 : i32
      %and3A_138 = arith.constant -8 : i32
      %and3A_139 = arith.andi %squeeze3A_134, %and3A_138 : i32
      %multiple_of3A_140 = tpu.assume_multiple %and3A_139, 8 : i32
      %mul3A_141 = arith.constant 16 : i32
      %mul3A_142 = arith.muli %scan3A_24, %mul3A_141 : i32
      %add3A_143 = arith.constant 4 : i32
      %add3A_144 = arith.addi %mul3A_142, %add3A_143 : i32
      %mul3A_145 = arith.constant 8 : i32
      %mul3A_146 = arith.muli %add3A_144, %mul3A_145 : i32
      %multiple_of3A_147 = tpu.assume_multiple %mul3A_146, 8 : i32
      %dma_start3A_148 = tpu.memref_slice %arg14[%multiple_of3A_147] : memref<4096xf32, #tpu.memory_space<vmem>> -> memref<8xf32, #tpu.memory_space<vmem>>
      %dma_start3A_149 = tpu.memref_slice %arg6[%multiple_of3A_137] : memref<1000000xf32, #tpu.memory_space<hbm>> -> memref<8xf32, #tpu.memory_space<hbm>>
      %dma_start3A_150 = tpu.memref_slice %arg14[%multiple_of3A_147] : memref<4096xf32, #tpu.memory_space<vmem>> -> memref<8xf32, #tpu.memory_space<vmem>>
      %dma_start3A_151 = tpu.memref_slice %arg6[%multiple_of3A_137] : memref<1000000xf32, #tpu.memory_space<hbm>> -> memref<8xf32, #tpu.memory_space<hbm>>
      tpu.enqueue_dma source(%dma_start3A_151 : memref<8xf32, #tpu.memory_space<hbm>>) target(%dma_start3A_150 : memref<8xf32, #tpu.memory_space<vmem>>) target_semaphore(%arg19 : memref<!tpu.dma_semaphore, #tpu.memory_space<semaphore_mem>>)
      %dma_start3A_152 = tpu.memref_slice %arg15[%multiple_of3A_147] : memref<4096xf32, #tpu.memory_space<vmem>> -> memref<8xf32, #tpu.memory_space<vmem>>
      %dma_start3A_153 = tpu.memref_slice %arg7[%multiple_of3A_140] : memref<1000000xf32, #tpu.memory_space<hbm>> -> memref<8xf32, #tpu.memory_space<hbm>>
      %dma_start3A_154 = tpu.memref_slice %arg15[%multiple_of3A_147] : memref<4096xf32, #tpu.memory_space<vmem>> -> memref<8xf32, #tpu.memory_space<vmem>>
      %dma_start3A_155 = tpu.memref_slice %arg7[%multiple_of3A_140] : memref<1000000xf32, #tpu.memory_space<hbm>> -> memref<8xf32, #tpu.memory_space<hbm>>
      tpu.enqueue_dma source(%dma_start3A_155 : memref<8xf32, #tpu.memory_space<hbm>>) target(%dma_start3A_154 : memref<8xf32, #tpu.memory_space<vmem>>) target_semaphore(%arg19 : memref<!tpu.dma_semaphore, #tpu.memory_space<semaphore_mem>>)
      %slice3A_156 = vector.extract_strided_slice %get3A_29 {offsets = [5], sizes = [1], strides = [1]} : vector<16xi32> to vector<1xi32>
      %squeeze3A_157 = vector.extract %slice3A_156[0] : i32 from vector<1xi32>
      %slice3A_158 = vector.extract_strided_slice %get3A_35 {offsets = [5], sizes = [1], strides = [1]} : vector<16xi32> to vector<1xi32>
      %squeeze3A_159 = vector.extract %slice3A_158[0] : i32 from vector<1xi32>
      %and3A_160 = arith.constant -8 : i32
      %and3A_161 = arith.andi %squeeze3A_157, %and3A_160 : i32
      %multiple_of3A_162 = tpu.assume_multiple %and3A_161, 8 : i32
      %and3A_163 = arith.constant -8 : i32
      %and3A_164 = arith.andi %squeeze3A_159, %and3A_163 : i32
      %multiple_of3A_165 = tpu.assume_multiple %and3A_164, 8 : i32
      %mul3A_166 = arith.constant 16 : i32
      %mul3A_167 = arith.muli %scan3A_24, %mul3A_166 : i32
      %add3A_168 = arith.constant 5 : i32
      %add3A_169 = arith.addi %mul3A_167, %add3A_168 : i32
      %mul3A_170 = arith.constant 8 : i32
      %mul3A_171 = arith.muli %add3A_169, %mul3A_170 : i32
      %multiple_of3A_172 = tpu.assume_multiple %mul3A_171, 8 : i32
      %dma_start3A_173 = tpu.memref_slice %arg14[%multiple_of3A_172] : memref<4096xf32, #tpu.memory_space<vmem>> -> memref<8xf32, #tpu.memory_space<vmem>>
      %dma_start3A_174 = tpu.memref_slice %arg6[%multiple_of3A_162] : memref<1000000xf32, #tpu.memory_space<hbm>> -> memref<8xf32, #tpu.memory_space<hbm>>
      %dma_start3A_175 = tpu.memref_slice %arg14[%multiple_of3A_172] : memref<4096xf32, #tpu.memory_space<vmem>> -> memref<8xf32, #tpu.memory_space<vmem>>
      %dma_start3A_176 = tpu.memref_slice %arg6[%multiple_of3A_162] : memref<1000000xf32, #tpu.memory_space<hbm>> -> memref<8xf32, #tpu.memory_space<hbm>>
      tpu.enqueue_dma source(%dma_start3A_176 : memref<8xf32, #tpu.memory_space<hbm>>) target(%dma_start3A_175 : memref<8xf32, #tpu.memory_space<vmem>>) target_semaphore(%arg19 : memref<!tpu.dma_semaphore, #tpu.memory_space<semaphore_mem>>)
      %dma_start3A_177 = tpu.memref_slice %arg15[%multiple_of3A_172] : memref<4096xf32, #tpu.memory_space<vmem>> -> memref<8xf32, #tpu.memory_space<vmem>>
      %dma_start3A_178 = tpu.memref_slice %arg7[%multiple_of3A_165] : memref<1000000xf32, #tpu.memory_space<hbm>> -> memref<8xf32, #tpu.memory_space<hbm>>
      %dma_start3A_179 = tpu.memref_slice %arg15[%multiple_of3A_172] : memref<4096xf32, #tpu.memory_space<vmem>> -> memref<8xf32, #tpu.memory_space<vmem>>
      %dma_start3A_180 = tpu.memref_slice %arg7[%multiple_of3A_165] : memref<1000000xf32, #tpu.memory_space<hbm>> -> memref<8xf32, #tpu.memory_space<hbm>>
      tpu.enqueue_dma source(%dma_start3A_180 : memref<8xf32, #tpu.memory_space<hbm>>) target(%dma_start3A_179 : memref<8xf32, #tpu.memory_space<vmem>>) target_semaphore(%arg19 : memref<!tpu.dma_semaphore, #tpu.memory_space<semaphore_mem>>)
      %slice3A_181 = vector.extract_strided_slice %get3A_29 {offsets = [6], sizes = [1], strides = [1]} : vector<16xi32> to vector<1xi32>
      %squeeze3A_182 = vector.extract %slice3A_181[0] : i32 from vector<1xi32>
      %slice3A_183 = vector.extract_strided_slice %get3A_35 {offsets = [6], sizes = [1], strides = [1]} : vector<16xi32> to vector<1xi32>
      %squeeze3A_184 = vector.extract %slice3A_183[0] : i32 from vector<1xi32>
      %and3A_185 = arith.constant -8 : i32
      %and3A_186 = arith.andi %squeeze3A_182, %and3A_185 : i32
      %multiple_of3A_187 = tpu.assume_multiple %and3A_186, 8 : i32
      %and3A_188 = arith.constant -8 : i32
      %and3A_189 = arith.andi %squeeze3A_184, %and3A_188 : i32
      %multiple_of3A_190 = tpu.assume_multiple %and3A_189, 8 : i32
      %mul3A_191 = arith.constant 16 : i32
      %mul3A_192 = arith.muli %scan3A_24, %mul3A_191 : i32
      %add3A_193 = arith.constant 6 : i32
      %add3A_194 = arith.addi %mul3A_192, %add3A_193 : i32
      %mul3A_195 = arith.constant 8 : i32
      %mul3A_196 = arith.muli %add3A_194, %mul3A_195 : i32
      %multiple_of3A_197 = tpu.assume_multiple %mul3A_196, 8 : i32
      %dma_start3A_198 = tpu.memref_slice %arg14[%multiple_of3A_197] : memref<4096xf32, #tpu.memory_space<vmem>> -> memref<8xf32, #tpu.memory_space<vmem>>
      %dma_start3A_199 = tpu.memref_slice %arg6[%multiple_of3A_187] : memref<1000000xf32, #tpu.memory_space<hbm>> -> memref<8xf32, #tpu.memory_space<hbm>>
      %dma_start3A_200 = tpu.memref_slice %arg14[%multiple_of3A_197] : memref<4096xf32, #tpu.memory_space<vmem>> -> memref<8xf32, #tpu.memory_space<vmem>>
      %dma_start3A_201 = tpu.memref_slice %arg6[%multiple_of3A_187] : memref<1000000xf32, #tpu.memory_space<hbm>> -> memref<8xf32, #tpu.memory_space<hbm>>
      tpu.enqueue_dma source(%dma_start3A_201 : memref<8xf32, #tpu.memory_space<hbm>>) target(%dma_start3A_200 : memref<8xf32, #tpu.memory_space<vmem>>) target_semaphore(%arg19 : memref<!tpu.dma_semaphore, #tpu.memory_space<semaphore_mem>>)
      %dma_start3A_202 = tpu.memref_slice %arg15[%multiple_of3A_197] : memref<4096xf32, #tpu.memory_space<vmem>> -> memref<8xf32, #tpu.memory_space<vmem>>
      %dma_start3A_203 = tpu.memref_slice %arg7[%multiple_of3A_190] : memref<1000000xf32, #tpu.memory_space<hbm>> -> memref<8xf32, #tpu.memory_space<hbm>>
      %dma_start3A_204 = tpu.memref_slice %arg15[%multiple_of3A_197] : memref<4096xf32, #tpu.memory_space<vmem>> -> memref<8xf32, #tpu.memory_space<vmem>>
      %dma_start3A_205 = tpu.memref_slice %arg7[%multiple_of3A_190] : memref<1000000xf32, #tpu.memory_space<hbm>> -> memref<8xf32, #tpu.memory_space<hbm>>
      tpu.enqueue_dma source(%dma_start3A_205 : memref<8xf32, #tpu.memory_space<hbm>>) target(%dma_start3A_204 : memref<8xf32, #tpu.memory_space<vmem>>) target_semaphore(%arg19 : memref<!tpu.dma_semaphore, #tpu.memory_space<semaphore_mem>>)
      %slice3A_206 = vector.extract_strided_slice %get3A_29 {offsets = [7], sizes = [1], strides = [1]} : vector<16xi32> to vector<1xi32>
      %squeeze3A_207 = vector.extract %slice3A_206[0] : i32 from vector<1xi32>
      %slice3A_208 = vector.extract_strided_slice %get3A_35 {offsets = [7], sizes = [1], strides = [1]} : vector<16xi32> to vector<1xi32>
      %squeeze3A_209 = vector.extract %slice3A_208[0] : i32 from vector<1xi32>
      %and3A_210 = arith.constant -8 : i32
      %and3A_211 = arith.andi %squeeze3A_207, %and3A_210 : i32
      %multiple_of3A_212 = tpu.assume_multiple %and3A_211, 8 : i32
      %and3A_213 = arith.constant -8 : i32
      %and3A_214 = arith.andi %squeeze3A_209, %and3A_213 : i32
      %multiple_of3A_215 = tpu.assume_multiple %and3A_214, 8 : i32
      %mul3A_216 = arith.constant 16 : i32
      %mul3A_217 = arith.muli %scan3A_24, %mul3A_216 : i32
      %add3A_218 = arith.constant 7 : i32
      %add3A_219 = arith.addi %mul3A_217, %add3A_218 : i32
      %mul3A_220 = arith.constant 8 : i32
      %mul3A_221 = arith.muli %add3A_219, %mul3A_220 : i32
      %multiple_of3A_222 = tpu.assume_multiple %mul3A_221, 8 : i32
      %dma_start3A_223 = tpu.memref_slice %arg14[%multiple_of3A_222] : memref<4096xf32, #tpu.memory_space<vmem>> -> memref<8xf32, #tpu.memory_space<vmem>>
      %dma_start3A_224 = tpu.memref_slice %arg6[%multiple_of3A_212] : memref<1000000xf32, #tpu.memory_space<hbm>> -> memref<8xf32, #tpu.memory_space<hbm>>
      %dma_start3A_225 = tpu.memref_slice %arg14[%multiple_of3A_222] : memref<4096xf32, #tpu.memory_space<vmem>> -> memref<8xf32, #tpu.memory_space<vmem>>
      %dma_start3A_226 = tpu.memref_slice %arg6[%multiple_of3A_212] : memref<1000000xf32, #tpu.memory_space<hbm>> -> memref<8xf32, #tpu.memory_space<hbm>>
      tpu.enqueue_dma source(%dma_start3A_226 : memref<8xf32, #tpu.memory_space<hbm>>) target(%dma_start3A_225 : memref<8xf32, #tpu.memory_space<vmem>>) target_semaphore(%arg19 : memref<!tpu.dma_semaphore, #tpu.memory_space<semaphore_mem>>)
      %dma_start3A_227 = tpu.memref_slice %arg15[%multiple_of3A_222] : memref<4096xf32, #tpu.memory_space<vmem>> -> memref<8xf32, #tpu.memory_space<vmem>>
      %dma_start3A_228 = tpu.memref_slice %arg7[%multiple_of3A_215] : memref<1000000xf32, #tpu.memory_space<hbm>> -> memref<8xf32, #tpu.memory_space<hbm>>
      %dma_start3A_229 = tpu.memref_slice %arg15[%multiple_of3A_222] : memref<4096xf32, #tpu.memory_space<vmem>> -> memref<8xf32, #tpu.memory_space<vmem>>
      %dma_start3A_230 = tpu.memref_slice %arg7[%multiple_of3A_215] : memref<1000000xf32, #tpu.memory_space<hbm>> -> memref<8xf32, #tpu.memory_space<hbm>>
      tpu.enqueue_dma source(%dma_start3A_230 : memref<8xf32, #tpu.memory_space<hbm>>) target(%dma_start3A_229 : memref<8xf32, #tpu.memory_space<vmem>>) target_semaphore(%arg19 : memref<!tpu.dma_semaphore, #tpu.memory_space<semaphore_mem>>)
      %slice3A_231 = vector.extract_strided_slice %get3A_29 {offsets = [8], sizes = [1], strides = [1]} : vector<16xi32> to vector<1xi32>
      %squeeze3A_232 = vector.extract %slice3A_231[0] : i32 from vector<1xi32>
      %slice3A_233 = vector.extract_strided_slice %get3A_35 {offsets = [8], sizes = [1], strides = [1]} : vector<16xi32> to vector<1xi32>
      %squeeze3A_234 = vector.extract %slice3A_233[0] : i32 from vector<1xi32>
      %and3A_235 = arith.constant -8 : i32
      %and3A_236 = arith.andi %squeeze3A_232, %and3A_235 : i32
      %multiple_of3A_237 = tpu.assume_multiple %and3A_236, 8 : i32
      %and3A_238 = arith.constant -8 : i32
      %and3A_239 = arith.andi %squeeze3A_234, %and3A_238 : i32
      %multiple_of3A_240 = tpu.assume_multiple %and3A_239, 8 : i32
      %mul3A_241 = arith.constant 16 : i32
      %mul3A_242 = arith.muli %scan3A_24, %mul3A_241 : i32
      %add3A_243 = arith.constant 8 : i32
      %add3A_244 = arith.addi %mul3A_242, %add3A_243 : i32
      %mul3A_245 = arith.constant 8 : i32
      %mul3A_246 = arith.muli %add3A_244, %mul3A_245 : i32
      %multiple_of3A_247 = tpu.assume_multiple %mul3A_246, 8 : i32
      %dma_start3A_248 = tpu.memref_slice %arg14[%multiple_of3A_247] : memref<4096xf32, #tpu.memory_space<vmem>> -> memref<8xf32, #tpu.memory_space<vmem>>
      %dma_start3A_249 = tpu.memref_slice %arg6[%multiple_of3A_237] : memref<1000000xf32, #tpu.memory_space<hbm>> -> memref<8xf32, #tpu.memory_space<hbm>>
      %dma_start3A_250 = tpu.memref_slice %arg14[%multiple_of3A_247] : memref<4096xf32, #tpu.memory_space<vmem>> -> memref<8xf32, #tpu.memory_space<vmem>>
      %dma_start3A_251 = tpu.memref_slice %arg6[%multiple_of3A_237] : memref<1000000xf32, #tpu.memory_space<hbm>> -> memref<8xf32, #tpu.memory_space<hbm>>
      tpu.enqueue_dma source(%dma_start3A_251 : memref<8xf32, #tpu.memory_space<hbm>>) target(%dma_start3A_250 : memref<8xf32, #tpu.memory_space<vmem>>) target_semaphore(%arg19 : memref<!tpu.dma_semaphore, #tpu.memory_space<semaphore_mem>>)
      %dma_start3A_252 = tpu.memref_slice %arg15[%multiple_of3A_247] : memref<4096xf32, #tpu.memory_space<vmem>> -> memref<8xf32, #tpu.memory_space<vmem>>
      %dma_start3A_253 = tpu.memref_slice %arg7[%multiple_of3A_240] : memref<1000000xf32, #tpu.memory_space<hbm>> -> memref<8xf32, #tpu.memory_space<hbm>>
      %dma_start3A_254 = tpu.memref_slice %arg15[%multiple_of3A_247] : memref<4096xf32, #tpu.memory_space<vmem>> -> memref<8xf32, #tpu.memory_space<vmem>>
      %dma_start3A_255 = tpu.memref_slice %arg7[%multiple_of3A_240] : memref<1000000xf32, #tpu.memory_space<hbm>> -> memref<8xf32, #tpu.memory_space<hbm>>
      tpu.enqueue_dma source(%dma_start3A_255 : memref<8xf32, #tpu.memory_space<hbm>>) target(%dma_start3A_254 : memref<8xf32, #tpu.memory_space<vmem>>) target_semaphore(%arg19 : memref<!tpu.dma_semaphore, #tpu.memory_space<semaphore_mem>>)
      %slice3A_256 = vector.extract_strided_slice %get3A_29 {offsets = [9], sizes = [1], strides = [1]} : vector<16xi32> to vector<1xi32>
      %squeeze3A_257 = vector.extract %slice3A_256[0] : i32 from vector<1xi32>
      %slice3A_258 = vector.extract_strided_slice %get3A_35 {offsets = [9], sizes = [1], strides = [1]} : vector<16xi32> to vector<1xi32>
      %squeeze3A_259 = vector.extract %slice3A_258[0] : i32 from vector<1xi32>
      %and3A_260 = arith.constant -8 : i32
      %and3A_261 = arith.andi %squeeze3A_257, %and3A_260 : i32
      %multiple_of3A_262 = tpu.assume_multiple %and3A_261, 8 : i32
      %and3A_263 = arith.constant -8 : i32
      %and3A_264 = arith.andi %squeeze3A_259, %and3A_263 : i32
      %multiple_of3A_265 = tpu.assume_multiple %and3A_264, 8 : i32
      %mul3A_266 = arith.constant 16 : i32
      %mul3A_267 = arith.muli %scan3A_24, %mul3A_266 : i32
      %add3A_268 = arith.constant 9 : i32
      %add3A_269 = arith.addi %mul3A_267, %add3A_268 : i32
      %mul3A_270 = arith.constant 8 : i32
      %mul3A_271 = arith.muli %add3A_269, %mul3A_270 : i32
      %multiple_of3A_272 = tpu.assume_multiple %mul3A_271, 8 : i32
      %dma_start3A_273 = tpu.memref_slice %arg14[%multiple_of3A_272] : memref<4096xf32, #tpu.memory_space<vmem>> -> memref<8xf32, #tpu.memory_space<vmem>>
      %dma_start3A_274 = tpu.memref_slice %arg6[%multiple_of3A_262] : memref<1000000xf32, #tpu.memory_space<hbm>> -> memref<8xf32, #tpu.memory_space<hbm>>
      %dma_start3A_275 = tpu.memref_slice %arg14[%multiple_of3A_272] : memref<4096xf32, #tpu.memory_space<vmem>> -> memref<8xf32, #tpu.memory_space<vmem>>
      %dma_start3A_276 = tpu.memref_slice %arg6[%multiple_of3A_262] : memref<1000000xf32, #tpu.memory_space<hbm>> -> memref<8xf32, #tpu.memory_space<hbm>>
      tpu.enqueue_dma source(%dma_start3A_276 : memref<8xf32, #tpu.memory_space<hbm>>) target(%dma_start3A_275 : memref<8xf32, #tpu.memory_space<vmem>>) target_semaphore(%arg19 : memref<!tpu.dma_semaphore, #tpu.memory_space<semaphore_mem>>)
      %dma_start3A_277 = tpu.memref_slice %arg15[%multiple_of3A_272] : memref<4096xf32, #tpu.memory_space<vmem>> -> memref<8xf32, #tpu.memory_space<vmem>>
      %dma_start3A_278 = tpu.memref_slice %arg7[%multiple_of3A_265] : memref<1000000xf32, #tpu.memory_space<hbm>> -> memref<8xf32, #tpu.memory_space<hbm>>
      %dma_start3A_279 = tpu.memref_slice %arg15[%multiple_of3A_272] : memref<4096xf32, #tpu.memory_space<vmem>> -> memref<8xf32, #tpu.memory_space<vmem>>
      %dma_start3A_280 = tpu.memref_slice %arg7[%multiple_of3A_265] : memref<1000000xf32, #tpu.memory_space<hbm>> -> memref<8xf32, #tpu.memory_space<hbm>>
      tpu.enqueue_dma source(%dma_start3A_280 : memref<8xf32, #tpu.memory_space<hbm>>) target(%dma_start3A_279 : memref<8xf32, #tpu.memory_space<vmem>>) target_semaphore(%arg19 : memref<!tpu.dma_semaphore, #tpu.memory_space<semaphore_mem>>)
      %slice3A_281 = vector.extract_strided_slice %get3A_29 {offsets = [10], sizes = [1], strides = [1]} : vector<16xi32> to vector<1xi32>
      %squeeze3A_282 = vector.extract %slice3A_281[0] : i32 from vector<1xi32>
      %slice3A_283 = vector.extract_strided_slice %get3A_35 {offsets = [10], sizes = [1], strides = [1]} : vector<16xi32> to vector<1xi32>
      %squeeze3A_284 = vector.extract %slice3A_283[0] : i32 from vector<1xi32>
      %and3A_285 = arith.constant -8 : i32
      %and3A_286 = arith.andi %squeeze3A_282, %and3A_285 : i32
      %multiple_of3A_287 = tpu.assume_multiple %and3A_286, 8 : i32
      %and3A_288 = arith.constant -8 : i32
      %and3A_289 = arith.andi %squeeze3A_284, %and3A_288 : i32
      %multiple_of3A_290 = tpu.assume_multiple %and3A_289, 8 : i32
      %mul3A_291 = arith.constant 16 : i32
      %mul3A_292 = arith.muli %scan3A_24, %mul3A_291 : i32
      %add3A_293 = arith.constant 10 : i32
      %add3A_294 = arith.addi %mul3A_292, %add3A_293 : i32
      %mul3A_295 = arith.constant 8 : i32
      %mul3A_296 = arith.muli %add3A_294, %mul3A_295 : i32
      %multiple_of3A_297 = tpu.assume_multiple %mul3A_296, 8 : i32
      %dma_start3A_298 = tpu.memref_slice %arg14[%multiple_of3A_297] : memref<4096xf32, #tpu.memory_space<vmem>> -> memref<8xf32, #tpu.memory_space<vmem>>
      %dma_start3A_299 = tpu.memref_slice %arg6[%multiple_of3A_287] : memref<1000000xf32, #tpu.memory_space<hbm>> -> memref<8xf32, #tpu.memory_space<hbm>>
      %dma_start3A_300 = tpu.memref_slice %arg14[%multiple_of3A_297] : memref<4096xf32, #tpu.memory_space<vmem>> -> memref<8xf32, #tpu.memory_space<vmem>>
      %dma_start3A_301 = tpu.memref_slice %arg6[%multiple_of3A_287] : memref<1000000xf32, #tpu.memory_space<hbm>> -> memref<8xf32, #tpu.memory_space<hbm>>
      tpu.enqueue_dma source(%dma_start3A_301 : memref<8xf32, #tpu.memory_space<hbm>>) target(%dma_start3A_300 : memref<8xf32, #tpu.memory_space<vmem>>) target_semaphore(%arg19 : memref<!tpu.dma_semaphore, #tpu.memory_space<semaphore_mem>>)
      %dma_start3A_302 = tpu.memref_slice %arg15[%multiple_of3A_297] : memref<4096xf32, #tpu.memory_space<vmem>> -> memref<8xf32, #tpu.memory_space<vmem>>
      %dma_start3A_303 = tpu.memref_slice %arg7[%multiple_of3A_290] : memref<1000000xf32, #tpu.memory_space<hbm>> -> memref<8xf32, #tpu.memory_space<hbm>>
      %dma_start3A_304 = tpu.memref_slice %arg15[%multiple_of3A_297] : memref<4096xf32, #tpu.memory_space<vmem>> -> memref<8xf32, #tpu.memory_space<vmem>>
      %dma_start3A_305 = tpu.memref_slice %arg7[%multiple_of3A_290] : memref<1000000xf32, #tpu.memory_space<hbm>> -> memref<8xf32, #tpu.memory_space<hbm>>
      tpu.enqueue_dma source(%dma_start3A_305 : memref<8xf32, #tpu.memory_space<hbm>>) target(%dma_start3A_304 : memref<8xf32, #tpu.memory_space<vmem>>) target_semaphore(%arg19 : memref<!tpu.dma_semaphore, #tpu.memory_space<semaphore_mem>>)
      %slice3A_306 = vector.extract_strided_slice %get3A_29 {offsets = [11], sizes = [1], strides = [1]} : vector<16xi32> to vector<1xi32>
      %squeeze3A_307 = vector.extract %slice3A_306[0] : i32 from vector<1xi32>
      %slice3A_308 = vector.extract_strided_slice %get3A_35 {offsets = [11], sizes = [1], strides = [1]} : vector<16xi32> to vector<1xi32>
      %squeeze3A_309 = vector.extract %slice3A_308[0] : i32 from vector<1xi32>
      %and3A_310 = arith.constant -8 : i32
      %and3A_311 = arith.andi %squeeze3A_307, %and3A_310 : i32
      %multiple_of3A_312 = tpu.assume_multiple %and3A_311, 8 : i32
      %and3A_313 = arith.constant -8 : i32
      %and3A_314 = arith.andi %squeeze3A_309, %and3A_313 : i32
      %multiple_of3A_315 = tpu.assume_multiple %and3A_314, 8 : i32
      %mul3A_316 = arith.constant 16 : i32
      %mul3A_317 = arith.muli %scan3A_24, %mul3A_316 : i32
      %add3A_318 = arith.constant 11 : i32
      %add3A_319 = arith.addi %mul3A_317, %add3A_318 : i32
      %mul3A_320 = arith.constant 8 : i32
      %mul3A_321 = arith.muli %add3A_319, %mul3A_320 : i32
      %multiple_of3A_322 = tpu.assume_multiple %mul3A_321, 8 : i32
      %dma_start3A_323 = tpu.memref_slice %arg14[%multiple_of3A_322] : memref<4096xf32, #tpu.memory_space<vmem>> -> memref<8xf32, #tpu.memory_space<vmem>>
      %dma_start3A_324 = tpu.memref_slice %arg6[%multiple_of3A_312] : memref<1000000xf32, #tpu.memory_space<hbm>> -> memref<8xf32, #tpu.memory_space<hbm>>
      %dma_start3A_325 = tpu.memref_slice %arg14[%multiple_of3A_322] : memref<4096xf32, #tpu.memory_space<vmem>> -> memref<8xf32, #tpu.memory_space<vmem>>
      %dma_start3A_326 = tpu.memref_slice %arg6[%multiple_of3A_312] : memref<1000000xf32, #tpu.memory_space<hbm>> -> memref<8xf32, #tpu.memory_space<hbm>>
      tpu.enqueue_dma source(%dma_start3A_326 : memref<8xf32, #tpu.memory_space<hbm>>) target(%dma_start3A_325 : memref<8xf32, #tpu.memory_space<vmem>>) target_semaphore(%arg19 : memref<!tpu.dma_semaphore, #tpu.memory_space<semaphore_mem>>)
      %dma_start3A_327 = tpu.memref_slice %arg15[%multiple_of3A_322] : memref<4096xf32, #tpu.memory_space<vmem>> -> memref<8xf32, #tpu.memory_space<vmem>>
      %dma_start3A_328 = tpu.memref_slice %arg7[%multiple_of3A_315] : memref<1000000xf32, #tpu.memory_space<hbm>> -> memref<8xf32, #tpu.memory_space<hbm>>
      %dma_start3A_329 = tpu.memref_slice %arg15[%multiple_of3A_322] : memref<4096xf32, #tpu.memory_space<vmem>> -> memref<8xf32, #tpu.memory_space<vmem>>
      %dma_start3A_330 = tpu.memref_slice %arg7[%multiple_of3A_315] : memref<1000000xf32, #tpu.memory_space<hbm>> -> memref<8xf32, #tpu.memory_space<hbm>>
      tpu.enqueue_dma source(%dma_start3A_330 : memref<8xf32, #tpu.memory_space<hbm>>) target(%dma_start3A_329 : memref<8xf32, #tpu.memory_space<vmem>>) target_semaphore(%arg19 : memref<!tpu.dma_semaphore, #tpu.memory_space<semaphore_mem>>)
      %slice3A_331 = vector.extract_strided_slice %get3A_29 {offsets = [12], sizes = [1], strides = [1]} : vector<16xi32> to vector<1xi32>
      %squeeze3A_332 = vector.extract %slice3A_331[0] : i32 from vector<1xi32>
      %slice3A_333 = vector.extract_strided_slice %get3A_35 {offsets = [12], sizes = [1], strides = [1]} : vector<16xi32> to vector<1xi32>
      %squeeze3A_334 = vector.extract %slice3A_333[0] : i32 from vector<1xi32>
      %and3A_335 = arith.constant -8 : i32
      %and3A_336 = arith.andi %squeeze3A_332, %and3A_335 : i32
      %multiple_of3A_337 = tpu.assume_multiple %and3A_336, 8 : i32
      %and3A_338 = arith.constant -8 : i32
      %and3A_339 = arith.andi %squeeze3A_334, %and3A_338 : i32
      %multiple_of3A_340 = tpu.assume_multiple %and3A_339, 8 : i32
      %mul3A_341 = arith.constant 16 : i32
      %mul3A_342 = arith.muli %scan3A_24, %mul3A_341 : i32
      %add3A_343 = arith.constant 12 : i32
      %add3A_344 = arith.addi %mul3A_342, %add3A_343 : i32
      %mul3A_345 = arith.constant 8 : i32
      %mul3A_346 = arith.muli %add3A_344, %mul3A_345 : i32
      %multiple_of3A_347 = tpu.assume_multiple %mul3A_346, 8 : i32
      %dma_start3A_348 = tpu.memref_slice %arg14[%multiple_of3A_347] : memref<4096xf32, #tpu.memory_space<vmem>> -> memref<8xf32, #tpu.memory_space<vmem>>
      %dma_start3A_349 = tpu.memref_slice %arg6[%multiple_of3A_337] : memref<1000000xf32, #tpu.memory_space<hbm>> -> memref<8xf32, #tpu.memory_space<hbm>>
      %dma_start3A_350 = tpu.memref_slice %arg14[%multiple_of3A_347] : memref<4096xf32, #tpu.memory_space<vmem>> -> memref<8xf32, #tpu.memory_space<vmem>>
      %dma_start3A_351 = tpu.memref_slice %arg6[%multiple_of3A_337] : memref<1000000xf32, #tpu.memory_space<hbm>> -> memref<8xf32, #tpu.memory_space<hbm>>
      tpu.enqueue_dma source(%dma_start3A_351 : memref<8xf32, #tpu.memory_space<hbm>>) target(%dma_start3A_350 : memref<8xf32, #tpu.memory_space<vmem>>) target_semaphore(%arg19 : memref<!tpu.dma_semaphore, #tpu.memory_space<semaphore_mem>>)
      %dma_start3A_352 = tpu.memref_slice %arg15[%multiple_of3A_347] : memref<4096xf32, #tpu.memory_space<vmem>> -> memref<8xf32, #tpu.memory_space<vmem>>
      %dma_start3A_353 = tpu.memref_slice %arg7[%multiple_of3A_340] : memref<1000000xf32, #tpu.memory_space<hbm>> -> memref<8xf32, #tpu.memory_space<hbm>>
      %dma_start3A_354 = tpu.memref_slice %arg15[%multiple_of3A_347] : memref<4096xf32, #tpu.memory_space<vmem>> -> memref<8xf32, #tpu.memory_space<vmem>>
      %dma_start3A_355 = tpu.memref_slice %arg7[%multiple_of3A_340] : memref<1000000xf32, #tpu.memory_space<hbm>> -> memref<8xf32, #tpu.memory_space<hbm>>
      tpu.enqueue_dma source(%dma_start3A_355 : memref<8xf32, #tpu.memory_space<hbm>>) target(%dma_start3A_354 : memref<8xf32, #tpu.memory_space<vmem>>) target_semaphore(%arg19 : memref<!tpu.dma_semaphore, #tpu.memory_space<semaphore_mem>>)
      %slice3A_356 = vector.extract_strided_slice %get3A_29 {offsets = [13], sizes = [1], strides = [1]} : vector<16xi32> to vector<1xi32>
      %squeeze3A_357 = vector.extract %slice3A_356[0] : i32 from vector<1xi32>
      %slice3A_358 = vector.extract_strided_slice %get3A_35 {offsets = [13], sizes = [1], strides = [1]} : vector<16xi32> to vector<1xi32>
      %squeeze3A_359 = vector.extract %slice3A_358[0] : i32 from vector<1xi32>
      %and3A_360 = arith.constant -8 : i32
      %and3A_361 = arith.andi %squeeze3A_357, %and3A_360 : i32
      %multiple_of3A_362 = tpu.assume_multiple %and3A_361, 8 : i32
      %and3A_363 = arith.constant -8 : i32
      %and3A_364 = arith.andi %squeeze3A_359, %and3A_363 : i32
      %multiple_of3A_365 = tpu.assume_multiple %and3A_364, 8 : i32
      %mul3A_366 = arith.constant 16 : i32
      %mul3A_367 = arith.muli %scan3A_24, %mul3A_366 : i32
      %add3A_368 = arith.constant 13 : i32
      %add3A_369 = arith.addi %mul3A_367, %add3A_368 : i32
      %mul3A_370 = arith.constant 8 : i32
      %mul3A_371 = arith.muli %add3A_369, %mul3A_370 : i32
      %multiple_of3A_372 = tpu.assume_multiple %mul3A_371, 8 : i32
      %dma_start3A_373 = tpu.memref_slice %arg14[%multiple_of3A_372] : memref<4096xf32, #tpu.memory_space<vmem>> -> memref<8xf32, #tpu.memory_space<vmem>>
      %dma_start3A_374 = tpu.memref_slice %arg6[%multiple_of3A_362] : memref<1000000xf32, #tpu.memory_space<hbm>> -> memref<8xf32, #tpu.memory_space<hbm>>
      %dma_start3A_375 = tpu.memref_slice %arg14[%multiple_of3A_372] : memref<4096xf32, #tpu.memory_space<vmem>> -> memref<8xf32, #tpu.memory_space<vmem>>
      %dma_start3A_376 = tpu.memref_slice %arg6[%multiple_of3A_362] : memref<1000000xf32, #tpu.memory_space<hbm>> -> memref<8xf32, #tpu.memory_space<hbm>>
      tpu.enqueue_dma source(%dma_start3A_376 : memref<8xf32, #tpu.memory_space<hbm>>) target(%dma_start3A_375 : memref<8xf32, #tpu.memory_space<vmem>>) target_semaphore(%arg19 : memref<!tpu.dma_semaphore, #tpu.memory_space<semaphore_mem>>)
      %dma_start3A_377 = tpu.memref_slice %arg15[%multiple_of3A_372] : memref<4096xf32, #tpu.memory_space<vmem>> -> memref<8xf32, #tpu.memory_space<vmem>>
      %dma_start3A_378 = tpu.memref_slice %arg7[%multiple_of3A_365] : memref<1000000xf32, #tpu.memory_space<hbm>> -> memref<8xf32, #tpu.memory_space<hbm>>
      %dma_start3A_379 = tpu.memref_slice %arg15[%multiple_of3A_372] : memref<4096xf32, #tpu.memory_space<vmem>> -> memref<8xf32, #tpu.memory_space<vmem>>
      %dma_start3A_380 = tpu.memref_slice %arg7[%multiple_of3A_365] : memref<1000000xf32, #tpu.memory_space<hbm>> -> memref<8xf32, #tpu.memory_space<hbm>>
      tpu.enqueue_dma source(%dma_start3A_380 : memref<8xf32, #tpu.memory_space<hbm>>) target(%dma_start3A_379 : memref<8xf32, #tpu.memory_space<vmem>>) target_semaphore(%arg19 : memref<!tpu.dma_semaphore, #tpu.memory_space<semaphore_mem>>)
      %slice3A_381 = vector.extract_strided_slice %get3A_29 {offsets = [14], sizes = [1], strides = [1]} : vector<16xi32> to vector<1xi32>
      %squeeze3A_382 = vector.extract %slice3A_381[0] : i32 from vector<1xi32>
      %slice3A_383 = vector.extract_strided_slice %get3A_35 {offsets = [14], sizes = [1], strides = [1]} : vector<16xi32> to vector<1xi32>
      %squeeze3A_384 = vector.extract %slice3A_383[0] : i32 from vector<1xi32>
      %and3A_385 = arith.constant -8 : i32
      %and3A_386 = arith.andi %squeeze3A_382, %and3A_385 : i32
      %multiple_of3A_387 = tpu.assume_multiple %and3A_386, 8 : i32
      %and3A_388 = arith.constant -8 : i32
      %and3A_389 = arith.andi %squeeze3A_384, %and3A_388 : i32
      %multiple_of3A_390 = tpu.assume_multiple %and3A_389, 8 : i32
      %mul3A_391 = arith.constant 16 : i32
      %mul3A_392 = arith.muli %scan3A_24, %mul3A_391 : i32
      %add3A_393 = arith.constant 14 : i32
      %add3A_394 = arith.addi %mul3A_392, %add3A_393 : i32
      %mul3A_395 = arith.constant 8 : i32
      %mul3A_396 = arith.muli %add3A_394, %mul3A_395 : i32
      %multiple_of3A_397 = tpu.assume_multiple %mul3A_396, 8 : i32
      %dma_start3A_398 = tpu.memref_slice %arg14[%multiple_of3A_397] : memref<4096xf32, #tpu.memory_space<vmem>> -> memref<8xf32, #tpu.memory_space<vmem>>
      %dma_start3A_399 = tpu.memref_slice %arg6[%multiple_of3A_387] : memref<1000000xf32, #tpu.memory_space<hbm>> -> memref<8xf32, #tpu.memory_space<hbm>>
      %dma_start3A_400 = tpu.memref_slice %arg14[%multiple_of3A_397] : memref<4096xf32, #tpu.memory_space<vmem>> -> memref<8xf32, #tpu.memory_space<vmem>>
      %dma_start3A_401 = tpu.memref_slice %arg6[%multiple_of3A_387] : memref<1000000xf32, #tpu.memory_space<hbm>> -> memref<8xf32, #tpu.memory_space<hbm>>
      tpu.enqueue_dma source(%dma_start3A_401 : memref<8xf32, #tpu.memory_space<hbm>>) target(%dma_start3A_400 : memref<8xf32, #tpu.memory_space<vmem>>) target_semaphore(%arg19 : memref<!tpu.dma_semaphore, #tpu.memory_space<semaphore_mem>>)
      %dma_start3A_402 = tpu.memref_slice %arg15[%multiple_of3A_397] : memref<4096xf32, #tpu.memory_space<vmem>> -> memref<8xf32, #tpu.memory_space<vmem>>
      %dma_start3A_403 = tpu.memref_slice %arg7[%multiple_of3A_390] : memref<1000000xf32, #tpu.memory_space<hbm>> -> memref<8xf32, #tpu.memory_space<hbm>>
      %dma_start3A_404 = tpu.memref_slice %arg15[%multiple_of3A_397] : memref<4096xf32, #tpu.memory_space<vmem>> -> memref<8xf32, #tpu.memory_space<vmem>>
      %dma_start3A_405 = tpu.memref_slice %arg7[%multiple_of3A_390] : memref<1000000xf32, #tpu.memory_space<hbm>> -> memref<8xf32, #tpu.memory_space<hbm>>
      tpu.enqueue_dma source(%dma_start3A_405 : memref<8xf32, #tpu.memory_space<hbm>>) target(%dma_start3A_404 : memref<8xf32, #tpu.memory_space<vmem>>) target_semaphore(%arg19 : memref<!tpu.dma_semaphore, #tpu.memory_space<semaphore_mem>>)
      %slice3A_406 = vector.extract_strided_slice %get3A_29 {offsets = [15], sizes = [1], strides = [1]} : vector<16xi32> to vector<1xi32>
      %squeeze3A_407 = vector.extract %slice3A_406[0] : i32 from vector<1xi32>
      %slice3A_408 = vector.extract_strided_slice %get3A_35 {offsets = [15], sizes = [1], strides = [1]} : vector<16xi32> to vector<1xi32>
      %squeeze3A_409 = vector.extract %slice3A_408[0] : i32 from vector<1xi32>
      %and3A_410 = arith.constant -8 : i32
      %and3A_411 = arith.andi %squeeze3A_407, %and3A_410 : i32
      %multiple_of3A_412 = tpu.assume_multiple %and3A_411, 8 : i32
      %and3A_413 = arith.constant -8 : i32
      %and3A_414 = arith.andi %squeeze3A_409, %and3A_413 : i32
      %multiple_of3A_415 = tpu.assume_multiple %and3A_414, 8 : i32
      %mul3A_416 = arith.constant 16 : i32
      %mul3A_417 = arith.muli %scan3A_24, %mul3A_416 : i32
      %add3A_418 = arith.constant 15 : i32
      %add3A_419 = arith.addi %mul3A_417, %add3A_418 : i32
      %mul3A_420 = arith.constant 8 : i32
      %mul3A_421 = arith.muli %add3A_419, %mul3A_420 : i32
      %multiple_of3A_422 = tpu.assume_multiple %mul3A_421, 8 : i32
      %dma_start3A_423 = tpu.memref_slice %arg14[%multiple_of3A_422] : memref<4096xf32, #tpu.memory_space<vmem>> -> memref<8xf32, #tpu.memory_space<vmem>>
      %dma_start3A_424 = tpu.memref_slice %arg6[%multiple_of3A_412] : memref<1000000xf32, #tpu.memory_space<hbm>> -> memref<8xf32, #tpu.memory_space<hbm>>
      %dma_start3A_425 = tpu.memref_slice %arg14[%multiple_of3A_422] : memref<4096xf32, #tpu.memory_space<vmem>> -> memref<8xf32, #tpu.memory_space<vmem>>
      %dma_start3A_426 = tpu.memref_slice %arg6[%multiple_of3A_412] : memref<1000000xf32, #tpu.memory_space<hbm>> -> memref<8xf32, #tpu.memory_space<hbm>>
      tpu.enqueue_dma source(%dma_start3A_426 : memref<8xf32, #tpu.memory_space<hbm>>) target(%dma_start3A_425 : memref<8xf32, #tpu.memory_space<vmem>>) target_semaphore(%arg19 : memref<!tpu.dma_semaphore, #tpu.memory_space<semaphore_mem>>)
      %dma_start3A_427 = tpu.memref_slice %arg15[%multiple_of3A_422] : memref<4096xf32, #tpu.memory_space<vmem>> -> memref<8xf32, #tpu.memory_space<vmem>>
      %dma_start3A_428 = tpu.memref_slice %arg7[%multiple_of3A_415] : memref<1000000xf32, #tpu.memory_space<hbm>> -> memref<8xf32, #tpu.memory_space<hbm>>
      %dma_start3A_429 = tpu.memref_slice %arg15[%multiple_of3A_422] : memref<4096xf32, #tpu.memory_space<vmem>> -> memref<8xf32, #tpu.memory_space<vmem>>
      %dma_start3A_430 = tpu.memref_slice %arg7[%multiple_of3A_415] : memref<1000000xf32, #tpu.memory_space<hbm>> -> memref<8xf32, #tpu.memory_space<hbm>>
      tpu.enqueue_dma source(%dma_start3A_430 : memref<8xf32, #tpu.memory_space<hbm>>) target(%dma_start3A_429 : memref<8xf32, #tpu.memory_space<vmem>>) target_semaphore(%arg19 : memref<!tpu.dma_semaphore, #tpu.memory_space<semaphore_mem>>)
    }
    %scan3A_5 = arith.constant 32 : i32
    %dma_wait3A = arith.constant 0 : i32
    %dma_wait3A_6 = tpu.memref_slice %arg6[%dma_wait3A] : memref<1000000xf32, #tpu.memory_space<hbm>> -> memref<4096xf32, #tpu.memory_space<hbm>>
    %dma_wait3A_7 = arith.constant 0 : i32
    %dma_wait3A_8 = tpu.memref_slice %arg6[%dma_wait3A_7] : memref<1000000xf32, #tpu.memory_space<hbm>> -> memref<4096xf32, #tpu.memory_space<hbm>>
    tpu.wait_dma2 semaphore(%arg19 : memref<!tpu.dma_semaphore, #tpu.memory_space<semaphore_mem>>) src(%dma_wait3A_8 : memref<4096xf32, #tpu.memory_space<hbm>>) dst(%arg14 : memref<4096xf32, #tpu.memory_space<vmem>>)
    %dma_wait3A_9 = arith.constant 0 : i32
    %dma_wait3A_10 = tpu.memref_slice %arg7[%dma_wait3A_9] : memref<1000000xf32, #tpu.memory_space<hbm>> -> memref<4096xf32, #tpu.memory_space<hbm>>
    %dma_wait3A_11 = arith.constant 0 : i32
    %dma_wait3A_12 = tpu.memref_slice %arg7[%dma_wait3A_11] : memref<1000000xf32, #tpu.memory_space<hbm>> -> memref<4096xf32, #tpu.memory_space<hbm>>
    tpu.wait_dma2 semaphore(%arg19 : memref<!tpu.dma_semaphore, #tpu.memory_space<semaphore_mem>>) src(%dma_wait3A_12 : memref<4096xf32, #tpu.memory_space<hbm>>) dst(%arg15 : memref<4096xf32, #tpu.memory_space<vmem>>)
    %iota3A = tpu.iota {dimensions = array<i32: 0>} : vector<16xi32>
    %mul3A_13 = arith.constant 0 : i32
    %mul3A_14 = vector.broadcast %mul3A_13 : i32 to vector<16xi32>
    %mul3A_15 = arith.muli %iota3A, %mul3A_14 : vector<16xi32>
    %scan3A_16 = arith.constant 0 : i32
    %scan3A_17 = arith.constant 0 : i32
    %scan3A_18 = arith.constant 16 : i32
    %scan3A_19 = arith.addi %scan3A_17, %scan3A_18 : i32
    %scan3A_20 = arith.constant 1 : i32
    scf.for %scan3A_24 = %scan3A_17 to %scan3A_19 step %scan3A_20  : i32 {
      %mul3A_25 = arith.constant 32 : i32
      %mul3A_26 = arith.muli %scan3A_24, %mul3A_25 : i32
      %add3A_27 = arith.constant 0 : i32
      %add3A_28 = arith.addi %mul3A_26, %add3A_27 : i32
      %get3A = arith.constant 0 : i32
      %get3A_29 = arith.index_cast %get3A : i32 to index
      %get3A_30 = arith.index_cast %add3A_28 : i32 to index
      %get3A_31 = tpu.vector_load %arg10[%get3A_29, %get3A_30] {strides = array<i32>} : memref<1x512xi32, #tpu.memory_space<vmem>>, vector<16xi32>,
      %mul3A_32 = arith.constant 32 : i32
      %mul3A_33 = arith.muli %scan3A_24, %mul3A_32 : i32
      %add3A_34 = arith.constant 0 : i32
      %add3A_35 = arith.addi %mul3A_33, %add3A_34 : i32
      %get3A_36 = arith.constant 0 : i32
      %get3A_37 = arith.index_cast %get3A_36 : i32 to index
      %get3A_38 = arith.index_cast %add3A_35 : i32 to index
      %get3A_39 = tpu.vector_load %arg11[%get3A_37, %get3A_38] {strides = array<i32>} : memref<1x512xi32, #tpu.memory_space<vmem>>, vector<16xi32>,
      %slice3A = vector.extract_strided_slice %get3A_31 {offsets = [0], sizes = [1], strides = [1]} : vector<16xi32> to vector<1xi32>
      %squeeze3A = vector.extract %slice3A[0] : i32 from vector<1xi32>
      %slice3A_40 = vector.extract_strided_slice %get3A_39 {offsets = [0], sizes = [1], strides = [1]} : vector<16xi32> to vector<1xi32>
      %squeeze3A_41 = vector.extract %slice3A_40[0] : i32 from vector<1xi32>
      %shift_right_arithmetic3A = arith.constant 3 : i32
      %shift_right_arithmetic3A_42 = arith.shrsi %squeeze3A, %shift_right_arithmetic3A : i32
      %dma_start3A = arith.constant 0 : i32
      %dma_start3A_43 = arith.constant 0 : i32
      %dma_start3A_44 = arith.constant 0 : i32
      %dma_start3A_45 = tpu.memref_slice %arg12[%dma_start3A, %dma_start3A_43, %dma_start3A_44] : memref<32x8x64xf32, #tpu.memory_space<vmem>> -> memref<1x8x64xf32, #tpu.memory_space<vmem>>
      %dma_start3A_46 = arith.constant 0 : i32
      %dma_start3A_47 = arith.constant 0 : i32
      %dma_start3A_48 = tpu.memref_slice %arg4[%shift_right_arithmetic3A_42, %dma_start3A_46, %dma_start3A_47] : memref<125000x8x64xf32, #tpu.memory_space<hbm>> -> memref<1x8x64xf32, #tpu.memory_space<hbm>>
      %dma_start3A_49 = arith.constant 0 : i32
      %dma_start3A_50 = arith.constant 0 : i32
      %dma_start3A_51 = arith.constant 0 : i32
      %dma_start3A_52 = tpu.memref_slice %arg12[%dma_start3A_49, %dma_start3A_50, %dma_start3A_51] : memref<32x8x64xf32, #tpu.memory_space<vmem>> -> memref<1x8x64xf32, #tpu.memory_space<vmem>>
      %dma_start3A_53 = arith.constant 0 : i32
      %dma_start3A_54 = arith.constant 0 : i32
      %dma_start3A_55 = tpu.memref_slice %arg4[%shift_right_arithmetic3A_42, %dma_start3A_53, %dma_start3A_54] : memref<125000x8x64xf32, #tpu.memory_space<hbm>> -> memref<1x8x64xf32, #tpu.memory_space<hbm>>
      tpu.enqueue_dma source(%dma_start3A_55 : memref<1x8x64xf32, #tpu.memory_space<hbm>>) target(%dma_start3A_52 : memref<1x8x64xf32, #tpu.memory_space<vmem>>) target_semaphore(%arg17 : memref<!tpu.dma_semaphore, #tpu.memory_space<semaphore_mem>>)
      %shift_right_arithmetic3A_56 = arith.constant 3 : i32
      %shift_right_arithmetic3A_57 = arith.shrsi %squeeze3A_41, %shift_right_arithmetic3A_56 : i32
      %dma_start3A_58 = arith.constant 0 : i32
      %dma_start3A_59 = arith.constant 0 : i32
      %dma_start3A_60 = arith.constant 0 : i32
      %dma_start3A_61 = tpu.memref_slice %arg13[%dma_start3A_58, %dma_start3A_59, %dma_start3A_60] : memref<32x8x64xf32, #tpu.memory_space<vmem>> -> memref<1x8x64xf32, #tpu.memory_space<vmem>>
      %dma_start3A_62 = arith.constant 0 : i32
      %dma_start3A_63 = arith.constant 0 : i32
      %dma_start3A_64 = tpu.memref_slice %arg5[%shift_right_arithmetic3A_57, %dma_start3A_62, %dma_start3A_63] : memref<125000x8x64xf32, #tpu.memory_space<hbm>> -> memref<1x8x64xf32, #tpu.memory_space<hbm>>
      %dma_start3A_65 = arith.constant 0 : i32
      %dma_start3A_66 = arith.constant 0 : i32
      %dma_start3A_67 = arith.constant 0 : i32
      %dma_start3A_68 = tpu.memref_slice %arg13[%dma_start3A_65, %dma_start3A_66, %dma_start3A_67] : memref<32x8x64xf32, #tpu.memory_space<vmem>> -> memref<1x8x64xf32, #tpu.memory_space<vmem>>
      %dma_start3A_69 = arith.constant 0 : i32
      %dma_start3A_70 = arith.constant 0 : i32
      %dma_start3A_71 = tpu.memref_slice %arg5[%shift_right_arithmetic3A_57, %dma_start3A_69, %dma_start3A_70] : memref<125000x8x64xf32, #tpu.memory_space<hbm>> -> memref<1x8x64xf32, #tpu.memory_space<hbm>>
      tpu.enqueue_dma source(%dma_start3A_71 : memref<1x8x64xf32, #tpu.memory_space<hbm>>) target(%dma_start3A_68 : memref<1x8x64xf32, #tpu.memory_space<vmem>>) target_semaphore(%arg18 : memref<!tpu.dma_semaphore, #tpu.memory_space<semaphore_mem>>)
      %slice3A_72 = vector.extract_strided_slice %get3A_31 {offsets = [1], sizes = [1], strides = [1]} : vector<16xi32> to vector<1xi32>
      %squeeze3A_73 = vector.extract %slice3A_72[0] : i32 from vector<1xi32>
      %slice3A_74 = vector.extract_strided_slice %get3A_39 {offsets = [1], sizes = [1], strides = [1]} : vector<16xi32> to vector<1xi32>
      %squeeze3A_75 = vector.extract %slice3A_74[0] : i32 from vector<1xi32>
      %shift_right_arithmetic3A_76 = arith.constant 3 : i32
      %shift_right_arithmetic3A_77 = arith.shrsi %squeeze3A_73, %shift_right_arithmetic3A_76 : i32
      %dma_start3A_78 = arith.constant 1 : i32
      %dma_start3A_79 = arith.constant 0 : i32
      %dma_start3A_80 = arith.constant 0 : i32
      %dma_start3A_81 = tpu.memref_slice %arg12[%dma_start3A_78, %dma_start3A_79, %dma_start3A_80] : memref<32x8x64xf32, #tpu.memory_space<vmem>> -> memref<1x8x64xf32, #tpu.memory_space<vmem>>
      %dma_start3A_82 = arith.constant 0 : i32
      %dma_start3A_83 = arith.constant 0 : i32
      %dma_start3A_84 = tpu.memref_slice %arg4[%shift_right_arithmetic3A_77, %dma_start3A_82, %dma_start3A_83] : memref<125000x8x64xf32, #tpu.memory_space<hbm>> -> memref<1x8x64xf32, #tpu.memory_space<hbm>>
      %dma_start3A_85 = arith.constant 1 : i32
      %dma_start3A_86 = arith.constant 0 : i32
      %dma_start3A_87 = arith.constant 0 : i32
      %dma_start3A_88 = tpu.memref_slice %arg12[%dma_start3A_85, %dma_start3A_86, %dma_start3A_87] : memref<32x8x64xf32, #tpu.memory_space<vmem>> -> memref<1x8x64xf32, #tpu.memory_space<vmem>>
      %dma_start3A_89 = arith.constant 0 : i32
      %dma_start3A_90 = arith.constant 0 : i32
      %dma_start3A_91 = tpu.memref_slice %arg4[%shift_right_arithmetic3A_77, %dma_start3A_89, %dma_start3A_90] : memref<125000x8x64xf32, #tpu.memory_space<hbm>> -> memref<1x8x64xf32, #tpu.memory_space<hbm>>
      tpu.enqueue_dma source(%dma_start3A_91 : memref<1x8x64xf32, #tpu.memory_space<hbm>>) target(%dma_start3A_88 : memref<1x8x64xf32, #tpu.memory_space<vmem>>) target_semaphore(%arg17 : memref<!tpu.dma_semaphore, #tpu.memory_space<semaphore_mem>>)
      %shift_right_arithmetic3A_92 = arith.constant 3 : i32
      %shift_right_arithmetic3A_93 = arith.shrsi %squeeze3A_75, %shift_right_arithmetic3A_92 : i32
      %dma_start3A_94 = arith.constant 1 : i32
      %dma_start3A_95 = arith.constant 0 : i32
      %dma_start3A_96 = arith.constant 0 : i32
      %dma_start3A_97 = tpu.memref_slice %arg13[%dma_start3A_94, %dma_start3A_95, %dma_start3A_96] : memref<32x8x64xf32, #tpu.memory_space<vmem>> -> memref<1x8x64xf32, #tpu.memory_space<vmem>>
      %dma_start3A_98 = arith.constant 0 : i32
      %dma_start3A_99 = arith.constant 0 : i32
      %dma_start3A_100 = tpu.memref_slice %arg5[%shift_right_arithmetic3A_93, %dma_start3A_98, %dma_start3A_99] : memref<125000x8x64xf32, #tpu.memory_space<hbm>> -> memref<1x8x64xf32, #tpu.memory_space<hbm>>
      %dma_start3A_101 = arith.constant 1 : i32
      %dma_start3A_102 = arith.constant 0 : i32
      %dma_start3A_103 = arith.constant 0 : i32
      %dma_start3A_104 = tpu.memref_slice %arg13[%dma_start3A_101, %dma_start3A_102, %dma_start3A_103] : memref<32x8x64xf32, #tpu.memory_space<vmem>> -> memref<1x8x64xf32, #tpu.memory_space<vmem>>
      %dma_start3A_105 = arith.constant 0 : i32
      %dma_start3A_106 = arith.constant 0 : i32
      %dma_start3A_107 = tpu.memref_slice %arg5[%shift_right_arithmetic3A_93, %dma_start3A_105, %dma_start3A_106] : memref<125000x8x64xf32, #tpu.memory_space<hbm>> -> memref<1x8x64xf32, #tpu.memory_space<hbm>>
      tpu.enqueue_dma source(%dma_start3A_107 : memref<1x8x64xf32, #tpu.memory_space<hbm>>) target(%dma_start3A_104 : memref<1x8x64xf32, #tpu.memory_space<vmem>>) target_semaphore(%arg18 : memref<!tpu.dma_semaphore, #tpu.memory_space<semaphore_mem>>)
      %slice3A_108 = vector.extract_strided_slice %get3A_31 {offsets = [2], sizes = [1], strides = [1]} : vector<16xi32> to vector<1xi32>
      %squeeze3A_109 = vector.extract %slice3A_108[0] : i32 from vector<1xi32>
      %slice3A_110 = vector.extract_strided_slice %get3A_39 {offsets = [2], sizes = [1], strides = [1]} : vector<16xi32> to vector<1xi32>
      %squeeze3A_111 = vector.extract %slice3A_110[0] : i32 from vector<1xi32>
      %shift_right_arithmetic3A_112 = arith.constant 3 : i32
      %shift_right_arithmetic3A_113 = arith.shrsi %squeeze3A_109, %shift_right_arithmetic3A_112 : i32
      %dma_start3A_114 = arith.constant 2 : i32
      %dma_start3A_115 = arith.constant 0 : i32
      %dma_start3A_116 = arith.constant 0 : i32
      %dma_start3A_117 = tpu.memref_slice %arg12[%dma_start3A_114, %dma_start3A_115, %dma_start3A_116] : memref<32x8x64xf32, #tpu.memory_space<vmem>> -> memref<1x8x64xf32, #tpu.memory_space<vmem>>
      %dma_start3A_118 = arith.constant 0 : i32
      %dma_start3A_119 = arith.constant 0 : i32
      %dma_start3A_120 = tpu.memref_slice %arg4[%shift_right_arithmetic3A_113, %dma_start3A_118, %dma_start3A_119] : memref<125000x8x64xf32, #tpu.memory_space<hbm>> -> memref<1x8x64xf32, #tpu.memory_space<hbm>>
      %dma_start3A_121 = arith.constant 2 : i32
      %dma_start3A_122 = arith.constant 0 : i32
      %dma_start3A_123 = arith.constant 0 : i32
      %dma_start3A_124 = tpu.memref_slice %arg12[%dma_start3A_121, %dma_start3A_122, %dma_start3A_123] : memref<32x8x64xf32, #tpu.memory_space<vmem>> -> memref<1x8x64xf32, #tpu.memory_space<vmem>>
      %dma_start3A_125 = arith.constant 0 : i32
      %dma_start3A_126 = arith.constant 0 : i32
      %dma_start3A_127 = tpu.memref_slice %arg4[%shift_right_arithmetic3A_113, %dma_start3A_125, %dma_start3A_126] : memref<125000x8x64xf32, #tpu.memory_space<hbm>> -> memref<1x8x64xf32, #tpu.memory_space<hbm>>
      tpu.enqueue_dma source(%dma_start3A_127 : memref<1x8x64xf32, #tpu.memory_space<hbm>>) target(%dma_start3A_124 : memref<1x8x64xf32, #tpu.memory_space<vmem>>) target_semaphore(%arg17 : memref<!tpu.dma_semaphore, #tpu.memory_space<semaphore_mem>>)
      %shift_right_arithmetic3A_128 = arith.constant 3 : i32
      %shift_right_arithmetic3A_129 = arith.shrsi %squeeze3A_111, %shift_right_arithmetic3A_128 : i32
      %dma_start3A_130 = arith.constant 2 : i32
      %dma_start3A_131 = arith.constant 0 : i32
      %dma_start3A_132 = arith.constant 0 : i32
      %dma_start3A_133 = tpu.memref_slice %arg13[%dma_start3A_130, %dma_start3A_131, %dma_start3A_132] : memref<32x8x64xf32, #tpu.memory_space<vmem>> -> memref<1x8x64xf32, #tpu.memory_space<vmem>>
      %dma_start3A_134 = arith.constant 0 : i32
      %dma_start3A_135 = arith.constant 0 : i32
      %dma_start3A_136 = tpu.memref_slice %arg5[%shift_right_arithmetic3A_129, %dma_start3A_134, %dma_start3A_135] : memref<125000x8x64xf32, #tpu.memory_space<hbm>> -> memref<1x8x64xf32, #tpu.memory_space<hbm>>
      %dma_start3A_137 = arith.constant 2 : i32
      %dma_start3A_138 = arith.constant 0 : i32
      %dma_start3A_139 = arith.constant 0 : i32
      %dma_start3A_140 = tpu.memref_slice %arg13[%dma_start3A_137, %dma_start3A_138, %dma_start3A_139] : memref<32x8x64xf32, #tpu.memory_space<vmem>> -> memref<1x8x64xf32, #tpu.memory_space<vmem>>
      %dma_start3A_141 = arith.constant 0 : i32
      %dma_start3A_142 = arith.constant 0 : i32
      %dma_start3A_143 = tpu.memref_slice %arg5[%shift_right_arithmetic3A_129, %dma_start3A_141, %dma_start3A_142] : memref<125000x8x64xf32, #tpu.memory_space<hbm>> -> memref<1x8x64xf32, #tpu.memory_space<hbm>>
      tpu.enqueue_dma source(%dma_start3A_143 : memref<1x8x64xf32, #tpu.memory_space<hbm>>) target(%dma_start3A_140 : memref<1x8x64xf32, #tpu.memory_space<vmem>>) target_semaphore(%arg18 : memref<!tpu.dma_semaphore, #tpu.memory_space<semaphore_mem>>)
      %slice3A_144 = vector.extract_strided_slice %get3A_31 {offsets = [3], sizes = [1], strides = [1]} : vector<16xi32> to vector<1xi32>
      %squeeze3A_145 = vector.extract %slice3A_144[0] : i32 from vector<1xi32>
      %slice3A_146 = vector.extract_strided_slice %get3A_39 {offsets = [3], sizes = [1], strides = [1]} : vector<16xi32> to vector<1xi32>
      %squeeze3A_147 = vector.extract %slice3A_146[0] : i32 from vector<1xi32>
      %shift_right_arithmetic3A_148 = arith.constant 3 : i32
      %shift_right_arithmetic3A_149 = arith.shrsi %squeeze3A_145, %shift_right_arithmetic3A_148 : i32
      %dma_start3A_150 = arith.constant 3 : i32
      %dma_start3A_151 = arith.constant 0 : i32
      %dma_start3A_152 = arith.constant 0 : i32
      %dma_start3A_153 = tpu.memref_slice %arg12[%dma_start3A_150, %dma_start3A_151, %dma_start3A_152] : memref<32x8x64xf32, #tpu.memory_space<vmem>> -> memref<1x8x64xf32, #tpu.memory_space<vmem>>
      %dma_start3A_154 = arith.constant 0 : i32
      %dma_start3A_155 = arith.constant 0 : i32
      %dma_start3A_156 = tpu.memref_slice %arg4[%shift_right_arithmetic3A_149, %dma_start3A_154, %dma_start3A_155] : memref<125000x8x64xf32, #tpu.memory_space<hbm>> -> memref<1x8x64xf32, #tpu.memory_space<hbm>>
      %dma_start3A_157 = arith.constant 3 : i32
      %dma_start3A_158 = arith.constant 0 : i32
      %dma_start3A_159 = arith.constant 0 : i32
      %dma_start3A_160 = tpu.memref_slice %arg12[%dma_start3A_157, %dma_start3A_158, %dma_start3A_159] : memref<32x8x64xf32, #tpu.memory_space<vmem>> -> memref<1x8x64xf32, #tpu.memory_space<vmem>>
      %dma_start3A_161 = arith.constant 0 : i32
      %dma_start3A_162 = arith.constant 0 : i32
      %dma_start3A_163 = tpu.memref_slice %arg4[%shift_right_arithmetic3A_149, %dma_start3A_161, %dma_start3A_162] : memref<125000x8x64xf32, #tpu.memory_space<hbm>> -> memref<1x8x64xf32, #tpu.memory_space<hbm>>
      tpu.enqueue_dma source(%dma_start3A_163 : memref<1x8x64xf32, #tpu.memory_space<hbm>>) target(%dma_start3A_160 : memref<1x8x64xf32, #tpu.memory_space<vmem>>) target_semaphore(%arg17 : memref<!tpu.dma_semaphore, #tpu.memory_space<semaphore_mem>>)
      %shift_right_arithmetic3A_164 = arith.constant 3 : i32
      %shift_right_arithmetic3A_165 = arith.shrsi %squeeze3A_147, %shift_right_arithmetic3A_164 : i32
      %dma_start3A_166 = arith.constant 3 : i32
      %dma_start3A_167 = arith.constant 0 : i32
      %dma_start3A_168 = arith.constant 0 : i32
      %dma_start3A_169 = tpu.memref_slice %arg13[%dma_start3A_166, %dma_start3A_167, %dma_start3A_168] : memref<32x8x64xf32, #tpu.memory_space<vmem>> -> memref<1x8x64xf32, #tpu.memory_space<vmem>>
      %dma_start3A_170 = arith.constant 0 : i32
      %dma_start3A_171 = arith.constant 0 : i32
      %dma_start3A_172 = tpu.memref_slice %arg5[%shift_right_arithmetic3A_165, %dma_start3A_170, %dma_start3A_171] : memref<125000x8x64xf32, #tpu.memory_space<hbm>> -> memref<1x8x64xf32, #tpu.memory_space<hbm>>
      %dma_start3A_173 = arith.constant 3 : i32
      %dma_start3A_174 = arith.constant 0 : i32
      %dma_start3A_175 = arith.constant 0 : i32
      %dma_start3A_176 = tpu.memref_slice %arg13[%dma_start3A_173, %dma_start3A_174, %dma_start3A_175] : memref<32x8x64xf32, #tpu.memory_space<vmem>> -> memref<1x8x64xf32, #tpu.memory_space<vmem>>
      %dma_start3A_177 = arith.constant 0 : i32
      %dma_start3A_178 = arith.constant 0 : i32
      %dma_start3A_179 = tpu.memref_slice %arg5[%shift_right_arithmetic3A_165, %dma_start3A_177, %dma_start3A_178] : memref<125000x8x64xf32, #tpu.memory_space<hbm>> -> memref<1x8x64xf32, #tpu.memory_space<hbm>>
      tpu.enqueue_dma source(%dma_start3A_179 : memref<1x8x64xf32, #tpu.memory_space<hbm>>) target(%dma_start3A_176 : memref<1x8x64xf32, #tpu.memory_space<vmem>>) target_semaphore(%arg18 : memref<!tpu.dma_semaphore, #tpu.memory_space<semaphore_mem>>)
      %slice3A_180 = vector.extract_strided_slice %get3A_31 {offsets = [4], sizes = [1], strides = [1]} : vector<16xi32> to vector<1xi32>
      %squeeze3A_181 = vector.extract %slice3A_180[0] : i32 from vector<1xi32>
      %slice3A_182 = vector.extract_strided_slice %get3A_39 {offsets = [4], sizes = [1], strides = [1]} : vector<16xi32> to vector<1xi32>
      %squeeze3A_183 = vector.extract %slice3A_182[0] : i32 from vector<1xi32>
      %shift_right_arithmetic3A_184 = arith.constant 3 : i32
      %shift_right_arithmetic3A_185 = arith.shrsi %squeeze3A_181, %shift_right_arithmetic3A_184 : i32
      %dma_start3A_186 = arith.constant 4 : i32
      %dma_start3A_187 = arith.constant 0 : i32
      %dma_start3A_188 = arith.constant 0 : i32
      %dma_start3A_189 = tpu.memref_slice %arg12[%dma_start3A_186, %dma_start3A_187, %dma_start3A_188] : memref<32x8x64xf32, #tpu.memory_space<vmem>> -> memref<1x8x64xf32, #tpu.memory_space<vmem>>
      %dma_start3A_190 = arith.constant 0 : i32
      %dma_start3A_191 = arith.constant 0 : i32
      %dma_start3A_192 = tpu.memref_slice %arg4[%shift_right_arithmetic3A_185, %dma_start3A_190, %dma_start3A_191] : memref<125000x8x64xf32, #tpu.memory_space<hbm>> -> memref<1x8x64xf32, #tpu.memory_space<hbm>>
      %dma_start3A_193 = arith.constant 4 : i32
      %dma_start3A_194 = arith.constant 0 : i32
      %dma_start3A_195 = arith.constant 0 : i32
      %dma_start3A_196 = tpu.memref_slice %arg12[%dma_start3A_193, %dma_start3A_194, %dma_start3A_195] : memref<32x8x64xf32, #tpu.memory_space<vmem>> -> memref<1x8x64xf32, #tpu.memory_space<vmem>>
      %dma_start3A_197 = arith.constant 0 : i32
      %dma_start3A_198 = arith.constant 0 : i32
      %dma_start3A_199 = tpu.memref_slice %arg4[%shift_right_arithmetic3A_185, %dma_start3A_197, %dma_start3A_198] : memref<125000x8x64xf32, #tpu.memory_space<hbm>> -> memref<1x8x64xf32, #tpu.memory_space<hbm>>
      tpu.enqueue_dma source(%dma_start3A_199 : memref<1x8x64xf32, #tpu.memory_space<hbm>>) target(%dma_start3A_196 : memref<1x8x64xf32, #tpu.memory_space<vmem>>) target_semaphore(%arg17 : memref<!tpu.dma_semaphore, #tpu.memory_space<semaphore_mem>>)
      %shift_right_arithmetic3A_200 = arith.constant 3 : i32
      %shift_right_arithmetic3A_201 = arith.shrsi %squeeze3A_183, %shift_right_arithmetic3A_200 : i32
      %dma_start3A_202 = arith.constant 4 : i32
      %dma_start3A_203 = arith.constant 0 : i32
      %dma_start3A_204 = arith.constant 0 : i32
      %dma_start3A_205 = tpu.memref_slice %arg13[%dma_start3A_202, %dma_start3A_203, %dma_start3A_204] : memref<32x8x64xf32, #tpu.memory_space<vmem>> -> memref<1x8x64xf32, #tpu.memory_space<vmem>>
      %dma_start3A_206 = arith.constant 0 : i32
      %dma_start3A_207 = arith.constant 0 : i32
      %dma_start3A_208 = tpu.memref_slice %arg5[%shift_right_arithmetic3A_201, %dma_start3A_206, %dma_start3A_207] : memref<125000x8x64xf32, #tpu.memory_space<hbm>> -> memref<1x8x64xf32, #tpu.memory_space<hbm>>
      %dma_start3A_209 = arith.constant 4 : i32
      %dma_start3A_210 = arith.constant 0 : i32
      %dma_start3A_211 = arith.constant 0 : i32
      %dma_start3A_212 = tpu.memref_slice %arg13[%dma_start3A_209, %dma_start3A_210, %dma_start3A_211] : memref<32x8x64xf32, #tpu.memory_space<vmem>> -> memref<1x8x64xf32, #tpu.memory_space<vmem>>
      %dma_start3A_213 = arith.constant 0 : i32
      %dma_start3A_214 = arith.constant 0 : i32
      %dma_start3A_215 = tpu.memref_slice %arg5[%shift_right_arithmetic3A_201, %dma_start3A_213, %dma_start3A_214] : memref<125000x8x64xf32, #tpu.memory_space<hbm>> -> memref<1x8x64xf32, #tpu.memory_space<hbm>>
      tpu.enqueue_dma source(%dma_start3A_215 : memref<1x8x64xf32, #tpu.memory_space<hbm>>) target(%dma_start3A_212 : memref<1x8x64xf32, #tpu.memory_space<vmem>>) target_semaphore(%arg18 : memref<!tpu.dma_semaphore, #tpu.memory_space<semaphore_mem>>)
      %slice3A_216 = vector.extract_strided_slice %get3A_31 {offsets = [5], sizes = [1], strides = [1]} : vector<16xi32> to vector<1xi32>
      %squeeze3A_217 = vector.extract %slice3A_216[0] : i32 from vector<1xi32>
      %slice3A_218 = vector.extract_strided_slice %get3A_39 {offsets = [5], sizes = [1], strides = [1]} : vector<16xi32> to vector<1xi32>
      %squeeze3A_219 = vector.extract %slice3A_218[0] : i32 from vector<1xi32>
      %shift_right_arithmetic3A_220 = arith.constant 3 : i32
      %shift_right_arithmetic3A_221 = arith.shrsi %squeeze3A_217, %shift_right_arithmetic3A_220 : i32
      %dma_start3A_222 = arith.constant 5 : i32
      %dma_start3A_223 = arith.constant 0 : i32
      %dma_start3A_224 = arith.constant 0 : i32
      %dma_start3A_225 = tpu.memref_slice %arg12[%dma_start3A_222, %dma_start3A_223, %dma_start3A_224] : memref<32x8x64xf32, #tpu.memory_space<vmem>> -> memref<1x8x64xf32, #tpu.memory_space<vmem>>
      %dma_start3A_226 = arith.constant 0 : i32
      %dma_start3A_227 = arith.constant 0 : i32
      %dma_start3A_228 = tpu.memref_slice %arg4[%shift_right_arithmetic3A_221, %dma_start3A_226, %dma_start3A_227] : memref<125000x8x64xf32, #tpu.memory_space<hbm>> -> memref<1x8x64xf32, #tpu.memory_space<hbm>>
      %dma_start3A_229 = arith.constant 5 : i32
      %dma_start3A_230 = arith.constant 0 : i32
      %dma_start3A_231 = arith.constant 0 : i32
      %dma_start3A_232 = tpu.memref_slice %arg12[%dma_start3A_229, %dma_start3A_230, %dma_start3A_231] : memref<32x8x64xf32, #tpu.memory_space<vmem>> -> memref<1x8x64xf32, #tpu.memory_space<vmem>>
      %dma_start3A_233 = arith.constant 0 : i32
      %dma_start3A_234 = arith.constant 0 : i32
      %dma_start3A_235 = tpu.memref_slice %arg4[%shift_right_arithmetic3A_221, %dma_start3A_233, %dma_start3A_234] : memref<125000x8x64xf32, #tpu.memory_space<hbm>> -> memref<1x8x64xf32, #tpu.memory_space<hbm>>
      tpu.enqueue_dma source(%dma_start3A_235 : memref<1x8x64xf32, #tpu.memory_space<hbm>>) target(%dma_start3A_232 : memref<1x8x64xf32, #tpu.memory_space<vmem>>) target_semaphore(%arg17 : memref<!tpu.dma_semaphore, #tpu.memory_space<semaphore_mem>>)
      %shift_right_arithmetic3A_236 = arith.constant 3 : i32
      %shift_right_arithmetic3A_237 = arith.shrsi %squeeze3A_219, %shift_right_arithmetic3A_236 : i32
      %dma_start3A_238 = arith.constant 5 : i32
      %dma_start3A_239 = arith.constant 0 : i32
      %dma_start3A_240 = arith.constant 0 : i32
      %dma_start3A_241 = tpu.memref_slice %arg13[%dma_start3A_238, %dma_start3A_239, %dma_start3A_240] : memref<32x8x64xf32, #tpu.memory_space<vmem>> -> memref<1x8x64xf32, #tpu.memory_space<vmem>>
      %dma_start3A_242 = arith.constant 0 : i32
      %dma_start3A_243 = arith.constant 0 : i32
      %dma_start3A_244 = tpu.memref_slice %arg5[%shift_right_arithmetic3A_237, %dma_start3A_242, %dma_start3A_243] : memref<125000x8x64xf32, #tpu.memory_space<hbm>> -> memref<1x8x64xf32, #tpu.memory_space<hbm>>
      %dma_start3A_245 = arith.constant 5 : i32
      %dma_start3A_246 = arith.constant 0 : i32
      %dma_start3A_247 = arith.constant 0 : i32
      %dma_start3A_248 = tpu.memref_slice %arg13[%dma_start3A_245, %dma_start3A_246, %dma_start3A_247] : memref<32x8x64xf32, #tpu.memory_space<vmem>> -> memref<1x8x64xf32, #tpu.memory_space<vmem>>
      %dma_start3A_249 = arith.constant 0 : i32
      %dma_start3A_250 = arith.constant 0 : i32
      %dma_start3A_251 = tpu.memref_slice %arg5[%shift_right_arithmetic3A_237, %dma_start3A_249, %dma_start3A_250] : memref<125000x8x64xf32, #tpu.memory_space<hbm>> -> memref<1x8x64xf32, #tpu.memory_space<hbm>>
      tpu.enqueue_dma source(%dma_start3A_251 : memref<1x8x64xf32, #tpu.memory_space<hbm>>) target(%dma_start3A_248 : memref<1x8x64xf32, #tpu.memory_space<vmem>>) target_semaphore(%arg18 : memref<!tpu.dma_semaphore, #tpu.memory_space<semaphore_mem>>)
      %slice3A_252 = vector.extract_strided_slice %get3A_31 {offsets = [6], sizes = [1], strides = [1]} : vector<16xi32> to vector<1xi32>
      %squeeze3A_253 = vector.extract %slice3A_252[0] : i32 from vector<1xi32>
      %slice3A_254 = vector.extract_strided_slice %get3A_39 {offsets = [6], sizes = [1], strides = [1]} : vector<16xi32> to vector<1xi32>
      %squeeze3A_255 = vector.extract %slice3A_254[0] : i32 from vector<1xi32>
      %shift_right_arithmetic3A_256 = arith.constant 3 : i32
      %shift_right_arithmetic3A_257 = arith.shrsi %squeeze3A_253, %shift_right_arithmetic3A_256 : i32
      %dma_start3A_258 = arith.constant 6 : i32
      %dma_start3A_259 = arith.constant 0 : i32
      %dma_start3A_260 = arith.constant 0 : i32
      %dma_start3A_261 = tpu.memref_slice %arg12[%dma_start3A_258, %dma_start3A_259, %dma_start3A_260] : memref<32x8x64xf32, #tpu.memory_space<vmem>> -> memref<1x8x64xf32, #tpu.memory_space<vmem>>
      %dma_start3A_262 = arith.constant 0 : i32
      %dma_start3A_263 = arith.constant 0 : i32
      %dma_start3A_264 = tpu.memref_slice %arg4[%shift_right_arithmetic3A_257, %dma_start3A_262, %dma_start3A_263] : memref<125000x8x64xf32, #tpu.memory_space<hbm>> -> memref<1x8x64xf32, #tpu.memory_space<hbm>>
      %dma_start3A_265 = arith.constant 6 : i32
      %dma_start3A_266 = arith.constant 0 : i32
      %dma_start3A_267 = arith.constant 0 : i32
      %dma_start3A_268 = tpu.memref_slice %arg12[%dma_start3A_265, %dma_start3A_266, %dma_start3A_267] : memref<32x8x64xf32, #tpu.memory_space<vmem>> -> memref<1x8x64xf32, #tpu.memory_space<vmem>>
      %dma_start3A_269 = arith.constant 0 : i32
      %dma_start3A_270 = arith.constant 0 : i32
      %dma_start3A_271 = tpu.memref_slice %arg4[%shift_right_arithmetic3A_257, %dma_start3A_269, %dma_start3A_270] : memref<125000x8x64xf32, #tpu.memory_space<hbm>> -> memref<1x8x64xf32, #tpu.memory_space<hbm>>
      tpu.enqueue_dma source(%dma_start3A_271 : memref<1x8x64xf32, #tpu.memory_space<hbm>>) target(%dma_start3A_268 : memref<1x8x64xf32, #tpu.memory_space<vmem>>) target_semaphore(%arg17 : memref<!tpu.dma_semaphore, #tpu.memory_space<semaphore_mem>>)
      %shift_right_arithmetic3A_272 = arith.constant 3 : i32
      %shift_right_arithmetic3A_273 = arith.shrsi %squeeze3A_255, %shift_right_arithmetic3A_272 : i32
      %dma_start3A_274 = arith.constant 6 : i32
      %dma_start3A_275 = arith.constant 0 : i32
      %dma_start3A_276 = arith.constant 0 : i32
      %dma_start3A_277 = tpu.memref_slice %arg13[%dma_start3A_274, %dma_start3A_275, %dma_start3A_276] : memref<32x8x64xf32, #tpu.memory_space<vmem>> -> memref<1x8x64xf32, #tpu.memory_space<vmem>>
      %dma_start3A_278 = arith.constant 0 : i32
      %dma_start3A_279 = arith.constant 0 : i32
      %dma_start3A_280 = tpu.memref_slice %arg5[%shift_right_arithmetic3A_273, %dma_start3A_278, %dma_start3A_279] : memref<125000x8x64xf32, #tpu.memory_space<hbm>> -> memref<1x8x64xf32, #tpu.memory_space<hbm>>
      %dma_start3A_281 = arith.constant 6 : i32
      %dma_start3A_282 = arith.constant 0 : i32
      %dma_start3A_283 = arith.constant 0 : i32
      %dma_start3A_284 = tpu.memref_slice %arg13[%dma_start3A_281, %dma_start3A_282, %dma_start3A_283] : memref<32x8x64xf32, #tpu.memory_space<vmem>> -> memref<1x8x64xf32, #tpu.memory_space<vmem>>
      %dma_start3A_285 = arith.constant 0 : i32
      %dma_start3A_286 = arith.constant 0 : i32
      %dma_start3A_287 = tpu.memref_slice %arg5[%shift_right_arithmetic3A_273, %dma_start3A_285, %dma_start3A_286] : memref<125000x8x64xf32, #tpu.memory_space<hbm>> -> memref<1x8x64xf32, #tpu.memory_space<hbm>>
      tpu.enqueue_dma source(%dma_start3A_287 : memref<1x8x64xf32, #tpu.memory_space<hbm>>) target(%dma_start3A_284 : memref<1x8x64xf32, #tpu.memory_space<vmem>>) target_semaphore(%arg18 : memref<!tpu.dma_semaphore, #tpu.memory_space<semaphore_mem>>)
      %slice3A_288 = vector.extract_strided_slice %get3A_31 {offsets = [7], sizes = [1], strides = [1]} : vector<16xi32> to vector<1xi32>
      %squeeze3A_289 = vector.extract %slice3A_288[0] : i32 from vector<1xi32>
      %slice3A_290 = vector.extract_strided_slice %get3A_39 {offsets = [7], sizes = [1], strides = [1]} : vector<16xi32> to vector<1xi32>
      %squeeze3A_291 = vector.extract %slice3A_290[0] : i32 from vector<1xi32>
      %shift_right_arithmetic3A_292 = arith.constant 3 : i32
      %shift_right_arithmetic3A_293 = arith.shrsi %squeeze3A_289, %shift_right_arithmetic3A_292 : i32
      %dma_start3A_294 = arith.constant 7 : i32
      %dma_start3A_295 = arith.constant 0 : i32
      %dma_start3A_296 = arith.constant 0 : i32
      %dma_start3A_297 = tpu.memref_slice %arg12[%dma_start3A_294, %dma_start3A_295, %dma_start3A_296] : memref<32x8x64xf32, #tpu.memory_space<vmem>> -> memref<1x8x64xf32, #tpu.memory_space<vmem>>
      %dma_start3A_298 = arith.constant 0 : i32
      %dma_start3A_299 = arith.constant 0 : i32
      %dma_start3A_300 = tpu.memref_slice %arg4[%shift_right_arithmetic3A_293, %dma_start3A_298, %dma_start3A_299] : memref<125000x8x64xf32, #tpu.memory_space<hbm>> -> memref<1x8x64xf32, #tpu.memory_space<hbm>>
      %dma_start3A_301 = arith.constant 7 : i32
      %dma_start3A_302 = arith.constant 0 : i32
      %dma_start3A_303 = arith.constant 0 : i32
      %dma_start3A_304 = tpu.memref_slice %arg12[%dma_start3A_301, %dma_start3A_302, %dma_start3A_303] : memref<32x8x64xf32, #tpu.memory_space<vmem>> -> memref<1x8x64xf32, #tpu.memory_space<vmem>>
      %dma_start3A_305 = arith.constant 0 : i32
      %dma_start3A_306 = arith.constant 0 : i32
      %dma_start3A_307 = tpu.memref_slice %arg4[%shift_right_arithmetic3A_293, %dma_start3A_305, %dma_start3A_306] : memref<125000x8x64xf32, #tpu.memory_space<hbm>> -> memref<1x8x64xf32, #tpu.memory_space<hbm>>
      tpu.enqueue_dma source(%dma_start3A_307 : memref<1x8x64xf32, #tpu.memory_space<hbm>>) target(%dma_start3A_304 : memref<1x8x64xf32, #tpu.memory_space<vmem>>) target_semaphore(%arg17 : memref<!tpu.dma_semaphore, #tpu.memory_space<semaphore_mem>>)
      %shift_right_arithmetic3A_308 = arith.constant 3 : i32
      %shift_right_arithmetic3A_309 = arith.shrsi %squeeze3A_291, %shift_right_arithmetic3A_308 : i32
      %dma_start3A_310 = arith.constant 7 : i32
      %dma_start3A_311 = arith.constant 0 : i32
      %dma_start3A_312 = arith.constant 0 : i32
      %dma_start3A_313 = tpu.memref_slice %arg13[%dma_start3A_310, %dma_start3A_311, %dma_start3A_312] : memref<32x8x64xf32, #tpu.memory_space<vmem>> -> memref<1x8x64xf32, #tpu.memory_space<vmem>>
      %dma_start3A_314 = arith.constant 0 : i32
      %dma_start3A_315 = arith.constant 0 : i32
      %dma_start3A_316 = tpu.memref_slice %arg5[%shift_right_arithmetic3A_309, %dma_start3A_314, %dma_start3A_315] : memref<125000x8x64xf32, #tpu.memory_space<hbm>> -> memref<1x8x64xf32, #tpu.memory_space<hbm>>
      %dma_start3A_317 = arith.constant 7 : i32
      %dma_start3A_318 = arith.constant 0 : i32
      %dma_start3A_319 = arith.constant 0 : i32
      %dma_start3A_320 = tpu.memref_slice %arg13[%dma_start3A_317, %dma_start3A_318, %dma_start3A_319] : memref<32x8x64xf32, #tpu.memory_space<vmem>> -> memref<1x8x64xf32, #tpu.memory_space<vmem>>
      %dma_start3A_321 = arith.constant 0 : i32
      %dma_start3A_322 = arith.constant 0 : i32
      %dma_start3A_323 = tpu.memref_slice %arg5[%shift_right_arithmetic3A_309, %dma_start3A_321, %dma_start3A_322] : memref<125000x8x64xf32, #tpu.memory_space<hbm>> -> memref<1x8x64xf32, #tpu.memory_space<hbm>>
      tpu.enqueue_dma source(%dma_start3A_323 : memref<1x8x64xf32, #tpu.memory_space<hbm>>) target(%dma_start3A_320 : memref<1x8x64xf32, #tpu.memory_space<vmem>>) target_semaphore(%arg18 : memref<!tpu.dma_semaphore, #tpu.memory_space<semaphore_mem>>)
      %slice3A_324 = vector.extract_strided_slice %get3A_31 {offsets = [8], sizes = [1], strides = [1]} : vector<16xi32> to vector<1xi32>
      %squeeze3A_325 = vector.extract %slice3A_324[0] : i32 from vector<1xi32>
      %slice3A_326 = vector.extract_strided_slice %get3A_39 {offsets = [8], sizes = [1], strides = [1]} : vector<16xi32> to vector<1xi32>
      %squeeze3A_327 = vector.extract %slice3A_326[0] : i32 from vector<1xi32>
      %shift_right_arithmetic3A_328 = arith.constant 3 : i32
      %shift_right_arithmetic3A_329 = arith.shrsi %squeeze3A_325, %shift_right_arithmetic3A_328 : i32
      %dma_start3A_330 = arith.constant 8 : i32
      %dma_start3A_331 = arith.constant 0 : i32
      %dma_start3A_332 = arith.constant 0 : i32
      %dma_start3A_333 = tpu.memref_slice %arg12[%dma_start3A_330, %dma_start3A_331, %dma_start3A_332] : memref<32x8x64xf32, #tpu.memory_space<vmem>> -> memref<1x8x64xf32, #tpu.memory_space<vmem>>
      %dma_start3A_334 = arith.constant 0 : i32
      %dma_start3A_335 = arith.constant 0 : i32
      %dma_start3A_336 = tpu.memref_slice %arg4[%shift_right_arithmetic3A_329, %dma_start3A_334, %dma_start3A_335] : memref<125000x8x64xf32, #tpu.memory_space<hbm>> -> memref<1x8x64xf32, #tpu.memory_space<hbm>>
      %dma_start3A_337 = arith.constant 8 : i32
      %dma_start3A_338 = arith.constant 0 : i32
      %dma_start3A_339 = arith.constant 0 : i32
      %dma_start3A_340 = tpu.memref_slice %arg12[%dma_start3A_337, %dma_start3A_338, %dma_start3A_339] : memref<32x8x64xf32, #tpu.memory_space<vmem>> -> memref<1x8x64xf32, #tpu.memory_space<vmem>>
      %dma_start3A_341 = arith.constant 0 : i32
      %dma_start3A_342 = arith.constant 0 : i32
      %dma_start3A_343 = tpu.memref_slice %arg4[%shift_right_arithmetic3A_329, %dma_start3A_341, %dma_start3A_342] : memref<125000x8x64xf32, #tpu.memory_space<hbm>> -> memref<1x8x64xf32, #tpu.memory_space<hbm>>
      tpu.enqueue_dma source(%dma_start3A_343 : memref<1x8x64xf32, #tpu.memory_space<hbm>>) target(%dma_start3A_340 : memref<1x8x64xf32, #tpu.memory_space<vmem>>) target_semaphore(%arg17 : memref<!tpu.dma_semaphore, #tpu.memory_space<semaphore_mem>>)
      %shift_right_arithmetic3A_344 = arith.constant 3 : i32
      %shift_right_arithmetic3A_345 = arith.shrsi %squeeze3A_327, %shift_right_arithmetic3A_344 : i32
      %dma_start3A_346 = arith.constant 8 : i32
      %dma_start3A_347 = arith.constant 0 : i32
      %dma_start3A_348 = arith.constant 0 : i32
      %dma_start3A_349 = tpu.memref_slice %arg13[%dma_start3A_346, %dma_start3A_347, %dma_start3A_348] : memref<32x8x64xf32, #tpu.memory_space<vmem>> -> memref<1x8x64xf32, #tpu.memory_space<vmem>>
      %dma_start3A_350 = arith.constant 0 : i32
      %dma_start3A_351 = arith.constant 0 : i32
      %dma_start3A_352 = tpu.memref_slice %arg5[%shift_right_arithmetic3A_345, %dma_start3A_350, %dma_start3A_351] : memref<125000x8x64xf32, #tpu.memory_space<hbm>> -> memref<1x8x64xf32, #tpu.memory_space<hbm>>
      %dma_start3A_353 = arith.constant 8 : i32
      %dma_start3A_354 = arith.constant 0 : i32
      %dma_start3A_355 = arith.constant 0 : i32
      %dma_start3A_356 = tpu.memref_slice %arg13[%dma_start3A_353, %dma_start3A_354, %dma_start3A_355] : memref<32x8x64xf32, #tpu.memory_space<vmem>> -> memref<1x8x64xf32, #tpu.memory_space<vmem>>
      %dma_start3A_357 = arith.constant 0 : i32
      %dma_start3A_358 = arith.constant 0 : i32
      %dma_start3A_359 = tpu.memref_slice %arg5[%shift_right_arithmetic3A_345, %dma_start3A_357, %dma_start3A_358] : memref<125000x8x64xf32, #tpu.memory_space<hbm>> -> memref<1x8x64xf32, #tpu.memory_space<hbm>>
      tpu.enqueue_dma source(%dma_start3A_359 : memref<1x8x64xf32, #tpu.memory_space<hbm>>) target(%dma_start3A_356 : memref<1x8x64xf32, #tpu.memory_space<vmem>>) target_semaphore(%arg18 : memref<!tpu.dma_semaphore, #tpu.memory_space<semaphore_mem>>)
      %slice3A_360 = vector.extract_strided_slice %get3A_31 {offsets = [9], sizes = [1], strides = [1]} : vector<16xi32> to vector<1xi32>
      %squeeze3A_361 = vector.extract %slice3A_360[0] : i32 from vector<1xi32>
      %slice3A_362 = vector.extract_strided_slice %get3A_39 {offsets = [9], sizes = [1], strides = [1]} : vector<16xi32> to vector<1xi32>
      %squeeze3A_363 = vector.extract %slice3A_362[0] : i32 from vector<1xi32>
      %shift_right_arithmetic3A_364 = arith.constant 3 : i32
      %shift_right_arithmetic3A_365 = arith.shrsi %squeeze3A_361, %shift_right_arithmetic3A_364 : i32
      %dma_start3A_366 = arith.constant 9 : i32
      %dma_start3A_367 = arith.constant 0 : i32
      %dma_start3A_368 = arith.constant 0 : i32
      %dma_start3A_369 = tpu.memref_slice %arg12[%dma_start3A_366, %dma_start3A_367, %dma_start3A_368] : memref<32x8x64xf32, #tpu.memory_space<vmem>> -> memref<1x8x64xf32, #tpu.memory_space<vmem>>
      %dma_start3A_370 = arith.constant 0 : i32
      %dma_start3A_371 = arith.constant 0 : i32
      %dma_start3A_372 = tpu.memref_slice %arg4[%shift_right_arithmetic3A_365, %dma_start3A_370, %dma_start3A_371] : memref<125000x8x64xf32, #tpu.memory_space<hbm>> -> memref<1x8x64xf32, #tpu.memory_space<hbm>>
      %dma_start3A_373 = arith.constant 9 : i32
      %dma_start3A_374 = arith.constant 0 : i32
      %dma_start3A_375 = arith.constant 0 : i32
      %dma_start3A_376 = tpu.memref_slice %arg12[%dma_start3A_373, %dma_start3A_374, %dma_start3A_375] : memref<32x8x64xf32, #tpu.memory_space<vmem>> -> memref<1x8x64xf32, #tpu.memory_space<vmem>>
      %dma_start3A_377 = arith.constant 0 : i32
      %dma_start3A_378 = arith.constant 0 : i32
      %dma_start3A_379 = tpu.memref_slice %arg4[%shift_right_arithmetic3A_365, %dma_start3A_377, %dma_start3A_378] : memref<125000x8x64xf32, #tpu.memory_space<hbm>> -> memref<1x8x64xf32, #tpu.memory_space<hbm>>
      tpu.enqueue_dma source(%dma_start3A_379 : memref<1x8x64xf32, #tpu.memory_space<hbm>>) target(%dma_start3A_376 : memref<1x8x64xf32, #tpu.memory_space<vmem>>) target_semaphore(%arg17 : memref<!tpu.dma_semaphore, #tpu.memory_space<semaphore_mem>>)
      %shift_right_arithmetic3A_380 = arith.constant 3 : i32
      %shift_right_arithmetic3A_381 = arith.shrsi %squeeze3A_363, %shift_right_arithmetic3A_380 : i32
      %dma_start3A_382 = arith.constant 9 : i32
      %dma_start3A_383 = arith.constant 0 : i32
      %dma_start3A_384 = arith.constant 0 : i32
      %dma_start3A_385 = tpu.memref_slice %arg13[%dma_start3A_382, %dma_start3A_383, %dma_start3A_384] : memref<32x8x64xf32, #tpu.memory_space<vmem>> -> memref<1x8x64xf32, #tpu.memory_space<vmem>>
      %dma_start3A_386 = arith.constant 0 : i32
      %dma_start3A_387 = arith.constant 0 : i32
      %dma_start3A_388 = tpu.memref_slice %arg5[%shift_right_arithmetic3A_381, %dma_start3A_386, %dma_start3A_387] : memref<125000x8x64xf32, #tpu.memory_space<hbm>> -> memref<1x8x64xf32, #tpu.memory_space<hbm>>
      %dma_start3A_389 = arith.constant 9 : i32
      %dma_start3A_390 = arith.constant 0 : i32
      %dma_start3A_391 = arith.constant 0 : i32
      %dma_start3A_392 = tpu.memref_slice %arg13[%dma_start3A_389, %dma_start3A_390, %dma_start3A_391] : memref<32x8x64xf32, #tpu.memory_space<vmem>> -> memref<1x8x64xf32, #tpu.memory_space<vmem>>
      %dma_start3A_393 = arith.constant 0 : i32
      %dma_start3A_394 = arith.constant 0 : i32
      %dma_start3A_395 = tpu.memref_slice %arg5[%shift_right_arithmetic3A_381, %dma_start3A_393, %dma_start3A_394] : memref<125000x8x64xf32, #tpu.memory_space<hbm>> -> memref<1x8x64xf32, #tpu.memory_space<hbm>>
      tpu.enqueue_dma source(%dma_start3A_395 : memref<1x8x64xf32, #tpu.memory_space<hbm>>) target(%dma_start3A_392 : memref<1x8x64xf32, #tpu.memory_space<vmem>>) target_semaphore(%arg18 : memref<!tpu.dma_semaphore, #tpu.memory_space<semaphore_mem>>)
      %slice3A_396 = vector.extract_strided_slice %get3A_31 {offsets = [10], sizes = [1], strides = [1]} : vector<16xi32> to vector<1xi32>
      %squeeze3A_397 = vector.extract %slice3A_396[0] : i32 from vector<1xi32>
      %slice3A_398 = vector.extract_strided_slice %get3A_39 {offsets = [10], sizes = [1], strides = [1]} : vector<16xi32> to vector<1xi32>
      %squeeze3A_399 = vector.extract %slice3A_398[0] : i32 from vector<1xi32>
      %shift_right_arithmetic3A_400 = arith.constant 3 : i32
      %shift_right_arithmetic3A_401 = arith.shrsi %squeeze3A_397, %shift_right_arithmetic3A_400 : i32
      %dma_start3A_402 = arith.constant 10 : i32
      %dma_start3A_403 = arith.constant 0 : i32
      %dma_start3A_404 = arith.constant 0 : i32
      %dma_start3A_405 = tpu.memref_slice %arg12[%dma_start3A_402, %dma_start3A_403, %dma_start3A_404] : memref<32x8x64xf32, #tpu.memory_space<vmem>> -> memref<1x8x64xf32, #tpu.memory_space<vmem>>
      %dma_start3A_406 = arith.constant 0 : i32
      %dma_start3A_407 = arith.constant 0 : i32
      %dma_start3A_408 = tpu.memref_slice %arg4[%shift_right_arithmetic3A_401, %dma_start3A_406, %dma_start3A_407] : memref<125000x8x64xf32, #tpu.memory_space<hbm>> -> memref<1x8x64xf32, #tpu.memory_space<hbm>>
      %dma_start3A_409 = arith.constant 10 : i32
      %dma_start3A_410 = arith.constant 0 : i32
      %dma_start3A_411 = arith.constant 0 : i32
      %dma_start3A_412 = tpu.memref_slice %arg12[%dma_start3A_409, %dma_start3A_410, %dma_start3A_411] : memref<32x8x64xf32, #tpu.memory_space<vmem>> -> memref<1x8x64xf32, #tpu.memory_space<vmem>>
      %dma_start3A_413 = arith.constant 0 : i32
      %dma_start3A_414 = arith.constant 0 : i32
      %dma_start3A_415 = tpu.memref_slice %arg4[%shift_right_arithmetic3A_401, %dma_start3A_413, %dma_start3A_414] : memref<125000x8x64xf32, #tpu.memory_space<hbm>> -> memref<1x8x64xf32, #tpu.memory_space<hbm>>
      tpu.enqueue_dma source(%dma_start3A_415 : memref<1x8x64xf32, #tpu.memory_space<hbm>>) target(%dma_start3A_412 : memref<1x8x64xf32, #tpu.memory_space<vmem>>) target_semaphore(%arg17 : memref<!tpu.dma_semaphore, #tpu.memory_space<semaphore_mem>>)
      %shift_right_arithmetic3A_416 = arith.constant 3 : i32
      %shift_right_arithmetic3A_417 = arith.shrsi %squeeze3A_399, %shift_right_arithmetic3A_416 : i32
      %dma_start3A_418 = arith.constant 10 : i32
      %dma_start3A_419 = arith.constant 0 : i32
      %dma_start3A_420 = arith.constant 0 : i32
      %dma_start3A_421 = tpu.memref_slice %arg13[%dma_start3A_418, %dma_start3A_419, %dma_start3A_420] : memref<32x8x64xf32, #tpu.memory_space<vmem>> -> memref<1x8x64xf32, #tpu.memory_space<vmem>>
      %dma_start3A_422 = arith.constant 0 : i32
      %dma_start3A_423 = arith.constant 0 : i32
      %dma_start3A_424 = tpu.memref_slice %arg5[%shift_right_arithmetic3A_417, %dma_start3A_422, %dma_start3A_423] : memref<125000x8x64xf32, #tpu.memory_space<hbm>> -> memref<1x8x64xf32, #tpu.memory_space<hbm>>
      %dma_start3A_425 = arith.constant 10 : i32
      %dma_start3A_426 = arith.constant 0 : i32
      %dma_start3A_427 = arith.constant 0 : i32
      %dma_start3A_428 = tpu.memref_slice %arg13[%dma_start3A_425, %dma_start3A_426, %dma_start3A_427] : memref<32x8x64xf32, #tpu.memory_space<vmem>> -> memref<1x8x64xf32, #tpu.memory_space<vmem>>
      %dma_start3A_429 = arith.constant 0 : i32
      %dma_start3A_430 = arith.constant 0 : i32
      %dma_start3A_431 = tpu.memref_slice %arg5[%shift_right_arithmetic3A_417, %dma_start3A_429, %dma_start3A_430] : memref<125000x8x64xf32, #tpu.memory_space<hbm>> -> memref<1x8x64xf32, #tpu.memory_space<hbm>>
      tpu.enqueue_dma source(%dma_start3A_431 : memref<1x8x64xf32, #tpu.memory_space<hbm>>) target(%dma_start3A_428 : memref<1x8x64xf32, #tpu.memory_space<vmem>>) target_semaphore(%arg18 : memref<!tpu.dma_semaphore, #tpu.memory_space<semaphore_mem>>)
      %slice3A_432 = vector.extract_strided_slice %get3A_31 {offsets = [11], sizes = [1], strides = [1]} : vector<16xi32> to vector<1xi32>
      %squeeze3A_433 = vector.extract %slice3A_432[0] : i32 from vector<1xi32>
      %slice3A_434 = vector.extract_strided_slice %get3A_39 {offsets = [11], sizes = [1], strides = [1]} : vector<16xi32> to vector<1xi32>
      %squeeze3A_435 = vector.extract %slice3A_434[0] : i32 from vector<1xi32>
      %shift_right_arithmetic3A_436 = arith.constant 3 : i32
      %shift_right_arithmetic3A_437 = arith.shrsi %squeeze3A_433, %shift_right_arithmetic3A_436 : i32
      %dma_start3A_438 = arith.constant 11 : i32
      %dma_start3A_439 = arith.constant 0 : i32
      %dma_start3A_440 = arith.constant 0 : i32
      %dma_start3A_441 = tpu.memref_slice %arg12[%dma_start3A_438, %dma_start3A_439, %dma_start3A_440] : memref<32x8x64xf32, #tpu.memory_space<vmem>> -> memref<1x8x64xf32, #tpu.memory_space<vmem>>
      %dma_start3A_442 = arith.constant 0 : i32
      %dma_start3A_443 = arith.constant 0 : i32
      %dma_start3A_444 = tpu.memref_slice %arg4[%shift_right_arithmetic3A_437, %dma_start3A_442, %dma_start3A_443] : memref<125000x8x64xf32, #tpu.memory_space<hbm>> -> memref<1x8x64xf32, #tpu.memory_space<hbm>>
      %dma_start3A_445 = arith.constant 11 : i32
      %dma_start3A_446 = arith.constant 0 : i32
      %dma_start3A_447 = arith.constant 0 : i32
      %dma_start3A_448 = tpu.memref_slice %arg12[%dma_start3A_445, %dma_start3A_446, %dma_start3A_447] : memref<32x8x64xf32, #tpu.memory_space<vmem>> -> memref<1x8x64xf32, #tpu.memory_space<vmem>>
      %dma_start3A_449 = arith.constant 0 : i32
      %dma_start3A_450 = arith.constant 0 : i32
      %dma_start3A_451 = tpu.memref_slice %arg4[%shift_right_arithmetic3A_437, %dma_start3A_449, %dma_start3A_450] : memref<125000x8x64xf32, #tpu.memory_space<hbm>> -> memref<1x8x64xf32, #tpu.memory_space<hbm>>
      tpu.enqueue_dma source(%dma_start3A_451 : memref<1x8x64xf32, #tpu.memory_space<hbm>>) target(%dma_start3A_448 : memref<1x8x64xf32, #tpu.memory_space<vmem>>) target_semaphore(%arg17 : memref<!tpu.dma_semaphore, #tpu.memory_space<semaphore_mem>>)
      %shift_right_arithmetic3A_452 = arith.constant 3 : i32
      %shift_right_arithmetic3A_453 = arith.shrsi %squeeze3A_435, %shift_right_arithmetic3A_452 : i32
      %dma_start3A_454 = arith.constant 11 : i32
      %dma_start3A_455 = arith.constant 0 : i32
      %dma_start3A_456 = arith.constant 0 : i32
      %dma_start3A_457 = tpu.memref_slice %arg13[%dma_start3A_454, %dma_start3A_455, %dma_start3A_456] : memref<32x8x64xf32, #tpu.memory_space<vmem>> -> memref<1x8x64xf32, #tpu.memory_space<vmem>>
      %dma_start3A_458 = arith.constant 0 : i32
      %dma_start3A_459 = arith.constant 0 : i32
      %dma_start3A_460 = tpu.memref_slice %arg5[%shift_right_arithmetic3A_453, %dma_start3A_458, %dma_start3A_459] : memref<125000x8x64xf32, #tpu.memory_space<hbm>> -> memref<1x8x64xf32, #tpu.memory_space<hbm>>
      %dma_start3A_461 = arith.constant 11 : i32
      %dma_start3A_462 = arith.constant 0 : i32
      %dma_start3A_463 = arith.constant 0 : i32
      %dma_start3A_464 = tpu.memref_slice %arg13[%dma_start3A_461, %dma_start3A_462, %dma_start3A_463] : memref<32x8x64xf32, #tpu.memory_space<vmem>> -> memref<1x8x64xf32, #tpu.memory_space<vmem>>
      %dma_start3A_465 = arith.constant 0 : i32
      %dma_start3A_466 = arith.constant 0 : i32
      %dma_start3A_467 = tpu.memref_slice %arg5[%shift_right_arithmetic3A_453, %dma_start3A_465, %dma_start3A_466] : memref<125000x8x64xf32, #tpu.memory_space<hbm>> -> memref<1x8x64xf32, #tpu.memory_space<hbm>>
      tpu.enqueue_dma source(%dma_start3A_467 : memref<1x8x64xf32, #tpu.memory_space<hbm>>) target(%dma_start3A_464 : memref<1x8x64xf32, #tpu.memory_space<vmem>>) target_semaphore(%arg18 : memref<!tpu.dma_semaphore, #tpu.memory_space<semaphore_mem>>)
      %slice3A_468 = vector.extract_strided_slice %get3A_31 {offsets = [12], sizes = [1], strides = [1]} : vector<16xi32> to vector<1xi32>
      %squeeze3A_469 = vector.extract %slice3A_468[0] : i32 from vector<1xi32>
      %slice3A_470 = vector.extract_strided_slice %get3A_39 {offsets = [12], sizes = [1], strides = [1]} : vector<16xi32> to vector<1xi32>
      %squeeze3A_471 = vector.extract %slice3A_470[0] : i32 from vector<1xi32>
      %shift_right_arithmetic3A_472 = arith.constant 3 : i32
      %shift_right_arithmetic3A_473 = arith.shrsi %squeeze3A_469, %shift_right_arithmetic3A_472 : i32
      %dma_start3A_474 = arith.constant 12 : i32
      %dma_start3A_475 = arith.constant 0 : i32
      %dma_start3A_476 = arith.constant 0 : i32
      %dma_start3A_477 = tpu.memref_slice %arg12[%dma_start3A_474, %dma_start3A_475, %dma_start3A_476] : memref<32x8x64xf32, #tpu.memory_space<vmem>> -> memref<1x8x64xf32, #tpu.memory_space<vmem>>
      %dma_start3A_478 = arith.constant 0 : i32
      %dma_start3A_479 = arith.constant 0 : i32
      %dma_start3A_480 = tpu.memref_slice %arg4[%shift_right_arithmetic3A_473, %dma_start3A_478, %dma_start3A_479] : memref<125000x8x64xf32, #tpu.memory_space<hbm>> -> memref<1x8x64xf32, #tpu.memory_space<hbm>>
      %dma_start3A_481 = arith.constant 12 : i32
      %dma_start3A_482 = arith.constant 0 : i32
      %dma_start3A_483 = arith.constant 0 : i32
      %dma_start3A_484 = tpu.memref_slice %arg12[%dma_start3A_481, %dma_start3A_482, %dma_start3A_483] : memref<32x8x64xf32, #tpu.memory_space<vmem>> -> memref<1x8x64xf32, #tpu.memory_space<vmem>>
      %dma_start3A_485 = arith.constant 0 : i32
      %dma_start3A_486 = arith.constant 0 : i32
      %dma_start3A_487 = tpu.memref_slice %arg4[%shift_right_arithmetic3A_473, %dma_start3A_485, %dma_start3A_486] : memref<125000x8x64xf32, #tpu.memory_space<hbm>> -> memref<1x8x64xf32, #tpu.memory_space<hbm>>
      tpu.enqueue_dma source(%dma_start3A_487 : memref<1x8x64xf32, #tpu.memory_space<hbm>>) target(%dma_start3A_484 : memref<1x8x64xf32, #tpu.memory_space<vmem>>) target_semaphore(%arg17 : memref<!tpu.dma_semaphore, #tpu.memory_space<semaphore_mem>>)
      %shift_right_arithmetic3A_488 = arith.constant 3 : i32
      %shift_right_arithmetic3A_489 = arith.shrsi %squeeze3A_471, %shift_right_arithmetic3A_488 : i32
      %dma_start3A_490 = arith.constant 12 : i32
      %dma_start3A_491 = arith.constant 0 : i32
      %dma_start3A_492 = arith.constant 0 : i32
      %dma_start3A_493 = tpu.memref_slice %arg13[%dma_start3A_490, %dma_start3A_491, %dma_start3A_492] : memref<32x8x64xf32, #tpu.memory_space<vmem>> -> memref<1x8x64xf32, #tpu.memory_space<vmem>>
      %dma_start3A_494 = arith.constant 0 : i32
      %dma_start3A_495 = arith.constant 0 : i32
      %dma_start3A_496 = tpu.memref_slice %arg5[%shift_right_arithmetic3A_489, %dma_start3A_494, %dma_start3A_495] : memref<125000x8x64xf32, #tpu.memory_space<hbm>> -> memref<1x8x64xf32, #tpu.memory_space<hbm>>
      %dma_start3A_497 = arith.constant 12 : i32
      %dma_start3A_498 = arith.constant 0 : i32
      %dma_start3A_499 = arith.constant 0 : i32
      %dma_start3A_500 = tpu.memref_slice %arg13[%dma_start3A_497, %dma_start3A_498, %dma_start3A_499] : memref<32x8x64xf32, #tpu.memory_space<vmem>> -> memref<1x8x64xf32, #tpu.memory_space<vmem>>
      %dma_start3A_501 = arith.constant 0 : i32
      %dma_start3A_502 = arith.constant 0 : i32
      %dma_start3A_503 = tpu.memref_slice %arg5[%shift_right_arithmetic3A_489, %dma_start3A_501, %dma_start3A_502] : memref<125000x8x64xf32, #tpu.memory_space<hbm>> -> memref<1x8x64xf32, #tpu.memory_space<hbm>>
      tpu.enqueue_dma source(%dma_start3A_503 : memref<1x8x64xf32, #tpu.memory_space<hbm>>) target(%dma_start3A_500 : memref<1x8x64xf32, #tpu.memory_space<vmem>>) target_semaphore(%arg18 : memref<!tpu.dma_semaphore, #tpu.memory_space<semaphore_mem>>)
      %slice3A_504 = vector.extract_strided_slice %get3A_31 {offsets = [13], sizes = [1], strides = [1]} : vector<16xi32> to vector<1xi32>
      %squeeze3A_505 = vector.extract %slice3A_504[0] : i32 from vector<1xi32>
      %slice3A_506 = vector.extract_strided_slice %get3A_39 {offsets = [13], sizes = [1], strides = [1]} : vector<16xi32> to vector<1xi32>
      %squeeze3A_507 = vector.extract %slice3A_506[0] : i32 from vector<1xi32>
      %shift_right_arithmetic3A_508 = arith.constant 3 : i32
      %shift_right_arithmetic3A_509 = arith.shrsi %squeeze3A_505, %shift_right_arithmetic3A_508 : i32
      %dma_start3A_510 = arith.constant 13 : i32
      %dma_start3A_511 = arith.constant 0 : i32
      %dma_start3A_512 = arith.constant 0 : i32
      %dma_start3A_513 = tpu.memref_slice %arg12[%dma_start3A_510, %dma_start3A_511, %dma_start3A_512] : memref<32x8x64xf32, #tpu.memory_space<vmem>> -> memref<1x8x64xf32, #tpu.memory_space<vmem>>
      %dma_start3A_514 = arith.constant 0 : i32
      %dma_start3A_515 = arith.constant 0 : i32
      %dma_start3A_516 = tpu.memref_slice %arg4[%shift_right_arithmetic3A_509, %dma_start3A_514, %dma_start3A_515] : memref<125000x8x64xf32, #tpu.memory_space<hbm>> -> memref<1x8x64xf32, #tpu.memory_space<hbm>>
      %dma_start3A_517 = arith.constant 13 : i32
      %dma_start3A_518 = arith.constant 0 : i32
      %dma_start3A_519 = arith.constant 0 : i32
      %dma_start3A_520 = tpu.memref_slice %arg12[%dma_start3A_517, %dma_start3A_518, %dma_start3A_519] : memref<32x8x64xf32, #tpu.memory_space<vmem>> -> memref<1x8x64xf32, #tpu.memory_space<vmem>>
      %dma_start3A_521 = arith.constant 0 : i32
      %dma_start3A_522 = arith.constant 0 : i32
      %dma_start3A_523 = tpu.memref_slice %arg4[%shift_right_arithmetic3A_509, %dma_start3A_521, %dma_start3A_522] : memref<125000x8x64xf32, #tpu.memory_space<hbm>> -> memref<1x8x64xf32, #tpu.memory_space<hbm>>
      tpu.enqueue_dma source(%dma_start3A_523 : memref<1x8x64xf32, #tpu.memory_space<hbm>>) target(%dma_start3A_520 : memref<1x8x64xf32, #tpu.memory_space<vmem>>) target_semaphore(%arg17 : memref<!tpu.dma_semaphore, #tpu.memory_space<semaphore_mem>>)
      %shift_right_arithmetic3A_524 = arith.constant 3 : i32
      %shift_right_arithmetic3A_525 = arith.shrsi %squeeze3A_507, %shift_right_arithmetic3A_524 : i32
      %dma_start3A_526 = arith.constant 13 : i32
      %dma_start3A_527 = arith.constant 0 : i32
      %dma_start3A_528 = arith.constant 0 : i32
      %dma_start3A_529 = tpu.memref_slice %arg13[%dma_start3A_526, %dma_start3A_527, %dma_start3A_528] : memref<32x8x64xf32, #tpu.memory_space<vmem>> -> memref<1x8x64xf32, #tpu.memory_space<vmem>>
      %dma_start3A_530 = arith.constant 0 : i32
      %dma_start3A_531 = arith.constant 0 : i32
      %dma_start3A_532 = tpu.memref_slice %arg5[%shift_right_arithmetic3A_525, %dma_start3A_530, %dma_start3A_531] : memref<125000x8x64xf32, #tpu.memory_space<hbm>> -> memref<1x8x64xf32, #tpu.memory_space<hbm>>
      %dma_start3A_533 = arith.constant 13 : i32
      %dma_start3A_534 = arith.constant 0 : i32
      %dma_start3A_535 = arith.constant 0 : i32
      %dma_start3A_536 = tpu.memref_slice %arg13[%dma_start3A_533, %dma_start3A_534, %dma_start3A_535] : memref<32x8x64xf32, #tpu.memory_space<vmem>> -> memref<1x8x64xf32, #tpu.memory_space<vmem>>
      %dma_start3A_537 = arith.constant 0 : i32
      %dma_start3A_538 = arith.constant 0 : i32
      %dma_start3A_539 = tpu.memref_slice %arg5[%shift_right_arithmetic3A_525, %dma_start3A_537, %dma_start3A_538] : memref<125000x8x64xf32, #tpu.memory_space<hbm>> -> memref<1x8x64xf32, #tpu.memory_space<hbm>>
      tpu.enqueue_dma source(%dma_start3A_539 : memref<1x8x64xf32, #tpu.memory_space<hbm>>) target(%dma_start3A_536 : memref<1x8x64xf32, #tpu.memory_space<vmem>>) target_semaphore(%arg18 : memref<!tpu.dma_semaphore, #tpu.memory_space<semaphore_mem>>)
      %slice3A_540 = vector.extract_strided_slice %get3A_31 {offsets = [14], sizes = [1], strides = [1]} : vector<16xi32> to vector<1xi32>
      %squeeze3A_541 = vector.extract %slice3A_540[0] : i32 from vector<1xi32>
      %slice3A_542 = vector.extract_strided_slice %get3A_39 {offsets = [14], sizes = [1], strides = [1]} : vector<16xi32> to vector<1xi32>
      %squeeze3A_543 = vector.extract %slice3A_542[0] : i32 from vector<1xi32>
      %shift_right_arithmetic3A_544 = arith.constant 3 : i32
      %shift_right_arithmetic3A_545 = arith.shrsi %squeeze3A_541, %shift_right_arithmetic3A_544 : i32
      %dma_start3A_546 = arith.constant 14 : i32
      %dma_start3A_547 = arith.constant 0 : i32
      %dma_start3A_548 = arith.constant 0 : i32
      %dma_start3A_549 = tpu.memref_slice %arg12[%dma_start3A_546, %dma_start3A_547, %dma_start3A_548] : memref<32x8x64xf32, #tpu.memory_space<vmem>> -> memref<1x8x64xf32, #tpu.memory_space<vmem>>
      %dma_start3A_550 = arith.constant 0 : i32
      %dma_start3A_551 = arith.constant 0 : i32
      %dma_start3A_552 = tpu.memref_slice %arg4[%shift_right_arithmetic3A_545, %dma_start3A_550, %dma_start3A_551] : memref<125000x8x64xf32, #tpu.memory_space<hbm>> -> memref<1x8x64xf32, #tpu.memory_space<hbm>>
      %dma_start3A_553 = arith.constant 14 : i32
      %dma_start3A_554 = arith.constant 0 : i32
      %dma_start3A_555 = arith.constant 0 : i32
      %dma_start3A_556 = tpu.memref_slice %arg12[%dma_start3A_553, %dma_start3A_554, %dma_start3A_555] : memref<32x8x64xf32, #tpu.memory_space<vmem>> -> memref<1x8x64xf32, #tpu.memory_space<vmem>>
      %dma_start3A_557 = arith.constant 0 : i32
      %dma_start3A_558 = arith.constant 0 : i32
      %dma_start3A_559 = tpu.memref_slice %arg4[%shift_right_arithmetic3A_545, %dma_start3A_557, %dma_start3A_558] : memref<125000x8x64xf32, #tpu.memory_space<hbm>> -> memref<1x8x64xf32, #tpu.memory_space<hbm>>
      tpu.enqueue_dma source(%dma_start3A_559 : memref<1x8x64xf32, #tpu.memory_space<hbm>>) target(%dma_start3A_556 : memref<1x8x64xf32, #tpu.memory_space<vmem>>) target_semaphore(%arg17 : memref<!tpu.dma_semaphore, #tpu.memory_space<semaphore_mem>>)
      %shift_right_arithmetic3A_560 = arith.constant 3 : i32
      %shift_right_arithmetic3A_561 = arith.shrsi %squeeze3A_543, %shift_right_arithmetic3A_560 : i32
      %dma_start3A_562 = arith.constant 14 : i32
      %dma_start3A_563 = arith.constant 0 : i32
      %dma_start3A_564 = arith.constant 0 : i32
      %dma_start3A_565 = tpu.memref_slice %arg13[%dma_start3A_562, %dma_start3A_563, %dma_start3A_564] : memref<32x8x64xf32, #tpu.memory_space<vmem>> -> memref<1x8x64xf32, #tpu.memory_space<vmem>>
      %dma_start3A_566 = arith.constant 0 : i32
      %dma_start3A_567 = arith.constant 0 : i32
      %dma_start3A_568 = tpu.memref_slice %arg5[%shift_right_arithmetic3A_561, %dma_start3A_566, %dma_start3A_567] : memref<125000x8x64xf32, #tpu.memory_space<hbm>> -> memref<1x8x64xf32, #tpu.memory_space<hbm>>
      %dma_start3A_569 = arith.constant 14 : i32
      %dma_start3A_570 = arith.constant 0 : i32
      %dma_start3A_571 = arith.constant 0 : i32
      %dma_start3A_572 = tpu.memref_slice %arg13[%dma_start3A_569, %dma_start3A_570, %dma_start3A_571] : memref<32x8x64xf32, #tpu.memory_space<vmem>> -> memref<1x8x64xf32, #tpu.memory_space<vmem>>
      %dma_start3A_573 = arith.constant 0 : i32
      %dma_start3A_574 = arith.constant 0 : i32
      %dma_start3A_575 = tpu.memref_slice %arg5[%shift_right_arithmetic3A_561, %dma_start3A_573, %dma_start3A_574] : memref<125000x8x64xf32, #tpu.memory_space<hbm>> -> memref<1x8x64xf32, #tpu.memory_space<hbm>>
      tpu.enqueue_dma source(%dma_start3A_575 : memref<1x8x64xf32, #tpu.memory_space<hbm>>) target(%dma_start3A_572 : memref<1x8x64xf32, #tpu.memory_space<vmem>>) target_semaphore(%arg18 : memref<!tpu.dma_semaphore, #tpu.memory_space<semaphore_mem>>)
      %slice3A_576 = vector.extract_strided_slice %get3A_31 {offsets = [15], sizes = [1], strides = [1]} : vector<16xi32> to vector<1xi32>
      %squeeze3A_577 = vector.extract %slice3A_576[0] : i32 from vector<1xi32>
      %slice3A_578 = vector.extract_strided_slice %get3A_39 {offsets = [15], sizes = [1], strides = [1]} : vector<16xi32> to vector<1xi32>
      %squeeze3A_579 = vector.extract %slice3A_578[0] : i32 from vector<1xi32>
      %shift_right_arithmetic3A_580 = arith.constant 3 : i32
      %shift_right_arithmetic3A_581 = arith.shrsi %squeeze3A_577, %shift_right_arithmetic3A_580 : i32
      %dma_start3A_582 = arith.constant 15 : i32
      %dma_start3A_583 = arith.constant 0 : i32
      %dma_start3A_584 = arith.constant 0 : i32
      %dma_start3A_585 = tpu.memref_slice %arg12[%dma_start3A_582, %dma_start3A_583, %dma_start3A_584] : memref<32x8x64xf32, #tpu.memory_space<vmem>> -> memref<1x8x64xf32, #tpu.memory_space<vmem>>
      %dma_start3A_586 = arith.constant 0 : i32
      %dma_start3A_587 = arith.constant 0 : i32
      %dma_start3A_588 = tpu.memref_slice %arg4[%shift_right_arithmetic3A_581, %dma_start3A_586, %dma_start3A_587] : memref<125000x8x64xf32, #tpu.memory_space<hbm>> -> memref<1x8x64xf32, #tpu.memory_space<hbm>>
      %dma_start3A_589 = arith.constant 15 : i32
      %dma_start3A_590 = arith.constant 0 : i32
      %dma_start3A_591 = arith.constant 0 : i32
      %dma_start3A_592 = tpu.memref_slice %arg12[%dma_start3A_589, %dma_start3A_590, %dma_start3A_591] : memref<32x8x64xf32, #tpu.memory_space<vmem>> -> memref<1x8x64xf32, #tpu.memory_space<vmem>>
      %dma_start3A_593 = arith.constant 0 : i32
      %dma_start3A_594 = arith.constant 0 : i32
      %dma_start3A_595 = tpu.memref_slice %arg4[%shift_right_arithmetic3A_581, %dma_start3A_593, %dma_start3A_594] : memref<125000x8x64xf32, #tpu.memory_space<hbm>> -> memref<1x8x64xf32, #tpu.memory_space<hbm>>
      tpu.enqueue_dma source(%dma_start3A_595 : memref<1x8x64xf32, #tpu.memory_space<hbm>>) target(%dma_start3A_592 : memref<1x8x64xf32, #tpu.memory_space<vmem>>) target_semaphore(%arg17 : memref<!tpu.dma_semaphore, #tpu.memory_space<semaphore_mem>>)
      %shift_right_arithmetic3A_596 = arith.constant 3 : i32
      %shift_right_arithmetic3A_597 = arith.shrsi %squeeze3A_579, %shift_right_arithmetic3A_596 : i32
      %dma_start3A_598 = arith.constant 15 : i32
      %dma_start3A_599 = arith.constant 0 : i32
      %dma_start3A_600 = arith.constant 0 : i32
      %dma_start3A_601 = tpu.memref_slice %arg13[%dma_start3A_598, %dma_start3A_599, %dma_start3A_600] : memref<32x8x64xf32, #tpu.memory_space<vmem>> -> memref<1x8x64xf32, #tpu.memory_space<vmem>>
      %dma_start3A_602 = arith.constant 0 : i32
      %dma_start3A_603 = arith.constant 0 : i32
      %dma_start3A_604 = tpu.memref_slice %arg5[%shift_right_arithmetic3A_597, %dma_start3A_602, %dma_start3A_603] : memref<125000x8x64xf32, #tpu.memory_space<hbm>> -> memref<1x8x64xf32, #tpu.memory_space<hbm>>
      %dma_start3A_605 = arith.constant 15 : i32
      %dma_start3A_606 = arith.constant 0 : i32
      %dma_start3A_607 = arith.constant 0 : i32
      %dma_start3A_608 = tpu.memref_slice %arg13[%dma_start3A_605, %dma_start3A_606, %dma_start3A_607] : memref<32x8x64xf32, #tpu.memory_space<vmem>> -> memref<1x8x64xf32, #tpu.memory_space<vmem>>
      %dma_start3A_609 = arith.constant 0 : i32
      %dma_start3A_610 = arith.constant 0 : i32
      %dma_start3A_611 = tpu.memref_slice %arg5[%shift_right_arithmetic3A_597, %dma_start3A_609, %dma_start3A_610] : memref<125000x8x64xf32, #tpu.memory_space<hbm>> -> memref<1x8x64xf32, #tpu.memory_space<hbm>>
      tpu.enqueue_dma source(%dma_start3A_611 : memref<1x8x64xf32, #tpu.memory_space<hbm>>) target(%dma_start3A_608 : memref<1x8x64xf32, #tpu.memory_space<vmem>>) target_semaphore(%arg18 : memref<!tpu.dma_semaphore, #tpu.memory_space<semaphore_mem>>)
      %mul3A_612 = arith.constant 32 : i32
      %mul3A_613 = arith.muli %scan3A_24, %mul3A_612 : i32
      %add3A_614 = arith.constant 16 : i32
      %add3A_615 = arith.addi %mul3A_613, %add3A_614 : i32
      %get3A_616 = arith.constant 0 : i32
      %get3A_617 = arith.index_cast %get3A_616 : i32 to index
      %get3A_618 = arith.index_cast %add3A_615 : i32 to index
      %get3A_619 = tpu.vector_load %arg10[%get3A_617, %get3A_618] {strides = array<i32>} : memref<1x512xi32, #tpu.memory_space<vmem>>, vector<16xi32>,
      %mul3A_620 = arith.constant 32 : i32
      %mul3A_621 = arith.muli %scan3A_24, %mul3A_620 : i32
      %add3A_622 = arith.constant 16 : i32
      %add3A_623 = arith.addi %mul3A_621, %add3A_622 : i32
      %get3A_624 = arith.constant 0 : i32
      %get3A_625 = arith.index_cast %get3A_624 : i32 to index
      %get3A_626 = arith.index_cast %add3A_623 : i32 to index
      %get3A_627 = tpu.vector_load %arg11[%get3A_625, %get3A_626] {strides = array<i32>} : memref<1x512xi32, #tpu.memory_space<vmem>>, vector<16xi32>,
      %slice3A_628 = vector.extract_strided_slice %get3A_619 {offsets = [0], sizes = [1], strides = [1]} : vector<16xi32> to vector<1xi32>
      %squeeze3A_629 = vector.extract %slice3A_628[0] : i32 from vector<1xi32>
      %slice3A_630 = vector.extract_strided_slice %get3A_627 {offsets = [0], sizes = [1], strides = [1]} : vector<16xi32> to vector<1xi32>
      %squeeze3A_631 = vector.extract %slice3A_630[0] : i32 from vector<1xi32>
      %shift_right_arithmetic3A_632 = arith.constant 3 : i32
      %shift_right_arithmetic3A_633 = arith.shrsi %squeeze3A_629, %shift_right_arithmetic3A_632 : i32
      %dma_start3A_634 = arith.constant 16 : i32
      %dma_start3A_635 = arith.constant 0 : i32
      %dma_start3A_636 = arith.constant 0 : i32
      %dma_start3A_637 = tpu.memref_slice %arg12[%dma_start3A_634, %dma_start3A_635, %dma_start3A_636] : memref<32x8x64xf32, #tpu.memory_space<vmem>> -> memref<1x8x64xf32, #tpu.memory_space<vmem>>
      %dma_start3A_638 = arith.constant 0 : i32
      %dma_start3A_639 = arith.constant 0 : i32
      %dma_start3A_640 = tpu.memref_slice %arg4[%shift_right_arithmetic3A_633, %dma_start3A_638, %dma_start3A_639] : memref<125000x8x64xf32, #tpu.memory_space<hbm>> -> memref<1x8x64xf32, #tpu.memory_space<hbm>>
      %dma_start3A_641 = arith.constant 16 : i32
      %dma_start3A_642 = arith.constant 0 : i32
      %dma_start3A_643 = arith.constant 0 : i32
      %dma_start3A_644 = tpu.memref_slice %arg12[%dma_start3A_641, %dma_start3A_642, %dma_start3A_643] : memref<32x8x64xf32, #tpu.memory_space<vmem>> -> memref<1x8x64xf32, #tpu.memory_space<vmem>>
      %dma_start3A_645 = arith.constant 0 : i32
      %dma_start3A_646 = arith.constant 0 : i32
      %dma_start3A_647 = tpu.memref_slice %arg4[%shift_right_arithmetic3A_633, %dma_start3A_645, %dma_start3A_646] : memref<125000x8x64xf32, #tpu.memory_space<hbm>> -> memref<1x8x64xf32, #tpu.memory_space<hbm>>
      tpu.enqueue_dma source(%dma_start3A_647 : memref<1x8x64xf32, #tpu.memory_space<hbm>>) target(%dma_start3A_644 : memref<1x8x64xf32, #tpu.memory_space<vmem>>) target_semaphore(%arg17 : memref<!tpu.dma_semaphore, #tpu.memory_space<semaphore_mem>>)
      %shift_right_arithmetic3A_648 = arith.constant 3 : i32
      %shift_right_arithmetic3A_649 = arith.shrsi %squeeze3A_631, %shift_right_arithmetic3A_648 : i32
      %dma_start3A_650 = arith.constant 16 : i32
      %dma_start3A_651 = arith.constant 0 : i32
      %dma_start3A_652 = arith.constant 0 : i32
      %dma_start3A_653 = tpu.memref_slice %arg13[%dma_start3A_650, %dma_start3A_651, %dma_start3A_652] : memref<32x8x64xf32, #tpu.memory_space<vmem>> -> memref<1x8x64xf32, #tpu.memory_space<vmem>>
      %dma_start3A_654 = arith.constant 0 : i32
      %dma_start3A_655 = arith.constant 0 : i32
      %dma_start3A_656 = tpu.memref_slice %arg5[%shift_right_arithmetic3A_649, %dma_start3A_654, %dma_start3A_655] : memref<125000x8x64xf32, #tpu.memory_space<hbm>> -> memref<1x8x64xf32, #tpu.memory_space<hbm>>
      %dma_start3A_657 = arith.constant 16 : i32
      %dma_start3A_658 = arith.constant 0 : i32
      %dma_start3A_659 = arith.constant 0 : i32
      %dma_start3A_660 = tpu.memref_slice %arg13[%dma_start3A_657, %dma_start3A_658, %dma_start3A_659] : memref<32x8x64xf32, #tpu.memory_space<vmem>> -> memref<1x8x64xf32, #tpu.memory_space<vmem>>
      %dma_start3A_661 = arith.constant 0 : i32
      %dma_start3A_662 = arith.constant 0 : i32
      %dma_start3A_663 = tpu.memref_slice %arg5[%shift_right_arithmetic3A_649, %dma_start3A_661, %dma_start3A_662] : memref<125000x8x64xf32, #tpu.memory_space<hbm>> -> memref<1x8x64xf32, #tpu.memory_space<hbm>>
      tpu.enqueue_dma source(%dma_start3A_663 : memref<1x8x64xf32, #tpu.memory_space<hbm>>) target(%dma_start3A_660 : memref<1x8x64xf32, #tpu.memory_space<vmem>>) target_semaphore(%arg18 : memref<!tpu.dma_semaphore, #tpu.memory_space<semaphore_mem>>)
      %slice3A_664 = vector.extract_strided_slice %get3A_619 {offsets = [1], sizes = [1], strides = [1]} : vector<16xi32> to vector<1xi32>
      %squeeze3A_665 = vector.extract %slice3A_664[0] : i32 from vector<1xi32>
      %slice3A_666 = vector.extract_strided_slice %get3A_627 {offsets = [1], sizes = [1], strides = [1]} : vector<16xi32> to vector<1xi32>
      %squeeze3A_667 = vector.extract %slice3A_666[0] : i32 from vector<1xi32>
      %shift_right_arithmetic3A_668 = arith.constant 3 : i32
      %shift_right_arithmetic3A_669 = arith.shrsi %squeeze3A_665, %shift_right_arithmetic3A_668 : i32
      %dma_start3A_670 = arith.constant 17 : i32
      %dma_start3A_671 = arith.constant 0 : i32
      %dma_start3A_672 = arith.constant 0 : i32
      %dma_start3A_673 = tpu.memref_slice %arg12[%dma_start3A_670, %dma_start3A_671, %dma_start3A_672] : memref<32x8x64xf32, #tpu.memory_space<vmem>> -> memref<1x8x64xf32, #tpu.memory_space<vmem>>
      %dma_start3A_674 = arith.constant 0 : i32
      %dma_start3A_675 = arith.constant 0 : i32
      %dma_start3A_676 = tpu.memref_slice %arg4[%shift_right_arithmetic3A_669, %dma_start3A_674, %dma_start3A_675] : memref<125000x8x64xf32, #tpu.memory_space<hbm>> -> memref<1x8x64xf32, #tpu.memory_space<hbm>>
      %dma_start3A_677 = arith.constant 17 : i32
      %dma_start3A_678 = arith.constant 0 : i32
      %dma_start3A_679 = arith.constant 0 : i32
      %dma_start3A_680 = tpu.memref_slice %arg12[%dma_start3A_677, %dma_start3A_678, %dma_start3A_679] : memref<32x8x64xf32, #tpu.memory_space<vmem>> -> memref<1x8x64xf32, #tpu.memory_space<vmem>>
      %dma_start3A_681 = arith.constant 0 : i32
      %dma_start3A_682 = arith.constant 0 : i32
      %dma_start3A_683 = tpu.memref_slice %arg4[%shift_right_arithmetic3A_669, %dma_start3A_681, %dma_start3A_682] : memref<125000x8x64xf32, #tpu.memory_space<hbm>> -> memref<1x8x64xf32, #tpu.memory_space<hbm>>
      tpu.enqueue_dma source(%dma_start3A_683 : memref<1x8x64xf32, #tpu.memory_space<hbm>>) target(%dma_start3A_680 : memref<1x8x64xf32, #tpu.memory_space<vmem>>) target_semaphore(%arg17 : memref<!tpu.dma_semaphore, #tpu.memory_space<semaphore_mem>>)
      %shift_right_arithmetic3A_684 = arith.constant 3 : i32
      %shift_right_arithmetic3A_685 = arith.shrsi %squeeze3A_667, %shift_right_arithmetic3A_684 : i32
      %dma_start3A_686 = arith.constant 17 : i32
      %dma_start3A_687 = arith.constant 0 : i32
      %dma_start3A_688 = arith.constant 0 : i32
      %dma_start3A_689 = tpu.memref_slice %arg13[%dma_start3A_686, %dma_start3A_687, %dma_start3A_688] : memref<32x8x64xf32, #tpu.memory_space<vmem>> -> memref<1x8x64xf32, #tpu.memory_space<vmem>>
      %dma_start3A_690 = arith.constant 0 : i32
      %dma_start3A_691 = arith.constant 0 : i32
      %dma_start3A_692 = tpu.memref_slice %arg5[%shift_right_arithmetic3A_685, %dma_start3A_690, %dma_start3A_691] : memref<125000x8x64xf32, #tpu.memory_space<hbm>> -> memref<1x8x64xf32, #tpu.memory_space<hbm>>
      %dma_start3A_693 = arith.constant 17 : i32
      %dma_start3A_694 = arith.constant 0 : i32
      %dma_start3A_695 = arith.constant 0 : i32
      %dma_start3A_696 = tpu.memref_slice %arg13[%dma_start3A_693, %dma_start3A_694, %dma_start3A_695] : memref<32x8x64xf32, #tpu.memory_space<vmem>> -> memref<1x8x64xf32, #tpu.memory_space<vmem>>
      %dma_start3A_697 = arith.constant 0 : i32
      %dma_start3A_698 = arith.constant 0 : i32
      %dma_start3A_699 = tpu.memref_slice %arg5[%shift_right_arithmetic3A_685, %dma_start3A_697, %dma_start3A_698] : memref<125000x8x64xf32, #tpu.memory_space<hbm>> -> memref<1x8x64xf32, #tpu.memory_space<hbm>>
      tpu.enqueue_dma source(%dma_start3A_699 : memref<1x8x64xf32, #tpu.memory_space<hbm>>) target(%dma_start3A_696 : memref<1x8x64xf32, #tpu.memory_space<vmem>>) target_semaphore(%arg18 : memref<!tpu.dma_semaphore, #tpu.memory_space<semaphore_mem>>)
      %slice3A_700 = vector.extract_strided_slice %get3A_619 {offsets = [2], sizes = [1], strides = [1]} : vector<16xi32> to vector<1xi32>
      %squeeze3A_701 = vector.extract %slice3A_700[0] : i32 from vector<1xi32>
      %slice3A_702 = vector.extract_strided_slice %get3A_627 {offsets = [2], sizes = [1], strides = [1]} : vector<16xi32> to vector<1xi32>
      %squeeze3A_703 = vector.extract %slice3A_702[0] : i32 from vector<1xi32>
      %shift_right_arithmetic3A_704 = arith.constant 3 : i32
      %shift_right_arithmetic3A_705 = arith.shrsi %squeeze3A_701, %shift_right_arithmetic3A_704 : i32
      %dma_start3A_706 = arith.constant 18 : i32
      %dma_start3A_707 = arith.constant 0 : i32
      %dma_start3A_708 = arith.constant 0 : i32
      %dma_start3A_709 = tpu.memref_slice %arg12[%dma_start3A_706, %dma_start3A_707, %dma_start3A_708] : memref<32x8x64xf32, #tpu.memory_space<vmem>> -> memref<1x8x64xf32, #tpu.memory_space<vmem>>
      %dma_start3A_710 = arith.constant 0 : i32
      %dma_start3A_711 = arith.constant 0 : i32
      %dma_start3A_712 = tpu.memref_slice %arg4[%shift_right_arithmetic3A_705, %dma_start3A_710, %dma_start3A_711] : memref<125000x8x64xf32, #tpu.memory_space<hbm>> -> memref<1x8x64xf32, #tpu.memory_space<hbm>>
      %dma_start3A_713 = arith.constant 18 : i32
      %dma_start3A_714 = arith.constant 0 : i32
      %dma_start3A_715 = arith.constant 0 : i32
      %dma_start3A_716 = tpu.memref_slice %arg12[%dma_start3A_713, %dma_start3A_714, %dma_start3A_715] : memref<32x8x64xf32, #tpu.memory_space<vmem>> -> memref<1x8x64xf32, #tpu.memory_space<vmem>>
      %dma_start3A_717 = arith.constant 0 : i32
      %dma_start3A_718 = arith.constant 0 : i32
      %dma_start3A_719 = tpu.memref_slice %arg4[%shift_right_arithmetic3A_705, %dma_start3A_717, %dma_start3A_718] : memref<125000x8x64xf32, #tpu.memory_space<hbm>> -> memref<1x8x64xf32, #tpu.memory_space<hbm>>
      tpu.enqueue_dma source(%dma_start3A_719 : memref<1x8x64xf32, #tpu.memory_space<hbm>>) target(%dma_start3A_716 : memref<1x8x64xf32, #tpu.memory_space<vmem>>) target_semaphore(%arg17 : memref<!tpu.dma_semaphore, #tpu.memory_space<semaphore_mem>>)
      %shift_right_arithmetic3A_720 = arith.constant 3 : i32
      %shift_right_arithmetic3A_721 = arith.shrsi %squeeze3A_703, %shift_right_arithmetic3A_720 : i32
      %dma_start3A_722 = arith.constant 18 : i32
      %dma_start3A_723 = arith.constant 0 : i32
      %dma_start3A_724 = arith.constant 0 : i32
      %dma_start3A_725 = tpu.memref_slice %arg13[%dma_start3A_722, %dma_start3A_723, %dma_start3A_724] : memref<32x8x64xf32, #tpu.memory_space<vmem>> -> memref<1x8x64xf32, #tpu.memory_space<vmem>>
      %dma_start3A_726 = arith.constant 0 : i32
      %dma_start3A_727 = arith.constant 0 : i32
      %dma_start3A_728 = tpu.memref_slice %arg5[%shift_right_arithmetic3A_721, %dma_start3A_726, %dma_start3A_727] : memref<125000x8x64xf32, #tpu.memory_space<hbm>> -> memref<1x8x64xf32, #tpu.memory_space<hbm>>
      %dma_start3A_729 = arith.constant 18 : i32
      %dma_start3A_730 = arith.constant 0 : i32
      %dma_start3A_731 = arith.constant 0 : i32
      %dma_start3A_732 = tpu.memref_slice %arg13[%dma_start3A_729, %dma_start3A_730, %dma_start3A_731] : memref<32x8x64xf32, #tpu.memory_space<vmem>> -> memref<1x8x64xf32, #tpu.memory_space<vmem>>
      %dma_start3A_733 = arith.constant 0 : i32
      %dma_start3A_734 = arith.constant 0 : i32
      %dma_start3A_735 = tpu.memref_slice %arg5[%shift_right_arithmetic3A_721, %dma_start3A_733, %dma_start3A_734] : memref<125000x8x64xf32, #tpu.memory_space<hbm>> -> memref<1x8x64xf32, #tpu.memory_space<hbm>>
      tpu.enqueue_dma source(%dma_start3A_735 : memref<1x8x64xf32, #tpu.memory_space<hbm>>) target(%dma_start3A_732 : memref<1x8x64xf32, #tpu.memory_space<vmem>>) target_semaphore(%arg18 : memref<!tpu.dma_semaphore, #tpu.memory_space<semaphore_mem>>)
      %slice3A_736 = vector.extract_strided_slice %get3A_619 {offsets = [3], sizes = [1], strides = [1]} : vector<16xi32> to vector<1xi32>
      %squeeze3A_737 = vector.extract %slice3A_736[0] : i32 from vector<1xi32>
      %slice3A_738 = vector.extract_strided_slice %get3A_627 {offsets = [3], sizes = [1], strides = [1]} : vector<16xi32> to vector<1xi32>
      %squeeze3A_739 = vector.extract %slice3A_738[0] : i32 from vector<1xi32>
      %shift_right_arithmetic3A_740 = arith.constant 3 : i32
      %shift_right_arithmetic3A_741 = arith.shrsi %squeeze3A_737, %shift_right_arithmetic3A_740 : i32
      %dma_start3A_742 = arith.constant 19 : i32
      %dma_start3A_743 = arith.constant 0 : i32
      %dma_start3A_744 = arith.constant 0 : i32
      %dma_start3A_745 = tpu.memref_slice %arg12[%dma_start3A_742, %dma_start3A_743, %dma_start3A_744] : memref<32x8x64xf32, #tpu.memory_space<vmem>> -> memref<1x8x64xf32, #tpu.memory_space<vmem>>
      %dma_start3A_746 = arith.constant 0 : i32
      %dma_start3A_747 = arith.constant 0 : i32
      %dma_start3A_748 = tpu.memref_slice %arg4[%shift_right_arithmetic3A_741, %dma_start3A_746, %dma_start3A_747] : memref<125000x8x64xf32, #tpu.memory_space<hbm>> -> memref<1x8x64xf32, #tpu.memory_space<hbm>>
      %dma_start3A_749 = arith.constant 19 : i32
      %dma_start3A_750 = arith.constant 0 : i32
      %dma_start3A_751 = arith.constant 0 : i32
      %dma_start3A_752 = tpu.memref_slice %arg12[%dma_start3A_749, %dma_start3A_750, %dma_start3A_751] : memref<32x8x64xf32, #tpu.memory_space<vmem>> -> memref<1x8x64xf32, #tpu.memory_space<vmem>>
      %dma_start3A_753 = arith.constant 0 : i32
      %dma_start3A_754 = arith.constant 0 : i32
      %dma_start3A_755 = tpu.memref_slice %arg4[%shift_right_arithmetic3A_741, %dma_start3A_753, %dma_start3A_754] : memref<125000x8x64xf32, #tpu.memory_space<hbm>> -> memref<1x8x64xf32, #tpu.memory_space<hbm>>
      tpu.enqueue_dma source(%dma_start3A_755 : memref<1x8x64xf32, #tpu.memory_space<hbm>>) target(%dma_start3A_752 : memref<1x8x64xf32, #tpu.memory_space<vmem>>) target_semaphore(%arg17 : memref<!tpu.dma_semaphore, #tpu.memory_space<semaphore_mem>>)
      %shift_right_arithmetic3A_756 = arith.constant 3 : i32
      %shift_right_arithmetic3A_757 = arith.shrsi %squeeze3A_739, %shift_right_arithmetic3A_756 : i32
      %dma_start3A_758 = arith.constant 19 : i32
      %dma_start3A_759 = arith.constant 0 : i32
      %dma_start3A_760 = arith.constant 0 : i32
      %dma_start3A_761 = tpu.memref_slice %arg13[%dma_start3A_758, %dma_start3A_759, %dma_start3A_760] : memref<32x8x64xf32, #tpu.memory_space<vmem>> -> memref<1x8x64xf32, #tpu.memory_space<vmem>>
      %dma_start3A_762 = arith.constant 0 : i32
      %dma_start3A_763 = arith.constant 0 : i32
      %dma_start3A_764 = tpu.memref_slice %arg5[%shift_right_arithmetic3A_757, %dma_start3A_762, %dma_start3A_763] : memref<125000x8x64xf32, #tpu.memory_space<hbm>> -> memref<1x8x64xf32, #tpu.memory_space<hbm>>
      %dma_start3A_765 = arith.constant 19 : i32
      %dma_start3A_766 = arith.constant 0 : i32
      %dma_start3A_767 = arith.constant 0 : i32
      %dma_start3A_768 = tpu.memref_slice %arg13[%dma_start3A_765, %dma_start3A_766, %dma_start3A_767] : memref<32x8x64xf32, #tpu.memory_space<vmem>> -> memref<1x8x64xf32, #tpu.memory_space<vmem>>
      %dma_start3A_769 = arith.constant 0 : i32
      %dma_start3A_770 = arith.constant 0 : i32
      %dma_start3A_771 = tpu.memref_slice %arg5[%shift_right_arithmetic3A_757, %dma_start3A_769, %dma_start3A_770] : memref<125000x8x64xf32, #tpu.memory_space<hbm>> -> memref<1x8x64xf32, #tpu.memory_space<hbm>>
      tpu.enqueue_dma source(%dma_start3A_771 : memref<1x8x64xf32, #tpu.memory_space<hbm>>) target(%dma_start3A_768 : memref<1x8x64xf32, #tpu.memory_space<vmem>>) target_semaphore(%arg18 : memref<!tpu.dma_semaphore, #tpu.memory_space<semaphore_mem>>)
      %slice3A_772 = vector.extract_strided_slice %get3A_619 {offsets = [4], sizes = [1], strides = [1]} : vector<16xi32> to vector<1xi32>
      %squeeze3A_773 = vector.extract %slice3A_772[0] : i32 from vector<1xi32>
      %slice3A_774 = vector.extract_strided_slice %get3A_627 {offsets = [4], sizes = [1], strides = [1]} : vector<16xi32> to vector<1xi32>
      %squeeze3A_775 = vector.extract %slice3A_774[0] : i32 from vector<1xi32>
      %shift_right_arithmetic3A_776 = arith.constant 3 : i32
      %shift_right_arithmetic3A_777 = arith.shrsi %squeeze3A_773, %shift_right_arithmetic3A_776 : i32
      %dma_start3A_778 = arith.constant 20 : i32
      %dma_start3A_779 = arith.constant 0 : i32
      %dma_start3A_780 = arith.constant 0 : i32
      %dma_start3A_781 = tpu.memref_slice %arg12[%dma_start3A_778, %dma_start3A_779, %dma_start3A_780] : memref<32x8x64xf32, #tpu.memory_space<vmem>> -> memref<1x8x64xf32, #tpu.memory_space<vmem>>
      %dma_start3A_782 = arith.constant 0 : i32
      %dma_start3A_783 = arith.constant 0 : i32
      %dma_start3A_784 = tpu.memref_slice %arg4[%shift_right_arithmetic3A_777, %dma_start3A_782, %dma_start3A_783] : memref<125000x8x64xf32, #tpu.memory_space<hbm>> -> memref<1x8x64xf32, #tpu.memory_space<hbm>>
      %dma_start3A_785 = arith.constant 20 : i32
      %dma_start3A_786 = arith.constant 0 : i32
      %dma_start3A_787 = arith.constant 0 : i32
      %dma_start3A_788 = tpu.memref_slice %arg12[%dma_start3A_785, %dma_start3A_786, %dma_start3A_787] : memref<32x8x64xf32, #tpu.memory_space<vmem>> -> memref<1x8x64xf32, #tpu.memory_space<vmem>>
      %dma_start3A_789 = arith.constant 0 : i32
      %dma_start3A_790 = arith.constant 0 : i32
      %dma_start3A_791 = tpu.memref_slice %arg4[%shift_right_arithmetic3A_777, %dma_start3A_789, %dma_start3A_790] : memref<125000x8x64xf32, #tpu.memory_space<hbm>> -> memref<1x8x64xf32, #tpu.memory_space<hbm>>
      tpu.enqueue_dma source(%dma_start3A_791 : memref<1x8x64xf32, #tpu.memory_space<hbm>>) target(%dma_start3A_788 : memref<1x8x64xf32, #tpu.memory_space<vmem>>) target_semaphore(%arg17 : memref<!tpu.dma_semaphore, #tpu.memory_space<semaphore_mem>>)
      %shift_right_arithmetic3A_792 = arith.constant 3 : i32
      %shift_right_arithmetic3A_793 = arith.shrsi %squeeze3A_775, %shift_right_arithmetic3A_792 : i32
      %dma_start3A_794 = arith.constant 20 : i32
      %dma_start3A_795 = arith.constant 0 : i32
      %dma_start3A_796 = arith.constant 0 : i32
      %dma_start3A_797 = tpu.memref_slice %arg13[%dma_start3A_794, %dma_start3A_795, %dma_start3A_796] : memref<32x8x64xf32, #tpu.memory_space<vmem>> -> memref<1x8x64xf32, #tpu.memory_space<vmem>>
      %dma_start3A_798 = arith.constant 0 : i32
      %dma_start3A_799 = arith.constant 0 : i32
      %dma_start3A_800 = tpu.memref_slice %arg5[%shift_right_arithmetic3A_793, %dma_start3A_798, %dma_start3A_799] : memref<125000x8x64xf32, #tpu.memory_space<hbm>> -> memref<1x8x64xf32, #tpu.memory_space<hbm>>
      %dma_start3A_801 = arith.constant 20 : i32
      %dma_start3A_802 = arith.constant 0 : i32
      %dma_start3A_803 = arith.constant 0 : i32
      %dma_start3A_804 = tpu.memref_slice %arg13[%dma_start3A_801, %dma_start3A_802, %dma_start3A_803] : memref<32x8x64xf32, #tpu.memory_space<vmem>> -> memref<1x8x64xf32, #tpu.memory_space<vmem>>
      %dma_start3A_805 = arith.constant 0 : i32
      %dma_start3A_806 = arith.constant 0 : i32
      %dma_start3A_807 = tpu.memref_slice %arg5[%shift_right_arithmetic3A_793, %dma_start3A_805, %dma_start3A_806] : memref<125000x8x64xf32, #tpu.memory_space<hbm>> -> memref<1x8x64xf32, #tpu.memory_space<hbm>>
      tpu.enqueue_dma source(%dma_start3A_807 : memref<1x8x64xf32, #tpu.memory_space<hbm>>) target(%dma_start3A_804 : memref<1x8x64xf32, #tpu.memory_space<vmem>>) target_semaphore(%arg18 : memref<!tpu.dma_semaphore, #tpu.memory_space<semaphore_mem>>)
      %slice3A_808 = vector.extract_strided_slice %get3A_619 {offsets = [5], sizes = [1], strides = [1]} : vector<16xi32> to vector<1xi32>
      %squeeze3A_809 = vector.extract %slice3A_808[0] : i32 from vector<1xi32>
      %slice3A_810 = vector.extract_strided_slice %get3A_627 {offsets = [5], sizes = [1], strides = [1]} : vector<16xi32> to vector<1xi32>
      %squeeze3A_811 = vector.extract %slice3A_810[0] : i32 from vector<1xi32>
      %shift_right_arithmetic3A_812 = arith.constant 3 : i32
      %shift_right_arithmetic3A_813 = arith.shrsi %squeeze3A_809, %shift_right_arithmetic3A_812 : i32
      %dma_start3A_814 = arith.constant 21 : i32
      %dma_start3A_815 = arith.constant 0 : i32
      %dma_start3A_816 = arith.constant 0 : i32
      %dma_start3A_817 = tpu.memref_slice %arg12[%dma_start3A_814, %dma_start3A_815, %dma_start3A_816] : memref<32x8x64xf32, #tpu.memory_space<vmem>> -> memref<1x8x64xf32, #tpu.memory_space<vmem>>
      %dma_start3A_818 = arith.constant 0 : i32
      %dma_start3A_819 = arith.constant 0 : i32
      %dma_start3A_820 = tpu.memref_slice %arg4[%shift_right_arithmetic3A_813, %dma_start3A_818, %dma_start3A_819] : memref<125000x8x64xf32, #tpu.memory_space<hbm>> -> memref<1x8x64xf32, #tpu.memory_space<hbm>>
      %dma_start3A_821 = arith.constant 21 : i32
      %dma_start3A_822 = arith.constant 0 : i32
      %dma_start3A_823 = arith.constant 0 : i32
      %dma_start3A_824 = tpu.memref_slice %arg12[%dma_start3A_821, %dma_start3A_822, %dma_start3A_823] : memref<32x8x64xf32, #tpu.memory_space<vmem>> -> memref<1x8x64xf32, #tpu.memory_space<vmem>>
      %dma_start3A_825 = arith.constant 0 : i32
      %dma_start3A_826 = arith.constant 0 : i32
      %dma_start3A_827 = tpu.memref_slice %arg4[%shift_right_arithmetic3A_813, %dma_start3A_825, %dma_start3A_826] : memref<125000x8x64xf32, #tpu.memory_space<hbm>> -> memref<1x8x64xf32, #tpu.memory_space<hbm>>
      tpu.enqueue_dma source(%dma_start3A_827 : memref<1x8x64xf32, #tpu.memory_space<hbm>>) target(%dma_start3A_824 : memref<1x8x64xf32, #tpu.memory_space<vmem>>) target_semaphore(%arg17 : memref<!tpu.dma_semaphore, #tpu.memory_space<semaphore_mem>>)
      %shift_right_arithmetic3A_828 = arith.constant 3 : i32
      %shift_right_arithmetic3A_829 = arith.shrsi %squeeze3A_811, %shift_right_arithmetic3A_828 : i32
      %dma_start3A_830 = arith.constant 21 : i32
      %dma_start3A_831 = arith.constant 0 : i32
      %dma_start3A_832 = arith.constant 0 : i32
      %dma_start3A_833 = tpu.memref_slice %arg13[%dma_start3A_830, %dma_start3A_831, %dma_start3A_832] : memref<32x8x64xf32, #tpu.memory_space<vmem>> -> memref<1x8x64xf32, #tpu.memory_space<vmem>>
      %dma_start3A_834 = arith.constant 0 : i32
      %dma_start3A_835 = arith.constant 0 : i32
      %dma_start3A_836 = tpu.memref_slice %arg5[%shift_right_arithmetic3A_829, %dma_start3A_834, %dma_start3A_835] : memref<125000x8x64xf32, #tpu.memory_space<hbm>> -> memref<1x8x64xf32, #tpu.memory_space<hbm>>
      %dma_start3A_837 = arith.constant 21 : i32
      %dma_start3A_838 = arith.constant 0 : i32
      %dma_start3A_839 = arith.constant 0 : i32
      %dma_start3A_840 = tpu.memref_slice %arg13[%dma_start3A_837, %dma_start3A_838, %dma_start3A_839] : memref<32x8x64xf32, #tpu.memory_space<vmem>> -> memref<1x8x64xf32, #tpu.memory_space<vmem>>
      %dma_start3A_841 = arith.constant 0 : i32
      %dma_start3A_842 = arith.constant 0 : i32
      %dma_start3A_843 = tpu.memref_slice %arg5[%shift_right_arithmetic3A_829, %dma_start3A_841, %dma_start3A_842] : memref<125000x8x64xf32, #tpu.memory_space<hbm>> -> memref<1x8x64xf32, #tpu.memory_space<hbm>>
      tpu.enqueue_dma source(%dma_start3A_843 : memref<1x8x64xf32, #tpu.memory_space<hbm>>) target(%dma_start3A_840 : memref<1x8x64xf32, #tpu.memory_space<vmem>>) target_semaphore(%arg18 : memref<!tpu.dma_semaphore, #tpu.memory_space<semaphore_mem>>)
      %slice3A_844 = vector.extract_strided_slice %get3A_619 {offsets = [6], sizes = [1], strides = [1]} : vector<16xi32> to vector<1xi32>
      %squeeze3A_845 = vector.extract %slice3A_844[0] : i32 from vector<1xi32>
      %slice3A_846 = vector.extract_strided_slice %get3A_627 {offsets = [6], sizes = [1], strides = [1]} : vector<16xi32> to vector<1xi32>
      %squeeze3A_847 = vector.extract %slice3A_846[0] : i32 from vector<1xi32>
      %shift_right_arithmetic3A_848 = arith.constant 3 : i32
      %shift_right_arithmetic3A_849 = arith.shrsi %squeeze3A_845, %shift_right_arithmetic3A_848 : i32
      %dma_start3A_850 = arith.constant 22 : i32
      %dma_start3A_851 = arith.constant 0 : i32
      %dma_start3A_852 = arith.constant 0 : i32
      %dma_start3A_853 = tpu.memref_slice %arg12[%dma_start3A_850, %dma_start3A_851, %dma_start3A_852] : memref<32x8x64xf32, #tpu.memory_space<vmem>> -> memref<1x8x64xf32, #tpu.memory_space<vmem>>
      %dma_start3A_854 = arith.constant 0 : i32
      %dma_start3A_855 = arith.constant 0 : i32
      %dma_start3A_856 = tpu.memref_slice %arg4[%shift_right_arithmetic3A_849, %dma_start3A_854, %dma_start3A_855] : memref<125000x8x64xf32, #tpu.memory_space<hbm>> -> memref<1x8x64xf32, #tpu.memory_space<hbm>>
      %dma_start3A_857 = arith.constant 22 : i32
      %dma_start3A_858 = arith.constant 0 : i32
      %dma_start3A_859 = arith.constant 0 : i32
      %dma_start3A_860 = tpu.memref_slice %arg12[%dma_start3A_857, %dma_start3A_858, %dma_start3A_859] : memref<32x8x64xf32, #tpu.memory_space<vmem>> -> memref<1x8x64xf32, #tpu.memory_space<vmem>>
      %dma_start3A_861 = arith.constant 0 : i32
      %dma_start3A_862 = arith.constant 0 : i32
      %dma_start3A_863 = tpu.memref_slice %arg4[%shift_right_arithmetic3A_849, %dma_start3A_861, %dma_start3A_862] : memref<125000x8x64xf32, #tpu.memory_space<hbm>> -> memref<1x8x64xf32, #tpu.memory_space<hbm>>
      tpu.enqueue_dma source(%dma_start3A_863 : memref<1x8x64xf32, #tpu.memory_space<hbm>>) target(%dma_start3A_860 : memref<1x8x64xf32, #tpu.memory_space<vmem>>) target_semaphore(%arg17 : memref<!tpu.dma_semaphore, #tpu.memory_space<semaphore_mem>>)
      %shift_right_arithmetic3A_864 = arith.constant 3 : i32
      %shift_right_arithmetic3A_865 = arith.shrsi %squeeze3A_847, %shift_right_arithmetic3A_864 : i32
      %dma_start3A_866 = arith.constant 22 : i32
      %dma_start3A_867 = arith.constant 0 : i32
      %dma_start3A_868 = arith.constant 0 : i32
      %dma_start3A_869 = tpu.memref_slice %arg13[%dma_start3A_866, %dma_start3A_867, %dma_start3A_868] : memref<32x8x64xf32, #tpu.memory_space<vmem>> -> memref<1x8x64xf32, #tpu.memory_space<vmem>>
      %dma_start3A_870 = arith.constant 0 : i32
      %dma_start3A_871 = arith.constant 0 : i32
      %dma_start3A_872 = tpu.memref_slice %arg5[%shift_right_arithmetic3A_865, %dma_start3A_870, %dma_start3A_871] : memref<125000x8x64xf32, #tpu.memory_space<hbm>> -> memref<1x8x64xf32, #tpu.memory_space<hbm>>
      %dma_start3A_873 = arith.constant 22 : i32
      %dma_start3A_874 = arith.constant 0 : i32
      %dma_start3A_875 = arith.constant 0 : i32
      %dma_start3A_876 = tpu.memref_slice %arg13[%dma_start3A_873, %dma_start3A_874, %dma_start3A_875] : memref<32x8x64xf32, #tpu.memory_space<vmem>> -> memref<1x8x64xf32, #tpu.memory_space<vmem>>
      %dma_start3A_877 = arith.constant 0 : i32
      %dma_start3A_878 = arith.constant 0 : i32
      %dma_start3A_879 = tpu.memref_slice %arg5[%shift_right_arithmetic3A_865, %dma_start3A_877, %dma_start3A_878] : memref<125000x8x64xf32, #tpu.memory_space<hbm>> -> memref<1x8x64xf32, #tpu.memory_space<hbm>>
      tpu.enqueue_dma source(%dma_start3A_879 : memref<1x8x64xf32, #tpu.memory_space<hbm>>) target(%dma_start3A_876 : memref<1x8x64xf32, #tpu.memory_space<vmem>>) target_semaphore(%arg18 : memref<!tpu.dma_semaphore, #tpu.memory_space<semaphore_mem>>)
      %slice3A_880 = vector.extract_strided_slice %get3A_619 {offsets = [7], sizes = [1], strides = [1]} : vector<16xi32> to vector<1xi32>
      %squeeze3A_881 = vector.extract %slice3A_880[0] : i32 from vector<1xi32>
      %slice3A_882 = vector.extract_strided_slice %get3A_627 {offsets = [7], sizes = [1], strides = [1]} : vector<16xi32> to vector<1xi32>
      %squeeze3A_883 = vector.extract %slice3A_882[0] : i32 from vector<1xi32>
      %shift_right_arithmetic3A_884 = arith.constant 3 : i32
      %shift_right_arithmetic3A_885 = arith.shrsi %squeeze3A_881, %shift_right_arithmetic3A_884 : i32
      %dma_start3A_886 = arith.constant 23 : i32
      %dma_start3A_887 = arith.constant 0 : i32
      %dma_start3A_888 = arith.constant 0 : i32
      %dma_start3A_889 = tpu.memref_slice %arg12[%dma_start3A_886, %dma_start3A_887, %dma_start3A_888] : memref<32x8x64xf32, #tpu.memory_space<vmem>> -> memref<1x8x64xf32, #tpu.memory_space<vmem>>
      %dma_start3A_890 = arith.constant 0 : i32
      %dma_start3A_891 = arith.constant 0 : i32
      %dma_start3A_892 = tpu.memref_slice %arg4[%shift_right_arithmetic3A_885, %dma_start3A_890, %dma_start3A_891] : memref<125000x8x64xf32, #tpu.memory_space<hbm>> -> memref<1x8x64xf32, #tpu.memory_space<hbm>>
      %dma_start3A_893 = arith.constant 23 : i32
      %dma_start3A_894 = arith.constant 0 : i32
      %dma_start3A_895 = arith.constant 0 : i32
      %dma_start3A_896 = tpu.memref_slice %arg12[%dma_start3A_893, %dma_start3A_894, %dma_start3A_895] : memref<32x8x64xf32, #tpu.memory_space<vmem>> -> memref<1x8x64xf32, #tpu.memory_space<vmem>>
      %dma_start3A_897 = arith.constant 0 : i32
      %dma_start3A_898 = arith.constant 0 : i32
      %dma_start3A_899 = tpu.memref_slice %arg4[%shift_right_arithmetic3A_885, %dma_start3A_897, %dma_start3A_898] : memref<125000x8x64xf32, #tpu.memory_space<hbm>> -> memref<1x8x64xf32, #tpu.memory_space<hbm>>
      tpu.enqueue_dma source(%dma_start3A_899 : memref<1x8x64xf32, #tpu.memory_space<hbm>>) target(%dma_start3A_896 : memref<1x8x64xf32, #tpu.memory_space<vmem>>) target_semaphore(%arg17 : memref<!tpu.dma_semaphore, #tpu.memory_space<semaphore_mem>>)
      %shift_right_arithmetic3A_900 = arith.constant 3 : i32
      %shift_right_arithmetic3A_901 = arith.shrsi %squeeze3A_883, %shift_right_arithmetic3A_900 : i32
      %dma_start3A_902 = arith.constant 23 : i32
      %dma_start3A_903 = arith.constant 0 : i32
      %dma_start3A_904 = arith.constant 0 : i32
      %dma_start3A_905 = tpu.memref_slice %arg13[%dma_start3A_902, %dma_start3A_903, %dma_start3A_904] : memref<32x8x64xf32, #tpu.memory_space<vmem>> -> memref<1x8x64xf32, #tpu.memory_space<vmem>>
      %dma_start3A_906 = arith.constant 0 : i32
      %dma_start3A_907 = arith.constant 0 : i32
      %dma_start3A_908 = tpu.memref_slice %arg5[%shift_right_arithmetic3A_901, %dma_start3A_906, %dma_start3A_907] : memref<125000x8x64xf32, #tpu.memory_space<hbm>> -> memref<1x8x64xf32, #tpu.memory_space<hbm>>
      %dma_start3A_909 = arith.constant 23 : i32
      %dma_start3A_910 = arith.constant 0 : i32
      %dma_start3A_911 = arith.constant 0 : i32
      %dma_start3A_912 = tpu.memref_slice %arg13[%dma_start3A_909, %dma_start3A_910, %dma_start3A_911] : memref<32x8x64xf32, #tpu.memory_space<vmem>> -> memref<1x8x64xf32, #tpu.memory_space<vmem>>
      %dma_start3A_913 = arith.constant 0 : i32
      %dma_start3A_914 = arith.constant 0 : i32
      %dma_start3A_915 = tpu.memref_slice %arg5[%shift_right_arithmetic3A_901, %dma_start3A_913, %dma_start3A_914] : memref<125000x8x64xf32, #tpu.memory_space<hbm>> -> memref<1x8x64xf32, #tpu.memory_space<hbm>>
      tpu.enqueue_dma source(%dma_start3A_915 : memref<1x8x64xf32, #tpu.memory_space<hbm>>) target(%dma_start3A_912 : memref<1x8x64xf32, #tpu.memory_space<vmem>>) target_semaphore(%arg18 : memref<!tpu.dma_semaphore, #tpu.memory_space<semaphore_mem>>)
      %slice3A_916 = vector.extract_strided_slice %get3A_619 {offsets = [8], sizes = [1], strides = [1]} : vector<16xi32> to vector<1xi32>
      %squeeze3A_917 = vector.extract %slice3A_916[0] : i32 from vector<1xi32>
      %slice3A_918 = vector.extract_strided_slice %get3A_627 {offsets = [8], sizes = [1], strides = [1]} : vector<16xi32> to vector<1xi32>
      %squeeze3A_919 = vector.extract %slice3A_918[0] : i32 from vector<1xi32>
      %shift_right_arithmetic3A_920 = arith.constant 3 : i32
      %shift_right_arithmetic3A_921 = arith.shrsi %squeeze3A_917, %shift_right_arithmetic3A_920 : i32
      %dma_start3A_922 = arith.constant 24 : i32
      %dma_start3A_923 = arith.constant 0 : i32
      %dma_start3A_924 = arith.constant 0 : i32
      %dma_start3A_925 = tpu.memref_slice %arg12[%dma_start3A_922, %dma_start3A_923, %dma_start3A_924] : memref<32x8x64xf32, #tpu.memory_space<vmem>> -> memref<1x8x64xf32, #tpu.memory_space<vmem>>
      %dma_start3A_926 = arith.constant 0 : i32
      %dma_start3A_927 = arith.constant 0 : i32
      %dma_start3A_928 = tpu.memref_slice %arg4[%shift_right_arithmetic3A_921, %dma_start3A_926, %dma_start3A_927] : memref<125000x8x64xf32, #tpu.memory_space<hbm>> -> memref<1x8x64xf32, #tpu.memory_space<hbm>>
      %dma_start3A_929 = arith.constant 24 : i32
      %dma_start3A_930 = arith.constant 0 : i32
      %dma_start3A_931 = arith.constant 0 : i32
      %dma_start3A_932 = tpu.memref_slice %arg12[%dma_start3A_929, %dma_start3A_930, %dma_start3A_931] : memref<32x8x64xf32, #tpu.memory_space<vmem>> -> memref<1x8x64xf32, #tpu.memory_space<vmem>>
      %dma_start3A_933 = arith.constant 0 : i32
      %dma_start3A_934 = arith.constant 0 : i32
      %dma_start3A_935 = tpu.memref_slice %arg4[%shift_right_arithmetic3A_921, %dma_start3A_933, %dma_start3A_934] : memref<125000x8x64xf32, #tpu.memory_space<hbm>> -> memref<1x8x64xf32, #tpu.memory_space<hbm>>
      tpu.enqueue_dma source(%dma_start3A_935 : memref<1x8x64xf32, #tpu.memory_space<hbm>>) target(%dma_start3A_932 : memref<1x8x64xf32, #tpu.memory_space<vmem>>) target_semaphore(%arg17 : memref<!tpu.dma_semaphore, #tpu.memory_space<semaphore_mem>>)
      %shift_right_arithmetic3A_936 = arith.constant 3 : i32
      %shift_right_arithmetic3A_937 = arith.shrsi %squeeze3A_919, %shift_right_arithmetic3A_936 : i32
      %dma_start3A_938 = arith.constant 24 : i32
      %dma_start3A_939 = arith.constant 0 : i32
      %dma_start3A_940 = arith.constant 0 : i32
      %dma_start3A_941 = tpu.memref_slice %arg13[%dma_start3A_938, %dma_start3A_939, %dma_start3A_940] : memref<32x8x64xf32, #tpu.memory_space<vmem>> -> memref<1x8x64xf32, #tpu.memory_space<vmem>>
      %dma_start3A_942 = arith.constant 0 : i32
      %dma_start3A_943 = arith.constant 0 : i32
      %dma_start3A_944 = tpu.memref_slice %arg5[%shift_right_arithmetic3A_937, %dma_start3A_942, %dma_start3A_943] : memref<125000x8x64xf32, #tpu.memory_space<hbm>> -> memref<1x8x64xf32, #tpu.memory_space<hbm>>
      %dma_start3A_945 = arith.constant 24 : i32
      %dma_start3A_946 = arith.constant 0 : i32
      %dma_start3A_947 = arith.constant 0 : i32
      %dma_start3A_948 = tpu.memref_slice %arg13[%dma_start3A_945, %dma_start3A_946, %dma_start3A_947] : memref<32x8x64xf32, #tpu.memory_space<vmem>> -> memref<1x8x64xf32, #tpu.memory_space<vmem>>
      %dma_start3A_949 = arith.constant 0 : i32
      %dma_start3A_950 = arith.constant 0 : i32
      %dma_start3A_951 = tpu.memref_slice %arg5[%shift_right_arithmetic3A_937, %dma_start3A_949, %dma_start3A_950] : memref<125000x8x64xf32, #tpu.memory_space<hbm>> -> memref<1x8x64xf32, #tpu.memory_space<hbm>>
      tpu.enqueue_dma source(%dma_start3A_951 : memref<1x8x64xf32, #tpu.memory_space<hbm>>) target(%dma_start3A_948 : memref<1x8x64xf32, #tpu.memory_space<vmem>>) target_semaphore(%arg18 : memref<!tpu.dma_semaphore, #tpu.memory_space<semaphore_mem>>)
      %slice3A_952 = vector.extract_strided_slice %get3A_619 {offsets = [9], sizes = [1], strides = [1]} : vector<16xi32> to vector<1xi32>
      %squeeze3A_953 = vector.extract %slice3A_952[0] : i32 from vector<1xi32>
      %slice3A_954 = vector.extract_strided_slice %get3A_627 {offsets = [9], sizes = [1], strides = [1]} : vector<16xi32> to vector<1xi32>
      %squeeze3A_955 = vector.extract %slice3A_954[0] : i32 from vector<1xi32>
      %shift_right_arithmetic3A_956 = arith.constant 3 : i32
      %shift_right_arithmetic3A_957 = arith.shrsi %squeeze3A_953, %shift_right_arithmetic3A_956 : i32
      %dma_start3A_958 = arith.constant 25 : i32
      %dma_start3A_959 = arith.constant 0 : i32
      %dma_start3A_960 = arith.constant 0 : i32
      %dma_start3A_961 = tpu.memref_slice %arg12[%dma_start3A_958, %dma_start3A_959, %dma_start3A_960] : memref<32x8x64xf32, #tpu.memory_space<vmem>> -> memref<1x8x64xf32, #tpu.memory_space<vmem>>
      %dma_start3A_962 = arith.constant 0 : i32
      %dma_start3A_963 = arith.constant 0 : i32
      %dma_start3A_964 = tpu.memref_slice %arg4[%shift_right_arithmetic3A_957, %dma_start3A_962, %dma_start3A_963] : memref<125000x8x64xf32, #tpu.memory_space<hbm>> -> memref<1x8x64xf32, #tpu.memory_space<hbm>>
      %dma_start3A_965 = arith.constant 25 : i32
      %dma_start3A_966 = arith.constant 0 : i32
      %dma_start3A_967 = arith.constant 0 : i32
      %dma_start3A_968 = tpu.memref_slice %arg12[%dma_start3A_965, %dma_start3A_966, %dma_start3A_967] : memref<32x8x64xf32, #tpu.memory_space<vmem>> -> memref<1x8x64xf32, #tpu.memory_space<vmem>>
      %dma_start3A_969 = arith.constant 0 : i32
      %dma_start3A_970 = arith.constant 0 : i32
      %dma_start3A_971 = tpu.memref_slice %arg4[%shift_right_arithmetic3A_957, %dma_start3A_969, %dma_start3A_970] : memref<125000x8x64xf32, #tpu.memory_space<hbm>> -> memref<1x8x64xf32, #tpu.memory_space<hbm>>
      tpu.enqueue_dma source(%dma_start3A_971 : memref<1x8x64xf32, #tpu.memory_space<hbm>>) target(%dma_start3A_968 : memref<1x8x64xf32, #tpu.memory_space<vmem>>) target_semaphore(%arg17 : memref<!tpu.dma_semaphore, #tpu.memory_space<semaphore_mem>>)
      %shift_right_arithmetic3A_972 = arith.constant 3 : i32
      %shift_right_arithmetic3A_973 = arith.shrsi %squeeze3A_955, %shift_right_arithmetic3A_972 : i32
      %dma_start3A_974 = arith.constant 25 : i32
      %dma_start3A_975 = arith.constant 0 : i32
      %dma_start3A_976 = arith.constant 0 : i32
      %dma_start3A_977 = tpu.memref_slice %arg13[%dma_start3A_974, %dma_start3A_975, %dma_start3A_976] : memref<32x8x64xf32, #tpu.memory_space<vmem>> -> memref<1x8x64xf32, #tpu.memory_space<vmem>>
      %dma_start3A_978 = arith.constant 0 : i32
      %dma_start3A_979 = arith.constant 0 : i32
      %dma_start3A_980 = tpu.memref_slice %arg5[%shift_right_arithmetic3A_973, %dma_start3A_978, %dma_start3A_979] : memref<125000x8x64xf32, #tpu.memory_space<hbm>> -> memref<1x8x64xf32, #tpu.memory_space<hbm>>
      %dma_start3A_981 = arith.constant 25 : i32
      %dma_start3A_982 = arith.constant 0 : i32
      %dma_start3A_983 = arith.constant 0 : i32
      %dma_start3A_984 = tpu.memref_slice %arg13[%dma_start3A_981, %dma_start3A_982, %dma_start3A_983] : memref<32x8x64xf32, #tpu.memory_space<vmem>> -> memref<1x8x64xf32, #tpu.memory_space<vmem>>
      %dma_start3A_985 = arith.constant 0 : i32
      %dma_start3A_986 = arith.constant 0 : i32
      %dma_start3A_987 = tpu.memref_slice %arg5[%shift_right_arithmetic3A_973, %dma_start3A_985, %dma_start3A_986] : memref<125000x8x64xf32, #tpu.memory_space<hbm>> -> memref<1x8x64xf32, #tpu.memory_space<hbm>>
      tpu.enqueue_dma source(%dma_start3A_987 : memref<1x8x64xf32, #tpu.memory_space<hbm>>) target(%dma_start3A_984 : memref<1x8x64xf32, #tpu.memory_space<vmem>>) target_semaphore(%arg18 : memref<!tpu.dma_semaphore, #tpu.memory_space<semaphore_mem>>)
      %slice3A_988 = vector.extract_strided_slice %get3A_619 {offsets = [10], sizes = [1], strides = [1]} : vector<16xi32> to vector<1xi32>
      %squeeze3A_989 = vector.extract %slice3A_988[0] : i32 from vector<1xi32>
      %slice3A_990 = vector.extract_strided_slice %get3A_627 {offsets = [10], sizes = [1], strides = [1]} : vector<16xi32> to vector<1xi32>
      %squeeze3A_991 = vector.extract %slice3A_990[0] : i32 from vector<1xi32>
      %shift_right_arithmetic3A_992 = arith.constant 3 : i32
      %shift_right_arithmetic3A_993 = arith.shrsi %squeeze3A_989, %shift_right_arithmetic3A_992 : i32
      %dma_start3A_994 = arith.constant 26 : i32
      %dma_start3A_995 = arith.constant 0 : i32
      %dma_start3A_996 = arith.constant 0 : i32
      %dma_start3A_997 = tpu.memref_slice %arg12[%dma_start3A_994, %dma_start3A_995, %dma_start3A_996] : memref<32x8x64xf32, #tpu.memory_space<vmem>> -> memref<1x8x64xf32, #tpu.memory_space<vmem>>
      %dma_start3A_998 = arith.constant 0 : i32
      %dma_start3A_999 = arith.constant 0 : i32
      %dma_start3A_1000 = tpu.memref_slice %arg4[%shift_right_arithmetic3A_993, %dma_start3A_998, %dma_start3A_999] : memref<125000x8x64xf32, #tpu.memory_space<hbm>> -> memref<1x8x64xf32, #tpu.memory_space<hbm>>
      %dma_start3A_1001 = arith.constant 26 : i32
      %dma_start3A_1002 = arith.constant 0 : i32
      %dma_start3A_1003 = arith.constant 0 : i32
      %dma_start3A_1004 = tpu.memref_slice %arg12[%dma_start3A_1001, %dma_start3A_1002, %dma_start3A_1003] : memref<32x8x64xf32, #tpu.memory_space<vmem>> -> memref<1x8x64xf32, #tpu.memory_space<vmem>>
      %dma_start3A_1005 = arith.constant 0 : i32
      %dma_start3A_1006 = arith.constant 0 : i32
      %dma_start3A_1007 = tpu.memref_slice %arg4[%shift_right_arithmetic3A_993, %dma_start3A_1005, %dma_start3A_1006] : memref<125000x8x64xf32, #tpu.memory_space<hbm>> -> memref<1x8x64xf32, #tpu.memory_space<hbm>>
      tpu.enqueue_dma source(%dma_start3A_1007 : memref<1x8x64xf32, #tpu.memory_space<hbm>>) target(%dma_start3A_1004 : memref<1x8x64xf32, #tpu.memory_space<vmem>>) target_semaphore(%arg17 : memref<!tpu.dma_semaphore, #tpu.memory_space<semaphore_mem>>)
      %shift_right_arithmetic3A_1008 = arith.constant 3 : i32
      %shift_right_arithmetic3A_1009 = arith.shrsi %squeeze3A_991, %shift_right_arithmetic3A_1008 : i32
      %dma_start3A_1010 = arith.constant 26 : i32
      %dma_start3A_1011 = arith.constant 0 : i32
      %dma_start3A_1012 = arith.constant 0 : i32
      %dma_start3A_1013 = tpu.memref_slice %arg13[%dma_start3A_1010, %dma_start3A_1011, %dma_start3A_1012] : memref<32x8x64xf32, #tpu.memory_space<vmem>> -> memref<1x8x64xf32, #tpu.memory_space<vmem>>
      %dma_start3A_1014 = arith.constant 0 : i32
      %dma_start3A_1015 = arith.constant 0 : i32
      %dma_start3A_1016 = tpu.memref_slice %arg5[%shift_right_arithmetic3A_1009, %dma_start3A_1014, %dma_start3A_1015] : memref<125000x8x64xf32, #tpu.memory_space<hbm>> -> memref<1x8x64xf32, #tpu.memory_space<hbm>>
      %dma_start3A_1017 = arith.constant 26 : i32
      %dma_start3A_1018 = arith.constant 0 : i32
      %dma_start3A_1019 = arith.constant 0 : i32
      %dma_start3A_1020 = tpu.memref_slice %arg13[%dma_start3A_1017, %dma_start3A_1018, %dma_start3A_1019] : memref<32x8x64xf32, #tpu.memory_space<vmem>> -> memref<1x8x64xf32, #tpu.memory_space<vmem>>
      %dma_start3A_1021 = arith.constant 0 : i32
      %dma_start3A_1022 = arith.constant 0 : i32
      %dma_start3A_1023 = tpu.memref_slice %arg5[%shift_right_arithmetic3A_1009, %dma_start3A_1021, %dma_start3A_1022] : memref<125000x8x64xf32, #tpu.memory_space<hbm>> -> memref<1x8x64xf32, #tpu.memory_space<hbm>>
      tpu.enqueue_dma source(%dma_start3A_1023 : memref<1x8x64xf32, #tpu.memory_space<hbm>>) target(%dma_start3A_1020 : memref<1x8x64xf32, #tpu.memory_space<vmem>>) target_semaphore(%arg18 : memref<!tpu.dma_semaphore, #tpu.memory_space<semaphore_mem>>)
      %slice3A_1024 = vector.extract_strided_slice %get3A_619 {offsets = [11], sizes = [1], strides = [1]} : vector<16xi32> to vector<1xi32>
      %squeeze3A_1025 = vector.extract %slice3A_1024[0] : i32 from vector<1xi32>
      %slice3A_1026 = vector.extract_strided_slice %get3A_627 {offsets = [11], sizes = [1], strides = [1]} : vector<16xi32> to vector<1xi32>
      %squeeze3A_1027 = vector.extract %slice3A_1026[0] : i32 from vector<1xi32>
      %shift_right_arithmetic3A_1028 = arith.constant 3 : i32
      %shift_right_arithmetic3A_1029 = arith.shrsi %squeeze3A_1025, %shift_right_arithmetic3A_1028 : i32
      %dma_start3A_1030 = arith.constant 27 : i32
      %dma_start3A_1031 = arith.constant 0 : i32
      %dma_start3A_1032 = arith.constant 0 : i32
      %dma_start3A_1033 = tpu.memref_slice %arg12[%dma_start3A_1030, %dma_start3A_1031, %dma_start3A_1032] : memref<32x8x64xf32, #tpu.memory_space<vmem>> -> memref<1x8x64xf32, #tpu.memory_space<vmem>>
      %dma_start3A_1034 = arith.constant 0 : i32
      %dma_start3A_1035 = arith.constant 0 : i32
      %dma_start3A_1036 = tpu.memref_slice %arg4[%shift_right_arithmetic3A_1029, %dma_start3A_1034, %dma_start3A_1035] : memref<125000x8x64xf32, #tpu.memory_space<hbm>> -> memref<1x8x64xf32, #tpu.memory_space<hbm>>
      %dma_start3A_1037 = arith.constant 27 : i32
      %dma_start3A_1038 = arith.constant 0 : i32
      %dma_start3A_1039 = arith.constant 0 : i32
      %dma_start3A_1040 = tpu.memref_slice %arg12[%dma_start3A_1037, %dma_start3A_1038, %dma_start3A_1039] : memref<32x8x64xf32, #tpu.memory_space<vmem>> -> memref<1x8x64xf32, #tpu.memory_space<vmem>>
      %dma_start3A_1041 = arith.constant 0 : i32
      %dma_start3A_1042 = arith.constant 0 : i32
      %dma_start3A_1043 = tpu.memref_slice %arg4[%shift_right_arithmetic3A_1029, %dma_start3A_1041, %dma_start3A_1042] : memref<125000x8x64xf32, #tpu.memory_space<hbm>> -> memref<1x8x64xf32, #tpu.memory_space<hbm>>
      tpu.enqueue_dma source(%dma_start3A_1043 : memref<1x8x64xf32, #tpu.memory_space<hbm>>) target(%dma_start3A_1040 : memref<1x8x64xf32, #tpu.memory_space<vmem>>) target_semaphore(%arg17 : memref<!tpu.dma_semaphore, #tpu.memory_space<semaphore_mem>>)
      %shift_right_arithmetic3A_1044 = arith.constant 3 : i32
      %shift_right_arithmetic3A_1045 = arith.shrsi %squeeze3A_1027, %shift_right_arithmetic3A_1044 : i32
      %dma_start3A_1046 = arith.constant 27 : i32
      %dma_start3A_1047 = arith.constant 0 : i32
      %dma_start3A_1048 = arith.constant 0 : i32
      %dma_start3A_1049 = tpu.memref_slice %arg13[%dma_start3A_1046, %dma_start3A_1047, %dma_start3A_1048] : memref<32x8x64xf32, #tpu.memory_space<vmem>> -> memref<1x8x64xf32, #tpu.memory_space<vmem>>
      %dma_start3A_1050 = arith.constant 0 : i32
      %dma_start3A_1051 = arith.constant 0 : i32
      %dma_start3A_1052 = tpu.memref_slice %arg5[%shift_right_arithmetic3A_1045, %dma_start3A_1050, %dma_start3A_1051] : memref<125000x8x64xf32, #tpu.memory_space<hbm>> -> memref<1x8x64xf32, #tpu.memory_space<hbm>>
      %dma_start3A_1053 = arith.constant 27 : i32
      %dma_start3A_1054 = arith.constant 0 : i32
      %dma_start3A_1055 = arith.constant 0 : i32
      %dma_start3A_1056 = tpu.memref_slice %arg13[%dma_start3A_1053, %dma_start3A_1054, %dma_start3A_1055] : memref<32x8x64xf32, #tpu.memory_space<vmem>> -> memref<1x8x64xf32, #tpu.memory_space<vmem>>
      %dma_start3A_1057 = arith.constant 0 : i32
      %dma_start3A_1058 = arith.constant 0 : i32
      %dma_start3A_1059 = tpu.memref_slice %arg5[%shift_right_arithmetic3A_1045, %dma_start3A_1057, %dma_start3A_1058] : memref<125000x8x64xf32, #tpu.memory_space<hbm>> -> memref<1x8x64xf32, #tpu.memory_space<hbm>>
      tpu.enqueue_dma source(%dma_start3A_1059 : memref<1x8x64xf32, #tpu.memory_space<hbm>>) target(%dma_start3A_1056 : memref<1x8x64xf32, #tpu.memory_space<vmem>>) target_semaphore(%arg18 : memref<!tpu.dma_semaphore, #tpu.memory_space<semaphore_mem>>)
      %slice3A_1060 = vector.extract_strided_slice %get3A_619 {offsets = [12], sizes = [1], strides = [1]} : vector<16xi32> to vector<1xi32>
      %squeeze3A_1061 = vector.extract %slice3A_1060[0] : i32 from vector<1xi32>
      %slice3A_1062 = vector.extract_strided_slice %get3A_627 {offsets = [12], sizes = [1], strides = [1]} : vector<16xi32> to vector<1xi32>
      %squeeze3A_1063 = vector.extract %slice3A_1062[0] : i32 from vector<1xi32>
      %shift_right_arithmetic3A_1064 = arith.constant 3 : i32
      %shift_right_arithmetic3A_1065 = arith.shrsi %squeeze3A_1061, %shift_right_arithmetic3A_1064 : i32
      %dma_start3A_1066 = arith.constant 28 : i32
      %dma_start3A_1067 = arith.constant 0 : i32
      %dma_start3A_1068 = arith.constant 0 : i32
      %dma_start3A_1069 = tpu.memref_slice %arg12[%dma_start3A_1066, %dma_start3A_1067, %dma_start3A_1068] : memref<32x8x64xf32, #tpu.memory_space<vmem>> -> memref<1x8x64xf32, #tpu.memory_space<vmem>>
      %dma_start3A_1070 = arith.constant 0 : i32
      %dma_start3A_1071 = arith.constant 0 : i32
      %dma_start3A_1072 = tpu.memref_slice %arg4[%shift_right_arithmetic3A_1065, %dma_start3A_1070, %dma_start3A_1071] : memref<125000x8x64xf32, #tpu.memory_space<hbm>> -> memref<1x8x64xf32, #tpu.memory_space<hbm>>
      %dma_start3A_1073 = arith.constant 28 : i32
      %dma_start3A_1074 = arith.constant 0 : i32
      %dma_start3A_1075 = arith.constant 0 : i32
      %dma_start3A_1076 = tpu.memref_slice %arg12[%dma_start3A_1073, %dma_start3A_1074, %dma_start3A_1075] : memref<32x8x64xf32, #tpu.memory_space<vmem>> -> memref<1x8x64xf32, #tpu.memory_space<vmem>>
      %dma_start3A_1077 = arith.constant 0 : i32
      %dma_start3A_1078 = arith.constant 0 : i32
      %dma_start3A_1079 = tpu.memref_slice %arg4[%shift_right_arithmetic3A_1065, %dma_start3A_1077, %dma_start3A_1078] : memref<125000x8x64xf32, #tpu.memory_space<hbm>> -> memref<1x8x64xf32, #tpu.memory_space<hbm>>
      tpu.enqueue_dma source(%dma_start3A_1079 : memref<1x8x64xf32, #tpu.memory_space<hbm>>) target(%dma_start3A_1076 : memref<1x8x64xf32, #tpu.memory_space<vmem>>) target_semaphore(%arg17 : memref<!tpu.dma_semaphore, #tpu.memory_space<semaphore_mem>>)
      %shift_right_arithmetic3A_1080 = arith.constant 3 : i32
      %shift_right_arithmetic3A_1081 = arith.shrsi %squeeze3A_1063, %shift_right_arithmetic3A_1080 : i32
      %dma_start3A_1082 = arith.constant 28 : i32
      %dma_start3A_1083 = arith.constant 0 : i32
      %dma_start3A_1084 = arith.constant 0 : i32
      %dma_start3A_1085 = tpu.memref_slice %arg13[%dma_start3A_1082, %dma_start3A_1083, %dma_start3A_1084] : memref<32x8x64xf32, #tpu.memory_space<vmem>> -> memref<1x8x64xf32, #tpu.memory_space<vmem>>
      %dma_start3A_1086 = arith.constant 0 : i32
      %dma_start3A_1087 = arith.constant 0 : i32
      %dma_start3A_1088 = tpu.memref_slice %arg5[%shift_right_arithmetic3A_1081, %dma_start3A_1086, %dma_start3A_1087] : memref<125000x8x64xf32, #tpu.memory_space<hbm>> -> memref<1x8x64xf32, #tpu.memory_space<hbm>>
      %dma_start3A_1089 = arith.constant 28 : i32
      %dma_start3A_1090 = arith.constant 0 : i32
      %dma_start3A_1091 = arith.constant 0 : i32
      %dma_start3A_1092 = tpu.memref_slice %arg13[%dma_start3A_1089, %dma_start3A_1090, %dma_start3A_1091] : memref<32x8x64xf32, #tpu.memory_space<vmem>> -> memref<1x8x64xf32, #tpu.memory_space<vmem>>
      %dma_start3A_1093 = arith.constant 0 : i32
      %dma_start3A_1094 = arith.constant 0 : i32
      %dma_start3A_1095 = tpu.memref_slice %arg5[%shift_right_arithmetic3A_1081, %dma_start3A_1093, %dma_start3A_1094] : memref<125000x8x64xf32, #tpu.memory_space<hbm>> -> memref<1x8x64xf32, #tpu.memory_space<hbm>>
      tpu.enqueue_dma source(%dma_start3A_1095 : memref<1x8x64xf32, #tpu.memory_space<hbm>>) target(%dma_start3A_1092 : memref<1x8x64xf32, #tpu.memory_space<vmem>>) target_semaphore(%arg18 : memref<!tpu.dma_semaphore, #tpu.memory_space<semaphore_mem>>)
      %slice3A_1096 = vector.extract_strided_slice %get3A_619 {offsets = [13], sizes = [1], strides = [1]} : vector<16xi32> to vector<1xi32>
      %squeeze3A_1097 = vector.extract %slice3A_1096[0] : i32 from vector<1xi32>
      %slice3A_1098 = vector.extract_strided_slice %get3A_627 {offsets = [13], sizes = [1], strides = [1]} : vector<16xi32> to vector<1xi32>
      %squeeze3A_1099 = vector.extract %slice3A_1098[0] : i32 from vector<1xi32>
      %shift_right_arithmetic3A_1100 = arith.constant 3 : i32
      %shift_right_arithmetic3A_1101 = arith.shrsi %squeeze3A_1097, %shift_right_arithmetic3A_1100 : i32
      %dma_start3A_1102 = arith.constant 29 : i32
      %dma_start3A_1103 = arith.constant 0 : i32
      %dma_start3A_1104 = arith.constant 0 : i32
      %dma_start3A_1105 = tpu.memref_slice %arg12[%dma_start3A_1102, %dma_start3A_1103, %dma_start3A_1104] : memref<32x8x64xf32, #tpu.memory_space<vmem>> -> memref<1x8x64xf32, #tpu.memory_space<vmem>>
      %dma_start3A_1106 = arith.constant 0 : i32
      %dma_start3A_1107 = arith.constant 0 : i32
      %dma_start3A_1108 = tpu.memref_slice %arg4[%shift_right_arithmetic3A_1101, %dma_start3A_1106, %dma_start3A_1107] : memref<125000x8x64xf32, #tpu.memory_space<hbm>> -> memref<1x8x64xf32, #tpu.memory_space<hbm>>
      %dma_start3A_1109 = arith.constant 29 : i32
      %dma_start3A_1110 = arith.constant 0 : i32
      %dma_start3A_1111 = arith.constant 0 : i32
      %dma_start3A_1112 = tpu.memref_slice %arg12[%dma_start3A_1109, %dma_start3A_1110, %dma_start3A_1111] : memref<32x8x64xf32, #tpu.memory_space<vmem>> -> memref<1x8x64xf32, #tpu.memory_space<vmem>>
      %dma_start3A_1113 = arith.constant 0 : i32
      %dma_start3A_1114 = arith.constant 0 : i32
      %dma_start3A_1115 = tpu.memref_slice %arg4[%shift_right_arithmetic3A_1101, %dma_start3A_1113, %dma_start3A_1114] : memref<125000x8x64xf32, #tpu.memory_space<hbm>> -> memref<1x8x64xf32, #tpu.memory_space<hbm>>
      tpu.enqueue_dma source(%dma_start3A_1115 : memref<1x8x64xf32, #tpu.memory_space<hbm>>) target(%dma_start3A_1112 : memref<1x8x64xf32, #tpu.memory_space<vmem>>) target_semaphore(%arg17 : memref<!tpu.dma_semaphore, #tpu.memory_space<semaphore_mem>>)
      %shift_right_arithmetic3A_1116 = arith.constant 3 : i32
      %shift_right_arithmetic3A_1117 = arith.shrsi %squeeze3A_1099, %shift_right_arithmetic3A_1116 : i32
      %dma_start3A_1118 = arith.constant 29 : i32
      %dma_start3A_1119 = arith.constant 0 : i32
      %dma_start3A_1120 = arith.constant 0 : i32
      %dma_start3A_1121 = tpu.memref_slice %arg13[%dma_start3A_1118, %dma_start3A_1119, %dma_start3A_1120] : memref<32x8x64xf32, #tpu.memory_space<vmem>> -> memref<1x8x64xf32, #tpu.memory_space<vmem>>
      %dma_start3A_1122 = arith.constant 0 : i32
      %dma_start3A_1123 = arith.constant 0 : i32
      %dma_start3A_1124 = tpu.memref_slice %arg5[%shift_right_arithmetic3A_1117, %dma_start3A_1122, %dma_start3A_1123] : memref<125000x8x64xf32, #tpu.memory_space<hbm>> -> memref<1x8x64xf32, #tpu.memory_space<hbm>>
      %dma_start3A_1125 = arith.constant 29 : i32
      %dma_start3A_1126 = arith.constant 0 : i32
      %dma_start3A_1127 = arith.constant 0 : i32
      %dma_start3A_1128 = tpu.memref_slice %arg13[%dma_start3A_1125, %dma_start3A_1126, %dma_start3A_1127] : memref<32x8x64xf32, #tpu.memory_space<vmem>> -> memref<1x8x64xf32, #tpu.memory_space<vmem>>
      %dma_start3A_1129 = arith.constant 0 : i32
      %dma_start3A_1130 = arith.constant 0 : i32
      %dma_start3A_1131 = tpu.memref_slice %arg5[%shift_right_arithmetic3A_1117, %dma_start3A_1129, %dma_start3A_1130] : memref<125000x8x64xf32, #tpu.memory_space<hbm>> -> memref<1x8x64xf32, #tpu.memory_space<hbm>>
      tpu.enqueue_dma source(%dma_start3A_1131 : memref<1x8x64xf32, #tpu.memory_space<hbm>>) target(%dma_start3A_1128 : memref<1x8x64xf32, #tpu.memory_space<vmem>>) target_semaphore(%arg18 : memref<!tpu.dma_semaphore, #tpu.memory_space<semaphore_mem>>)
      %slice3A_1132 = vector.extract_strided_slice %get3A_619 {offsets = [14], sizes = [1], strides = [1]} : vector<16xi32> to vector<1xi32>
      %squeeze3A_1133 = vector.extract %slice3A_1132[0] : i32 from vector<1xi32>
      %slice3A_1134 = vector.extract_strided_slice %get3A_627 {offsets = [14], sizes = [1], strides = [1]} : vector<16xi32> to vector<1xi32>
      %squeeze3A_1135 = vector.extract %slice3A_1134[0] : i32 from vector<1xi32>
      %shift_right_arithmetic3A_1136 = arith.constant 3 : i32
      %shift_right_arithmetic3A_1137 = arith.shrsi %squeeze3A_1133, %shift_right_arithmetic3A_1136 : i32
      %dma_start3A_1138 = arith.constant 30 : i32
      %dma_start3A_1139 = arith.constant 0 : i32
      %dma_start3A_1140 = arith.constant 0 : i32
      %dma_start3A_1141 = tpu.memref_slice %arg12[%dma_start3A_1138, %dma_start3A_1139, %dma_start3A_1140] : memref<32x8x64xf32, #tpu.memory_space<vmem>> -> memref<1x8x64xf32, #tpu.memory_space<vmem>>
      %dma_start3A_1142 = arith.constant 0 : i32
      %dma_start3A_1143 = arith.constant 0 : i32
      %dma_start3A_1144 = tpu.memref_slice %arg4[%shift_right_arithmetic3A_1137, %dma_start3A_1142, %dma_start3A_1143] : memref<125000x8x64xf32, #tpu.memory_space<hbm>> -> memref<1x8x64xf32, #tpu.memory_space<hbm>>
      %dma_start3A_1145 = arith.constant 30 : i32
      %dma_start3A_1146 = arith.constant 0 : i32
      %dma_start3A_1147 = arith.constant 0 : i32
      %dma_start3A_1148 = tpu.memref_slice %arg12[%dma_start3A_1145, %dma_start3A_1146, %dma_start3A_1147] : memref<32x8x64xf32, #tpu.memory_space<vmem>> -> memref<1x8x64xf32, #tpu.memory_space<vmem>>
      %dma_start3A_1149 = arith.constant 0 : i32
      %dma_start3A_1150 = arith.constant 0 : i32
      %dma_start3A_1151 = tpu.memref_slice %arg4[%shift_right_arithmetic3A_1137, %dma_start3A_1149, %dma_start3A_1150] : memref<125000x8x64xf32, #tpu.memory_space<hbm>> -> memref<1x8x64xf32, #tpu.memory_space<hbm>>
      tpu.enqueue_dma source(%dma_start3A_1151 : memref<1x8x64xf32, #tpu.memory_space<hbm>>) target(%dma_start3A_1148 : memref<1x8x64xf32, #tpu.memory_space<vmem>>) target_semaphore(%arg17 : memref<!tpu.dma_semaphore, #tpu.memory_space<semaphore_mem>>)
      %shift_right_arithmetic3A_1152 = arith.constant 3 : i32
      %shift_right_arithmetic3A_1153 = arith.shrsi %squeeze3A_1135, %shift_right_arithmetic3A_1152 : i32
      %dma_start3A_1154 = arith.constant 30 : i32
      %dma_start3A_1155 = arith.constant 0 : i32
      %dma_start3A_1156 = arith.constant 0 : i32
      %dma_start3A_1157 = tpu.memref_slice %arg13[%dma_start3A_1154, %dma_start3A_1155, %dma_start3A_1156] : memref<32x8x64xf32, #tpu.memory_space<vmem>> -> memref<1x8x64xf32, #tpu.memory_space<vmem>>
      %dma_start3A_1158 = arith.constant 0 : i32
      %dma_start3A_1159 = arith.constant 0 : i32
      %dma_start3A_1160 = tpu.memref_slice %arg5[%shift_right_arithmetic3A_1153, %dma_start3A_1158, %dma_start3A_1159] : memref<125000x8x64xf32, #tpu.memory_space<hbm>> -> memref<1x8x64xf32, #tpu.memory_space<hbm>>
      %dma_start3A_1161 = arith.constant 30 : i32
      %dma_start3A_1162 = arith.constant 0 : i32
      %dma_start3A_1163 = arith.constant 0 : i32
      %dma_start3A_1164 = tpu.memref_slice %arg13[%dma_start3A_1161, %dma_start3A_1162, %dma_start3A_1163] : memref<32x8x64xf32, #tpu.memory_space<vmem>> -> memref<1x8x64xf32, #tpu.memory_space<vmem>>
      %dma_start3A_1165 = arith.constant 0 : i32
      %dma_start3A_1166 = arith.constant 0 : i32
      %dma_start3A_1167 = tpu.memref_slice %arg5[%shift_right_arithmetic3A_1153, %dma_start3A_1165, %dma_start3A_1166] : memref<125000x8x64xf32, #tpu.memory_space<hbm>> -> memref<1x8x64xf32, #tpu.memory_space<hbm>>
      tpu.enqueue_dma source(%dma_start3A_1167 : memref<1x8x64xf32, #tpu.memory_space<hbm>>) target(%dma_start3A_1164 : memref<1x8x64xf32, #tpu.memory_space<vmem>>) target_semaphore(%arg18 : memref<!tpu.dma_semaphore, #tpu.memory_space<semaphore_mem>>)
      %slice3A_1168 = vector.extract_strided_slice %get3A_619 {offsets = [15], sizes = [1], strides = [1]} : vector<16xi32> to vector<1xi32>
      %squeeze3A_1169 = vector.extract %slice3A_1168[0] : i32 from vector<1xi32>
      %slice3A_1170 = vector.extract_strided_slice %get3A_627 {offsets = [15], sizes = [1], strides = [1]} : vector<16xi32> to vector<1xi32>
      %squeeze3A_1171 = vector.extract %slice3A_1170[0] : i32 from vector<1xi32>
      %shift_right_arithmetic3A_1172 = arith.constant 3 : i32
      %shift_right_arithmetic3A_1173 = arith.shrsi %squeeze3A_1169, %shift_right_arithmetic3A_1172 : i32
      %dma_start3A_1174 = arith.constant 31 : i32
      %dma_start3A_1175 = arith.constant 0 : i32
      %dma_start3A_1176 = arith.constant 0 : i32
      %dma_start3A_1177 = tpu.memref_slice %arg12[%dma_start3A_1174, %dma_start3A_1175, %dma_start3A_1176] : memref<32x8x64xf32, #tpu.memory_space<vmem>> -> memref<1x8x64xf32, #tpu.memory_space<vmem>>
      %dma_start3A_1178 = arith.constant 0 : i32
      %dma_start3A_1179 = arith.constant 0 : i32
      %dma_start3A_1180 = tpu.memref_slice %arg4[%shift_right_arithmetic3A_1173, %dma_start3A_1178, %dma_start3A_1179] : memref<125000x8x64xf32, #tpu.memory_space<hbm>> -> memref<1x8x64xf32, #tpu.memory_space<hbm>>
      %dma_start3A_1181 = arith.constant 31 : i32
      %dma_start3A_1182 = arith.constant 0 : i32
      %dma_start3A_1183 = arith.constant 0 : i32
      %dma_start3A_1184 = tpu.memref_slice %arg12[%dma_start3A_1181, %dma_start3A_1182, %dma_start3A_1183] : memref<32x8x64xf32, #tpu.memory_space<vmem>> -> memref<1x8x64xf32, #tpu.memory_space<vmem>>
      %dma_start3A_1185 = arith.constant 0 : i32
      %dma_start3A_1186 = arith.constant 0 : i32
      %dma_start3A_1187 = tpu.memref_slice %arg4[%shift_right_arithmetic3A_1173, %dma_start3A_1185, %dma_start3A_1186] : memref<125000x8x64xf32, #tpu.memory_space<hbm>> -> memref<1x8x64xf32, #tpu.memory_space<hbm>>
      tpu.enqueue_dma source(%dma_start3A_1187 : memref<1x8x64xf32, #tpu.memory_space<hbm>>) target(%dma_start3A_1184 : memref<1x8x64xf32, #tpu.memory_space<vmem>>) target_semaphore(%arg17 : memref<!tpu.dma_semaphore, #tpu.memory_space<semaphore_mem>>)
      %shift_right_arithmetic3A_1188 = arith.constant 3 : i32
      %shift_right_arithmetic3A_1189 = arith.shrsi %squeeze3A_1171, %shift_right_arithmetic3A_1188 : i32
      %dma_start3A_1190 = arith.constant 31 : i32
      %dma_start3A_1191 = arith.constant 0 : i32
      %dma_start3A_1192 = arith.constant 0 : i32
      %dma_start3A_1193 = tpu.memref_slice %arg13[%dma_start3A_1190, %dma_start3A_1191, %dma_start3A_1192] : memref<32x8x64xf32, #tpu.memory_space<vmem>> -> memref<1x8x64xf32, #tpu.memory_space<vmem>>
      %dma_start3A_1194 = arith.constant 0 : i32
      %dma_start3A_1195 = arith.constant 0 : i32
      %dma_start3A_1196 = tpu.memref_slice %arg5[%shift_right_arithmetic3A_1189, %dma_start3A_1194, %dma_start3A_1195] : memref<125000x8x64xf32, #tpu.memory_space<hbm>> -> memref<1x8x64xf32, #tpu.memory_space<hbm>>
      %dma_start3A_1197 = arith.constant 31 : i32
      %dma_start3A_1198 = arith.constant 0 : i32
      %dma_start3A_1199 = arith.constant 0 : i32
      %dma_start3A_1200 = tpu.memref_slice %arg13[%dma_start3A_1197, %dma_start3A_1198, %dma_start3A_1199] : memref<32x8x64xf32, #tpu.memory_space<vmem>> -> memref<1x8x64xf32, #tpu.memory_space<vmem>>
      %dma_start3A_1201 = arith.constant 0 : i32
      %dma_start3A_1202 = arith.constant 0 : i32
      %dma_start3A_1203 = tpu.memref_slice %arg5[%shift_right_arithmetic3A_1189, %dma_start3A_1201, %dma_start3A_1202] : memref<125000x8x64xf32, #tpu.memory_space<hbm>> -> memref<1x8x64xf32, #tpu.memory_space<hbm>>
      tpu.enqueue_dma source(%dma_start3A_1203 : memref<1x8x64xf32, #tpu.memory_space<hbm>>) target(%dma_start3A_1200 : memref<1x8x64xf32, #tpu.memory_space<vmem>>) target_semaphore(%arg18 : memref<!tpu.dma_semaphore, #tpu.memory_space<semaphore_mem>>)
      tpu.wait_dma2 semaphore(%arg17 : memref<!tpu.dma_semaphore, #tpu.memory_space<semaphore_mem>>) src(%arg8 : memref<32x8x64xf32, #tpu.memory_space<hbm>>) dst(%arg12 : memref<32x8x64xf32, #tpu.memory_space<vmem>>)
      tpu.wait_dma2 semaphore(%arg18 : memref<!tpu.dma_semaphore, #tpu.memory_space<semaphore_mem>>) src(%arg8 : memref<32x8x64xf32, #tpu.memory_space<hbm>>) dst(%arg13 : memref<32x8x64xf32, #tpu.memory_space<vmem>>)
      %add3A_1204 = arith.constant 0 : i32
      %add3A_1205 = vector.broadcast %add3A_1204 : i32 to vector<16xi32>
      %add3A_1206 = arith.addi %add3A_1205, %iota3A : vector<16xi32>
      %mul3A_1207 = arith.constant 32 : i32
      %mul3A_1208 = arith.muli %scan3A_24, %mul3A_1207 : i32
      %add3A_1209 = vector.broadcast %mul3A_1208 : i32 to vector<16xi32>
      %add3A_1210 = arith.addi %add3A_1209, %add3A_1206 : vector<16xi32>
      %mul3A_1211 = arith.constant 32 : i32
      %mul3A_1212 = arith.muli %scan3A_24, %mul3A_1211 : i32
      %add3A_1213 = arith.constant 0 : i32
      %add3A_1214 = arith.addi %mul3A_1212, %add3A_1213 : i32
      %get3A_1215 = arith.constant 0 : i32
      %get3A_1216 = arith.index_cast %get3A_1215 : i32 to index
      %get3A_1217 = arith.index_cast %add3A_1214 : i32 to index
      %get3A_1218 = tpu.vector_load %arg10[%get3A_1216, %get3A_1217] {strides = array<i32>} : memref<1x512xi32, #tpu.memory_space<vmem>>, vector<16xi32>,
      %mul3A_1219 = arith.constant 32 : i32
      %mul3A_1220 = arith.muli %scan3A_24, %mul3A_1219 : i32
      %add3A_1221 = arith.constant 0 : i32
      %add3A_1222 = arith.addi %mul3A_1220, %add3A_1221 : i32
      %get3A_1223 = arith.constant 0 : i32
      %get3A_1224 = arith.index_cast %get3A_1223 : i32 to index
      %get3A_1225 = arith.index_cast %add3A_1222 : i32 to index
      %get3A_1226 = tpu.vector_load %arg11[%get3A_1224, %get3A_1225] {strides = array<i32>} : memref<1x512xi32, #tpu.memory_space<vmem>>, vector<16xi32>,
      %and3A = arith.constant 7 : i32
      %and3A_1227 = vector.broadcast %and3A : i32 to vector<16xi32>
      %and3A_1228 = arith.andi %get3A_1218, %and3A_1227 : vector<16xi32>
      %and3A_1229 = arith.constant 7 : i32
      %and3A_1230 = vector.broadcast %and3A_1229 : i32 to vector<16xi32>
      %and3A_1231 = arith.andi %get3A_1226, %and3A_1230 : vector<16xi32>
      %mul3A_1232 = arith.constant 8 : i32
      %mul3A_1233 = vector.broadcast %mul3A_1232 : i32 to vector<16xi32>
      %mul3A_1234 = arith.muli %add3A_1210, %mul3A_1233 : vector<16xi32>
      %add3A_1235 = arith.addi %mul3A_1234, %and3A_1228 : vector<16xi32>
      %gather3A = tpu.vector_load_idx %arg14[%add3A_1235] : memref<4096xf32, #tpu.memory_space<vmem>>[vector<16xi32>], vector<16xf32>,
      %mul3A_1236 = arith.constant 8 : i32
      %mul3A_1237 = vector.broadcast %mul3A_1236 : i32 to vector<16xi32>
      %mul3A_1238 = arith.muli %add3A_1210, %mul3A_1237 : vector<16xi32>
      %add3A_1239 = arith.addi %mul3A_1238, %and3A_1231 : vector<16xi32>
      %gather3A_1240 = tpu.vector_load_idx %arg15[%add3A_1239] : memref<4096xf32, #tpu.memory_space<vmem>>[vector<16xi32>], vector<16xf32>,
      %add3A_1241 = arith.addf %gather3A, %gather3A_1240 : vector<16xf32>
      %add3A_1242 = arith.constant 0 : i32
      %add3A_1243 = vector.broadcast %add3A_1242 : i32 to vector<16xi32>
      %add3A_1244 = arith.addi %mul3A_15, %add3A_1243 : vector<16xi32>
      %gather3A_1245 = tpu.vector_load_idx %arg12[%add3A_1206, %and3A_1228, %add3A_1244] : memref<32x8x64xf32, #tpu.memory_space<vmem>>[vector<16xi32>, vector<16xi32>, vector<16xi32>], vector<16xf32>,
      %gather3A_1246 = tpu.vector_load_idx %arg13[%add3A_1206, %and3A_1231, %add3A_1244] : memref<32x8x64xf32, #tpu.memory_space<vmem>>[vector<16xi32>, vector<16xi32>, vector<16xi32>], vector<16xf32>,
      %mul3A_1247 = arith.mulf %gather3A_1245, %gather3A_1246 : vector<16xf32>
      %add3A_1248 = arith.addf %add3A_1241, %mul3A_1247 : vector<16xf32>
      %add3A_1249 = arith.constant 1 : i32
      %add3A_1250 = vector.broadcast %add3A_1249 : i32 to vector<16xi32>
      %add3A_1251 = arith.addi %mul3A_15, %add3A_1250 : vector<16xi32>
      %gather3A_1252 = tpu.vector_load_idx %arg12[%add3A_1206, %and3A_1228, %add3A_1251] : memref<32x8x64xf32, #tpu.memory_space<vmem>>[vector<16xi32>, vector<16xi32>, vector<16xi32>], vector<16xf32>,
      %gather3A_1253 = tpu.vector_load_idx %arg13[%add3A_1206, %and3A_1231, %add3A_1251] : memref<32x8x64xf32, #tpu.memory_space<vmem>>[vector<16xi32>, vector<16xi32>, vector<16xi32>], vector<16xf32>,
      %mul3A_1254 = arith.mulf %gather3A_1252, %gather3A_1253 : vector<16xf32>
      %add3A_1255 = arith.addf %add3A_1248, %mul3A_1254 : vector<16xf32>
      %add3A_1256 = arith.constant 2 : i32
      %add3A_1257 = vector.broadcast %add3A_1256 : i32 to vector<16xi32>
      %add3A_1258 = arith.addi %mul3A_15, %add3A_1257 : vector<16xi32>
      %gather3A_1259 = tpu.vector_load_idx %arg12[%add3A_1206, %and3A_1228, %add3A_1258] : memref<32x8x64xf32, #tpu.memory_space<vmem>>[vector<16xi32>, vector<16xi32>, vector<16xi32>], vector<16xf32>,
      %gather3A_1260 = tpu.vector_load_idx %arg13[%add3A_1206, %and3A_1231, %add3A_1258] : memref<32x8x64xf32, #tpu.memory_space<vmem>>[vector<16xi32>, vector<16xi32>, vector<16xi32>], vector<16xf32>,
      %mul3A_1261 = arith.mulf %gather3A_1259, %gather3A_1260 : vector<16xf32>
      %add3A_1262 = arith.addf %add3A_1255, %mul3A_1261 : vector<16xf32>
      %add3A_1263 = arith.constant 3 : i32
      %add3A_1264 = vector.broadcast %add3A_1263 : i32 to vector<16xi32>
      %add3A_1265 = arith.addi %mul3A_15, %add3A_1264 : vector<16xi32>
      %gather3A_1266 = tpu.vector_load_idx %arg12[%add3A_1206, %and3A_1228, %add3A_1265] : memref<32x8x64xf32, #tpu.memory_space<vmem>>[vector<16xi32>, vector<16xi32>, vector<16xi32>], vector<16xf32>,
      %gather3A_1267 = tpu.vector_load_idx %arg13[%add3A_1206, %and3A_1231, %add3A_1265] : memref<32x8x64xf32, #tpu.memory_space<vmem>>[vector<16xi32>, vector<16xi32>, vector<16xi32>], vector<16xf32>,
      %mul3A_1268 = arith.mulf %gather3A_1266, %gather3A_1267 : vector<16xf32>
      %add3A_1269 = arith.addf %add3A_1262, %mul3A_1268 : vector<16xf32>
      %add3A_1270 = arith.constant 4 : i32
      %add3A_1271 = vector.broadcast %add3A_1270 : i32 to vector<16xi32>
      %add3A_1272 = arith.addi %mul3A_15, %add3A_1271 : vector<16xi32>
      %gather3A_1273 = tpu.vector_load_idx %arg12[%add3A_1206, %and3A_1228, %add3A_1272] : memref<32x8x64xf32, #tpu.memory_space<vmem>>[vector<16xi32>, vector<16xi32>, vector<16xi32>], vector<16xf32>,
      %gather3A_1274 = tpu.vector_load_idx %arg13[%add3A_1206, %and3A_1231, %add3A_1272] : memref<32x8x64xf32, #tpu.memory_space<vmem>>[vector<16xi32>, vector<16xi32>, vector<16xi32>], vector<16xf32>,
      %mul3A_1275 = arith.mulf %gather3A_1273, %gather3A_1274 : vector<16xf32>
      %add3A_1276 = arith.addf %add3A_1269, %mul3A_1275 : vector<16xf32>
      %add3A_1277 = arith.constant 5 : i32
      %add3A_1278 = vector.broadcast %add3A_1277 : i32 to vector<16xi32>
      %add3A_1279 = arith.addi %mul3A_15, %add3A_1278 : vector<16xi32>
      %gather3A_1280 = tpu.vector_load_idx %arg12[%add3A_1206, %and3A_1228, %add3A_1279] : memref<32x8x64xf32, #tpu.memory_space<vmem>>[vector<16xi32>, vector<16xi32>, vector<16xi32>], vector<16xf32>,
      %gather3A_1281 = tpu.vector_load_idx %arg13[%add3A_1206, %and3A_1231, %add3A_1279] : memref<32x8x64xf32, #tpu.memory_space<vmem>>[vector<16xi32>, vector<16xi32>, vector<16xi32>], vector<16xf32>,
      %mul3A_1282 = arith.mulf %gather3A_1280, %gather3A_1281 : vector<16xf32>
      %add3A_1283 = arith.addf %add3A_1276, %mul3A_1282 : vector<16xf32>
      %add3A_1284 = arith.constant 6 : i32
      %add3A_1285 = vector.broadcast %add3A_1284 : i32 to vector<16xi32>
      %add3A_1286 = arith.addi %mul3A_15, %add3A_1285 : vector<16xi32>
      %gather3A_1287 = tpu.vector_load_idx %arg12[%add3A_1206, %and3A_1228, %add3A_1286] : memref<32x8x64xf32, #tpu.memory_space<vmem>>[vector<16xi32>, vector<16xi32>, vector<16xi32>], vector<16xf32>,
      %gather3A_1288 = tpu.vector_load_idx %arg13[%add3A_1206, %and3A_1231, %add3A_1286] : memref<32x8x64xf32, #tpu.memory_space<vmem>>[vector<16xi32>, vector<16xi32>, vector<16xi32>], vector<16xf32>,
      %mul3A_1289 = arith.mulf %gather3A_1287, %gather3A_1288 : vector<16xf32>
      %add3A_1290 = arith.addf %add3A_1283, %mul3A_1289 : vector<16xf32>
      %add3A_1291 = arith.constant 7 : i32
      %add3A_1292 = vector.broadcast %add3A_1291 : i32 to vector<16xi32>
      %add3A_1293 = arith.addi %mul3A_15, %add3A_1292 : vector<16xi32>
      %gather3A_1294 = tpu.vector_load_idx %arg12[%add3A_1206, %and3A_1228, %add3A_1293] : memref<32x8x64xf32, #tpu.memory_space<vmem>>[vector<16xi32>, vector<16xi32>, vector<16xi32>], vector<16xf32>,
      %gather3A_1295 = tpu.vector_load_idx %arg13[%add3A_1206, %and3A_1231, %add3A_1293] : memref<32x8x64xf32, #tpu.memory_space<vmem>>[vector<16xi32>, vector<16xi32>, vector<16xi32>], vector<16xf32>,
      %mul3A_1296 = arith.mulf %gather3A_1294, %gather3A_1295 : vector<16xf32>
      %add3A_1297 = arith.addf %add3A_1290, %mul3A_1296 : vector<16xf32>
      %add3A_1298 = arith.constant 8 : i32
      %add3A_1299 = vector.broadcast %add3A_1298 : i32 to vector<16xi32>
      %add3A_1300 = arith.addi %mul3A_15, %add3A_1299 : vector<16xi32>
      %gather3A_1301 = tpu.vector_load_idx %arg12[%add3A_1206, %and3A_1228, %add3A_1300] : memref<32x8x64xf32, #tpu.memory_space<vmem>>[vector<16xi32>, vector<16xi32>, vector<16xi32>], vector<16xf32>,
      %gather3A_1302 = tpu.vector_load_idx %arg13[%add3A_1206, %and3A_1231, %add3A_1300] : memref<32x8x64xf32, #tpu.memory_space<vmem>>[vector<16xi32>, vector<16xi32>, vector<16xi32>], vector<16xf32>,
      %mul3A_1303 = arith.mulf %gather3A_1301, %gather3A_1302 : vector<16xf32>
      %add3A_1304 = arith.addf %add3A_1297, %mul3A_1303 : vector<16xf32>
      %add3A_1305 = arith.constant 9 : i32
      %add3A_1306 = vector.broadcast %add3A_1305 : i32 to vector<16xi32>
      %add3A_1307 = arith.addi %mul3A_15, %add3A_1306 : vector<16xi32>
      %gather3A_1308 = tpu.vector_load_idx %arg12[%add3A_1206, %and3A_1228, %add3A_1307] : memref<32x8x64xf32, #tpu.memory_space<vmem>>[vector<16xi32>, vector<16xi32>, vector<16xi32>], vector<16xf32>,
      %gather3A_1309 = tpu.vector_load_idx %arg13[%add3A_1206, %and3A_1231, %add3A_1307] : memref<32x8x64xf32, #tpu.memory_space<vmem>>[vector<16xi32>, vector<16xi32>, vector<16xi32>], vector<16xf32>,
      %mul3A_1310 = arith.mulf %gather3A_1308, %gather3A_1309 : vector<16xf32>
      %add3A_1311 = arith.addf %add3A_1304, %mul3A_1310 : vector<16xf32>
      %add3A_1312 = arith.constant 10 : i32
      %add3A_1313 = vector.broadcast %add3A_1312 : i32 to vector<16xi32>
      %add3A_1314 = arith.addi %mul3A_15, %add3A_1313 : vector<16xi32>
      %gather3A_1315 = tpu.vector_load_idx %arg12[%add3A_1206, %and3A_1228, %add3A_1314] : memref<32x8x64xf32, #tpu.memory_space<vmem>>[vector<16xi32>, vector<16xi32>, vector<16xi32>], vector<16xf32>,
      %gather3A_1316 = tpu.vector_load_idx %arg13[%add3A_1206, %and3A_1231, %add3A_1314] : memref<32x8x64xf32, #tpu.memory_space<vmem>>[vector<16xi32>, vector<16xi32>, vector<16xi32>], vector<16xf32>,
      %mul3A_1317 = arith.mulf %gather3A_1315, %gather3A_1316 : vector<16xf32>
      %add3A_1318 = arith.addf %add3A_1311, %mul3A_1317 : vector<16xf32>
      %add3A_1319 = arith.constant 11 : i32
      %add3A_1320 = vector.broadcast %add3A_1319 : i32 to vector<16xi32>
      %add3A_1321 = arith.addi %mul3A_15, %add3A_1320 : vector<16xi32>
      %gather3A_1322 = tpu.vector_load_idx %arg12[%add3A_1206, %and3A_1228, %add3A_1321] : memref<32x8x64xf32, #tpu.memory_space<vmem>>[vector<16xi32>, vector<16xi32>, vector<16xi32>], vector<16xf32>,
      %gather3A_1323 = tpu.vector_load_idx %arg13[%add3A_1206, %and3A_1231, %add3A_1321] : memref<32x8x64xf32, #tpu.memory_space<vmem>>[vector<16xi32>, vector<16xi32>, vector<16xi32>], vector<16xf32>,
      %mul3A_1324 = arith.mulf %gather3A_1322, %gather3A_1323 : vector<16xf32>
      %add3A_1325 = arith.addf %add3A_1318, %mul3A_1324 : vector<16xf32>
      %add3A_1326 = arith.constant 12 : i32
      %add3A_1327 = vector.broadcast %add3A_1326 : i32 to vector<16xi32>
      %add3A_1328 = arith.addi %mul3A_15, %add3A_1327 : vector<16xi32>
      %gather3A_1329 = tpu.vector_load_idx %arg12[%add3A_1206, %and3A_1228, %add3A_1328] : memref<32x8x64xf32, #tpu.memory_space<vmem>>[vector<16xi32>, vector<16xi32>, vector<16xi32>], vector<16xf32>,
      %gather3A_1330 = tpu.vector_load_idx %arg13[%add3A_1206, %and3A_1231, %add3A_1328] : memref<32x8x64xf32, #tpu.memory_space<vmem>>[vector<16xi32>, vector<16xi32>, vector<16xi32>], vector<16xf32>,
      %mul3A_1331 = arith.mulf %gather3A_1329, %gather3A_1330 : vector<16xf32>
      %add3A_1332 = arith.addf %add3A_1325, %mul3A_1331 : vector<16xf32>
      %add3A_1333 = arith.constant 13 : i32
      %add3A_1334 = vector.broadcast %add3A_1333 : i32 to vector<16xi32>
      %add3A_1335 = arith.addi %mul3A_15, %add3A_1334 : vector<16xi32>
      %gather3A_1336 = tpu.vector_load_idx %arg12[%add3A_1206, %and3A_1228, %add3A_1335] : memref<32x8x64xf32, #tpu.memory_space<vmem>>[vector<16xi32>, vector<16xi32>, vector<16xi32>], vector<16xf32>,
      %gather3A_1337 = tpu.vector_load_idx %arg13[%add3A_1206, %and3A_1231, %add3A_1335] : memref<32x8x64xf32, #tpu.memory_space<vmem>>[vector<16xi32>, vector<16xi32>, vector<16xi32>], vector<16xf32>,
      %mul3A_1338 = arith.mulf %gather3A_1336, %gather3A_1337 : vector<16xf32>
      %add3A_1339 = arith.addf %add3A_1332, %mul3A_1338 : vector<16xf32>
      %add3A_1340 = arith.constant 14 : i32
      %add3A_1341 = vector.broadcast %add3A_1340 : i32 to vector<16xi32>
      %add3A_1342 = arith.addi %mul3A_15, %add3A_1341 : vector<16xi32>
      %gather3A_1343 = tpu.vector_load_idx %arg12[%add3A_1206, %and3A_1228, %add3A_1342] : memref<32x8x64xf32, #tpu.memory_space<vmem>>[vector<16xi32>, vector<16xi32>, vector<16xi32>], vector<16xf32>,
      %gather3A_1344 = tpu.vector_load_idx %arg13[%add3A_1206, %and3A_1231, %add3A_1342] : memref<32x8x64xf32, #tpu.memory_space<vmem>>[vector<16xi32>, vector<16xi32>, vector<16xi32>], vector<16xf32>,
      %mul3A_1345 = arith.mulf %gather3A_1343, %gather3A_1344 : vector<16xf32>
      %add3A_1346 = arith.addf %add3A_1339, %mul3A_1345 : vector<16xf32>
      %add3A_1347 = arith.constant 15 : i32
      %add3A_1348 = vector.broadcast %add3A_1347 : i32 to vector<16xi32>
      %add3A_1349 = arith.addi %mul3A_15, %add3A_1348 : vector<16xi32>
      %gather3A_1350 = tpu.vector_load_idx %arg12[%add3A_1206, %and3A_1228, %add3A_1349] : memref<32x8x64xf32, #tpu.memory_space<vmem>>[vector<16xi32>, vector<16xi32>, vector<16xi32>], vector<16xf32>,
      %gather3A_1351 = tpu.vector_load_idx %arg13[%add3A_1206, %and3A_1231, %add3A_1349] : memref<32x8x64xf32, #tpu.memory_space<vmem>>[vector<16xi32>, vector<16xi32>, vector<16xi32>], vector<16xf32>,
      %mul3A_1352 = arith.mulf %gather3A_1350, %gather3A_1351 : vector<16xf32>
      %add3A_1353 = arith.addf %add3A_1346, %mul3A_1352 : vector<16xf32>
      %add3A_1354 = arith.constant 16 : i32
      %add3A_1355 = vector.broadcast %add3A_1354 : i32 to vector<16xi32>
      %add3A_1356 = arith.addi %mul3A_15, %add3A_1355 : vector<16xi32>
      %gather3A_1357 = tpu.vector_load_idx %arg12[%add3A_1206, %and3A_1228, %add3A_1356] : memref<32x8x64xf32, #tpu.memory_space<vmem>>[vector<16xi32>, vector<16xi32>, vector<16xi32>], vector<16xf32>,
      %gather3A_1358 = tpu.vector_load_idx %arg13[%add3A_1206, %and3A_1231, %add3A_1356] : memref<32x8x64xf32, #tpu.memory_space<vmem>>[vector<16xi32>, vector<16xi32>, vector<16xi32>], vector<16xf32>,
      %mul3A_1359 = arith.mulf %gather3A_1357, %gather3A_1358 : vector<16xf32>
      %add3A_1360 = arith.addf %add3A_1353, %mul3A_1359 : vector<16xf32>
      %add3A_1361 = arith.constant 17 : i32
      %add3A_1362 = vector.broadcast %add3A_1361 : i32 to vector<16xi32>
      %add3A_1363 = arith.addi %mul3A_15, %add3A_1362 : vector<16xi32>
      %gather3A_1364 = tpu.vector_load_idx %arg12[%add3A_1206, %and3A_1228, %add3A_1363] : memref<32x8x64xf32, #tpu.memory_space<vmem>>[vector<16xi32>, vector<16xi32>, vector<16xi32>], vector<16xf32>,
      %gather3A_1365 = tpu.vector_load_idx %arg13[%add3A_1206, %and3A_1231, %add3A_1363] : memref<32x8x64xf32, #tpu.memory_space<vmem>>[vector<16xi32>, vector<16xi32>, vector<16xi32>], vector<16xf32>,
      %mul3A_1366 = arith.mulf %gather3A_1364, %gather3A_1365 : vector<16xf32>
      %add3A_1367 = arith.addf %add3A_1360, %mul3A_1366 : vector<16xf32>
      %add3A_1368 = arith.constant 18 : i32
      %add3A_1369 = vector.broadcast %add3A_1368 : i32 to vector<16xi32>
      %add3A_1370 = arith.addi %mul3A_15, %add3A_1369 : vector<16xi32>
      %gather3A_1371 = tpu.vector_load_idx %arg12[%add3A_1206, %and3A_1228, %add3A_1370] : memref<32x8x64xf32, #tpu.memory_space<vmem>>[vector<16xi32>, vector<16xi32>, vector<16xi32>], vector<16xf32>,
      %gather3A_1372 = tpu.vector_load_idx %arg13[%add3A_1206, %and3A_1231, %add3A_1370] : memref<32x8x64xf32, #tpu.memory_space<vmem>>[vector<16xi32>, vector<16xi32>, vector<16xi32>], vector<16xf32>,
      %mul3A_1373 = arith.mulf %gather3A_1371, %gather3A_1372 : vector<16xf32>
      %add3A_1374 = arith.addf %add3A_1367, %mul3A_1373 : vector<16xf32>
      %add3A_1375 = arith.constant 19 : i32
      %add3A_1376 = vector.broadcast %add3A_1375 : i32 to vector<16xi32>
      %add3A_1377 = arith.addi %mul3A_15, %add3A_1376 : vector<16xi32>
      %gather3A_1378 = tpu.vector_load_idx %arg12[%add3A_1206, %and3A_1228, %add3A_1377] : memref<32x8x64xf32, #tpu.memory_space<vmem>>[vector<16xi32>, vector<16xi32>, vector<16xi32>], vector<16xf32>,
      %gather3A_1379 = tpu.vector_load_idx %arg13[%add3A_1206, %and3A_1231, %add3A_1377] : memref<32x8x64xf32, #tpu.memory_space<vmem>>[vector<16xi32>, vector<16xi32>, vector<16xi32>], vector<16xf32>,
      %mul3A_1380 = arith.mulf %gather3A_1378, %gather3A_1379 : vector<16xf32>
      %add3A_1381 = arith.addf %add3A_1374, %mul3A_1380 : vector<16xf32>
      %add3A_1382 = arith.constant 20 : i32
      %add3A_1383 = vector.broadcast %add3A_1382 : i32 to vector<16xi32>
      %add3A_1384 = arith.addi %mul3A_15, %add3A_1383 : vector<16xi32>
      %gather3A_1385 = tpu.vector_load_idx %arg12[%add3A_1206, %and3A_1228, %add3A_1384] : memref<32x8x64xf32, #tpu.memory_space<vmem>>[vector<16xi32>, vector<16xi32>, vector<16xi32>], vector<16xf32>,
      %gather3A_1386 = tpu.vector_load_idx %arg13[%add3A_1206, %and3A_1231, %add3A_1384] : memref<32x8x64xf32, #tpu.memory_space<vmem>>[vector<16xi32>, vector<16xi32>, vector<16xi32>], vector<16xf32>,
      %mul3A_1387 = arith.mulf %gather3A_1385, %gather3A_1386 : vector<16xf32>
      %add3A_1388 = arith.addf %add3A_1381, %mul3A_1387 : vector<16xf32>
      %add3A_1389 = arith.constant 21 : i32
      %add3A_1390 = vector.broadcast %add3A_1389 : i32 to vector<16xi32>
      %add3A_1391 = arith.addi %mul3A_15, %add3A_1390 : vector<16xi32>
      %gather3A_1392 = tpu.vector_load_idx %arg12[%add3A_1206, %and3A_1228, %add3A_1391] : memref<32x8x64xf32, #tpu.memory_space<vmem>>[vector<16xi32>, vector<16xi32>, vector<16xi32>], vector<16xf32>,
      %gather3A_1393 = tpu.vector_load_idx %arg13[%add3A_1206, %and3A_1231, %add3A_1391] : memref<32x8x64xf32, #tpu.memory_space<vmem>>[vector<16xi32>, vector<16xi32>, vector<16xi32>], vector<16xf32>,
      %mul3A_1394 = arith.mulf %gather3A_1392, %gather3A_1393 : vector<16xf32>
      %add3A_1395 = arith.addf %add3A_1388, %mul3A_1394 : vector<16xf32>
      %add3A_1396 = arith.constant 22 : i32
      %add3A_1397 = vector.broadcast %add3A_1396 : i32 to vector<16xi32>
      %add3A_1398 = arith.addi %mul3A_15, %add3A_1397 : vector<16xi32>
      %gather3A_1399 = tpu.vector_load_idx %arg12[%add3A_1206, %and3A_1228, %add3A_1398] : memref<32x8x64xf32, #tpu.memory_space<vmem>>[vector<16xi32>, vector<16xi32>, vector<16xi32>], vector<16xf32>,
      %gather3A_1400 = tpu.vector_load_idx %arg13[%add3A_1206, %and3A_1231, %add3A_1398] : memref<32x8x64xf32, #tpu.memory_space<vmem>>[vector<16xi32>, vector<16xi32>, vector<16xi32>], vector<16xf32>,
      %mul3A_1401 = arith.mulf %gather3A_1399, %gather3A_1400 : vector<16xf32>
      %add3A_1402 = arith.addf %add3A_1395, %mul3A_1401 : vector<16xf32>
      %add3A_1403 = arith.constant 23 : i32
      %add3A_1404 = vector.broadcast %add3A_1403 : i32 to vector<16xi32>
      %add3A_1405 = arith.addi %mul3A_15, %add3A_1404 : vector<16xi32>
      %gather3A_1406 = tpu.vector_load_idx %arg12[%add3A_1206, %and3A_1228, %add3A_1405] : memref<32x8x64xf32, #tpu.memory_space<vmem>>[vector<16xi32>, vector<16xi32>, vector<16xi32>], vector<16xf32>,
      %gather3A_1407 = tpu.vector_load_idx %arg13[%add3A_1206, %and3A_1231, %add3A_1405] : memref<32x8x64xf32, #tpu.memory_space<vmem>>[vector<16xi32>, vector<16xi32>, vector<16xi32>], vector<16xf32>,
      %mul3A_1408 = arith.mulf %gather3A_1406, %gather3A_1407 : vector<16xf32>
      %add3A_1409 = arith.addf %add3A_1402, %mul3A_1408 : vector<16xf32>
      %add3A_1410 = arith.constant 24 : i32
      %add3A_1411 = vector.broadcast %add3A_1410 : i32 to vector<16xi32>
      %add3A_1412 = arith.addi %mul3A_15, %add3A_1411 : vector<16xi32>
      %gather3A_1413 = tpu.vector_load_idx %arg12[%add3A_1206, %and3A_1228, %add3A_1412] : memref<32x8x64xf32, #tpu.memory_space<vmem>>[vector<16xi32>, vector<16xi32>, vector<16xi32>], vector<16xf32>,
      %gather3A_1414 = tpu.vector_load_idx %arg13[%add3A_1206, %and3A_1231, %add3A_1412] : memref<32x8x64xf32, #tpu.memory_space<vmem>>[vector<16xi32>, vector<16xi32>, vector<16xi32>], vector<16xf32>,
      %mul3A_1415 = arith.mulf %gather3A_1413, %gather3A_1414 : vector<16xf32>
      %add3A_1416 = arith.addf %add3A_1409, %mul3A_1415 : vector<16xf32>
      %add3A_1417 = arith.constant 25 : i32
      %add3A_1418 = vector.broadcast %add3A_1417 : i32 to vector<16xi32>
      %add3A_1419 = arith.addi %mul3A_15, %add3A_1418 : vector<16xi32>
      %gather3A_1420 = tpu.vector_load_idx %arg12[%add3A_1206, %and3A_1228, %add3A_1419] : memref<32x8x64xf32, #tpu.memory_space<vmem>>[vector<16xi32>, vector<16xi32>, vector<16xi32>], vector<16xf32>,
      %gather3A_1421 = tpu.vector_load_idx %arg13[%add3A_1206, %and3A_1231, %add3A_1419] : memref<32x8x64xf32, #tpu.memory_space<vmem>>[vector<16xi32>, vector<16xi32>, vector<16xi32>], vector<16xf32>,
      %mul3A_1422 = arith.mulf %gather3A_1420, %gather3A_1421 : vector<16xf32>
      %add3A_1423 = arith.addf %add3A_1416, %mul3A_1422 : vector<16xf32>
      %add3A_1424 = arith.constant 26 : i32
      %add3A_1425 = vector.broadcast %add3A_1424 : i32 to vector<16xi32>
      %add3A_1426 = arith.addi %mul3A_15, %add3A_1425 : vector<16xi32>
      %gather3A_1427 = tpu.vector_load_idx %arg12[%add3A_1206, %and3A_1228, %add3A_1426] : memref<32x8x64xf32, #tpu.memory_space<vmem>>[vector<16xi32>, vector<16xi32>, vector<16xi32>], vector<16xf32>,
      %gather3A_1428 = tpu.vector_load_idx %arg13[%add3A_1206, %and3A_1231, %add3A_1426] : memref<32x8x64xf32, #tpu.memory_space<vmem>>[vector<16xi32>, vector<16xi32>, vector<16xi32>], vector<16xf32>,
      %mul3A_1429 = arith.mulf %gather3A_1427, %gather3A_1428 : vector<16xf32>
      %add3A_1430 = arith.addf %add3A_1423, %mul3A_1429 : vector<16xf32>
      %add3A_1431 = arith.constant 27 : i32
      %add3A_1432 = vector.broadcast %add3A_1431 : i32 to vector<16xi32>
      %add3A_1433 = arith.addi %mul3A_15, %add3A_1432 : vector<16xi32>
      %gather3A_1434 = tpu.vector_load_idx %arg12[%add3A_1206, %and3A_1228, %add3A_1433] : memref<32x8x64xf32, #tpu.memory_space<vmem>>[vector<16xi32>, vector<16xi32>, vector<16xi32>], vector<16xf32>,
      %gather3A_1435 = tpu.vector_load_idx %arg13[%add3A_1206, %and3A_1231, %add3A_1433] : memref<32x8x64xf32, #tpu.memory_space<vmem>>[vector<16xi32>, vector<16xi32>, vector<16xi32>], vector<16xf32>,
      %mul3A_1436 = arith.mulf %gather3A_1434, %gather3A_1435 : vector<16xf32>
      %add3A_1437 = arith.addf %add3A_1430, %mul3A_1436 : vector<16xf32>
      %add3A_1438 = arith.constant 28 : i32
      %add3A_1439 = vector.broadcast %add3A_1438 : i32 to vector<16xi32>
      %add3A_1440 = arith.addi %mul3A_15, %add3A_1439 : vector<16xi32>
      %gather3A_1441 = tpu.vector_load_idx %arg12[%add3A_1206, %and3A_1228, %add3A_1440] : memref<32x8x64xf32, #tpu.memory_space<vmem>>[vector<16xi32>, vector<16xi32>, vector<16xi32>], vector<16xf32>,
      %gather3A_1442 = tpu.vector_load_idx %arg13[%add3A_1206, %and3A_1231, %add3A_1440] : memref<32x8x64xf32, #tpu.memory_space<vmem>>[vector<16xi32>, vector<16xi32>, vector<16xi32>], vector<16xf32>,
      %mul3A_1443 = arith.mulf %gather3A_1441, %gather3A_1442 : vector<16xf32>
      %add3A_1444 = arith.addf %add3A_1437, %mul3A_1443 : vector<16xf32>
      %add3A_1445 = arith.constant 29 : i32
      %add3A_1446 = vector.broadcast %add3A_1445 : i32 to vector<16xi32>
      %add3A_1447 = arith.addi %mul3A_15, %add3A_1446 : vector<16xi32>
      %gather3A_1448 = tpu.vector_load_idx %arg12[%add3A_1206, %and3A_1228, %add3A_1447] : memref<32x8x64xf32, #tpu.memory_space<vmem>>[vector<16xi32>, vector<16xi32>, vector<16xi32>], vector<16xf32>,
      %gather3A_1449 = tpu.vector_load_idx %arg13[%add3A_1206, %and3A_1231, %add3A_1447] : memref<32x8x64xf32, #tpu.memory_space<vmem>>[vector<16xi32>, vector<16xi32>, vector<16xi32>], vector<16xf32>,
      %mul3A_1450 = arith.mulf %gather3A_1448, %gather3A_1449 : vector<16xf32>
      %add3A_1451 = arith.addf %add3A_1444, %mul3A_1450 : vector<16xf32>
      %add3A_1452 = arith.constant 30 : i32
      %add3A_1453 = vector.broadcast %add3A_1452 : i32 to vector<16xi32>
      %add3A_1454 = arith.addi %mul3A_15, %add3A_1453 : vector<16xi32>
      %gather3A_1455 = tpu.vector_load_idx %arg12[%add3A_1206, %and3A_1228, %add3A_1454] : memref<32x8x64xf32, #tpu.memory_space<vmem>>[vector<16xi32>, vector<16xi32>, vector<16xi32>], vector<16xf32>,
      %gather3A_1456 = tpu.vector_load_idx %arg13[%add3A_1206, %and3A_1231, %add3A_1454] : memref<32x8x64xf32, #tpu.memory_space<vmem>>[vector<16xi32>, vector<16xi32>, vector<16xi32>], vector<16xf32>,
      %mul3A_1457 = arith.mulf %gather3A_1455, %gather3A_1456 : vector<16xf32>
      %add3A_1458 = arith.addf %add3A_1451, %mul3A_1457 : vector<16xf32>
      %add3A_1459 = arith.constant 31 : i32
      %add3A_1460 = vector.broadcast %add3A_1459 : i32 to vector<16xi32>
      %add3A_1461 = arith.addi %mul3A_15, %add3A_1460 : vector<16xi32>
      %gather3A_1462 = tpu.vector_load_idx %arg12[%add3A_1206, %and3A_1228, %add3A_1461] : memref<32x8x64xf32, #tpu.memory_space<vmem>>[vector<16xi32>, vector<16xi32>, vector<16xi32>], vector<16xf32>,
      %gather3A_1463 = tpu.vector_load_idx %arg13[%add3A_1206, %and3A_1231, %add3A_1461] : memref<32x8x64xf32, #tpu.memory_space<vmem>>[vector<16xi32>, vector<16xi32>, vector<16xi32>], vector<16xf32>,
      %mul3A_1464 = arith.mulf %gather3A_1462, %gather3A_1463 : vector<16xf32>
      %add3A_1465 = arith.addf %add3A_1458, %mul3A_1464 : vector<16xf32>
      %add3A_1466 = arith.constant 32 : i32
      %add3A_1467 = vector.broadcast %add3A_1466 : i32 to vector<16xi32>
      %add3A_1468 = arith.addi %mul3A_15, %add3A_1467 : vector<16xi32>
      %gather3A_1469 = tpu.vector_load_idx %arg12[%add3A_1206, %and3A_1228, %add3A_1468] : memref<32x8x64xf32, #tpu.memory_space<vmem>>[vector<16xi32>, vector<16xi32>, vector<16xi32>], vector<16xf32>,
      %gather3A_1470 = tpu.vector_load_idx %arg13[%add3A_1206, %and3A_1231, %add3A_1468] : memref<32x8x64xf32, #tpu.memory_space<vmem>>[vector<16xi32>, vector<16xi32>, vector<16xi32>], vector<16xf32>,
      %mul3A_1471 = arith.mulf %gather3A_1469, %gather3A_1470 : vector<16xf32>
      %add3A_1472 = arith.addf %add3A_1465, %mul3A_1471 : vector<16xf32>
      %add3A_1473 = arith.constant 33 : i32
      %add3A_1474 = vector.broadcast %add3A_1473 : i32 to vector<16xi32>
      %add3A_1475 = arith.addi %mul3A_15, %add3A_1474 : vector<16xi32>
      %gather3A_1476 = tpu.vector_load_idx %arg12[%add3A_1206, %and3A_1228, %add3A_1475] : memref<32x8x64xf32, #tpu.memory_space<vmem>>[vector<16xi32>, vector<16xi32>, vector<16xi32>], vector<16xf32>,
      %gather3A_1477 = tpu.vector_load_idx %arg13[%add3A_1206, %and3A_1231, %add3A_1475] : memref<32x8x64xf32, #tpu.memory_space<vmem>>[vector<16xi32>, vector<16xi32>, vector<16xi32>], vector<16xf32>,
      %mul3A_1478 = arith.mulf %gather3A_1476, %gather3A_1477 : vector<16xf32>
      %add3A_1479 = arith.addf %add3A_1472, %mul3A_1478 : vector<16xf32>
      %add3A_1480 = arith.constant 34 : i32
      %add3A_1481 = vector.broadcast %add3A_1480 : i32 to vector<16xi32>
      %add3A_1482 = arith.addi %mul3A_15, %add3A_1481 : vector<16xi32>
      %gather3A_1483 = tpu.vector_load_idx %arg12[%add3A_1206, %and3A_1228, %add3A_1482] : memref<32x8x64xf32, #tpu.memory_space<vmem>>[vector<16xi32>, vector<16xi32>, vector<16xi32>], vector<16xf32>,
      %gather3A_1484 = tpu.vector_load_idx %arg13[%add3A_1206, %and3A_1231, %add3A_1482] : memref<32x8x64xf32, #tpu.memory_space<vmem>>[vector<16xi32>, vector<16xi32>, vector<16xi32>], vector<16xf32>,
      %mul3A_1485 = arith.mulf %gather3A_1483, %gather3A_1484 : vector<16xf32>
      %add3A_1486 = arith.addf %add3A_1479, %mul3A_1485 : vector<16xf32>
      %add3A_1487 = arith.constant 35 : i32
      %add3A_1488 = vector.broadcast %add3A_1487 : i32 to vector<16xi32>
      %add3A_1489 = arith.addi %mul3A_15, %add3A_1488 : vector<16xi32>
      %gather3A_1490 = tpu.vector_load_idx %arg12[%add3A_1206, %and3A_1228, %add3A_1489] : memref<32x8x64xf32, #tpu.memory_space<vmem>>[vector<16xi32>, vector<16xi32>, vector<16xi32>], vector<16xf32>,
      %gather3A_1491 = tpu.vector_load_idx %arg13[%add3A_1206, %and3A_1231, %add3A_1489] : memref<32x8x64xf32, #tpu.memory_space<vmem>>[vector<16xi32>, vector<16xi32>, vector<16xi32>], vector<16xf32>,
      %mul3A_1492 = arith.mulf %gather3A_1490, %gather3A_1491 : vector<16xf32>
      %add3A_1493 = arith.addf %add3A_1486, %mul3A_1492 : vector<16xf32>
      %add3A_1494 = arith.constant 36 : i32
      %add3A_1495 = vector.broadcast %add3A_1494 : i32 to vector<16xi32>
      %add3A_1496 = arith.addi %mul3A_15, %add3A_1495 : vector<16xi32>
      %gather3A_1497 = tpu.vector_load_idx %arg12[%add3A_1206, %and3A_1228, %add3A_1496] : memref<32x8x64xf32, #tpu.memory_space<vmem>>[vector<16xi32>, vector<16xi32>, vector<16xi32>], vector<16xf32>,
      %gather3A_1498 = tpu.vector_load_idx %arg13[%add3A_1206, %and3A_1231, %add3A_1496] : memref<32x8x64xf32, #tpu.memory_space<vmem>>[vector<16xi32>, vector<16xi32>, vector<16xi32>], vector<16xf32>,
      %mul3A_1499 = arith.mulf %gather3A_1497, %gather3A_1498 : vector<16xf32>
      %add3A_1500 = arith.addf %add3A_1493, %mul3A_1499 : vector<16xf32>
      %add3A_1501 = arith.constant 37 : i32
      %add3A_1502 = vector.broadcast %add3A_1501 : i32 to vector<16xi32>
      %add3A_1503 = arith.addi %mul3A_15, %add3A_1502 : vector<16xi32>
      %gather3A_1504 = tpu.vector_load_idx %arg12[%add3A_1206, %and3A_1228, %add3A_1503] : memref<32x8x64xf32, #tpu.memory_space<vmem>>[vector<16xi32>, vector<16xi32>, vector<16xi32>], vector<16xf32>,
      %gather3A_1505 = tpu.vector_load_idx %arg13[%add3A_1206, %and3A_1231, %add3A_1503] : memref<32x8x64xf32, #tpu.memory_space<vmem>>[vector<16xi32>, vector<16xi32>, vector<16xi32>], vector<16xf32>,
      %mul3A_1506 = arith.mulf %gather3A_1504, %gather3A_1505 : vector<16xf32>
      %add3A_1507 = arith.addf %add3A_1500, %mul3A_1506 : vector<16xf32>
      %add3A_1508 = arith.constant 38 : i32
      %add3A_1509 = vector.broadcast %add3A_1508 : i32 to vector<16xi32>
      %add3A_1510 = arith.addi %mul3A_15, %add3A_1509 : vector<16xi32>
      %gather3A_1511 = tpu.vector_load_idx %arg12[%add3A_1206, %and3A_1228, %add3A_1510] : memref<32x8x64xf32, #tpu.memory_space<vmem>>[vector<16xi32>, vector<16xi32>, vector<16xi32>], vector<16xf32>,
      %gather3A_1512 = tpu.vector_load_idx %arg13[%add3A_1206, %and3A_1231, %add3A_1510] : memref<32x8x64xf32, #tpu.memory_space<vmem>>[vector<16xi32>, vector<16xi32>, vector<16xi32>], vector<16xf32>,
      %mul3A_1513 = arith.mulf %gather3A_1511, %gather3A_1512 : vector<16xf32>
      %add3A_1514 = arith.addf %add3A_1507, %mul3A_1513 : vector<16xf32>
      %add3A_1515 = arith.constant 39 : i32
      %add3A_1516 = vector.broadcast %add3A_1515 : i32 to vector<16xi32>
      %add3A_1517 = arith.addi %mul3A_15, %add3A_1516 : vector<16xi32>
      %gather3A_1518 = tpu.vector_load_idx %arg12[%add3A_1206, %and3A_1228, %add3A_1517] : memref<32x8x64xf32, #tpu.memory_space<vmem>>[vector<16xi32>, vector<16xi32>, vector<16xi32>], vector<16xf32>,
      %gather3A_1519 = tpu.vector_load_idx %arg13[%add3A_1206, %and3A_1231, %add3A_1517] : memref<32x8x64xf32, #tpu.memory_space<vmem>>[vector<16xi32>, vector<16xi32>, vector<16xi32>], vector<16xf32>,
      %mul3A_1520 = arith.mulf %gather3A_1518, %gather3A_1519 : vector<16xf32>
      %add3A_1521 = arith.addf %add3A_1514, %mul3A_1520 : vector<16xf32>
      %add3A_1522 = arith.constant 40 : i32
      %add3A_1523 = vector.broadcast %add3A_1522 : i32 to vector<16xi32>
      %add3A_1524 = arith.addi %mul3A_15, %add3A_1523 : vector<16xi32>
      %gather3A_1525 = tpu.vector_load_idx %arg12[%add3A_1206, %and3A_1228, %add3A_1524] : memref<32x8x64xf32, #tpu.memory_space<vmem>>[vector<16xi32>, vector<16xi32>, vector<16xi32>], vector<16xf32>,
      %gather3A_1526 = tpu.vector_load_idx %arg13[%add3A_1206, %and3A_1231, %add3A_1524] : memref<32x8x64xf32, #tpu.memory_space<vmem>>[vector<16xi32>, vector<16xi32>, vector<16xi32>], vector<16xf32>,
      %mul3A_1527 = arith.mulf %gather3A_1525, %gather3A_1526 : vector<16xf32>
      %add3A_1528 = arith.addf %add3A_1521, %mul3A_1527 : vector<16xf32>
      %add3A_1529 = arith.constant 41 : i32
      %add3A_1530 = vector.broadcast %add3A_1529 : i32 to vector<16xi32>
      %add3A_1531 = arith.addi %mul3A_15, %add3A_1530 : vector<16xi32>
      %gather3A_1532 = tpu.vector_load_idx %arg12[%add3A_1206, %and3A_1228, %add3A_1531] : memref<32x8x64xf32, #tpu.memory_space<vmem>>[vector<16xi32>, vector<16xi32>, vector<16xi32>], vector<16xf32>,
      %gather3A_1533 = tpu.vector_load_idx %arg13[%add3A_1206, %and3A_1231, %add3A_1531] : memref<32x8x64xf32, #tpu.memory_space<vmem>>[vector<16xi32>, vector<16xi32>, vector<16xi32>], vector<16xf32>,
      %mul3A_1534 = arith.mulf %gather3A_1532, %gather3A_1533 : vector<16xf32>
      %add3A_1535 = arith.addf %add3A_1528, %mul3A_1534 : vector<16xf32>
      %add3A_1536 = arith.constant 42 : i32
      %add3A_1537 = vector.broadcast %add3A_1536 : i32 to vector<16xi32>
      %add3A_1538 = arith.addi %mul3A_15, %add3A_1537 : vector<16xi32>
      %gather3A_1539 = tpu.vector_load_idx %arg12[%add3A_1206, %and3A_1228, %add3A_1538] : memref<32x8x64xf32, #tpu.memory_space<vmem>>[vector<16xi32>, vector<16xi32>, vector<16xi32>], vector<16xf32>,
      %gather3A_1540 = tpu.vector_load_idx %arg13[%add3A_1206, %and3A_1231, %add3A_1538] : memref<32x8x64xf32, #tpu.memory_space<vmem>>[vector<16xi32>, vector<16xi32>, vector<16xi32>], vector<16xf32>,
      %mul3A_1541 = arith.mulf %gather3A_1539, %gather3A_1540 : vector<16xf32>
      %add3A_1542 = arith.addf %add3A_1535, %mul3A_1541 : vector<16xf32>
      %add3A_1543 = arith.constant 43 : i32
      %add3A_1544 = vector.broadcast %add3A_1543 : i32 to vector<16xi32>
      %add3A_1545 = arith.addi %mul3A_15, %add3A_1544 : vector<16xi32>
      %gather3A_1546 = tpu.vector_load_idx %arg12[%add3A_1206, %and3A_1228, %add3A_1545] : memref<32x8x64xf32, #tpu.memory_space<vmem>>[vector<16xi32>, vector<16xi32>, vector<16xi32>], vector<16xf32>,
      %gather3A_1547 = tpu.vector_load_idx %arg13[%add3A_1206, %and3A_1231, %add3A_1545] : memref<32x8x64xf32, #tpu.memory_space<vmem>>[vector<16xi32>, vector<16xi32>, vector<16xi32>], vector<16xf32>,
      %mul3A_1548 = arith.mulf %gather3A_1546, %gather3A_1547 : vector<16xf32>
      %add3A_1549 = arith.addf %add3A_1542, %mul3A_1548 : vector<16xf32>
      %add3A_1550 = arith.constant 44 : i32
      %add3A_1551 = vector.broadcast %add3A_1550 : i32 to vector<16xi32>
      %add3A_1552 = arith.addi %mul3A_15, %add3A_1551 : vector<16xi32>
      %gather3A_1553 = tpu.vector_load_idx %arg12[%add3A_1206, %and3A_1228, %add3A_1552] : memref<32x8x64xf32, #tpu.memory_space<vmem>>[vector<16xi32>, vector<16xi32>, vector<16xi32>], vector<16xf32>,
      %gather3A_1554 = tpu.vector_load_idx %arg13[%add3A_1206, %and3A_1231, %add3A_1552] : memref<32x8x64xf32, #tpu.memory_space<vmem>>[vector<16xi32>, vector<16xi32>, vector<16xi32>], vector<16xf32>,
      %mul3A_1555 = arith.mulf %gather3A_1553, %gather3A_1554 : vector<16xf32>
      %add3A_1556 = arith.addf %add3A_1549, %mul3A_1555 : vector<16xf32>
      %add3A_1557 = arith.constant 45 : i32
      %add3A_1558 = vector.broadcast %add3A_1557 : i32 to vector<16xi32>
      %add3A_1559 = arith.addi %mul3A_15, %add3A_1558 : vector<16xi32>
      %gather3A_1560 = tpu.vector_load_idx %arg12[%add3A_1206, %and3A_1228, %add3A_1559] : memref<32x8x64xf32, #tpu.memory_space<vmem>>[vector<16xi32>, vector<16xi32>, vector<16xi32>], vector<16xf32>,
      %gather3A_1561 = tpu.vector_load_idx %arg13[%add3A_1206, %and3A_1231, %add3A_1559] : memref<32x8x64xf32, #tpu.memory_space<vmem>>[vector<16xi32>, vector<16xi32>, vector<16xi32>], vector<16xf32>,
      %mul3A_1562 = arith.mulf %gather3A_1560, %gather3A_1561 : vector<16xf32>
      %add3A_1563 = arith.addf %add3A_1556, %mul3A_1562 : vector<16xf32>
      %add3A_1564 = arith.constant 46 : i32
      %add3A_1565 = vector.broadcast %add3A_1564 : i32 to vector<16xi32>
      %add3A_1566 = arith.addi %mul3A_15, %add3A_1565 : vector<16xi32>
      %gather3A_1567 = tpu.vector_load_idx %arg12[%add3A_1206, %and3A_1228, %add3A_1566] : memref<32x8x64xf32, #tpu.memory_space<vmem>>[vector<16xi32>, vector<16xi32>, vector<16xi32>], vector<16xf32>,
      %gather3A_1568 = tpu.vector_load_idx %arg13[%add3A_1206, %and3A_1231, %add3A_1566] : memref<32x8x64xf32, #tpu.memory_space<vmem>>[vector<16xi32>, vector<16xi32>, vector<16xi32>], vector<16xf32>,
      %mul3A_1569 = arith.mulf %gather3A_1567, %gather3A_1568 : vector<16xf32>
      %add3A_1570 = arith.addf %add3A_1563, %mul3A_1569 : vector<16xf32>
      %add3A_1571 = arith.constant 47 : i32
      %add3A_1572 = vector.broadcast %add3A_1571 : i32 to vector<16xi32>
      %add3A_1573 = arith.addi %mul3A_15, %add3A_1572 : vector<16xi32>
      %gather3A_1574 = tpu.vector_load_idx %arg12[%add3A_1206, %and3A_1228, %add3A_1573] : memref<32x8x64xf32, #tpu.memory_space<vmem>>[vector<16xi32>, vector<16xi32>, vector<16xi32>], vector<16xf32>,
      %gather3A_1575 = tpu.vector_load_idx %arg13[%add3A_1206, %and3A_1231, %add3A_1573] : memref<32x8x64xf32, #tpu.memory_space<vmem>>[vector<16xi32>, vector<16xi32>, vector<16xi32>], vector<16xf32>,
      %mul3A_1576 = arith.mulf %gather3A_1574, %gather3A_1575 : vector<16xf32>
      %add3A_1577 = arith.addf %add3A_1570, %mul3A_1576 : vector<16xf32>
      %add3A_1578 = arith.constant 48 : i32
      %add3A_1579 = vector.broadcast %add3A_1578 : i32 to vector<16xi32>
      %add3A_1580 = arith.addi %mul3A_15, %add3A_1579 : vector<16xi32>
      %gather3A_1581 = tpu.vector_load_idx %arg12[%add3A_1206, %and3A_1228, %add3A_1580] : memref<32x8x64xf32, #tpu.memory_space<vmem>>[vector<16xi32>, vector<16xi32>, vector<16xi32>], vector<16xf32>,
      %gather3A_1582 = tpu.vector_load_idx %arg13[%add3A_1206, %and3A_1231, %add3A_1580] : memref<32x8x64xf32, #tpu.memory_space<vmem>>[vector<16xi32>, vector<16xi32>, vector<16xi32>], vector<16xf32>,
      %mul3A_1583 = arith.mulf %gather3A_1581, %gather3A_1582 : vector<16xf32>
      %add3A_1584 = arith.addf %add3A_1577, %mul3A_1583 : vector<16xf32>
      %add3A_1585 = arith.constant 49 : i32
      %add3A_1586 = vector.broadcast %add3A_1585 : i32 to vector<16xi32>
      %add3A_1587 = arith.addi %mul3A_15, %add3A_1586 : vector<16xi32>
      %gather3A_1588 = tpu.vector_load_idx %arg12[%add3A_1206, %and3A_1228, %add3A_1587] : memref<32x8x64xf32, #tpu.memory_space<vmem>>[vector<16xi32>, vector<16xi32>, vector<16xi32>], vector<16xf32>,
      %gather3A_1589 = tpu.vector_load_idx %arg13[%add3A_1206, %and3A_1231, %add3A_1587] : memref<32x8x64xf32, #tpu.memory_space<vmem>>[vector<16xi32>, vector<16xi32>, vector<16xi32>], vector<16xf32>,
      %mul3A_1590 = arith.mulf %gather3A_1588, %gather3A_1589 : vector<16xf32>
      %add3A_1591 = arith.addf %add3A_1584, %mul3A_1590 : vector<16xf32>
      %add3A_1592 = arith.constant 50 : i32
      %add3A_1593 = vector.broadcast %add3A_1592 : i32 to vector<16xi32>
      %add3A_1594 = arith.addi %mul3A_15, %add3A_1593 : vector<16xi32>
      %gather3A_1595 = tpu.vector_load_idx %arg12[%add3A_1206, %and3A_1228, %add3A_1594] : memref<32x8x64xf32, #tpu.memory_space<vmem>>[vector<16xi32>, vector<16xi32>, vector<16xi32>], vector<16xf32>,
      %gather3A_1596 = tpu.vector_load_idx %arg13[%add3A_1206, %and3A_1231, %add3A_1594] : memref<32x8x64xf32, #tpu.memory_space<vmem>>[vector<16xi32>, vector<16xi32>, vector<16xi32>], vector<16xf32>,
      %mul3A_1597 = arith.mulf %gather3A_1595, %gather3A_1596 : vector<16xf32>
      %add3A_1598 = arith.addf %add3A_1591, %mul3A_1597 : vector<16xf32>
      %add3A_1599 = arith.constant 51 : i32
      %add3A_1600 = vector.broadcast %add3A_1599 : i32 to vector<16xi32>
      %add3A_1601 = arith.addi %mul3A_15, %add3A_1600 : vector<16xi32>
      %gather3A_1602 = tpu.vector_load_idx %arg12[%add3A_1206, %and3A_1228, %add3A_1601] : memref<32x8x64xf32, #tpu.memory_space<vmem>>[vector<16xi32>, vector<16xi32>, vector<16xi32>], vector<16xf32>,
      %gather3A_1603 = tpu.vector_load_idx %arg13[%add3A_1206, %and3A_1231, %add3A_1601] : memref<32x8x64xf32, #tpu.memory_space<vmem>>[vector<16xi32>, vector<16xi32>, vector<16xi32>], vector<16xf32>,
      %mul3A_1604 = arith.mulf %gather3A_1602, %gather3A_1603 : vector<16xf32>
      %add3A_1605 = arith.addf %add3A_1598, %mul3A_1604 : vector<16xf32>
      %add3A_1606 = arith.constant 52 : i32
      %add3A_1607 = vector.broadcast %add3A_1606 : i32 to vector<16xi32>
      %add3A_1608 = arith.addi %mul3A_15, %add3A_1607 : vector<16xi32>
      %gather3A_1609 = tpu.vector_load_idx %arg12[%add3A_1206, %and3A_1228, %add3A_1608] : memref<32x8x64xf32, #tpu.memory_space<vmem>>[vector<16xi32>, vector<16xi32>, vector<16xi32>], vector<16xf32>,
      %gather3A_1610 = tpu.vector_load_idx %arg13[%add3A_1206, %and3A_1231, %add3A_1608] : memref<32x8x64xf32, #tpu.memory_space<vmem>>[vector<16xi32>, vector<16xi32>, vector<16xi32>], vector<16xf32>,
      %mul3A_1611 = arith.mulf %gather3A_1609, %gather3A_1610 : vector<16xf32>
      %add3A_1612 = arith.addf %add3A_1605, %mul3A_1611 : vector<16xf32>
      %add3A_1613 = arith.constant 53 : i32
      %add3A_1614 = vector.broadcast %add3A_1613 : i32 to vector<16xi32>
      %add3A_1615 = arith.addi %mul3A_15, %add3A_1614 : vector<16xi32>
      %gather3A_1616 = tpu.vector_load_idx %arg12[%add3A_1206, %and3A_1228, %add3A_1615] : memref<32x8x64xf32, #tpu.memory_space<vmem>>[vector<16xi32>, vector<16xi32>, vector<16xi32>], vector<16xf32>,
      %gather3A_1617 = tpu.vector_load_idx %arg13[%add3A_1206, %and3A_1231, %add3A_1615] : memref<32x8x64xf32, #tpu.memory_space<vmem>>[vector<16xi32>, vector<16xi32>, vector<16xi32>], vector<16xf32>,
      %mul3A_1618 = arith.mulf %gather3A_1616, %gather3A_1617 : vector<16xf32>
      %add3A_1619 = arith.addf %add3A_1612, %mul3A_1618 : vector<16xf32>
      %add3A_1620 = arith.constant 54 : i32
      %add3A_1621 = vector.broadcast %add3A_1620 : i32 to vector<16xi32>
      %add3A_1622 = arith.addi %mul3A_15, %add3A_1621 : vector<16xi32>
      %gather3A_1623 = tpu.vector_load_idx %arg12[%add3A_1206, %and3A_1228, %add3A_1622] : memref<32x8x64xf32, #tpu.memory_space<vmem>>[vector<16xi32>, vector<16xi32>, vector<16xi32>], vector<16xf32>,
      %gather3A_1624 = tpu.vector_load_idx %arg13[%add3A_1206, %and3A_1231, %add3A_1622] : memref<32x8x64xf32, #tpu.memory_space<vmem>>[vector<16xi32>, vector<16xi32>, vector<16xi32>], vector<16xf32>,
      %mul3A_1625 = arith.mulf %gather3A_1623, %gather3A_1624 : vector<16xf32>
      %add3A_1626 = arith.addf %add3A_1619, %mul3A_1625 : vector<16xf32>
      %add3A_1627 = arith.constant 55 : i32
      %add3A_1628 = vector.broadcast %add3A_1627 : i32 to vector<16xi32>
      %add3A_1629 = arith.addi %mul3A_15, %add3A_1628 : vector<16xi32>
      %gather3A_1630 = tpu.vector_load_idx %arg12[%add3A_1206, %and3A_1228, %add3A_1629] : memref<32x8x64xf32, #tpu.memory_space<vmem>>[vector<16xi32>, vector<16xi32>, vector<16xi32>], vector<16xf32>,
      %gather3A_1631 = tpu.vector_load_idx %arg13[%add3A_1206, %and3A_1231, %add3A_1629] : memref<32x8x64xf32, #tpu.memory_space<vmem>>[vector<16xi32>, vector<16xi32>, vector<16xi32>], vector<16xf32>,
      %mul3A_1632 = arith.mulf %gather3A_1630, %gather3A_1631 : vector<16xf32>
      %add3A_1633 = arith.addf %add3A_1626, %mul3A_1632 : vector<16xf32>
      %add3A_1634 = arith.constant 56 : i32
      %add3A_1635 = vector.broadcast %add3A_1634 : i32 to vector<16xi32>
      %add3A_1636 = arith.addi %mul3A_15, %add3A_1635 : vector<16xi32>
      %gather3A_1637 = tpu.vector_load_idx %arg12[%add3A_1206, %and3A_1228, %add3A_1636] : memref<32x8x64xf32, #tpu.memory_space<vmem>>[vector<16xi32>, vector<16xi32>, vector<16xi32>], vector<16xf32>,
      %gather3A_1638 = tpu.vector_load_idx %arg13[%add3A_1206, %and3A_1231, %add3A_1636] : memref<32x8x64xf32, #tpu.memory_space<vmem>>[vector<16xi32>, vector<16xi32>, vector<16xi32>], vector<16xf32>,
      %mul3A_1639 = arith.mulf %gather3A_1637, %gather3A_1638 : vector<16xf32>
      %add3A_1640 = arith.addf %add3A_1633, %mul3A_1639 : vector<16xf32>
      %add3A_1641 = arith.constant 57 : i32
      %add3A_1642 = vector.broadcast %add3A_1641 : i32 to vector<16xi32>
      %add3A_1643 = arith.addi %mul3A_15, %add3A_1642 : vector<16xi32>
      %gather3A_1644 = tpu.vector_load_idx %arg12[%add3A_1206, %and3A_1228, %add3A_1643] : memref<32x8x64xf32, #tpu.memory_space<vmem>>[vector<16xi32>, vector<16xi32>, vector<16xi32>], vector<16xf32>,
      %gather3A_1645 = tpu.vector_load_idx %arg13[%add3A_1206, %and3A_1231, %add3A_1643] : memref<32x8x64xf32, #tpu.memory_space<vmem>>[vector<16xi32>, vector<16xi32>, vector<16xi32>], vector<16xf32>,
      %mul3A_1646 = arith.mulf %gather3A_1644, %gather3A_1645 : vector<16xf32>
      %add3A_1647 = arith.addf %add3A_1640, %mul3A_1646 : vector<16xf32>
      %add3A_1648 = arith.constant 58 : i32
      %add3A_1649 = vector.broadcast %add3A_1648 : i32 to vector<16xi32>
      %add3A_1650 = arith.addi %mul3A_15, %add3A_1649 : vector<16xi32>
      %gather3A_1651 = tpu.vector_load_idx %arg12[%add3A_1206, %and3A_1228, %add3A_1650] : memref<32x8x64xf32, #tpu.memory_space<vmem>>[vector<16xi32>, vector<16xi32>, vector<16xi32>], vector<16xf32>,
      %gather3A_1652 = tpu.vector_load_idx %arg13[%add3A_1206, %and3A_1231, %add3A_1650] : memref<32x8x64xf32, #tpu.memory_space<vmem>>[vector<16xi32>, vector<16xi32>, vector<16xi32>], vector<16xf32>,
      %mul3A_1653 = arith.mulf %gather3A_1651, %gather3A_1652 : vector<16xf32>
      %add3A_1654 = arith.addf %add3A_1647, %mul3A_1653 : vector<16xf32>
      %add3A_1655 = arith.constant 59 : i32
      %add3A_1656 = vector.broadcast %add3A_1655 : i32 to vector<16xi32>
      %add3A_1657 = arith.addi %mul3A_15, %add3A_1656 : vector<16xi32>
      %gather3A_1658 = tpu.vector_load_idx %arg12[%add3A_1206, %and3A_1228, %add3A_1657] : memref<32x8x64xf32, #tpu.memory_space<vmem>>[vector<16xi32>, vector<16xi32>, vector<16xi32>], vector<16xf32>,
      %gather3A_1659 = tpu.vector_load_idx %arg13[%add3A_1206, %and3A_1231, %add3A_1657] : memref<32x8x64xf32, #tpu.memory_space<vmem>>[vector<16xi32>, vector<16xi32>, vector<16xi32>], vector<16xf32>,
      %mul3A_1660 = arith.mulf %gather3A_1658, %gather3A_1659 : vector<16xf32>
      %add3A_1661 = arith.addf %add3A_1654, %mul3A_1660 : vector<16xf32>
      %add3A_1662 = arith.constant 60 : i32
      %add3A_1663 = vector.broadcast %add3A_1662 : i32 to vector<16xi32>
      %add3A_1664 = arith.addi %mul3A_15, %add3A_1663 : vector<16xi32>
      %gather3A_1665 = tpu.vector_load_idx %arg12[%add3A_1206, %and3A_1228, %add3A_1664] : memref<32x8x64xf32, #tpu.memory_space<vmem>>[vector<16xi32>, vector<16xi32>, vector<16xi32>], vector<16xf32>,
      %gather3A_1666 = tpu.vector_load_idx %arg13[%add3A_1206, %and3A_1231, %add3A_1664] : memref<32x8x64xf32, #tpu.memory_space<vmem>>[vector<16xi32>, vector<16xi32>, vector<16xi32>], vector<16xf32>,
      %mul3A_1667 = arith.mulf %gather3A_1665, %gather3A_1666 : vector<16xf32>
      %add3A_1668 = arith.addf %add3A_1661, %mul3A_1667 : vector<16xf32>
      %add3A_1669 = arith.constant 61 : i32
      %add3A_1670 = vector.broadcast %add3A_1669 : i32 to vector<16xi32>
      %add3A_1671 = arith.addi %mul3A_15, %add3A_1670 : vector<16xi32>
      %gather3A_1672 = tpu.vector_load_idx %arg12[%add3A_1206, %and3A_1228, %add3A_1671] : memref<32x8x64xf32, #tpu.memory_space<vmem>>[vector<16xi32>, vector<16xi32>, vector<16xi32>], vector<16xf32>,
      %gather3A_1673 = tpu.vector_load_idx %arg13[%add3A_1206, %and3A_1231, %add3A_1671] : memref<32x8x64xf32, #tpu.memory_space<vmem>>[vector<16xi32>, vector<16xi32>, vector<16xi32>], vector<16xf32>,
      %mul3A_1674 = arith.mulf %gather3A_1672, %gather3A_1673 : vector<16xf32>
      %add3A_1675 = arith.addf %add3A_1668, %mul3A_1674 : vector<16xf32>
      %add3A_1676 = arith.constant 62 : i32
      %add3A_1677 = vector.broadcast %add3A_1676 : i32 to vector<16xi32>
      %add3A_1678 = arith.addi %mul3A_15, %add3A_1677 : vector<16xi32>
      %gather3A_1679 = tpu.vector_load_idx %arg12[%add3A_1206, %and3A_1228, %add3A_1678] : memref<32x8x64xf32, #tpu.memory_space<vmem>>[vector<16xi32>, vector<16xi32>, vector<16xi32>], vector<16xf32>,
      %gather3A_1680 = tpu.vector_load_idx %arg13[%add3A_1206, %and3A_1231, %add3A_1678] : memref<32x8x64xf32, #tpu.memory_space<vmem>>[vector<16xi32>, vector<16xi32>, vector<16xi32>], vector<16xf32>,
      %mul3A_1681 = arith.mulf %gather3A_1679, %gather3A_1680 : vector<16xf32>
      %add3A_1682 = arith.addf %add3A_1675, %mul3A_1681 : vector<16xf32>
      %add3A_1683 = arith.constant 63 : i32
      %add3A_1684 = vector.broadcast %add3A_1683 : i32 to vector<16xi32>
      %add3A_1685 = arith.addi %mul3A_15, %add3A_1684 : vector<16xi32>
      %gather3A_1686 = tpu.vector_load_idx %arg12[%add3A_1206, %and3A_1228, %add3A_1685] : memref<32x8x64xf32, #tpu.memory_space<vmem>>[vector<16xi32>, vector<16xi32>, vector<16xi32>], vector<16xf32>,
      %gather3A_1687 = tpu.vector_load_idx %arg13[%add3A_1206, %and3A_1231, %add3A_1685] : memref<32x8x64xf32, #tpu.memory_space<vmem>>[vector<16xi32>, vector<16xi32>, vector<16xi32>], vector<16xf32>,
      %mul3A_1688 = arith.mulf %gather3A_1686, %gather3A_1687 : vector<16xf32>
      %add3A_1689 = arith.addf %add3A_1682, %mul3A_1688 : vector<16xf32>
      %neg3A = arith.constant 0.000000e+00 : f32
      %neg3A_1690 = vector.broadcast %neg3A : f32 to vector<16xf32>
      %neg3A_1691 = arith.subf %neg3A_1690, %add3A_1689 : vector<16xf32>
      %exp3A = math.exp %neg3A_1691 : vector<16xf32>
      %add3A_1692 = arith.constant 1.000000e+00 : f32
      %add3A_1693 = vector.broadcast %add3A_1692 : f32 to vector<16xf32>
      %add3A_1694 = arith.addf %add3A_1693, %exp3A : vector<16xf32>
      %div3A = arith.constant 1.000000e+00 : f32
      %div3A_1695 = vector.broadcast %div3A : f32 to vector<16xf32>
      %div3A_1696 = arith.divf %div3A_1695, %add3A_1694 : vector<16xf32>
      %mul3A_1697 = arith.constant 32 : i32
      %mul3A_1698 = arith.muli %scan3A_24, %mul3A_1697 : i32
      %add3A_1699 = arith.constant 0 : i32
      %add3A_1700 = arith.addi %mul3A_1698, %add3A_1699 : i32
      %swap3A = arith.index_cast %add3A_1700 : i32 to index
      %swap3A_1701 = tpu.vector_load %arg16[%swap3A] {strides = array<i32>} : memref<512xf32, #tpu.memory_space<vmem>>, vector<16xf32>,
      tpu.vector_store %arg16[%swap3A], %div3A_1696 {strides = array<i32>} : memref<512xf32, #tpu.memory_space<vmem>>, vector<16xf32>,
      %add3A_1702 = arith.constant 16 : i32
      %add3A_1703 = vector.broadcast %add3A_1702 : i32 to vector<16xi32>
      %add3A_1704 = arith.addi %add3A_1703, %iota3A : vector<16xi32>
      %mul3A_1705 = arith.constant 32 : i32
      %mul3A_1706 = arith.muli %scan3A_24, %mul3A_1705 : i32
      %add3A_1707 = vector.broadcast %mul3A_1706 : i32 to vector<16xi32>
      %add3A_1708 = arith.addi %add3A_1707, %add3A_1704 : vector<16xi32>
      %mul3A_1709 = arith.constant 32 : i32
      %mul3A_1710 = arith.muli %scan3A_24, %mul3A_1709 : i32
      %add3A_1711 = arith.constant 16 : i32
      %add3A_1712 = arith.addi %mul3A_1710, %add3A_1711 : i32
      %get3A_1713 = arith.constant 0 : i32
      %get3A_1714 = arith.index_cast %get3A_1713 : i32 to index
      %get3A_1715 = arith.index_cast %add3A_1712 : i32 to index
      %get3A_1716 = tpu.vector_load %arg10[%get3A_1714, %get3A_1715] {strides = array<i32>} : memref<1x512xi32, #tpu.memory_space<vmem>>, vector<16xi32>,
      %mul3A_1717 = arith.constant 32 : i32
      %mul3A_1718 = arith.muli %scan3A_24, %mul3A_1717 : i32
      %add3A_1719 = arith.constant 16 : i32
      %add3A_1720 = arith.addi %mul3A_1718, %add3A_1719 : i32
      %get3A_1721 = arith.constant 0 : i32
      %get3A_1722 = arith.index_cast %get3A_1721 : i32 to index
      %get3A_1723 = arith.index_cast %add3A_1720 : i32 to index
      %get3A_1724 = tpu.vector_load %arg11[%get3A_1722, %get3A_1723] {strides = array<i32>} : memref<1x512xi32, #tpu.memory_space<vmem>>, vector<16xi32>,
      %and3A_1725 = arith.constant 7 : i32
      %and3A_1726 = vector.broadcast %and3A_1725 : i32 to vector<16xi32>
      %and3A_1727 = arith.andi %get3A_1716, %and3A_1726 : vector<16xi32>
      %and3A_1728 = arith.constant 7 : i32
      %and3A_1729 = vector.broadcast %and3A_1728 : i32 to vector<16xi32>
      %and3A_1730 = arith.andi %get3A_1724, %and3A_1729 : vector<16xi32>
      %mul3A_1731 = arith.constant 8 : i32
      %mul3A_1732 = vector.broadcast %mul3A_1731 : i32 to vector<16xi32>
      %mul3A_1733 = arith.muli %add3A_1708, %mul3A_1732 : vector<16xi32>
      %add3A_1734 = arith.addi %mul3A_1733, %and3A_1727 : vector<16xi32>
      %gather3A_1735 = tpu.vector_load_idx %arg14[%add3A_1734] : memref<4096xf32, #tpu.memory_space<vmem>>[vector<16xi32>], vector<16xf32>,
      %mul3A_1736 = arith.constant 8 : i32
      %mul3A_1737 = vector.broadcast %mul3A_1736 : i32 to vector<16xi32>
      %mul3A_1738 = arith.muli %add3A_1708, %mul3A_1737 : vector<16xi32>
      %add3A_1739 = arith.addi %mul3A_1738, %and3A_1730 : vector<16xi32>
      %gather3A_1740 = tpu.vector_load_idx %arg15[%add3A_1739] : memref<4096xf32, #tpu.memory_space<vmem>>[vector<16xi32>], vector<16xf32>,
      %add3A_1741 = arith.addf %gather3A_1735, %gather3A_1740 : vector<16xf32>
      %add3A_1742 = arith.constant 0 : i32
      %add3A_1743 = vector.broadcast %add3A_1742 : i32 to vector<16xi32>
      %add3A_1744 = arith.addi %mul3A_15, %add3A_1743 : vector<16xi32>
      %gather3A_1745 = tpu.vector_load_idx %arg12[%add3A_1704, %and3A_1727, %add3A_1744] : memref<32x8x64xf32, #tpu.memory_space<vmem>>[vector<16xi32>, vector<16xi32>, vector<16xi32>], vector<16xf32>,
      %gather3A_1746 = tpu.vector_load_idx %arg13[%add3A_1704, %and3A_1730, %add3A_1744] : memref<32x8x64xf32, #tpu.memory_space<vmem>>[vector<16xi32>, vector<16xi32>, vector<16xi32>], vector<16xf32>,
      %mul3A_1747 = arith.mulf %gather3A_1745, %gather3A_1746 : vector<16xf32>
      %add3A_1748 = arith.addf %add3A_1741, %mul3A_1747 : vector<16xf32>
      %add3A_1749 = arith.constant 1 : i32
      %add3A_1750 = vector.broadcast %add3A_1749 : i32 to vector<16xi32>
      %add3A_1751 = arith.addi %mul3A_15, %add3A_1750 : vector<16xi32>
      %gather3A_1752 = tpu.vector_load_idx %arg12[%add3A_1704, %and3A_1727, %add3A_1751] : memref<32x8x64xf32, #tpu.memory_space<vmem>>[vector<16xi32>, vector<16xi32>, vector<16xi32>], vector<16xf32>,
      %gather3A_1753 = tpu.vector_load_idx %arg13[%add3A_1704, %and3A_1730, %add3A_1751] : memref<32x8x64xf32, #tpu.memory_space<vmem>>[vector<16xi32>, vector<16xi32>, vector<16xi32>], vector<16xf32>,
      %mul3A_1754 = arith.mulf %gather3A_1752, %gather3A_1753 : vector<16xf32>
      %add3A_1755 = arith.addf %add3A_1748, %mul3A_1754 : vector<16xf32>
      %add3A_1756 = arith.constant 2 : i32
      %add3A_1757 = vector.broadcast %add3A_1756 : i32 to vector<16xi32>
      %add3A_1758 = arith.addi %mul3A_15, %add3A_1757 : vector<16xi32>
      %gather3A_1759 = tpu.vector_load_idx %arg12[%add3A_1704, %and3A_1727, %add3A_1758] : memref<32x8x64xf32, #tpu.memory_space<vmem>>[vector<16xi32>, vector<16xi32>, vector<16xi32>], vector<16xf32>,
      %gather3A_1760 = tpu.vector_load_idx %arg13[%add3A_1704, %and3A_1730, %add3A_1758] : memref<32x8x64xf32, #tpu.memory_space<vmem>>[vector<16xi32>, vector<16xi32>, vector<16xi32>], vector<16xf32>,
      %mul3A_1761 = arith.mulf %gather3A_1759, %gather3A_1760 : vector<16xf32>
      %add3A_1762 = arith.addf %add3A_1755, %mul3A_1761 : vector<16xf32>
      %add3A_1763 = arith.constant 3 : i32
      %add3A_1764 = vector.broadcast %add3A_1763 : i32 to vector<16xi32>
      %add3A_1765 = arith.addi %mul3A_15, %add3A_1764 : vector<16xi32>
      %gather3A_1766 = tpu.vector_load_idx %arg12[%add3A_1704, %and3A_1727, %add3A_1765] : memref<32x8x64xf32, #tpu.memory_space<vmem>>[vector<16xi32>, vector<16xi32>, vector<16xi32>], vector<16xf32>,
      %gather3A_1767 = tpu.vector_load_idx %arg13[%add3A_1704, %and3A_1730, %add3A_1765] : memref<32x8x64xf32, #tpu.memory_space<vmem>>[vector<16xi32>, vector<16xi32>, vector<16xi32>], vector<16xf32>,
      %mul3A_1768 = arith.mulf %gather3A_1766, %gather3A_1767 : vector<16xf32>
      %add3A_1769 = arith.addf %add3A_1762, %mul3A_1768 : vector<16xf32>
      %add3A_1770 = arith.constant 4 : i32
      %add3A_1771 = vector.broadcast %add3A_1770 : i32 to vector<16xi32>
      %add3A_1772 = arith.addi %mul3A_15, %add3A_1771 : vector<16xi32>
      %gather3A_1773 = tpu.vector_load_idx %arg12[%add3A_1704, %and3A_1727, %add3A_1772] : memref<32x8x64xf32, #tpu.memory_space<vmem>>[vector<16xi32>, vector<16xi32>, vector<16xi32>], vector<16xf32>,
      %gather3A_1774 = tpu.vector_load_idx %arg13[%add3A_1704, %and3A_1730, %add3A_1772] : memref<32x8x64xf32, #tpu.memory_space<vmem>>[vector<16xi32>, vector<16xi32>, vector<16xi32>], vector<16xf32>,
      %mul3A_1775 = arith.mulf %gather3A_1773, %gather3A_1774 : vector<16xf32>
      %add3A_1776 = arith.addf %add3A_1769, %mul3A_1775 : vector<16xf32>
      %add3A_1777 = arith.constant 5 : i32
      %add3A_1778 = vector.broadcast %add3A_1777 : i32 to vector<16xi32>
      %add3A_1779 = arith.addi %mul3A_15, %add3A_1778 : vector<16xi32>
      %gather3A_1780 = tpu.vector_load_idx %arg12[%add3A_1704, %and3A_1727, %add3A_1779] : memref<32x8x64xf32, #tpu.memory_space<vmem>>[vector<16xi32>, vector<16xi32>, vector<16xi32>], vector<16xf32>,
      %gather3A_1781 = tpu.vector_load_idx %arg13[%add3A_1704, %and3A_1730, %add3A_1779] : memref<32x8x64xf32, #tpu.memory_space<vmem>>[vector<16xi32>, vector<16xi32>, vector<16xi32>], vector<16xf32>,
      %mul3A_1782 = arith.mulf %gather3A_1780, %gather3A_1781 : vector<16xf32>
      %add3A_1783 = arith.addf %add3A_1776, %mul3A_1782 : vector<16xf32>
      %add3A_1784 = arith.constant 6 : i32
      %add3A_1785 = vector.broadcast %add3A_1784 : i32 to vector<16xi32>
      %add3A_1786 = arith.addi %mul3A_15, %add3A_1785 : vector<16xi32>
      %gather3A_1787 = tpu.vector_load_idx %arg12[%add3A_1704, %and3A_1727, %add3A_1786] : memref<32x8x64xf32, #tpu.memory_space<vmem>>[vector<16xi32>, vector<16xi32>, vector<16xi32>], vector<16xf32>,
      %gather3A_1788 = tpu.vector_load_idx %arg13[%add3A_1704, %and3A_1730, %add3A_1786] : memref<32x8x64xf32, #tpu.memory_space<vmem>>[vector<16xi32>, vector<16xi32>, vector<16xi32>], vector<16xf32>,
      %mul3A_1789 = arith.mulf %gather3A_1787, %gather3A_1788 : vector<16xf32>
      %add3A_1790 = arith.addf %add3A_1783, %mul3A_1789 : vector<16xf32>
      %add3A_1791 = arith.constant 7 : i32
      %add3A_1792 = vector.broadcast %add3A_1791 : i32 to vector<16xi32>
      %add3A_1793 = arith.addi %mul3A_15, %add3A_1792 : vector<16xi32>
      %gather3A_1794 = tpu.vector_load_idx %arg12[%add3A_1704, %and3A_1727, %add3A_1793] : memref<32x8x64xf32, #tpu.memory_space<vmem>>[vector<16xi32>, vector<16xi32>, vector<16xi32>], vector<16xf32>,
      %gather3A_1795 = tpu.vector_load_idx %arg13[%add3A_1704, %and3A_1730, %add3A_1793] : memref<32x8x64xf32, #tpu.memory_space<vmem>>[vector<16xi32>, vector<16xi32>, vector<16xi32>], vector<16xf32>,
      %mul3A_1796 = arith.mulf %gather3A_1794, %gather3A_1795 : vector<16xf32>
      %add3A_1797 = arith.addf %add3A_1790, %mul3A_1796 : vector<16xf32>
      %add3A_1798 = arith.constant 8 : i32
      %add3A_1799 = vector.broadcast %add3A_1798 : i32 to vector<16xi32>
      %add3A_1800 = arith.addi %mul3A_15, %add3A_1799 : vector<16xi32>
      %gather3A_1801 = tpu.vector_load_idx %arg12[%add3A_1704, %and3A_1727, %add3A_1800] : memref<32x8x64xf32, #tpu.memory_space<vmem>>[vector<16xi32>, vector<16xi32>, vector<16xi32>], vector<16xf32>,
      %gather3A_1802 = tpu.vector_load_idx %arg13[%add3A_1704, %and3A_1730, %add3A_1800] : memref<32x8x64xf32, #tpu.memory_space<vmem>>[vector<16xi32>, vector<16xi32>, vector<16xi32>], vector<16xf32>,
      %mul3A_1803 = arith.mulf %gather3A_1801, %gather3A_1802 : vector<16xf32>
      %add3A_1804 = arith.addf %add3A_1797, %mul3A_1803 : vector<16xf32>
      %add3A_1805 = arith.constant 9 : i32
      %add3A_1806 = vector.broadcast %add3A_1805 : i32 to vector<16xi32>
      %add3A_1807 = arith.addi %mul3A_15, %add3A_1806 : vector<16xi32>
      %gather3A_1808 = tpu.vector_load_idx %arg12[%add3A_1704, %and3A_1727, %add3A_1807] : memref<32x8x64xf32, #tpu.memory_space<vmem>>[vector<16xi32>, vector<16xi32>, vector<16xi32>], vector<16xf32>,
      %gather3A_1809 = tpu.vector_load_idx %arg13[%add3A_1704, %and3A_1730, %add3A_1807] : memref<32x8x64xf32, #tpu.memory_space<vmem>>[vector<16xi32>, vector<16xi32>, vector<16xi32>], vector<16xf32>,
      %mul3A_1810 = arith.mulf %gather3A_1808, %gather3A_1809 : vector<16xf32>
      %add3A_1811 = arith.addf %add3A_1804, %mul3A_1810 : vector<16xf32>
      %add3A_1812 = arith.constant 10 : i32
      %add3A_1813 = vector.broadcast %add3A_1812 : i32 to vector<16xi32>
      %add3A_1814 = arith.addi %mul3A_15, %add3A_1813 : vector<16xi32>
      %gather3A_1815 = tpu.vector_load_idx %arg12[%add3A_1704, %and3A_1727, %add3A_1814] : memref<32x8x64xf32, #tpu.memory_space<vmem>>[vector<16xi32>, vector<16xi32>, vector<16xi32>], vector<16xf32>,
      %gather3A_1816 = tpu.vector_load_idx %arg13[%add3A_1704, %and3A_1730, %add3A_1814] : memref<32x8x64xf32, #tpu.memory_space<vmem>>[vector<16xi32>, vector<16xi32>, vector<16xi32>], vector<16xf32>,
      %mul3A_1817 = arith.mulf %gather3A_1815, %gather3A_1816 : vector<16xf32>
      %add3A_1818 = arith.addf %add3A_1811, %mul3A_1817 : vector<16xf32>
      %add3A_1819 = arith.constant 11 : i32
      %add3A_1820 = vector.broadcast %add3A_1819 : i32 to vector<16xi32>
      %add3A_1821 = arith.addi %mul3A_15, %add3A_1820 : vector<16xi32>
      %gather3A_1822 = tpu.vector_load_idx %arg12[%add3A_1704, %and3A_1727, %add3A_1821] : memref<32x8x64xf32, #tpu.memory_space<vmem>>[vector<16xi32>, vector<16xi32>, vector<16xi32>], vector<16xf32>,
      %gather3A_1823 = tpu.vector_load_idx %arg13[%add3A_1704, %and3A_1730, %add3A_1821] : memref<32x8x64xf32, #tpu.memory_space<vmem>>[vector<16xi32>, vector<16xi32>, vector<16xi32>], vector<16xf32>,
      %mul3A_1824 = arith.mulf %gather3A_1822, %gather3A_1823 : vector<16xf32>
      %add3A_1825 = arith.addf %add3A_1818, %mul3A_1824 : vector<16xf32>
      %add3A_1826 = arith.constant 12 : i32
      %add3A_1827 = vector.broadcast %add3A_1826 : i32 to vector<16xi32>
      %add3A_1828 = arith.addi %mul3A_15, %add3A_1827 : vector<16xi32>
      %gather3A_1829 = tpu.vector_load_idx %arg12[%add3A_1704, %and3A_1727, %add3A_1828] : memref<32x8x64xf32, #tpu.memory_space<vmem>>[vector<16xi32>, vector<16xi32>, vector<16xi32>], vector<16xf32>,
      %gather3A_1830 = tpu.vector_load_idx %arg13[%add3A_1704, %and3A_1730, %add3A_1828] : memref<32x8x64xf32, #tpu.memory_space<vmem>>[vector<16xi32>, vector<16xi32>, vector<16xi32>], vector<16xf32>,
      %mul3A_1831 = arith.mulf %gather3A_1829, %gather3A_1830 : vector<16xf32>
      %add3A_1832 = arith.addf %add3A_1825, %mul3A_1831 : vector<16xf32>
      %add3A_1833 = arith.constant 13 : i32
      %add3A_1834 = vector.broadcast %add3A_1833 : i32 to vector<16xi32>
      %add3A_1835 = arith.addi %mul3A_15, %add3A_1834 : vector<16xi32>
      %gather3A_1836 = tpu.vector_load_idx %arg12[%add3A_1704, %and3A_1727, %add3A_1835] : memref<32x8x64xf32, #tpu.memory_space<vmem>>[vector<16xi32>, vector<16xi32>, vector<16xi32>], vector<16xf32>,
      %gather3A_1837 = tpu.vector_load_idx %arg13[%add3A_1704, %and3A_1730, %add3A_1835] : memref<32x8x64xf32, #tpu.memory_space<vmem>>[vector<16xi32>, vector<16xi32>, vector<16xi32>], vector<16xf32>,
      %mul3A_1838 = arith.mulf %gather3A_1836, %gather3A_1837 : vector<16xf32>
      %add3A_1839 = arith.addf %add3A_1832, %mul3A_1838 : vector<16xf32>
      %add3A_1840 = arith.constant 14 : i32
      %add3A_1841 = vector.broadcast %add3A_1840 : i32 to vector<16xi32>
      %add3A_1842 = arith.addi %mul3A_15, %add3A_1841 : vector<16xi32>
      %gather3A_1843 = tpu.vector_load_idx %arg12[%add3A_1704, %and3A_1727, %add3A_1842] : memref<32x8x64xf32, #tpu.memory_space<vmem>>[vector<16xi32>, vector<16xi32>, vector<16xi32>], vector<16xf32>,
      %gather3A_1844 = tpu.vector_load_idx %arg13[%add3A_1704, %and3A_1730, %add3A_1842] : memref<32x8x64xf32, #tpu.memory_space<vmem>>[vector<16xi32>, vector<16xi32>, vector<16xi32>], vector<16xf32>,
      %mul3A_1845 = arith.mulf %gather3A_1843, %gather3A_1844 : vector<16xf32>
      %add3A_1846 = arith.addf %add3A_1839, %mul3A_1845 : vector<16xf32>
      %add3A_1847 = arith.constant 15 : i32
      %add3A_1848 = vector.broadcast %add3A_1847 : i32 to vector<16xi32>
      %add3A_1849 = arith.addi %mul3A_15, %add3A_1848 : vector<16xi32>
      %gather3A_1850 = tpu.vector_load_idx %arg12[%add3A_1704, %and3A_1727, %add3A_1849] : memref<32x8x64xf32, #tpu.memory_space<vmem>>[vector<16xi32>, vector<16xi32>, vector<16xi32>], vector<16xf32>,
      %gather3A_1851 = tpu.vector_load_idx %arg13[%add3A_1704, %and3A_1730, %add3A_1849] : memref<32x8x64xf32, #tpu.memory_space<vmem>>[vector<16xi32>, vector<16xi32>, vector<16xi32>], vector<16xf32>,
      %mul3A_1852 = arith.mulf %gather3A_1850, %gather3A_1851 : vector<16xf32>
      %add3A_1853 = arith.addf %add3A_1846, %mul3A_1852 : vector<16xf32>
      %add3A_1854 = arith.constant 16 : i32
      %add3A_1855 = vector.broadcast %add3A_1854 : i32 to vector<16xi32>
      %add3A_1856 = arith.addi %mul3A_15, %add3A_1855 : vector<16xi32>
      %gather3A_1857 = tpu.vector_load_idx %arg12[%add3A_1704, %and3A_1727, %add3A_1856] : memref<32x8x64xf32, #tpu.memory_space<vmem>>[vector<16xi32>, vector<16xi32>, vector<16xi32>], vector<16xf32>,
      %gather3A_1858 = tpu.vector_load_idx %arg13[%add3A_1704, %and3A_1730, %add3A_1856] : memref<32x8x64xf32, #tpu.memory_space<vmem>>[vector<16xi32>, vector<16xi32>, vector<16xi32>], vector<16xf32>,
      %mul3A_1859 = arith.mulf %gather3A_1857, %gather3A_1858 : vector<16xf32>
      %add3A_1860 = arith.addf %add3A_1853, %mul3A_1859 : vector<16xf32>
      %add3A_1861 = arith.constant 17 : i32
      %add3A_1862 = vector.broadcast %add3A_1861 : i32 to vector<16xi32>
      %add3A_1863 = arith.addi %mul3A_15, %add3A_1862 : vector<16xi32>
      %gather3A_1864 = tpu.vector_load_idx %arg12[%add3A_1704, %and3A_1727, %add3A_1863] : memref<32x8x64xf32, #tpu.memory_space<vmem>>[vector<16xi32>, vector<16xi32>, vector<16xi32>], vector<16xf32>,
      %gather3A_1865 = tpu.vector_load_idx %arg13[%add3A_1704, %and3A_1730, %add3A_1863] : memref<32x8x64xf32, #tpu.memory_space<vmem>>[vector<16xi32>, vector<16xi32>, vector<16xi32>], vector<16xf32>,
      %mul3A_1866 = arith.mulf %gather3A_1864, %gather3A_1865 : vector<16xf32>
      %add3A_1867 = arith.addf %add3A_1860, %mul3A_1866 : vector<16xf32>
      %add3A_1868 = arith.constant 18 : i32
      %add3A_1869 = vector.broadcast %add3A_1868 : i32 to vector<16xi32>
      %add3A_1870 = arith.addi %mul3A_15, %add3A_1869 : vector<16xi32>
      %gather3A_1871 = tpu.vector_load_idx %arg12[%add3A_1704, %and3A_1727, %add3A_1870] : memref<32x8x64xf32, #tpu.memory_space<vmem>>[vector<16xi32>, vector<16xi32>, vector<16xi32>], vector<16xf32>,
      %gather3A_1872 = tpu.vector_load_idx %arg13[%add3A_1704, %and3A_1730, %add3A_1870] : memref<32x8x64xf32, #tpu.memory_space<vmem>>[vector<16xi32>, vector<16xi32>, vector<16xi32>], vector<16xf32>,
      %mul3A_1873 = arith.mulf %gather3A_1871, %gather3A_1872 : vector<16xf32>
      %add3A_1874 = arith.addf %add3A_1867, %mul3A_1873 : vector<16xf32>
      %add3A_1875 = arith.constant 19 : i32
      %add3A_1876 = vector.broadcast %add3A_1875 : i32 to vector<16xi32>
      %add3A_1877 = arith.addi %mul3A_15, %add3A_1876 : vector<16xi32>
      %gather3A_1878 = tpu.vector_load_idx %arg12[%add3A_1704, %and3A_1727, %add3A_1877] : memref<32x8x64xf32, #tpu.memory_space<vmem>>[vector<16xi32>, vector<16xi32>, vector<16xi32>], vector<16xf32>,
      %gather3A_1879 = tpu.vector_load_idx %arg13[%add3A_1704, %and3A_1730, %add3A_1877] : memref<32x8x64xf32, #tpu.memory_space<vmem>>[vector<16xi32>, vector<16xi32>, vector<16xi32>], vector<16xf32>,
      %mul3A_1880 = arith.mulf %gather3A_1878, %gather3A_1879 : vector<16xf32>
      %add3A_1881 = arith.addf %add3A_1874, %mul3A_1880 : vector<16xf32>
      %add3A_1882 = arith.constant 20 : i32
      %add3A_1883 = vector.broadcast %add3A_1882 : i32 to vector<16xi32>
      %add3A_1884 = arith.addi %mul3A_15, %add3A_1883 : vector<16xi32>
      %gather3A_1885 = tpu.vector_load_idx %arg12[%add3A_1704, %and3A_1727, %add3A_1884] : memref<32x8x64xf32, #tpu.memory_space<vmem>>[vector<16xi32>, vector<16xi32>, vector<16xi32>], vector<16xf32>,
      %gather3A_1886 = tpu.vector_load_idx %arg13[%add3A_1704, %and3A_1730, %add3A_1884] : memref<32x8x64xf32, #tpu.memory_space<vmem>>[vector<16xi32>, vector<16xi32>, vector<16xi32>], vector<16xf32>,
      %mul3A_1887 = arith.mulf %gather3A_1885, %gather3A_1886 : vector<16xf32>
      %add3A_1888 = arith.addf %add3A_1881, %mul3A_1887 : vector<16xf32>
      %add3A_1889 = arith.constant 21 : i32
      %add3A_1890 = vector.broadcast %add3A_1889 : i32 to vector<16xi32>
      %add3A_1891 = arith.addi %mul3A_15, %add3A_1890 : vector<16xi32>
      %gather3A_1892 = tpu.vector_load_idx %arg12[%add3A_1704, %and3A_1727, %add3A_1891] : memref<32x8x64xf32, #tpu.memory_space<vmem>>[vector<16xi32>, vector<16xi32>, vector<16xi32>], vector<16xf32>,
      %gather3A_1893 = tpu.vector_load_idx %arg13[%add3A_1704, %and3A_1730, %add3A_1891] : memref<32x8x64xf32, #tpu.memory_space<vmem>>[vector<16xi32>, vector<16xi32>, vector<16xi32>], vector<16xf32>,
      %mul3A_1894 = arith.mulf %gather3A_1892, %gather3A_1893 : vector<16xf32>
      %add3A_1895 = arith.addf %add3A_1888, %mul3A_1894 : vector<16xf32>
      %add3A_1896 = arith.constant 22 : i32
      %add3A_1897 = vector.broadcast %add3A_1896 : i32 to vector<16xi32>
      %add3A_1898 = arith.addi %mul3A_15, %add3A_1897 : vector<16xi32>
      %gather3A_1899 = tpu.vector_load_idx %arg12[%add3A_1704, %and3A_1727, %add3A_1898] : memref<32x8x64xf32, #tpu.memory_space<vmem>>[vector<16xi32>, vector<16xi32>, vector<16xi32>], vector<16xf32>,
      %gather3A_1900 = tpu.vector_load_idx %arg13[%add3A_1704, %and3A_1730, %add3A_1898] : memref<32x8x64xf32, #tpu.memory_space<vmem>>[vector<16xi32>, vector<16xi32>, vector<16xi32>], vector<16xf32>,
      %mul3A_1901 = arith.mulf %gather3A_1899, %gather3A_1900 : vector<16xf32>
      %add3A_1902 = arith.addf %add3A_1895, %mul3A_1901 : vector<16xf32>
      %add3A_1903 = arith.constant 23 : i32
      %add3A_1904 = vector.broadcast %add3A_1903 : i32 to vector<16xi32>
      %add3A_1905 = arith.addi %mul3A_15, %add3A_1904 : vector<16xi32>
      %gather3A_1906 = tpu.vector_load_idx %arg12[%add3A_1704, %and3A_1727, %add3A_1905] : memref<32x8x64xf32, #tpu.memory_space<vmem>>[vector<16xi32>, vector<16xi32>, vector<16xi32>], vector<16xf32>,
      %gather3A_1907 = tpu.vector_load_idx %arg13[%add3A_1704, %and3A_1730, %add3A_1905] : memref<32x8x64xf32, #tpu.memory_space<vmem>>[vector<16xi32>, vector<16xi32>, vector<16xi32>], vector<16xf32>,
      %mul3A_1908 = arith.mulf %gather3A_1906, %gather3A_1907 : vector<16xf32>
      %add3A_1909 = arith.addf %add3A_1902, %mul3A_1908 : vector<16xf32>
      %add3A_1910 = arith.constant 24 : i32
      %add3A_1911 = vector.broadcast %add3A_1910 : i32 to vector<16xi32>
      %add3A_1912 = arith.addi %mul3A_15, %add3A_1911 : vector<16xi32>
      %gather3A_1913 = tpu.vector_load_idx %arg12[%add3A_1704, %and3A_1727, %add3A_1912] : memref<32x8x64xf32, #tpu.memory_space<vmem>>[vector<16xi32>, vector<16xi32>, vector<16xi32>], vector<16xf32>,
      %gather3A_1914 = tpu.vector_load_idx %arg13[%add3A_1704, %and3A_1730, %add3A_1912] : memref<32x8x64xf32, #tpu.memory_space<vmem>>[vector<16xi32>, vector<16xi32>, vector<16xi32>], vector<16xf32>,
      %mul3A_1915 = arith.mulf %gather3A_1913, %gather3A_1914 : vector<16xf32>
      %add3A_1916 = arith.addf %add3A_1909, %mul3A_1915 : vector<16xf32>
      %add3A_1917 = arith.constant 25 : i32
      %add3A_1918 = vector.broadcast %add3A_1917 : i32 to vector<16xi32>
      %add3A_1919 = arith.addi %mul3A_15, %add3A_1918 : vector<16xi32>
      %gather3A_1920 = tpu.vector_load_idx %arg12[%add3A_1704, %and3A_1727, %add3A_1919] : memref<32x8x64xf32, #tpu.memory_space<vmem>>[vector<16xi32>, vector<16xi32>, vector<16xi32>], vector<16xf32>,
      %gather3A_1921 = tpu.vector_load_idx %arg13[%add3A_1704, %and3A_1730, %add3A_1919] : memref<32x8x64xf32, #tpu.memory_space<vmem>>[vector<16xi32>, vector<16xi32>, vector<16xi32>], vector<16xf32>,
      %mul3A_1922 = arith.mulf %gather3A_1920, %gather3A_1921 : vector<16xf32>
      %add3A_1923 = arith.addf %add3A_1916, %mul3A_1922 : vector<16xf32>
      %add3A_1924 = arith.constant 26 : i32
      %add3A_1925 = vector.broadcast %add3A_1924 : i32 to vector<16xi32>
      %add3A_1926 = arith.addi %mul3A_15, %add3A_1925 : vector<16xi32>
      %gather3A_1927 = tpu.vector_load_idx %arg12[%add3A_1704, %and3A_1727, %add3A_1926] : memref<32x8x64xf32, #tpu.memory_space<vmem>>[vector<16xi32>, vector<16xi32>, vector<16xi32>], vector<16xf32>,
      %gather3A_1928 = tpu.vector_load_idx %arg13[%add3A_1704, %and3A_1730, %add3A_1926] : memref<32x8x64xf32, #tpu.memory_space<vmem>>[vector<16xi32>, vector<16xi32>, vector<16xi32>], vector<16xf32>,
      %mul3A_1929 = arith.mulf %gather3A_1927, %gather3A_1928 : vector<16xf32>
      %add3A_1930 = arith.addf %add3A_1923, %mul3A_1929 : vector<16xf32>
      %add3A_1931 = arith.constant 27 : i32
      %add3A_1932 = vector.broadcast %add3A_1931 : i32 to vector<16xi32>
      %add3A_1933 = arith.addi %mul3A_15, %add3A_1932 : vector<16xi32>
      %gather3A_1934 = tpu.vector_load_idx %arg12[%add3A_1704, %and3A_1727, %add3A_1933] : memref<32x8x64xf32, #tpu.memory_space<vmem>>[vector<16xi32>, vector<16xi32>, vector<16xi32>], vector<16xf32>,
      %gather3A_1935 = tpu.vector_load_idx %arg13[%add3A_1704, %and3A_1730, %add3A_1933] : memref<32x8x64xf32, #tpu.memory_space<vmem>>[vector<16xi32>, vector<16xi32>, vector<16xi32>], vector<16xf32>,
      %mul3A_1936 = arith.mulf %gather3A_1934, %gather3A_1935 : vector<16xf32>
      %add3A_1937 = arith.addf %add3A_1930, %mul3A_1936 : vector<16xf32>
      %add3A_1938 = arith.constant 28 : i32
      %add3A_1939 = vector.broadcast %add3A_1938 : i32 to vector<16xi32>
      %add3A_1940 = arith.addi %mul3A_15, %add3A_1939 : vector<16xi32>
      %gather3A_1941 = tpu.vector_load_idx %arg12[%add3A_1704, %and3A_1727, %add3A_1940] : memref<32x8x64xf32, #tpu.memory_space<vmem>>[vector<16xi32>, vector<16xi32>, vector<16xi32>], vector<16xf32>,
      %gather3A_1942 = tpu.vector_load_idx %arg13[%add3A_1704, %and3A_1730, %add3A_1940] : memref<32x8x64xf32, #tpu.memory_space<vmem>>[vector<16xi32>, vector<16xi32>, vector<16xi32>], vector<16xf32>,
      %mul3A_1943 = arith.mulf %gather3A_1941, %gather3A_1942 : vector<16xf32>
      %add3A_1944 = arith.addf %add3A_1937, %mul3A_1943 : vector<16xf32>
      %add3A_1945 = arith.constant 29 : i32
      %add3A_1946 = vector.broadcast %add3A_1945 : i32 to vector<16xi32>
      %add3A_1947 = arith.addi %mul3A_15, %add3A_1946 : vector<16xi32>
      %gather3A_1948 = tpu.vector_load_idx %arg12[%add3A_1704, %and3A_1727, %add3A_1947] : memref<32x8x64xf32, #tpu.memory_space<vmem>>[vector<16xi32>, vector<16xi32>, vector<16xi32>], vector<16xf32>,
      %gather3A_1949 = tpu.vector_load_idx %arg13[%add3A_1704, %and3A_1730, %add3A_1947] : memref<32x8x64xf32, #tpu.memory_space<vmem>>[vector<16xi32>, vector<16xi32>, vector<16xi32>], vector<16xf32>,
      %mul3A_1950 = arith.mulf %gather3A_1948, %gather3A_1949 : vector<16xf32>
      %add3A_1951 = arith.addf %add3A_1944, %mul3A_1950 : vector<16xf32>
      %add3A_1952 = arith.constant 30 : i32
      %add3A_1953 = vector.broadcast %add3A_1952 : i32 to vector<16xi32>
      %add3A_1954 = arith.addi %mul3A_15, %add3A_1953 : vector<16xi32>
      %gather3A_1955 = tpu.vector_load_idx %arg12[%add3A_1704, %and3A_1727, %add3A_1954] : memref<32x8x64xf32, #tpu.memory_space<vmem>>[vector<16xi32>, vector<16xi32>, vector<16xi32>], vector<16xf32>,
      %gather3A_1956 = tpu.vector_load_idx %arg13[%add3A_1704, %and3A_1730, %add3A_1954] : memref<32x8x64xf32, #tpu.memory_space<vmem>>[vector<16xi32>, vector<16xi32>, vector<16xi32>], vector<16xf32>,
      %mul3A_1957 = arith.mulf %gather3A_1955, %gather3A_1956 : vector<16xf32>
      %add3A_1958 = arith.addf %add3A_1951, %mul3A_1957 : vector<16xf32>
      %add3A_1959 = arith.constant 31 : i32
      %add3A_1960 = vector.broadcast %add3A_1959 : i32 to vector<16xi32>
      %add3A_1961 = arith.addi %mul3A_15, %add3A_1960 : vector<16xi32>
      %gather3A_1962 = tpu.vector_load_idx %arg12[%add3A_1704, %and3A_1727, %add3A_1961] : memref<32x8x64xf32, #tpu.memory_space<vmem>>[vector<16xi32>, vector<16xi32>, vector<16xi32>], vector<16xf32>,
      %gather3A_1963 = tpu.vector_load_idx %arg13[%add3A_1704, %and3A_1730, %add3A_1961] : memref<32x8x64xf32, #tpu.memory_space<vmem>>[vector<16xi32>, vector<16xi32>, vector<16xi32>], vector<16xf32>,
      %mul3A_1964 = arith.mulf %gather3A_1962, %gather3A_1963 : vector<16xf32>
      %add3A_1965 = arith.addf %add3A_1958, %mul3A_1964 : vector<16xf32>
      %add3A_1966 = arith.constant 32 : i32
      %add3A_1967 = vector.broadcast %add3A_1966 : i32 to vector<16xi32>
      %add3A_1968 = arith.addi %mul3A_15, %add3A_1967 : vector<16xi32>
      %gather3A_1969 = tpu.vector_load_idx %arg12[%add3A_1704, %and3A_1727, %add3A_1968] : memref<32x8x64xf32, #tpu.memory_space<vmem>>[vector<16xi32>, vector<16xi32>, vector<16xi32>], vector<16xf32>,
      %gather3A_1970 = tpu.vector_load_idx %arg13[%add3A_1704, %and3A_1730, %add3A_1968] : memref<32x8x64xf32, #tpu.memory_space<vmem>>[vector<16xi32>, vector<16xi32>, vector<16xi32>], vector<16xf32>,
      %mul3A_1971 = arith.mulf %gather3A_1969, %gather3A_1970 : vector<16xf32>
      %add3A_1972 = arith.addf %add3A_1965, %mul3A_1971 : vector<16xf32>
      %add3A_1973 = arith.constant 33 : i32
      %add3A_1974 = vector.broadcast %add3A_1973 : i32 to vector<16xi32>
      %add3A_1975 = arith.addi %mul3A_15, %add3A_1974 : vector<16xi32>
      %gather3A_1976 = tpu.vector_load_idx %arg12[%add3A_1704, %and3A_1727, %add3A_1975] : memref<32x8x64xf32, #tpu.memory_space<vmem>>[vector<16xi32>, vector<16xi32>, vector<16xi32>], vector<16xf32>,
      %gather3A_1977 = tpu.vector_load_idx %arg13[%add3A_1704, %and3A_1730, %add3A_1975] : memref<32x8x64xf32, #tpu.memory_space<vmem>>[vector<16xi32>, vector<16xi32>, vector<16xi32>], vector<16xf32>,
      %mul3A_1978 = arith.mulf %gather3A_1976, %gather3A_1977 : vector<16xf32>
      %add3A_1979 = arith.addf %add3A_1972, %mul3A_1978 : vector<16xf32>
      %add3A_1980 = arith.constant 34 : i32
      %add3A_1981 = vector.broadcast %add3A_1980 : i32 to vector<16xi32>
      %add3A_1982 = arith.addi %mul3A_15, %add3A_1981 : vector<16xi32>
      %gather3A_1983 = tpu.vector_load_idx %arg12[%add3A_1704, %and3A_1727, %add3A_1982] : memref<32x8x64xf32, #tpu.memory_space<vmem>>[vector<16xi32>, vector<16xi32>, vector<16xi32>], vector<16xf32>,
      %gather3A_1984 = tpu.vector_load_idx %arg13[%add3A_1704, %and3A_1730, %add3A_1982] : memref<32x8x64xf32, #tpu.memory_space<vmem>>[vector<16xi32>, vector<16xi32>, vector<16xi32>], vector<16xf32>,
      %mul3A_1985 = arith.mulf %gather3A_1983, %gather3A_1984 : vector<16xf32>
      %add3A_1986 = arith.addf %add3A_1979, %mul3A_1985 : vector<16xf32>
      %add3A_1987 = arith.constant 35 : i32
      %add3A_1988 = vector.broadcast %add3A_1987 : i32 to vector<16xi32>
      %add3A_1989 = arith.addi %mul3A_15, %add3A_1988 : vector<16xi32>
      %gather3A_1990 = tpu.vector_load_idx %arg12[%add3A_1704, %and3A_1727, %add3A_1989] : memref<32x8x64xf32, #tpu.memory_space<vmem>>[vector<16xi32>, vector<16xi32>, vector<16xi32>], vector<16xf32>,
      %gather3A_1991 = tpu.vector_load_idx %arg13[%add3A_1704, %and3A_1730, %add3A_1989] : memref<32x8x64xf32, #tpu.memory_space<vmem>>[vector<16xi32>, vector<16xi32>, vector<16xi32>], vector<16xf32>,
      %mul3A_1992 = arith.mulf %gather3A_1990, %gather3A_1991 : vector<16xf32>
      %add3A_1993 = arith.addf %add3A_1986, %mul3A_1992 : vector<16xf32>
      %add3A_1994 = arith.constant 36 : i32
      %add3A_1995 = vector.broadcast %add3A_1994 : i32 to vector<16xi32>
      %add3A_1996 = arith.addi %mul3A_15, %add3A_1995 : vector<16xi32>
      %gather3A_1997 = tpu.vector_load_idx %arg12[%add3A_1704, %and3A_1727, %add3A_1996] : memref<32x8x64xf32, #tpu.memory_space<vmem>>[vector<16xi32>, vector<16xi32>, vector<16xi32>], vector<16xf32>,
      %gather3A_1998 = tpu.vector_load_idx %arg13[%add3A_1704, %and3A_1730, %add3A_1996] : memref<32x8x64xf32, #tpu.memory_space<vmem>>[vector<16xi32>, vector<16xi32>, vector<16xi32>], vector<16xf32>,
      %mul3A_1999 = arith.mulf %gather3A_1997, %gather3A_1998 : vector<16xf32>
      %add3A_2000 = arith.addf %add3A_1993, %mul3A_1999 : vector<16xf32>
      %add3A_2001 = arith.constant 37 : i32
      %add3A_2002 = vector.broadcast %add3A_2001 : i32 to vector<16xi32>
      %add3A_2003 = arith.addi %mul3A_15, %add3A_2002 : vector<16xi32>
      %gather3A_2004 = tpu.vector_load_idx %arg12[%add3A_1704, %and3A_1727, %add3A_2003] : memref<32x8x64xf32, #tpu.memory_space<vmem>>[vector<16xi32>, vector<16xi32>, vector<16xi32>], vector<16xf32>,
      %gather3A_2005 = tpu.vector_load_idx %arg13[%add3A_1704, %and3A_1730, %add3A_2003] : memref<32x8x64xf32, #tpu.memory_space<vmem>>[vector<16xi32>, vector<16xi32>, vector<16xi32>], vector<16xf32>,
      %mul3A_2006 = arith.mulf %gather3A_2004, %gather3A_2005 : vector<16xf32>
      %add3A_2007 = arith.addf %add3A_2000, %mul3A_2006 : vector<16xf32>
      %add3A_2008 = arith.constant 38 : i32
      %add3A_2009 = vector.broadcast %add3A_2008 : i32 to vector<16xi32>
      %add3A_2010 = arith.addi %mul3A_15, %add3A_2009 : vector<16xi32>
      %gather3A_2011 = tpu.vector_load_idx %arg12[%add3A_1704, %and3A_1727, %add3A_2010] : memref<32x8x64xf32, #tpu.memory_space<vmem>>[vector<16xi32>, vector<16xi32>, vector<16xi32>], vector<16xf32>,
      %gather3A_2012 = tpu.vector_load_idx %arg13[%add3A_1704, %and3A_1730, %add3A_2010] : memref<32x8x64xf32, #tpu.memory_space<vmem>>[vector<16xi32>, vector<16xi32>, vector<16xi32>], vector<16xf32>,
      %mul3A_2013 = arith.mulf %gather3A_2011, %gather3A_2012 : vector<16xf32>
      %add3A_2014 = arith.addf %add3A_2007, %mul3A_2013 : vector<16xf32>
      %add3A_2015 = arith.constant 39 : i32
      %add3A_2016 = vector.broadcast %add3A_2015 : i32 to vector<16xi32>
      %add3A_2017 = arith.addi %mul3A_15, %add3A_2016 : vector<16xi32>
      %gather3A_2018 = tpu.vector_load_idx %arg12[%add3A_1704, %and3A_1727, %add3A_2017] : memref<32x8x64xf32, #tpu.memory_space<vmem>>[vector<16xi32>, vector<16xi32>, vector<16xi32>], vector<16xf32>,
      %gather3A_2019 = tpu.vector_load_idx %arg13[%add3A_1704, %and3A_1730, %add3A_2017] : memref<32x8x64xf32, #tpu.memory_space<vmem>>[vector<16xi32>, vector<16xi32>, vector<16xi32>], vector<16xf32>,
      %mul3A_2020 = arith.mulf %gather3A_2018, %gather3A_2019 : vector<16xf32>
      %add3A_2021 = arith.addf %add3A_2014, %mul3A_2020 : vector<16xf32>
      %add3A_2022 = arith.constant 40 : i32
      %add3A_2023 = vector.broadcast %add3A_2022 : i32 to vector<16xi32>
      %add3A_2024 = arith.addi %mul3A_15, %add3A_2023 : vector<16xi32>
      %gather3A_2025 = tpu.vector_load_idx %arg12[%add3A_1704, %and3A_1727, %add3A_2024] : memref<32x8x64xf32, #tpu.memory_space<vmem>>[vector<16xi32>, vector<16xi32>, vector<16xi32>], vector<16xf32>,
      %gather3A_2026 = tpu.vector_load_idx %arg13[%add3A_1704, %and3A_1730, %add3A_2024] : memref<32x8x64xf32, #tpu.memory_space<vmem>>[vector<16xi32>, vector<16xi32>, vector<16xi32>], vector<16xf32>,
      %mul3A_2027 = arith.mulf %gather3A_2025, %gather3A_2026 : vector<16xf32>
      %add3A_2028 = arith.addf %add3A_2021, %mul3A_2027 : vector<16xf32>
      %add3A_2029 = arith.constant 41 : i32
      %add3A_2030 = vector.broadcast %add3A_2029 : i32 to vector<16xi32>
      %add3A_2031 = arith.addi %mul3A_15, %add3A_2030 : vector<16xi32>
      %gather3A_2032 = tpu.vector_load_idx %arg12[%add3A_1704, %and3A_1727, %add3A_2031] : memref<32x8x64xf32, #tpu.memory_space<vmem>>[vector<16xi32>, vector<16xi32>, vector<16xi32>], vector<16xf32>,
      %gather3A_2033 = tpu.vector_load_idx %arg13[%add3A_1704, %and3A_1730, %add3A_2031] : memref<32x8x64xf32, #tpu.memory_space<vmem>>[vector<16xi32>, vector<16xi32>, vector<16xi32>], vector<16xf32>,
      %mul3A_2034 = arith.mulf %gather3A_2032, %gather3A_2033 : vector<16xf32>
      %add3A_2035 = arith.addf %add3A_2028, %mul3A_2034 : vector<16xf32>
      %add3A_2036 = arith.constant 42 : i32
      %add3A_2037 = vector.broadcast %add3A_2036 : i32 to vector<16xi32>
      %add3A_2038 = arith.addi %mul3A_15, %add3A_2037 : vector<16xi32>
      %gather3A_2039 = tpu.vector_load_idx %arg12[%add3A_1704, %and3A_1727, %add3A_2038] : memref<32x8x64xf32, #tpu.memory_space<vmem>>[vector<16xi32>, vector<16xi32>, vector<16xi32>], vector<16xf32>,
      %gather3A_2040 = tpu.vector_load_idx %arg13[%add3A_1704, %and3A_1730, %add3A_2038] : memref<32x8x64xf32, #tpu.memory_space<vmem>>[vector<16xi32>, vector<16xi32>, vector<16xi32>], vector<16xf32>,
      %mul3A_2041 = arith.mulf %gather3A_2039, %gather3A_2040 : vector<16xf32>
      %add3A_2042 = arith.addf %add3A_2035, %mul3A_2041 : vector<16xf32>
      %add3A_2043 = arith.constant 43 : i32
      %add3A_2044 = vector.broadcast %add3A_2043 : i32 to vector<16xi32>
      %add3A_2045 = arith.addi %mul3A_15, %add3A_2044 : vector<16xi32>
      %gather3A_2046 = tpu.vector_load_idx %arg12[%add3A_1704, %and3A_1727, %add3A_2045] : memref<32x8x64xf32, #tpu.memory_space<vmem>>[vector<16xi32>, vector<16xi32>, vector<16xi32>], vector<16xf32>,
      %gather3A_2047 = tpu.vector_load_idx %arg13[%add3A_1704, %and3A_1730, %add3A_2045] : memref<32x8x64xf32, #tpu.memory_space<vmem>>[vector<16xi32>, vector<16xi32>, vector<16xi32>], vector<16xf32>,
      %mul3A_2048 = arith.mulf %gather3A_2046, %gather3A_2047 : vector<16xf32>
      %add3A_2049 = arith.addf %add3A_2042, %mul3A_2048 : vector<16xf32>
      %add3A_2050 = arith.constant 44 : i32
      %add3A_2051 = vector.broadcast %add3A_2050 : i32 to vector<16xi32>
      %add3A_2052 = arith.addi %mul3A_15, %add3A_2051 : vector<16xi32>
      %gather3A_2053 = tpu.vector_load_idx %arg12[%add3A_1704, %and3A_1727, %add3A_2052] : memref<32x8x64xf32, #tpu.memory_space<vmem>>[vector<16xi32>, vector<16xi32>, vector<16xi32>], vector<16xf32>,
      %gather3A_2054 = tpu.vector_load_idx %arg13[%add3A_1704, %and3A_1730, %add3A_2052] : memref<32x8x64xf32, #tpu.memory_space<vmem>>[vector<16xi32>, vector<16xi32>, vector<16xi32>], vector<16xf32>,
      %mul3A_2055 = arith.mulf %gather3A_2053, %gather3A_2054 : vector<16xf32>
      %add3A_2056 = arith.addf %add3A_2049, %mul3A_2055 : vector<16xf32>
      %add3A_2057 = arith.constant 45 : i32
      %add3A_2058 = vector.broadcast %add3A_2057 : i32 to vector<16xi32>
      %add3A_2059 = arith.addi %mul3A_15, %add3A_2058 : vector<16xi32>
      %gather3A_2060 = tpu.vector_load_idx %arg12[%add3A_1704, %and3A_1727, %add3A_2059] : memref<32x8x64xf32, #tpu.memory_space<vmem>>[vector<16xi32>, vector<16xi32>, vector<16xi32>], vector<16xf32>,
      %gather3A_2061 = tpu.vector_load_idx %arg13[%add3A_1704, %and3A_1730, %add3A_2059] : memref<32x8x64xf32, #tpu.memory_space<vmem>>[vector<16xi32>, vector<16xi32>, vector<16xi32>], vector<16xf32>,
      %mul3A_2062 = arith.mulf %gather3A_2060, %gather3A_2061 : vector<16xf32>
      %add3A_2063 = arith.addf %add3A_2056, %mul3A_2062 : vector<16xf32>
      %add3A_2064 = arith.constant 46 : i32
      %add3A_2065 = vector.broadcast %add3A_2064 : i32 to vector<16xi32>
      %add3A_2066 = arith.addi %mul3A_15, %add3A_2065 : vector<16xi32>
      %gather3A_2067 = tpu.vector_load_idx %arg12[%add3A_1704, %and3A_1727, %add3A_2066] : memref<32x8x64xf32, #tpu.memory_space<vmem>>[vector<16xi32>, vector<16xi32>, vector<16xi32>], vector<16xf32>,
      %gather3A_2068 = tpu.vector_load_idx %arg13[%add3A_1704, %and3A_1730, %add3A_2066] : memref<32x8x64xf32, #tpu.memory_space<vmem>>[vector<16xi32>, vector<16xi32>, vector<16xi32>], vector<16xf32>,
      %mul3A_2069 = arith.mulf %gather3A_2067, %gather3A_2068 : vector<16xf32>
      %add3A_2070 = arith.addf %add3A_2063, %mul3A_2069 : vector<16xf32>
      %add3A_2071 = arith.constant 47 : i32
      %add3A_2072 = vector.broadcast %add3A_2071 : i32 to vector<16xi32>
      %add3A_2073 = arith.addi %mul3A_15, %add3A_2072 : vector<16xi32>
      %gather3A_2074 = tpu.vector_load_idx %arg12[%add3A_1704, %and3A_1727, %add3A_2073] : memref<32x8x64xf32, #tpu.memory_space<vmem>>[vector<16xi32>, vector<16xi32>, vector<16xi32>], vector<16xf32>,
      %gather3A_2075 = tpu.vector_load_idx %arg13[%add3A_1704, %and3A_1730, %add3A_2073] : memref<32x8x64xf32, #tpu.memory_space<vmem>>[vector<16xi32>, vector<16xi32>, vector<16xi32>], vector<16xf32>,
      %mul3A_2076 = arith.mulf %gather3A_2074, %gather3A_2075 : vector<16xf32>
      %add3A_2077 = arith.addf %add3A_2070, %mul3A_2076 : vector<16xf32>
      %add3A_2078 = arith.constant 48 : i32
      %add3A_2079 = vector.broadcast %add3A_2078 : i32 to vector<16xi32>
      %add3A_2080 = arith.addi %mul3A_15, %add3A_2079 : vector<16xi32>
      %gather3A_2081 = tpu.vector_load_idx %arg12[%add3A_1704, %and3A_1727, %add3A_2080] : memref<32x8x64xf32, #tpu.memory_space<vmem>>[vector<16xi32>, vector<16xi32>, vector<16xi32>], vector<16xf32>,
      %gather3A_2082 = tpu.vector_load_idx %arg13[%add3A_1704, %and3A_1730, %add3A_2080] : memref<32x8x64xf32, #tpu.memory_space<vmem>>[vector<16xi32>, vector<16xi32>, vector<16xi32>], vector<16xf32>,
      %mul3A_2083 = arith.mulf %gather3A_2081, %gather3A_2082 : vector<16xf32>
      %add3A_2084 = arith.addf %add3A_2077, %mul3A_2083 : vector<16xf32>
      %add3A_2085 = arith.constant 49 : i32
      %add3A_2086 = vector.broadcast %add3A_2085 : i32 to vector<16xi32>
      %add3A_2087 = arith.addi %mul3A_15, %add3A_2086 : vector<16xi32>
      %gather3A_2088 = tpu.vector_load_idx %arg12[%add3A_1704, %and3A_1727, %add3A_2087] : memref<32x8x64xf32, #tpu.memory_space<vmem>>[vector<16xi32>, vector<16xi32>, vector<16xi32>], vector<16xf32>,
      %gather3A_2089 = tpu.vector_load_idx %arg13[%add3A_1704, %and3A_1730, %add3A_2087] : memref<32x8x64xf32, #tpu.memory_space<vmem>>[vector<16xi32>, vector<16xi32>, vector<16xi32>], vector<16xf32>,
      %mul3A_2090 = arith.mulf %gather3A_2088, %gather3A_2089 : vector<16xf32>
      %add3A_2091 = arith.addf %add3A_2084, %mul3A_2090 : vector<16xf32>
      %add3A_2092 = arith.constant 50 : i32
      %add3A_2093 = vector.broadcast %add3A_2092 : i32 to vector<16xi32>
      %add3A_2094 = arith.addi %mul3A_15, %add3A_2093 : vector<16xi32>
      %gather3A_2095 = tpu.vector_load_idx %arg12[%add3A_1704, %and3A_1727, %add3A_2094] : memref<32x8x64xf32, #tpu.memory_space<vmem>>[vector<16xi32>, vector<16xi32>, vector<16xi32>], vector<16xf32>,
      %gather3A_2096 = tpu.vector_load_idx %arg13[%add3A_1704, %and3A_1730, %add3A_2094] : memref<32x8x64xf32, #tpu.memory_space<vmem>>[vector<16xi32>, vector<16xi32>, vector<16xi32>], vector<16xf32>,
      %mul3A_2097 = arith.mulf %gather3A_2095, %gather3A_2096 : vector<16xf32>
      %add3A_2098 = arith.addf %add3A_2091, %mul3A_2097 : vector<16xf32>
      %add3A_2099 = arith.constant 51 : i32
      %add3A_2100 = vector.broadcast %add3A_2099 : i32 to vector<16xi32>
      %add3A_2101 = arith.addi %mul3A_15, %add3A_2100 : vector<16xi32>
      %gather3A_2102 = tpu.vector_load_idx %arg12[%add3A_1704, %and3A_1727, %add3A_2101] : memref<32x8x64xf32, #tpu.memory_space<vmem>>[vector<16xi32>, vector<16xi32>, vector<16xi32>], vector<16xf32>,
      %gather3A_2103 = tpu.vector_load_idx %arg13[%add3A_1704, %and3A_1730, %add3A_2101] : memref<32x8x64xf32, #tpu.memory_space<vmem>>[vector<16xi32>, vector<16xi32>, vector<16xi32>], vector<16xf32>,
      %mul3A_2104 = arith.mulf %gather3A_2102, %gather3A_2103 : vector<16xf32>
      %add3A_2105 = arith.addf %add3A_2098, %mul3A_2104 : vector<16xf32>
      %add3A_2106 = arith.constant 52 : i32
      %add3A_2107 = vector.broadcast %add3A_2106 : i32 to vector<16xi32>
      %add3A_2108 = arith.addi %mul3A_15, %add3A_2107 : vector<16xi32>
      %gather3A_2109 = tpu.vector_load_idx %arg12[%add3A_1704, %and3A_1727, %add3A_2108] : memref<32x8x64xf32, #tpu.memory_space<vmem>>[vector<16xi32>, vector<16xi32>, vector<16xi32>], vector<16xf32>,
      %gather3A_2110 = tpu.vector_load_idx %arg13[%add3A_1704, %and3A_1730, %add3A_2108] : memref<32x8x64xf32, #tpu.memory_space<vmem>>[vector<16xi32>, vector<16xi32>, vector<16xi32>], vector<16xf32>,
      %mul3A_2111 = arith.mulf %gather3A_2109, %gather3A_2110 : vector<16xf32>
      %add3A_2112 = arith.addf %add3A_2105, %mul3A_2111 : vector<16xf32>
      %add3A_2113 = arith.constant 53 : i32
      %add3A_2114 = vector.broadcast %add3A_2113 : i32 to vector<16xi32>
      %add3A_2115 = arith.addi %mul3A_15, %add3A_2114 : vector<16xi32>
      %gather3A_2116 = tpu.vector_load_idx %arg12[%add3A_1704, %and3A_1727, %add3A_2115] : memref<32x8x64xf32, #tpu.memory_space<vmem>>[vector<16xi32>, vector<16xi32>, vector<16xi32>], vector<16xf32>,
      %gather3A_2117 = tpu.vector_load_idx %arg13[%add3A_1704, %and3A_1730, %add3A_2115] : memref<32x8x64xf32, #tpu.memory_space<vmem>>[vector<16xi32>, vector<16xi32>, vector<16xi32>], vector<16xf32>,
      %mul3A_2118 = arith.mulf %gather3A_2116, %gather3A_2117 : vector<16xf32>
      %add3A_2119 = arith.addf %add3A_2112, %mul3A_2118 : vector<16xf32>
      %add3A_2120 = arith.constant 54 : i32
      %add3A_2121 = vector.broadcast %add3A_2120 : i32 to vector<16xi32>
      %add3A_2122 = arith.addi %mul3A_15, %add3A_2121 : vector<16xi32>
      %gather3A_2123 = tpu.vector_load_idx %arg12[%add3A_1704, %and3A_1727, %add3A_2122] : memref<32x8x64xf32, #tpu.memory_space<vmem>>[vector<16xi32>, vector<16xi32>, vector<16xi32>], vector<16xf32>,
      %gather3A_2124 = tpu.vector_load_idx %arg13[%add3A_1704, %and3A_1730, %add3A_2122] : memref<32x8x64xf32, #tpu.memory_space<vmem>>[vector<16xi32>, vector<16xi32>, vector<16xi32>], vector<16xf32>,
      %mul3A_2125 = arith.mulf %gather3A_2123, %gather3A_2124 : vector<16xf32>
      %add3A_2126 = arith.addf %add3A_2119, %mul3A_2125 : vector<16xf32>
      %add3A_2127 = arith.constant 55 : i32
      %add3A_2128 = vector.broadcast %add3A_2127 : i32 to vector<16xi32>
      %add3A_2129 = arith.addi %mul3A_15, %add3A_2128 : vector<16xi32>
      %gather3A_2130 = tpu.vector_load_idx %arg12[%add3A_1704, %and3A_1727, %add3A_2129] : memref<32x8x64xf32, #tpu.memory_space<vmem>>[vector<16xi32>, vector<16xi32>, vector<16xi32>], vector<16xf32>,
      %gather3A_2131 = tpu.vector_load_idx %arg13[%add3A_1704, %and3A_1730, %add3A_2129] : memref<32x8x64xf32, #tpu.memory_space<vmem>>[vector<16xi32>, vector<16xi32>, vector<16xi32>], vector<16xf32>,
      %mul3A_2132 = arith.mulf %gather3A_2130, %gather3A_2131 : vector<16xf32>
      %add3A_2133 = arith.addf %add3A_2126, %mul3A_2132 : vector<16xf32>
      %add3A_2134 = arith.constant 56 : i32
      %add3A_2135 = vector.broadcast %add3A_2134 : i32 to vector<16xi32>
      %add3A_2136 = arith.addi %mul3A_15, %add3A_2135 : vector<16xi32>
      %gather3A_2137 = tpu.vector_load_idx %arg12[%add3A_1704, %and3A_1727, %add3A_2136] : memref<32x8x64xf32, #tpu.memory_space<vmem>>[vector<16xi32>, vector<16xi32>, vector<16xi32>], vector<16xf32>,
      %gather3A_2138 = tpu.vector_load_idx %arg13[%add3A_1704, %and3A_1730, %add3A_2136] : memref<32x8x64xf32, #tpu.memory_space<vmem>>[vector<16xi32>, vector<16xi32>, vector<16xi32>], vector<16xf32>,
      %mul3A_2139 = arith.mulf %gather3A_2137, %gather3A_2138 : vector<16xf32>
      %add3A_2140 = arith.addf %add3A_2133, %mul3A_2139 : vector<16xf32>
      %add3A_2141 = arith.constant 57 : i32
      %add3A_2142 = vector.broadcast %add3A_2141 : i32 to vector<16xi32>
      %add3A_2143 = arith.addi %mul3A_15, %add3A_2142 : vector<16xi32>
      %gather3A_2144 = tpu.vector_load_idx %arg12[%add3A_1704, %and3A_1727, %add3A_2143] : memref<32x8x64xf32, #tpu.memory_space<vmem>>[vector<16xi32>, vector<16xi32>, vector<16xi32>], vector<16xf32>,
      %gather3A_2145 = tpu.vector_load_idx %arg13[%add3A_1704, %and3A_1730, %add3A_2143] : memref<32x8x64xf32, #tpu.memory_space<vmem>>[vector<16xi32>, vector<16xi32>, vector<16xi32>], vector<16xf32>,
      %mul3A_2146 = arith.mulf %gather3A_2144, %gather3A_2145 : vector<16xf32>
      %add3A_2147 = arith.addf %add3A_2140, %mul3A_2146 : vector<16xf32>
      %add3A_2148 = arith.constant 58 : i32
      %add3A_2149 = vector.broadcast %add3A_2148 : i32 to vector<16xi32>
      %add3A_2150 = arith.addi %mul3A_15, %add3A_2149 : vector<16xi32>
      %gather3A_2151 = tpu.vector_load_idx %arg12[%add3A_1704, %and3A_1727, %add3A_2150] : memref<32x8x64xf32, #tpu.memory_space<vmem>>[vector<16xi32>, vector<16xi32>, vector<16xi32>], vector<16xf32>,
      %gather3A_2152 = tpu.vector_load_idx %arg13[%add3A_1704, %and3A_1730, %add3A_2150] : memref<32x8x64xf32, #tpu.memory_space<vmem>>[vector<16xi32>, vector<16xi32>, vector<16xi32>], vector<16xf32>,
      %mul3A_2153 = arith.mulf %gather3A_2151, %gather3A_2152 : vector<16xf32>
      %add3A_2154 = arith.addf %add3A_2147, %mul3A_2153 : vector<16xf32>
      %add3A_2155 = arith.constant 59 : i32
      %add3A_2156 = vector.broadcast %add3A_2155 : i32 to vector<16xi32>
      %add3A_2157 = arith.addi %mul3A_15, %add3A_2156 : vector<16xi32>
      %gather3A_2158 = tpu.vector_load_idx %arg12[%add3A_1704, %and3A_1727, %add3A_2157] : memref<32x8x64xf32, #tpu.memory_space<vmem>>[vector<16xi32>, vector<16xi32>, vector<16xi32>], vector<16xf32>,
      %gather3A_2159 = tpu.vector_load_idx %arg13[%add3A_1704, %and3A_1730, %add3A_2157] : memref<32x8x64xf32, #tpu.memory_space<vmem>>[vector<16xi32>, vector<16xi32>, vector<16xi32>], vector<16xf32>,
      %mul3A_2160 = arith.mulf %gather3A_2158, %gather3A_2159 : vector<16xf32>
      %add3A_2161 = arith.addf %add3A_2154, %mul3A_2160 : vector<16xf32>
      %add3A_2162 = arith.constant 60 : i32
      %add3A_2163 = vector.broadcast %add3A_2162 : i32 to vector<16xi32>
      %add3A_2164 = arith.addi %mul3A_15, %add3A_2163 : vector<16xi32>
      %gather3A_2165 = tpu.vector_load_idx %arg12[%add3A_1704, %and3A_1727, %add3A_2164] : memref<32x8x64xf32, #tpu.memory_space<vmem>>[vector<16xi32>, vector<16xi32>, vector<16xi32>], vector<16xf32>,
      %gather3A_2166 = tpu.vector_load_idx %arg13[%add3A_1704, %and3A_1730, %add3A_2164] : memref<32x8x64xf32, #tpu.memory_space<vmem>>[vector<16xi32>, vector<16xi32>, vector<16xi32>], vector<16xf32>,
      %mul3A_2167 = arith.mulf %gather3A_2165, %gather3A_2166 : vector<16xf32>
      %add3A_2168 = arith.addf %add3A_2161, %mul3A_2167 : vector<16xf32>
      %add3A_2169 = arith.constant 61 : i32
      %add3A_2170 = vector.broadcast %add3A_2169 : i32 to vector<16xi32>
      %add3A_2171 = arith.addi %mul3A_15, %add3A_2170 : vector<16xi32>
      %gather3A_2172 = tpu.vector_load_idx %arg12[%add3A_1704, %and3A_1727, %add3A_2171] : memref<32x8x64xf32, #tpu.memory_space<vmem>>[vector<16xi32>, vector<16xi32>, vector<16xi32>], vector<16xf32>,
      %gather3A_2173 = tpu.vector_load_idx %arg13[%add3A_1704, %and3A_1730, %add3A_2171] : memref<32x8x64xf32, #tpu.memory_space<vmem>>[vector<16xi32>, vector<16xi32>, vector<16xi32>], vector<16xf32>,
      %mul3A_2174 = arith.mulf %gather3A_2172, %gather3A_2173 : vector<16xf32>
      %add3A_2175 = arith.addf %add3A_2168, %mul3A_2174 : vector<16xf32>
      %add3A_2176 = arith.constant 62 : i32
      %add3A_2177 = vector.broadcast %add3A_2176 : i32 to vector<16xi32>
      %add3A_2178 = arith.addi %mul3A_15, %add3A_2177 : vector<16xi32>
      %gather3A_2179 = tpu.vector_load_idx %arg12[%add3A_1704, %and3A_1727, %add3A_2178] : memref<32x8x64xf32, #tpu.memory_space<vmem>>[vector<16xi32>, vector<16xi32>, vector<16xi32>], vector<16xf32>,
      %gather3A_2180 = tpu.vector_load_idx %arg13[%add3A_1704, %and3A_1730, %add3A_2178] : memref<32x8x64xf32, #tpu.memory_space<vmem>>[vector<16xi32>, vector<16xi32>, vector<16xi32>], vector<16xf32>,
      %mul3A_2181 = arith.mulf %gather3A_2179, %gather3A_2180 : vector<16xf32>
      %add3A_2182 = arith.addf %add3A_2175, %mul3A_2181 : vector<16xf32>
      %add3A_2183 = arith.constant 63 : i32
      %add3A_2184 = vector.broadcast %add3A_2183 : i32 to vector<16xi32>
      %add3A_2185 = arith.addi %mul3A_15, %add3A_2184 : vector<16xi32>
      %gather3A_2186 = tpu.vector_load_idx %arg12[%add3A_1704, %and3A_1727, %add3A_2185] : memref<32x8x64xf32, #tpu.memory_space<vmem>>[vector<16xi32>, vector<16xi32>, vector<16xi32>], vector<16xf32>,
      %gather3A_2187 = tpu.vector_load_idx %arg13[%add3A_1704, %and3A_1730, %add3A_2185] : memref<32x8x64xf32, #tpu.memory_space<vmem>>[vector<16xi32>, vector<16xi32>, vector<16xi32>], vector<16xf32>,
      %mul3A_2188 = arith.mulf %gather3A_2186, %gather3A_2187 : vector<16xf32>
      %add3A_2189 = arith.addf %add3A_2182, %mul3A_2188 : vector<16xf32>
      %neg3A_2190 = arith.constant 0.000000e+00 : f32
      %neg3A_2191 = vector.broadcast %neg3A_2190 : f32 to vector<16xf32>
      %neg3A_2192 = arith.subf %neg3A_2191, %add3A_2189 : vector<16xf32>
      %exp3A_2193 = math.exp %neg3A_2192 : vector<16xf32>
      %add3A_2194 = arith.constant 1.000000e+00 : f32
      %add3A_2195 = vector.broadcast %add3A_2194 : f32 to vector<16xf32>
      %add3A_2196 = arith.addf %add3A_2195, %exp3A_2193 : vector<16xf32>
      %div3A_2197 = arith.constant 1.000000e+00 : f32
      %div3A_2198 = vector.broadcast %div3A_2197 : f32 to vector<16xf32>
      %div3A_2199 = arith.divf %div3A_2198, %add3A_2196 : vector<16xf32>
      %mul3A_2200 = arith.constant 32 : i32
      %mul3A_2201 = arith.muli %scan3A_24, %mul3A_2200 : i32
      %add3A_2202 = arith.constant 16 : i32
      %add3A_2203 = arith.addi %mul3A_2201, %add3A_2202 : i32
      %swap3A_2204 = arith.index_cast %add3A_2203 : i32 to index
      %swap3A_2205 = tpu.vector_load %arg16[%swap3A_2204] {strides = array<i32>} : memref<512xf32, #tpu.memory_space<vmem>>, vector<16xf32>,
      tpu.vector_store %arg16[%swap3A_2204], %div3A_2199 {strides = array<i32>} : memref<512xf32, #tpu.memory_space<vmem>>, vector<16xf32>,
    }
    %scan3A_21 = arith.constant 16 : i32
    %mul3A_22 = arith.constant 512 : i32
    %mul3A_23 = arith.muli %add3A, %mul3A_22 : i32
    "tpu.region"() ({
      %run_scoped3A = tpu.sem_alloc : memref<!tpu.dma_semaphore, #tpu.memory_space<semaphore_mem>>
      %dma_start3A = tpu.memref_slice %arg9[%mul3A_23] : memref<16384xf32, #tpu.memory_space<hbm>> -> memref<512xf32, #tpu.memory_space<hbm>>
      %dma_start3A_24 = tpu.memref_slice %arg9[%mul3A_23] : memref<16384xf32, #tpu.memory_space<hbm>> -> memref<512xf32, #tpu.memory_space<hbm>>
      tpu.enqueue_dma source(%arg16 : memref<512xf32, #tpu.memory_space<vmem>>) target(%dma_start3A_24 : memref<512xf32, #tpu.memory_space<hbm>>) target_semaphore(%run_scoped3A : memref<!tpu.dma_semaphore, #tpu.memory_space<semaphore_mem>>)
      %dma_wait3A_25 = tpu.memref_slice %arg9[%mul3A_23] : memref<16384xf32, #tpu.memory_space<hbm>> -> memref<512xf32, #tpu.memory_space<hbm>>
      %dma_wait3A_26 = tpu.memref_slice %arg9[%mul3A_23] : memref<16384xf32, #tpu.memory_space<hbm>> -> memref<512xf32, #tpu.memory_space<hbm>>
      tpu.wait_dma2 semaphore(%run_scoped3A : memref<!tpu.dma_semaphore, #tpu.memory_space<semaphore_mem>>) src(%arg16 : memref<512xf32, #tpu.memory_space<vmem>>) dst(%dma_wait3A_26 : memref<512xf32, #tpu.memory_space<hbm>>)
      tpu.yield
    }) : () -> ()
    return
  }
}

</mosaic_0001>

<sc_bundles>
// kernel: _baseline_cf_sc.3.cloned.1.call-start
scs
__scs_entry_jumppad:
0x0: {  	(pc) =	sbr.rel $0x88, $3  }
0x1: {  	(tag) =	ssettag $0x0;
	lr =	simm.s32 $0x1  }
0x2: {  	[smem:$0x3F9A] =	sst lr;
	_ =	strace $0xD0000000  }
0x3: {  	_ = 	snop  }
0x4: {  	_ = 	snop  }
0x5: {  	_ = 	snop  }
0x6: {  	_ = 	snop  }
0x7: {  	_ = 	snop  }
__scs_overlays_trampoline_lowered:
0x8: {  	[smem:$0x3FA9] =	sst s0  }
0x9: {  	[smem:$0x3FAA] =	sst s1  }
0xa: {  	[smem:$0x3FAB] =	sst s2  }
0xb: {  	[smem:$0x3FAC] =	sst s3  }
0xc: {  	[smem:$0x3FAD] =	sst s4  }
0xd: {  	[smem:$0x3FAE] =	sst s5  }
0xe: {  	[smem:$0x3FAF] =	sst s6  }
0xf: {  	[smem:$0x3FB0] =	sst s7  }
0x10: {  	[smem:$0x3FB1] =	sst s8  }
0x11: {  	[smem:$0x3FB2] =	sst s9;
	s0 =	simm.s32 @!p0 $0x0  }
0x12: {  	s1 =	sld [smem:$0x3F98];
	s0 =	simm.s32 @p0 $0x1  }
0x13: {  	[smem:$0x3FB3] =	sst s0;
	s0 =	simm.s32 @!p1 $0x0  }
0x14: {  	s2 =	sld [smem:$0x3F97];
	s0 =	simm.s32 @p1 $0x1  }
0x15: {  	[smem:$0x3FB4] =	sst s0;
	s0 =	simm.s32 @!p2 $0x0  }
0x16: {  	s3 =	sld [smem:$0x3FDB];
	s0 =	simm.s32 @p2 $0x1  }
0x17: {  	s4 =	simm.s32 $0x1BF5;
	[smem:$0x3FB6] =	sst s0  }
0x18: {  	s0 =	sld [smem:$0x3F99];
	_ =	swait.ge [sflag:s4], $0x0  }
0x19: {  	s7 =	sld [smem:$0x3F9A]  }
0x1a: {  	s8 =	sadd.s32 $0xFFFFE003, lr  }
0x1b: {  	s9 =	sadd.s32 $0xFFFFFEF7, lr;
	s5 =	simm.s32 $0xFFFFFFFF;
	p2 =	slt.u32 s8, $0xFFFFF086  }
0x1c: {  	p1 =	slt.u32 s9, $0xF7A;
	s5 =	simm.s32 @!p2 $0x0  }
0x1d: {  	s5 =	simm.s32 @p1 $0x1;
	p0 =	seq.s32 s7, s2  }
0x1e: {  	s7 =	smul.u32 @!p0 $0xF7A, s2;
	p2 =	seq.s32 @!p0 s5, $0x0  }
0x1f: {  	s9 =	smul.u32 $0xF7A, s1;
	s8 =	simm.s32 @!p0 $0x1BF5;
	p2 =	por !p2, p0  }
0x20: {  	[sflag:s8] =	ssyncset.s32 @!p0 $0xFFFFF086;
	s6 =	sadd.s32 @!p0 s3, s7;
	s7 =	simm.s32 @!p0 $0x108  }
0x21: {  	s3 =	sadd.s32 s3, s9;
	s6 =	sadd.s32 @!p0 $0x88, s6;
	s7 =	simm.s32 @p2 $0x1082  }
0x22: {  	[simem:s7], [sflag:s8] =	dma.local @!p0 [hbm:s6], $0xF7A  }
0x23: {  	s9 =	sor.u32 $0xD0000000, s2;
	s6 =	simm.s32 $0x108;
	_ =	swait.ge @!p0 [sflag:s8], $0x0  }
0x24: {  	s3 =	sadd.s32 $0x88, s3;
	s6 =	simm.s32 @!p1 $0x1082;
	[sflag:s4] =	ssyncset.s32 $0xFFFFF086  }
0x25: {  	[simem:s6], [sflag:s4] =	dma.local [hbm:s3], $0xF7A  }
0x26: {  	[smem:$0x3F9A] =	sst s1;
	(tag) =	ssettag s2;
	_ =	strace s9  }
0x27: {  	s1 =	sld [smem:$0x3FAA]  }
0x28: {  	s2 =	sld [smem:$0x3FAB]  }
0x29: {  	s4 =	sld [smem:$0x3FAD]  }
0x2a: {  	p0 =	seq.s32 s5, $0x0;
	s5 =	sld [smem:$0x3FAE]  }
0x2b: {  	s6 =	sld [smem:$0x3FAF]  }
0x2c: {  	s7 =	sld [smem:$0x3FB0]  }
0x2d: {  	s3 =	simm.s32 $0x108;
	s8 =	sld [smem:$0x3FB1]  }
0x2e: {  	s3 =	simm.s32 @!p0 $0x1082;
	s9 =	sld [smem:$0x3FB2]  }
0x2f: {  	lr =	sadd.s32 s0, s3;
	s0 =	sld [smem:$0x3FA9]  }
0x30: {  	s3 =	sld [smem:$0x3FAC]  }
0x31: {  	[smem:$0x3FB5] =	sst s10  }
0x32: {  	s10 =	sld [smem:$0x3FB3];
	_ =	sdelay $0x3  }
0x33: {  	p0 =	seq.s32 s10, $0x1;
	s10 =	sld [smem:$0x3FB5];
	_ =	sdelay $0x3  }
0x34: {  	[smem:$0x3FB5] =	sst s10  }
0x35: {  	s10 =	sld [smem:$0x3FB4];
	_ =	sdelay $0x3  }
0x36: {  	p1 =	seq.s32 s10, $0x1;
	s10 =	sld [smem:$0x3FB5];
	_ =	sdelay $0x3  }
0x37: {  	[smem:$0x3FB5] =	sst s10  }
0x38: {  	s10 =	sld [smem:$0x3FB6]  }
0x39: {  	_ = 	snop;
	(pc) =	sbr.ind lr, $3  }
0x3a: {  	_ = 	snop  }
0x3b: {  	_ = 	snop  }
0x3c: {  	p2 =	seq.s32 s10, $0x1;
	s10 =	sld [smem:$0x3FB5]  }
0x3d: {  	_ =	shalt  }
0x3e: {  	_ =	shalt  }
0x3f: {  	_ =	shalt  }
0x40: {  	_ =	shalt  }
0x41: {  	_ =	shalt  }
0x42: {  	_ =	shalt  }
0x43: {  	_ =	shalt  }
0x44: {  	_ =	shalt  }
0x45: {  	_ =	shalt  }
0x46: {  	_ =	shalt  }
0x47: {  	_ =	shalt  }
0x48: {  	_ =	shalt  }
0x49: {  	_ =	shalt  }
0x4a: {  	_ =	shalt  }
0x4b: {  	_ =	shalt  }
0x4c: {  	_ =	shalt  }
0x4d: {  	_ =	shalt  }
0x4e: {  	_ =	shalt  }
0x4f: {  	_ =	shalt  }
0x50: {  	_ =	shalt  }
0x51: {  	_ =	shalt  }
0x52: {  	_ =	shalt  }
0x53: {  	_ =	shalt  }
0x54: {  	_ =	shalt  }
0x55: {  	_ =	shalt  }
0x56: {  	_ =	shalt  }
0x57: {  	_ =	shalt  }
0x58: {  	_ =	shalt  }
0x59: {  	_ =	shalt  }
0x5a: {  	_ =	shalt  }
0x5b: {  	_ =	shalt  }
0x5c: {  	_ =	shalt  }
0x5d: {  	_ =	shalt  }
0x5e: {  	_ =	shalt  }
0x5f: {  	_ =	shalt  }
0x60: {  	_ =	shalt  }
0x61: {  	_ =	shalt  }
0x62: {  	_ =	shalt  }
0x63: {  	_ =	shalt  }
0x64: {  	_ =	shalt  }
0x65: {  	_ =	shalt  }
0x66: {  	_ =	shalt  }
0x67: {  	_ =	shalt  }
0x68: {  	_ =	shalt  }
0x69: {  	_ =	shalt  }
0x6a: {  	_ =	shalt  }
0x6b: {  	_ =	shalt  }
0x6c: {  	_ =	shalt  }
0x6d: {  	_ =	shalt  }
0x6e: {  	_ =	shalt  }
0x6f: {  	_ =	shalt  }
0x70: {  	_ =	shalt  }
0x71: {  	_ =	shalt  }
0x72: {  	_ =	shalt  }
0x73: {  	_ =	shalt  }
0x74: {  	_ =	shalt  }
0x75: {  	_ =	shalt  }
0x76: {  	_ =	shalt  }
0x77: {  	_ =	shalt  }
0x78: {  	_ =	shalt  }
0x79: {  	_ =	shalt  }
0x7a: {  	_ =	shalt  }
0x7b: {  	_ =	shalt  }
0x7c: {  	_ =	shalt  }
0x7d: {  	_ =	shalt  }
0x7e: {  	_ =	shalt  }
0x7f: {  	_ =	shalt  }
0x80: {  	_ =	shalt  }
0x81: {  	_ =	shalt  }
0x82: {  	_ =	shalt  }
0x83: {  	_ =	shalt  }
0x84: {  	_ =	shalt  }
0x85: {  	_ =	shalt  }
0x86: {  	_ =	shalt  }
0x87: {  	_ =	shalt  }
.Lfunc_end0:
.L_simem_size_0:
called_computation_lowered:
.L_overlay_start_0:
0x88: {  	s2 =	sld [smem:$0x3FD9]  }
0x89: {  	s3 =	sld [smem:$0x3FFE];
	_ =	sdelay $0x1  }
0x8a: {  	s1 =	srdreg.scid  }
0x8b: {  	s0 =	sand.u32 $0x1, s1  }
0x8c: {  	s17 =	sshll.u32 s0, $0xA;
	s2 =	sadd.s32 s3, s2  }
0x8d: {  	s2 =	sadd.s32 s2, s17  }
0x8e: {  	[smem:$0x3FC1] =	sst s2  }
0x8f: {  	_ = 	snop  }
0x90: {  	s2 =	sld [smem:$0x3FC9]  }
0x91: {  	s18 =	sld [smem:$0x3FC8]  }
0x92: {  	s4 =	sld [smem:$0x3FC5]  }
0x93: {  	s5 =	sld [smem:$0x3FC4]  }
0x94: {  	s6 =	sld [smem:$0x3FD0];
	(tm) =	ssettm $0x1  }
0x95: {  	s7 =	sld [smem:$0x3FFB];
	_ =	sdelay $0x3  }
0x96: {  	_ =	strace s7  }
0x97: {  	s7 =	sld [smem:$0x3FFC];
	_ =	sdelay $0x3  }
0x98: {  	_ =	strace s7  }
0x99: {  	s7 =	sld [smem:$0x3FFD];
	_ =	sdelay $0x3  }
0x9a: {  	_ =	strace s7  }
0x9b: {  	_ =	strace $0x8FFFFFFF  }
0x9c: {  	s19 =	sld [smem:$0x3FDB];
	_ =	sdelay $0x1  }
0x9d: {  	s8 =	simm.s32 $_scs_section_size  }
0x9e: {  	s9 =	simm.s32 $_size__tile_overlayer_lowered;
	s10 =	simm.s32 $_tile_overlayer_lowered  }
0x9f: {  	s22 =	simm.s32 $0x1BFF;
	s21 =	sshll.u32 s10, $0x1;
	s7 =	sadd.s32 s8, s19  }
0xa0: {  	s11 =	simm.s32 $0x0;
	s20 =	sshll.u32 s9, $0x1;
	s9 =	sadd.s32 s21, s7  }
0xa1: {  	[timem:s11], [sflag:s22] =	dma.local [hbm:s9], s20  }
0xa2: {  	_ =	swait.ge [sflag:s22], s20  }
0xa3: {  	s8 =	ssub.s32 $0x0, s20;
	[sflag:s22] =	ssyncset.done $0x0  }
0xa4: {  	[sflag:s22] =	ssyncadd.s32 s8;
	_ =	sdelay $0x1  }
0xa5: {  	s23 =	simm.s32 $0x1B8B  }
0xa6: {  	_ =	swait.ge [sflag:s23], $0x1  }
0xa7: {  	[sflag:s23] =	ssyncset.done $0x0  }
0xa8: {  	s25 =	simm.s32 $0x1B8E;
	s24 =	sld [smem:$0x3FFE];
	[sflag:s23] =	ssyncadd.s32 $0xFFFFFFFF  }
0xa9: {  	s26 =	simm.s32 $execute0_lowered;
	[smem:$0x3FD2] =	sst s25  }
0xaa: {  	s9 =	sshll.u32 s26, $0x1;
	_ =	strace $0x80000046;
	[dreg:$0x1] =	wrdreg $0xFFFFFFFF  }
0xab: {  	s28 =	simm.s32 $_size_execute0_lowered;
	s7 =	sadd.s32 s7, s9;
	[dreg:$0x0] =	wrdreg $0x0  }
0xac: {  	s9 =	sshll.u32 s28, $0x1;
	[dreg:$0x2] =	wrdreg s7  }
0xad: {  	[dreg:$0x3] =	wrdreg s9  }
0xae: {  	[dreg:$0x4] =	wrdreg $0xC0  }
0xaf: {  	_ =	task [dreg:s11], $0x5FFFF  }
0xb0: {  	[dreg:$0x1] =	wrdreg $0xFFFFFFFF  }
0xb1: {  	[dreg:$0x0] =	wrdreg $0x60  }
0xb2: {  	[dreg:$0x2] =	wrdreg s2  }
0xb3: {  	[dreg:$0x3] =	wrdreg s18  }
0xb4: {  	[dreg:$0x4] =	wrdreg s24  }
0xb5: {  	[dreg:$0x5] =	wrdreg s4  }
0xb6: {  	[dreg:$0x6] =	wrdreg s5  }
0xb7: {  	[dreg:$0x7] =	wrdreg s6  }
0xb8: {  	[dreg:$0x8] =	wrdreg $0x9  }
0xb9: {  	_ =	task.clear_ibuf [dreg:s11], $0x9FFFF;
	_ =	strace $0x90000046  }
0xba: {  	s29 =	simm.s32 $0x9;
	_ =	strace $0x80000048  }
0xbb: {  	_ =	swait.ge [sflag:s29], $0x1  }
0xbc: {  	[sflag:s29] =	ssyncadd.s32 $0xFFFFFFFF  }
0xbd: {  	_ =	strace $0x90000048  }
0xbe: {  	_ =	sfence  }
0xbf: {  	s30 =	sld [smem:$0x0];
	_ =	sdelay $0x2  }
0xc0: {  	s31 =	sshll.u32 s1, $0xD;
	s1 =	sshrl.u32 s1, $0x2  }
0xc1: {  	s3 =	sand.u32 $0x4000, s31;
	s1 =	sadd.s32 s1, s30  }
0xc2: {  	s0 =	sor.u32 s3, s0;
	s1 =	sshll.u32 s1, $0x11  }
0xc3: {  	s0 =	sor.u32 s1, s0  }
0xc4: {  	s0 =	sadd.s32 $0x8F2B, s0  }
0xc5: {  	[sflag:s0] =	ssyncadd.remote.s32 $0x1  }
0xc6: {  	_ =	sfence.sel $0xFFFF  }
0xc7: {  	[dreg:$0x0] =	wrdreg $0xFFFFFFFF;
	(pc) =	sbr.abs _section_cstart, $3  }
0xc8: {  	[dreg:$0x1] =	wrdreg $0xFFFFFFFF  }
0xc9: {  	_ =	task.clear_ibuf [dreg:s11], $0x2FFFF;
	_ =	strace $0x9FFFFFFF  }
0xca: {  	(tm) =	ssettm $0x7FFFFFFF  }
0xcb: {  	_ =	shalt  }
tec
execute0_lowered:
.L_overlay_start_1:
0x0: {  	(tag) =	ssettag $0x1  }
0x1: {  	s5 =	rddreg [dreg:$0x0]  }
0x2: {  	s6 =	rddreg [dreg:$0x1]  }
0x3: {  	s3 =	rddreg [dreg:$0x2]  }
0x4: {  	s0 =	rddreg [dreg:$0x3]  }
0x5: {  	s11 =	rddreg [dreg:$0x4]  }
0x6: {  	s7 =	rddreg [dreg:$0x5]  }
0x7: {  	[dreg:$0x7] =	wrdreg s0  }
0x8: {  	[dreg:$0x8] =	wrdreg s11  }
0x9: {  	s1 =	simm.s32 $0x0;
	s0 =	rddreg [dreg:$0x6]  }
0xa: {  	s2 =	simm.s32 $0x800;
	[smem:$0x7FF] =	sst s1  }
0xb: {  	s12 =	simm.s32 $0x8800;
	_ =	strace $0x80000047;
	[dreg:$0x9] =	wrdreg s2  }
0xc: {  	s13 =	simm.s32 $0xC00;
	[dreg:$0xa] =	wrdreg s12  }
0xd: {  	s14 =	simm.s32 $0x8C00;
	[dreg:$0xb] =	wrdreg s13  }
0xe: {  	s15 =	simm.s32 $0x1000;
	[dreg:$0xc] =	wrdreg s14  }
0xf: {  	s16 =	simm.s32 $0x9000;
	[dreg:$0xd] =	wrdreg s15  }
0x10: {  	s17 =	simm.s32 $0x1400;
	[dreg:$0xe] =	wrdreg s16  }
0x11: {  	s18 =	simm.s32 $0x9400;
	[dreg:$0xf] =	wrdreg s17  }
0x12: {  	s19 =	simm.s32 $0x1800;
	[dreg:$0x10] =	wrdreg s18  }
0x13: {  	s20 =	simm.s32 $0x9800;
	[dreg:$0x11] =	wrdreg s19  }
0x14: {  	s21 =	simm.s32 $0x1C00;
	v1 =	vlaneseq.u32;
	[dreg:$0x12] =	wrdreg s20  }
0x15: {  	s22 =	simm.s32 $0x9C00;
	v14 =	vmul.u32 $0x8, v1;
	[dreg:$0x13] =	wrdreg s21  }
0x16: {  	s23 =	simm.s32 $0x2000;
	v1 =	vmul.u32 $0x400, v1;
	[dreg:$0x14] =	wrdreg s22  }
0x17: {  	s24 =	simm.s32 $0xA000;
	[dreg:$0x15] =	wrdreg s23;
	v2 =	vor.u32 $0x80, v14  }
0x18: {  	s25 =	simm.s32 $0x2400;
	[dreg:$0x16] =	wrdreg s24;
	[tilespmem:$0x1FCA0] =	vst v2;
	v2 =	vor.u32 $0x6, v1  }
0x19: {  	s26 =	simm.s32 $0xA400;
	[dreg:$0x17] =	wrdreg s25;
	[tilespmem:$0x1FCB0] =	vst v2;
	v2 =	vor.u32 $0x7, v1  }
0x1a: {  	s28 =	simm.s32 $0x2800;
	[dreg:$0x18] =	wrdreg s26;
	[tilespmem:$0x1FCC0] =	vst v2;
	v2 =	vor.u32 $0x8, v1  }
0x1b: {  	s29 =	simm.s32 $0xA800;
	[dreg:$0x19] =	wrdreg s28;
	[tilespmem:$0x1FCD0] =	vst v2;
	v2 =	vor.u32 $0x9, v1  }
0x1c: {  	s30 =	simm.s32 $0x2C00;
	[dreg:$0x1a] =	wrdreg s29;
	[tilespmem:$0x1FCE0] =	vst v2;
	v2 =	vor.u32 $0xA, v1  }
0x1d: {  	s31 =	simm.s32 $0xAC00;
	[dreg:$0x1b] =	wrdreg s30;
	[tilespmem:$0x1FCF0] =	vst v2;
	v2 =	vor.u32 $0xB, v1  }
0x1e: {  	s4 =	simm.s32 $0x3000;
	[dreg:$0x1c] =	wrdreg s31;
	[tilespmem:$0x1FD00] =	vst v2;
	v2 =	vor.u32 $0xC, v1  }
0x1f: {  	s8 =	simm.s32 $0xB000;
	[dreg:$0x1d] =	wrdreg s4;
	[tilespmem:$0x1FD10] =	vst v2;
	v2 =	vor.u32 $0xD, v1  }
0x20: {  	s9 =	simm.s32 $0x3400;
	[dreg:$0x1e] =	wrdreg s8;
	[tilespmem:$0x1FD20] =	vst v2;
	v2 =	vor.u32 $0xE, v1  }
0x21: {  	s10 =	simm.s32 $0xB400;
	[dreg:$0x1f] =	wrdreg s9;
	[tilespmem:$0x1FD30] =	vst v2;
	v2 =	vor.u32 $0xF, v1  }
0x22: {  	s11 =	simm.s32 $0x3800;
	[smem:$0x7D7] =	sst s10;
	[tilespmem:$0x1FD40] =	vst v2;
	v2 =	vor.u32 $0x10, v1  }
0x23: {  	[smem:$0x7D8] =	sst s11;
	s12 =	simm.s32 $0xB800;
	[tilespmem:$0x1FD50] =	vst v2;
	v2 =	vor.u32 $0x11, v1  }
0x24: {  	s13 =	simm.s32 $0x3C00;
	[smem:$0x7D9] =	sst s12;
	[tilespmem:$0x1FD60] =	vst v2;
	v2 =	vor.u32 $0x12, v1  }
0x25: {  	s14 =	simm.s32 $0xBC00;
	[smem:$0x7DA] =	sst s13;
	[tilespmem:$0x1FD70] =	vst v2;
	v2 =	vor.u32 $0x13, v1  }
0x26: {  	s15 =	simm.s32 $0x4000;
	[smem:$0x7DB] =	sst s14;
	[tilespmem:$0x1FD80] =	vst v2;
	v2 =	vor.u32 $0x14, v1  }
0x27: {  	s16 =	simm.s32 $0xC000;
	[smem:$0x7DC] =	sst s15;
	[tilespmem:$0x1FD90] =	vst v2;
	v2 =	vor.u32 $0x15, v1  }
0x28: {  	s17 =	simm.s32 $0x4400;
	[smem:$0x7DD] =	sst s16;
	[tilespmem:$0x1FDA0] =	vst v2;
	v2 =	vor.u32 $0x16, v1  }
0x29: {  	s18 =	simm.s32 $0xC400;
	[smem:$0x7DE] =	sst s17;
	[tilespmem:$0x1FDB0] =	vst v2;
	v2 =	vor.u32 $0x17, v1  }
0x2a: {  	s19 =	simm.s32 $0x4800;
	[smem:$0x7DF] =	sst s18;
	[tilespmem:$0x1FDC0] =	vst v2;
	v2 =	vor.u32 $0x18, v1  }
0x2b: {  	s20 =	simm.s32 $0xC800;
	[smem:$0x7E0] =	sst s19;
	[tilespmem:$0x1FDD0] =	vst v2;
	v2 =	vor.u32 $0x19, v1  }
0x2c: {  	s21 =	simm.s32 $0x4C00;
	[smem:$0x7E1] =	sst s20;
	[tilespmem:$0x1FDE0] =	vst v2;
	v2 =	vor.u32 $0x1A, v1  }
0x2d: {  	s22 =	simm.s32 $0xCC00;
	[smem:$0x7E2] =	sst s21;
	[tilespmem:$0x1FDF0] =	vst v2;
	v2 =	vor.u32 $0x1B, v1  }
0x2e: {  	s23 =	simm.s32 $0x5000;
	[smem:$0x7E3] =	sst s22;
	[tilespmem:$0x1FE00] =	vst v2;
	v2 =	vor.u32 $0x1C, v1  }
0x2f: {  	s24 =	simm.s32 $0xD000;
	[smem:$0x7E4] =	sst s23;
	[tilespmem:$0x1FE10] =	vst v2;
	v2 =	vor.u32 $0x1D, v1  }
0x30: {  	s25 =	simm.s32 $0x5400;
	[smem:$0x7E5] =	sst s24;
	[tilespmem:$0x1FE20] =	vst v2;
	v2 =	vor.u32 $0x1E, v1  }
0x31: {  	s4 =	simm.s32 $0xD400;
	[smem:$0x7E6] =	sst s25;
	[tilespmem:$0x1FE30] =	vst v2;
	v2 =	vor.u32 $0x1F, v1  }
0x32: {  	s26 =	simm.s32 $0x5800;
	[smem:$0x7E7] =	sst s4;
	[tilespmem:$0x1FE40] =	vst v2;
	v2 =	vor.u32 $0x20, v1  }
0x33: {  	s28 =	simm.s32 $0xD800;
	[smem:$0x7E8] =	sst s26;
	[tilespmem:$0x1FE50] =	vst v2;
	v2 =	vor.u32 $0x21, v1  }
0x34: {  	s9 =	simm.s32 $0x5C00;
	[smem:$0x7E9] =	sst s28;
	[tilespmem:$0x1FE60] =	vst v2;
	v2 =	vor.u32 $0x22, v1  }
0x35: {  	s29 =	simm.s32 $0xDC00;
	[smem:$0x7EA] =	sst s9;
	[tilespmem:$0x1FE70] =	vst v2;
	v2 =	vor.u32 $0x23, v1  }
0x36: {  	s30 =	simm.s32 $0x6000;
	[smem:$0x7EB] =	sst s29;
	[tilespmem:$0x1FE80] =	vst v2;
	v2 =	vor.u32 $0x24, v1  }
0x37: {  	[smem:$0x7EC] =	sst s30;
	s12 =	simm.s32 $0xE000;
	[tilespmem:$0x1FE90] =	vst v2;
	v2 =	vor.u32 $0x25, v1  }
0x38: {  	s14 =	simm.s32 $0xE400;
	[smem:$0x7ED] =	sst s12;
	[tilespmem:$0x1FEA0] =	vst v2;
	v2 =	vor.u32 $0x26, v1  }
0x39: {  	s16 =	simm.s32 $0x6800;
	[smem:$0x7EF] =	sst s14;
	[tilespmem:$0x1FEB0] =	vst v2;
	v2 =	vor.u32 $0x27, v1  }
0x3a: {  	s17 =	simm.s32 $0xE800;
	[smem:$0x7F0] =	sst s16;
	[tilespmem:$0x1FEC0] =	vst v2;
	v2 =	vor.u32 $0x28, v1  }
0x3b: {  	s2 =	sadd.s32 $0x400, s3;
	s19 =	simm.s32 $0x6C00;
	[smem:$0x7F1] =	sst s17;
	[tilespmem:$0x1FED0] =	vst v2;
	v2 =	vor.u32 $0x29, v1  }
0x3c: {  	s3 =	sadd.s32 $0xF42800, s3;
	s21 =	simm.s32 $0xEC00;
	[smem:$0x7F2] =	sst s19;
	[tilespmem:$0x1FEE0] =	vst v2;
	v2 =	vor.u32 $0x2A, v1  }
0x3d: {  	s8 =	srdreg.scid;
	s22 =	simm.s32 $0x7000;
	[smem:$0x7F3] =	sst s21;
	[tilespmem:$0x1FEF0] =	vst v2;
	v2 =	vor.u32 $0x2B, v1  }
0x3e: {  	s4 =	stileid.u32;
	s23 =	simm.s32 $0xF000;
	[smem:$0x7F4] =	sst s22;
	[tilespmem:$0x1FF00] =	vst v2;
	v2 =	vor.u32 $0x2C, v1  }
0x3f: {  	s10 =	sand.u32 $0x1, s8;
	s24 =	simm.s32 $0x7400;
	[smem:$0x7F5] =	sst s23;
	[tilespmem:$0x1FF10] =	vst v2;
	v2 =	vor.u32 $0x2D, v1  }
0x40: {  	s25 =	simm.s32 $0xF400;
	s26 =	simm.s32 $0x7800;
	[smem:$0x7F6] =	sst s24;
	[tilespmem:$0x1FF20] =	vst v2;
	v2 =	vor.u32 $0x2E, v1  }
0x41: {  	s28 =	simm.s32 $0xF800;
	s29 =	simm.s32 $0x7C00;
	[smem:$0x7F7] =	sst s25;
	[tilespmem:$0x1FF30] =	vst v2;
	v2 =	vor.u32 $0x2F, v1  }
0x42: {  	s9 =	simm.s32 $0x80;
	s30 =	simm.s32 $0xFC00;
	[smem:$0x7F8] =	sst s26;
	[tilespmem:$0x1FF40] =	vst v2;
	v2 =	vor.u32 $0x30, v1  }
0x43: {  	s31 =	ssub.s32 $0x2, s10;
	s12 =	simm.s32 $0x6400;
	[smem:$0x7F9] =	sst s28;
	[tilespmem:$0x1FF50] =	vst v2;
	v2 =	vor.u32 $0x31, v1  }
0x44: {  	s15 =	sshll.u32 s4, $0x1;
	s18 =	sshll.u32 s4, $0x7;
	[smem:$0x7FA] =	sst s29;
	[tilespmem:$0x1FF60] =	vst v2;
	v2 =	vor.u32 $0x32, v1  }
0x45: {  	[smem:$0x7FB] =	sst s30;
	s14 =	simm.s32 $0x10000;
	s16 =	simm.s32 $0x10400;
	[tilespmem:$0x1FF70] =	vst v2;
	v2 =	vor.u32 $0x33, v1  }
0x46: {  	s17 =	simm.s32 $0x11400;
	s19 =	simm.s32 $0x0;
	s11 =	sshrl.u32 s31, $0x1;
	[tilespmem:$0x1FF80] =	vst v2;
	v2 =	vor.u32 $0x34, v1  }
0x47: {  	[smem:$0x7EE] =	sst s12;
	s10 =	sor.u32 s10, s15;
	s12 =	simm.s32 $0x3;
	[tilespmem:$0x1FF90] =	vst v2;
	v2 =	vor.u32 $0x35, v1  }
0x48: {  	[smem:$0x7FD] =	sst s14;
	s14 =	simm.s32 $0x1;
	s15 =	simm.s32 $0x2;
	[tilespmem:$0x1FFA0] =	vst v2;
	v2 =	vor.u32 $0x36, v1  }
0x49: {  	s13 =	ssub.s32 s31, s11;
	s20 =	sshll.u32 s10, $0x4;
	s10 =	sshll.u32 s10, $0x6;
	[tilespmem:$0x1FFB0] =	vst v2;
	v2 =	vor.u32 $0x37, v1  }
0x4a: {  	s31 =	simm.s32 $0x8000;
	s11 =	sor.u32 s18, s20;
	s7 =	sadd.s32 s7, s10;
	[tilespmem:$0x1FFC0] =	vst v2;
	v2 =	vor.u32 $0x38, v1  }
0x4b: {  	s8 =	smax.u32 s13, $0x1;
	s10 =	simm.s32 $0x400;
	[smem:$0x7FC] =	sst s31;
	[tilespmem:$0x1FFD0] =	vst v2;
	v2 =	vor.u32 $0x39, v1  }
0x4c: {  	v15 =	vor.u32 $0x1, v1;
	v16 =	vor.u32 $0x2, v1;
	s13 =	simm.s32 $0x8400;
	s18 =	simm.s32 $0x12400;
	s11 =	sand.u32 $0x670, s11;
	[tilespmem:$0x1FFE0] =	vst v2;
	v2 =	vor.u32 $0x3A, v1  }
0x4d: {  	v17 =	vor.u32 $0x3, v1;
	v18 =	vor.u32 $0x4, v1;
	v19 =	vor.u32 $0x5, v1;
	s5 =	sadd.s32 s5, s11;
	s6 =	sadd.s32 s6, s11;
	s11 =	simm.s32 $0x4;
	[tilespmem:$0x1FFF0] =	vst v2  }
.LBB2_1:
0x4e: {  	[tilespmem:s1], [sflag:$0x4] =	stream.strided.gather [hbm4b:s5+s9], $0x200, s10, s9, $0x38;
	[tilespmem:$0x12600] =	vst v63  }
0x4f: {  	_ =	swait.ge [sflag:s11], $0x200  }
0x50: {  	[sflag:s11] =	ssyncset.done $0x0  }
0x51: {  	s20 =	simm.s32 $0x200;
	[sflag:s11] =	ssyncadd.s32 $0xFFFFFE00  }
0x52: {  	[tilespmem:s20], [sflag:$0x4] =	stream.strided.gather [hbm4b:s6+s9], $0x200, s10, s9, $0x38;
	[tilespmem:$0x12600] =	vst v63  }
0x53: {  	_ =	swait.ge [sflag:s11], $0x200  }
0x54: {  	[sflag:s11] =	ssyncset.done $0x0  }
0x55: {  	[sflag:s11] =	ssyncadd.s32 $0xFFFFFE00  }
0x56: {  	v61 =	vld [tilespmem:s1+$0x0];
	_ =	sdelay $0x1  }
0x57: {  	v62 =	vld [tilespmem:s20+$0x0];
	_ =	sdelay $0x2  }
0x58: {  	s29 =	rddreg [dreg:$0x7];
	v61 =	vshrl.u32 v61, $0x3  }
0x59: {  	v61 =	vadd.s32 s29, v61  }
0x5a: {  	s21 =	rddreg [dreg:$0x8];
	v62 =	vshrl.u32 v62, $0x3;
	(v2sf) =	vpush v61, $0x0  }
0x5b: {  	v62 =	vadd.s32 s21, v62  }
0x5c: {  	(v2sf) =	vpush v62, $0x0;
	_ =	sdelay $0x1  }
0x5d: {  	(v2sf) =	vpush v61, $0x1;
	_ =	sdelay $0x1  }
0x5e: {  	(v2sf) =	vpush v62, $0x1;
	_ =	sdelay $0x1  }
0x5f: {  	(v2sf) =	vpush v61, $0x2;
	_ =	sdelay $0x1  }
0x60: {  	(v2sf) =	vpush v62, $0x2;
	_ =	sdelay $0x1  }
0x61: {  	(v2sf) =	vpush v61, $0x3;
	_ =	sdelay $0x1  }
0x62: {  	(v2sf) =	vpush v62, $0x3  }
0x63: {  	s30 =	simm.s32 $0x10400;
	s31 =	spop (v2sf)  }
0x64: {  	(v2sf) =	vpush v61, $0x4;
	[tilespmem:s30], [sflag:$0x3] =	stream.linear.gather [hbm4b:s31+s1], $0x8, $0x38;
	[tilespmem:$0x12600] =	vst v63  }
0x65: {  	s21 =	simm.s32 $0x11400;
	s22 =	spop (v2sf);
	(v2sf) =	vpush v62, $0x4  }
0x66: {  	[tilespmem:s21], [sflag:$0x3] =	stream.linear.gather [hbm4b:s22+s1], $0x8, $0x38;
	[tilespmem:$0x12600] =	vst v63  }
0x67: {  	s23 =	simm.s32 $0x10408;
	s24 =	spop (v2sf);
	(v2sf) =	vpush v61, $0x5  }
0x68: {  	[tilespmem:s23], [sflag:$0x3] =	stream.linear.gather [hbm4b:s24+s1], $0x8, $0x38;
	[tilespmem:$0x12600] =	vst v63  }
0x69: {  	s25 =	simm.s32 $0x11408;
	s26 =	spop (v2sf);
	(v2sf) =	vpush v62, $0x5  }
0x6a: {  	[tilespmem:s25], [sflag:$0x3] =	stream.linear.gather [hbm4b:s26+s1], $0x8, $0x38;
	[tilespmem:$0x12600] =	vst v63  }
0x6b: {  	s28 =	simm.s32 $0x10410;
	s29 =	spop (v2sf);
	(v2sf) =	vpush v61, $0x6  }
0x6c: {  	[tilespmem:s28], [sflag:$0x3] =	stream.linear.gather [hbm4b:s29+s1], $0x8, $0x38;
	[tilespmem:$0x12600] =	vst v63  }
0x6d: {  	s30 =	simm.s32 $0x11410;
	s31 =	spop (v2sf);
	(v2sf) =	vpush v62, $0x6  }
0x6e: {  	[tilespmem:s30], [sflag:$0x3] =	stream.linear.gather [hbm4b:s31+s1], $0x8, $0x38;
	[tilespmem:$0x12600] =	vst v63  }
0x6f: {  	s21 =	simm.s32 $0x10418;
	s22 =	spop (v2sf);
	(v2sf) =	vpush v61, $0x7  }
0x70: {  	[tilespmem:s21], [sflag:$0x3] =	stream.linear.gather [hbm4b:s22+s1], $0x8, $0x38;
	[tilespmem:$0x12600] =	vst v63  }
0x71: {  	s23 =	simm.s32 $0x11418;
	s24 =	spop (v2sf);
	(v2sf) =	vpush v62, $0x7  }
0x72: {  	[tilespmem:s23], [sflag:$0x3] =	stream.linear.gather [hbm4b:s24+s1], $0x8, $0x38;
	[tilespmem:$0x12600] =	vst v63  }
0x73: {  	s26 =	spop (v2sf);
	(v2sf) =	vpush v61, $0x8  }
0x74: {  	s25 =	simm.s32 $0x10420;
	s29 =	spop (v2sf)  }
0x75: {  	(v2sf) =	vpush v62, $0x8;
	[tilespmem:s25], [sflag:$0x3] =	stream.linear.gather [hbm4b:s26+s1], $0x8, $0x38;
	[tilespmem:$0x12600] =	vst v63  }
0x76: {  	s28 =	simm.s32 $0x11420;
	s31 =	spop (v2sf)  }
0x77: {  	(v2sf) =	vpush v61, $0x9;
	[tilespmem:s28], [sflag:$0x3] =	stream.linear.gather [hbm4b:s29+s1], $0x8, $0x38;
	[tilespmem:$0x12600] =	vst v63  }
0x78: {  	s30 =	simm.s32 $0x10428;
	s22 =	spop (v2sf)  }
0x79: {  	(v2sf) =	vpush v62, $0x9;
	[tilespmem:s30], [sflag:$0x3] =	stream.linear.gather [hbm4b:s31+s1], $0x8, $0x38;
	[tilespmem:$0x12600] =	vst v63  }
0x7a: {  	s21 =	simm.s32 $0x11428;
	s24 =	spop (v2sf)  }
0x7b: {  	(v2sf) =	vpush v61, $0xA;
	[tilespmem:s21], [sflag:$0x3] =	stream.linear.gather [hbm4b:s22+s1], $0x8, $0x38;
	[tilespmem:$0x12600] =	vst v63  }
0x7c: {  	s23 =	simm.s32 $0x10430;
	s26 =	spop (v2sf)  }
0x7d: {  	(v2sf) =	vpush v62, $0xA;
	[tilespmem:s23], [sflag:$0x3] =	stream.linear.gather [hbm4b:s24+s1], $0x8, $0x38;
	[tilespmem:$0x12600] =	vst v63  }
0x7e: {  	s25 =	simm.s32 $0x11430;
	s29 =	spop (v2sf)  }
0x7f: {  	(v2sf) =	vpush v61, $0xB;
	[tilespmem:s25], [sflag:$0x3] =	stream.linear.gather [hbm4b:s26+s1], $0x8, $0x38;
	[tilespmem:$0x12600] =	vst v63  }
0x80: {  	s28 =	simm.s32 $0x10438;
	s31 =	spop (v2sf)  }
0x81: {  	(v2sf) =	vpush v62, $0xB;
	[tilespmem:s28], [sflag:$0x3] =	stream.linear.gather [hbm4b:s29+s1], $0x8, $0x38;
	[tilespmem:$0x12600] =	vst v63  }
0x82: {  	s30 =	simm.s32 $0x11438;
	s22 =	spop (v2sf)  }
0x83: {  	(v2sf) =	vpush v61, $0xC;
	[tilespmem:s30], [sflag:$0x3] =	stream.linear.gather [hbm4b:s31+s1], $0x8, $0x38;
	[tilespmem:$0x12600] =	vst v63  }
0x84: {  	s21 =	simm.s32 $0x10440;
	s24 =	spop (v2sf)  }
0x85: {  	(v2sf) =	vpush v62, $0xC;
	[tilespmem:s21], [sflag:$0x3] =	stream.linear.gather [hbm4b:s22+s1], $0x8, $0x38;
	[tilespmem:$0x12600] =	vst v63  }
0x86: {  	s23 =	simm.s32 $0x11440;
	s26 =	spop (v2sf)  }
0x87: {  	(v2sf) =	vpush v61, $0xD;
	[tilespmem:s23], [sflag:$0x3] =	stream.linear.gather [hbm4b:s24+s1], $0x8, $0x38;
	[tilespmem:$0x12600] =	vst v63  }
0x88: {  	s25 =	simm.s32 $0x10448;
	s29 =	spop (v2sf)  }
0x89: {  	(v2sf) =	vpush v62, $0xD;
	[tilespmem:s25], [sflag:$0x3] =	stream.linear.gather [hbm4b:s26+s1], $0x8, $0x38;
	[tilespmem:$0x12600] =	vst v63  }
0x8a: {  	s28 =	simm.s32 $0x11448;
	s31 =	spop (v2sf)  }
0x8b: {  	(v2sf) =	vpush v61, $0xE;
	[tilespmem:s28], [sflag:$0x3] =	stream.linear.gather [hbm4b:s29+s1], $0x8, $0x38;
	[tilespmem:$0x12600] =	vst v63  }
0x8c: {  	s30 =	simm.s32 $0x10450;
	s22 =	spop (v2sf)  }
0x8d: {  	(v2sf) =	vpush v62, $0xE;
	[tilespmem:s30], [sflag:$0x3] =	stream.linear.gather [hbm4b:s31+s1], $0x8, $0x38;
	[tilespmem:$0x12600] =	vst v63  }
0x8e: {  	s21 =	simm.s32 $0x11450;
	s24 =	spop (v2sf)  }
0x8f: {  	(v2sf) =	vpush v61, $0xF;
	[tilespmem:s21], [sflag:$0x3] =	stream.linear.gather [hbm4b:s22+s1], $0x8, $0x38;
	[tilespmem:$0x12600] =	vst v63  }
0x90: {  	s23 =	simm.s32 $0x10458;
	s26 =	spop (v2sf)  }
0x91: {  	(v2sf) =	vpush v62, $0xF;
	[tilespmem:s23], [sflag:$0x3] =	stream.linear.gather [hbm4b:s24+s1], $0x8, $0x38;
	[tilespmem:$0x12600] =	vst v63  }
0x92: {  	s25 =	simm.s32 $0x11458;
	s29 =	spop (v2sf)  }
0x93: {  	[tilespmem:s25], [sflag:$0x3] =	stream.linear.gather [hbm4b:s26+s1], $0x8, $0x38;
	[tilespmem:$0x12600] =	vst v63  }
0x94: {  	s28 =	simm.s32 $0x10460;
	s31 =	spop (v2sf)  }
0x95: {  	[tilespmem:s28], [sflag:$0x3] =	stream.linear.gather [hbm4b:s29+s1], $0x8, $0x38;
	[tilespmem:$0x12600] =	vst v63  }
0x96: {  	s30 =	simm.s32 $0x11460;
	s22 =	spop (v2sf)  }
0x97: {  	[tilespmem:s30], [sflag:$0x3] =	stream.linear.gather [hbm4b:s31+s1], $0x8, $0x38;
	[tilespmem:$0x12600] =	vst v63  }
0x98: {  	s21 =	simm.s32 $0x10468;
	s24 =	spop (v2sf)  }
0x99: {  	[tilespmem:s21], [sflag:$0x3] =	stream.linear.gather [hbm4b:s22+s1], $0x8, $0x38;
	[tilespmem:$0x12600] =	vst v63  }
0x9a: {  	s20 =	simm.s32 $0x200;
	s23 =	simm.s32 $0x11468;
	s26 =	spop (v2sf)  }
0x9b: {  	[tilespmem:s23], [sflag:$0x3] =	stream.linear.gather [hbm4b:s24+s1], $0x8, $0x38;
	[tilespmem:$0x12600] =	vst v63  }
0x9c: {  	s25 =	simm.s32 $0x10470;
	s28 =	simm.s32 $0x11470;
	s29 =	spop (v2sf)  }
0x9d: {  	[tilespmem:s25], [sflag:$0x3] =	stream.linear.gather [hbm4b:s26+s1], $0x8, $0x38;
	[tilespmem:$0x12600] =	vst v63  }
0x9e: {  	s30 =	simm.s32 $0x10478;
	s31 =	spop (v2sf);
	s21 =	simm.s32 $0x210  }
0x9f: {  	[tilespmem:s28], [sflag:$0x3] =	stream.linear.gather [hbm4b:s29+s1], $0x8, $0x38;
	[tilespmem:$0x12600] =	vst v63  }
0xa0: {  	s22 =	simm.s32 $0x10;
	s23 =	simm.s32 $0x11478;
	s24 =	spop (v2sf)  }
0xa1: {  	[tilespmem:s30], [sflag:$0x3] =	stream.linear.gather [hbm4b:s31+s1], $0x8, $0x38;
	[tilespmem:$0x12600] =	vst v63  }
.LBB2_2:
0xa2: {  	[tilespmem:s23], [sflag:$0x3] =	stream.linear.gather [hbm4b:s24+s1], $0x8, $0x38;
	[tilespmem:$0x12600] =	vst v63  }
0xa3: {  	v61 =	vld [tilespmem:s22+$0x0];
	_ =	sdelay $0x1  }
0xa4: {  	v63 =	vld [tilespmem:s21+$0x0];
	_ =	sdelay $0x2  }
0xa5: {  	s29 =	rddreg [dreg:$0x7];
	v61 =	vshrl.u32 v61, $0x3  }
0xa6: {  	v62 =	vadd.s32 s29, v61  }
0xa7: {  	s25 =	rddreg [dreg:$0x8];
	v59 =	vshrl.u32 v63, $0x3;
	(v2sf) =	vpush v62, $0x0  }
0xa8: {  	v61 =	vadd.s32 s25, v59  }
0xa9: {  	(v2sf) =	vpush v61, $0x0;
	_ =	sdelay $0x1  }
0xaa: {  	(v2sf) =	vpush v62, $0x1;
	_ =	sdelay $0x1  }
0xab: {  	(v2sf) =	vpush v61, $0x1;
	_ =	sdelay $0x1  }
0xac: {  	(v2sf) =	vpush v62, $0x2;
	_ =	sdelay $0x1  }
0xad: {  	(v2sf) =	vpush v61, $0x2;
	_ =	sdelay $0x1  }
0xae: {  	(v2sf) =	vpush v62, $0x3  }
0xaf: {  	s28 =	smov.u32 s20  }
0xb0: {  	s23 =	sshra.s32 s28, $0x2;
	(v2sf) =	vpush v61, $0x3  }
0xb1: {  	s30 =	sadd.s32 $0x10400, s23;
	s31 =	spop (v2sf)  }
0xb2: {  	(v2sf) =	vpush v62, $0x4;
	[tilespmem:s30], [sflag:$0x3] =	stream.linear.gather [hbm4b:s31+s1], $0x8, $0x38;
	[tilespmem:$0x12600] =	vst v63  }
0xb3: {  	s25 =	sadd.s32 $0x11400, s23;
	s26 =	spop (v2sf)  }
0xb4: {  	(v2sf) =	vpush v61, $0x4;
	[tilespmem:s25], [sflag:$0x3] =	stream.linear.gather [hbm4b:s26+s1], $0x8, $0x38;
	[tilespmem:$0x12600] =	vst v63  }
0xb5: {  	s28 =	sadd.s32 $0x10408, s23;
	s29 =	spop (v2sf)  }
0xb6: {  	(v2sf) =	vpush v62, $0x5;
	[tilespmem:s28], [sflag:$0x3] =	stream.linear.gather [hbm4b:s29+s1], $0x8, $0x38;
	[tilespmem:$0x12600] =	vst v63  }
0xb7: {  	s30 =	sadd.s32 $0x11408, s23;
	s31 =	spop (v2sf)  }
0xb8: {  	(v2sf) =	vpush v61, $0x5;
	[tilespmem:s30], [sflag:$0x3] =	stream.linear.gather [hbm4b:s31+s1], $0x8, $0x38;
	[tilespmem:$0x12600] =	vst v63  }
0xb9: {  	s25 =	sadd.s32 $0x10410, s23;
	s26 =	spop (v2sf)  }
0xba: {  	(v2sf) =	vpush v62, $0x6;
	[tilespmem:s25], [sflag:$0x3] =	stream.linear.gather [hbm4b:s26+s1], $0x8, $0x38;
	[tilespmem:$0x12600] =	vst v63  }
0xbb: {  	s28 =	sadd.s32 $0x11410, s23;
	s29 =	spop (v2sf)  }
0xbc: {  	(v2sf) =	vpush v61, $0x6;
	[tilespmem:s28], [sflag:$0x3] =	stream.linear.gather [hbm4b:s29+s1], $0x8, $0x38;
	[tilespmem:$0x12600] =	vst v63  }
0xbd: {  	s30 =	sadd.s32 $0x10418, s23;
	s31 =	spop (v2sf)  }
0xbe: {  	(v2sf) =	vpush v62, $0x7;
	[tilespmem:s30], [sflag:$0x3] =	stream.linear.gather [hbm4b:s31+s1], $0x8, $0x38;
	[tilespmem:$0x12600] =	vst v63  }
0xbf: {  	s25 =	sadd.s32 $0x11418, s23;
	s26 =	spop (v2sf)  }
0xc0: {  	(v2sf) =	vpush v61, $0x7;
	[tilespmem:s25], [sflag:$0x3] =	stream.linear.gather [hbm4b:s26+s1], $0x8, $0x38;
	[tilespmem:$0x12600] =	vst v63  }
0xc1: {  	s28 =	sadd.s32 $0x10420, s23;
	s29 =	spop (v2sf)  }
0xc2: {  	(v2sf) =	vpush v62, $0x8;
	[tilespmem:s28], [sflag:$0x3] =	stream.linear.gather [hbm4b:s29+s1], $0x8, $0x38;
	[tilespmem:$0x12600] =	vst v63  }
0xc3: {  	s30 =	sadd.s32 $0x11420, s23;
	s31 =	spop (v2sf)  }
0xc4: {  	(v2sf) =	vpush v61, $0x8;
	[tilespmem:s30], [sflag:$0x3] =	stream.linear.gather [hbm4b:s31+s1], $0x8, $0x38;
	[tilespmem:$0x12600] =	vst v63  }
0xc5: {  	s25 =	sadd.s32 $0x10428, s23;
	s26 =	spop (v2sf)  }
0xc6: {  	(v2sf) =	vpush v62, $0x9;
	[tilespmem:s25], [sflag:$0x3] =	stream.linear.gather [hbm4b:s26+s1], $0x8, $0x38;
	[tilespmem:$0x12600] =	vst v63  }
0xc7: {  	s28 =	sadd.s32 $0x11428, s23;
	s29 =	spop (v2sf)  }
0xc8: {  	(v2sf) =	vpush v61, $0x9;
	[tilespmem:s28], [sflag:$0x3] =	stream.linear.gather [hbm4b:s29+s1], $0x8, $0x38;
	[tilespmem:$0x12600] =	vst v63  }
0xc9: {  	s30 =	sadd.s32 $0x10430, s23;
	s31 =	spop (v2sf)  }
0xca: {  	(v2sf) =	vpush v62, $0xA;
	[tilespmem:s30], [sflag:$0x3] =	stream.linear.gather [hbm4b:s31+s1], $0x8, $0x38;
	[tilespmem:$0x12600] =	vst v63  }
0xcb: {  	s25 =	sadd.s32 $0x11430, s23;
	s26 =	spop (v2sf)  }
0xcc: {  	(v2sf) =	vpush v61, $0xA;
	[tilespmem:s25], [sflag:$0x3] =	stream.linear.gather [hbm4b:s26+s1], $0x8, $0x38;
	[tilespmem:$0x12600] =	vst v63  }
0xcd: {  	s28 =	sadd.s32 $0x10438, s23;
	s29 =	spop (v2sf)  }
0xce: {  	(v2sf) =	vpush v62, $0xB;
	[tilespmem:s28], [sflag:$0x3] =	stream.linear.gather [hbm4b:s29+s1], $0x8, $0x38;
	[tilespmem:$0x12600] =	vst v63  }
0xcf: {  	s30 =	sadd.s32 $0x11438, s23;
	s31 =	spop (v2sf)  }
0xd0: {  	(v2sf) =	vpush v61, $0xB;
	[tilespmem:s30], [sflag:$0x3] =	stream.linear.gather [hbm4b:s31+s1], $0x8, $0x38;
	[tilespmem:$0x12600] =	vst v63  }
0xd1: {  	s25 =	sadd.s32 $0x10440, s23;
	s26 =	spop (v2sf)  }
0xd2: {  	(v2sf) =	vpush v62, $0xC;
	[tilespmem:s25], [sflag:$0x3] =	stream.linear.gather [hbm4b:s26+s1], $0x8, $0x38;
	[tilespmem:$0x12600] =	vst v63  }
0xd3: {  	s28 =	sadd.s32 $0x11440, s23;
	s29 =	spop (v2sf)  }
0xd4: {  	(v2sf) =	vpush v61, $0xC;
	[tilespmem:s28], [sflag:$0x3] =	stream.linear.gather [hbm4b:s29+s1], $0x8, $0x38;
	[tilespmem:$0x12600] =	vst v63  }
0xd5: {  	s30 =	sadd.s32 $0x10448, s23;
	s31 =	spop (v2sf)  }
0xd6: {  	(v2sf) =	vpush v62, $0xD;
	[tilespmem:s30], [sflag:$0x3] =	stream.linear.gather [hbm4b:s31+s1], $0x8, $0x38;
	[tilespmem:$0x12600] =	vst v63  }
0xd7: {  	s25 =	sadd.s32 $0x11448, s23;
	s26 =	spop (v2sf)  }
0xd8: {  	(v2sf) =	vpush v61, $0xD;
	[tilespmem:s25], [sflag:$0x3] =	stream.linear.gather [hbm4b:s26+s1], $0x8, $0x38;
	[tilespmem:$0x12600] =	vst v63  }
0xd9: {  	s28 =	sadd.s32 $0x10450, s23;
	s29 =	spop (v2sf)  }
0xda: {  	(v2sf) =	vpush v62, $0xE;
	[tilespmem:s28], [sflag:$0x3] =	stream.linear.gather [hbm4b:s29+s1], $0x8, $0x38;
	[tilespmem:$0x12600] =	vst v63  }
0xdb: {  	s30 =	sadd.s32 $0x11450, s23;
	s31 =	spop (v2sf)  }
0xdc: {  	(v2sf) =	vpush v61, $0xE;
	[tilespmem:s30], [sflag:$0x3] =	stream.linear.gather [hbm4b:s31+s1], $0x8, $0x38;
	[tilespmem:$0x12600] =	vst v63  }
0xdd: {  	s25 =	sadd.s32 $0x10458, s23;
	s26 =	spop (v2sf);
	(v2sf) =	vpush v62, $0xF  }
0xde: {  	[tilespmem:s25], [sflag:$0x3] =	stream.linear.gather [hbm4b:s26+s1], $0x8, $0x38;
	[tilespmem:$0x12600] =	vst v63  }
0xdf: {  	s28 =	sadd.s32 $0x11458, s23;
	s29 =	spop (v2sf);
	(v2sf) =	vpush v61, $0xF  }
0xe0: {  	[tilespmem:s28], [sflag:$0x3] =	stream.linear.gather [hbm4b:s29+s1], $0x8, $0x38;
	[tilespmem:$0x12600] =	vst v63  }
0xe1: {  	s30 =	sadd.s32 $0x10460, s23;
	s31 =	spop (v2sf)  }
0xe2: {  	[tilespmem:s30], [sflag:$0x3] =	stream.linear.gather [hbm4b:s31+s1], $0x8, $0x38;
	[tilespmem:$0x12600] =	vst v63  }
0xe3: {  	s25 =	sadd.s32 $0x11460, s23;
	s26 =	spop (v2sf)  }
0xe4: {  	[tilespmem:s25], [sflag:$0x3] =	stream.linear.gather [hbm4b:s26+s1], $0x8, $0x38;
	[tilespmem:$0x12600] =	vst v63  }
0xe5: {  	s28 =	sadd.s32 $0x10468, s23;
	s29 =	spop (v2sf)  }
0xe6: {  	[tilespmem:s28], [sflag:$0x3] =	stream.linear.gather [hbm4b:s29+s1], $0x8, $0x38;
	[tilespmem:$0x12600] =	vst v63  }
0xe7: {  	p0 =	sne.s32 s20, $0x3E00;
	s30 =	sadd.s32 $0x11468, s23;
	s31 =	spop (v2sf)  }
0xe8: {  	[tilespmem:s30], [sflag:$0x3] =	stream.linear.gather [hbm4b:s31+s1], $0x8, $0x38;
	[tilespmem:$0x12600] =	vst v63  }
0xe9: {  	s20 =	sadd.s32 $0x200, s20;
	s25 =	sadd.s32 $0x10470, s23;
	s26 =	spop (v2sf)  }
0xea: {  	[tilespmem:s25], [sflag:$0x3] =	stream.linear.gather [hbm4b:s26+s1], $0x8, $0x38;
	[tilespmem:$0x12600] =	vst v63  }
.Ltmp0:
0xeb: {  	s21 =	sadd.s32 $0x10, s21;
	s29 =	spop (v2sf);
	(pc) =	sbr.rel @p0 .LBB2_2-.Ltmp0, $4  }
0xec: {  	s22 =	sadd.s32 $0x10, s22;
	s28 =	sadd.s32 $0x11470, s23;
	s31 =	spop (v2sf)  }
0xed: {  	[tilespmem:s28], [sflag:$0x3] =	stream.linear.gather [hbm4b:s29+s1], $0x8, $0x38;
	[tilespmem:$0x12600] =	vst v63  }
0xee: {  	s30 =	sadd.s32 $0x10478, s23;
	s23 =	sadd.s32 $0x11478, s23;
	s24 =	spop (v2sf)  }
0xef: {  	[tilespmem:s30], [sflag:$0x3] =	stream.linear.gather [hbm4b:s31+s1], $0x8, $0x38;
	[tilespmem:$0x12600] =	vst v63  }
0xf0: {  	[tilespmem:s23], [sflag:$0x3] =	stream.linear.gather [hbm4b:s24+s1], $0x8, $0x38;
	[tilespmem:$0x12600] =	vst v63  }
0xf1: {  	_ =	swait.ge [sflag:s12], $0x1000  }
0xf2: {  	[sflag:s12] =	ssyncset.done $0x0  }
0xf3: {  	[sflag:s12] =	ssyncadd.s32 $0xFFFFF000  }
0xf4: {  	_ =	swait.ge [sflag:s12], $0x1000  }
0xf5: {  	v33 =	vld [tilespmem:$0x1FD80]  }
0xf6: {  	v34 =	vld [tilespmem:$0x1FD90]  }
0xf7: {  	v35 =	vld [tilespmem:$0x1FDA0]  }
0xf8: {  	v36 =	vld [tilespmem:$0x1FDB0]  }
0xf9: {  	v37 =	vld [tilespmem:$0x1FDC0]  }
0xfa: {  	v38 =	vld [tilespmem:$0x1FDD0]  }
0xfb: {  	v39 =	vld [tilespmem:$0x1FDE0]  }
0xfc: {  	v40 =	vld [tilespmem:$0x1FDF0]  }
0xfd: {  	v41 =	vld [tilespmem:$0x1FE00]  }
0xfe: {  	v42 =	vld [tilespmem:$0x1FE10]  }
0xff: {  	v43 =	vld [tilespmem:$0x1FE20]  }
0x100: {  	v44 =	vld [tilespmem:$0x1FE30]  }
0x101: {  	v45 =	vld [tilespmem:$0x1FE40]  }
0x102: {  	v46 =	vld [tilespmem:$0x1FE50]  }
0x103: {  	v47 =	vld [tilespmem:$0x1FE60]  }
0x104: {  	v48 =	vld [tilespmem:$0x1FE70]  }
0x105: {  	v49 =	vld [tilespmem:$0x1FE80]  }
0x106: {  	v50 =	vld [tilespmem:$0x1FE90]  }
0x107: {  	v51 =	vld [tilespmem:$0x1FEA0]  }
0x108: {  	v52 =	vld [tilespmem:$0x1FEB0]  }
0x109: {  	v53 =	vld [tilespmem:$0x1FEC0]  }
0x10a: {  	v54 =	vld [tilespmem:$0x1FED0]  }
0x10b: {  	v55 =	vld [tilespmem:$0x1FEE0]  }
0x10c: {  	v56 =	vld [tilespmem:$0x1FEF0]  }
0x10d: {  	v57 =	vld [tilespmem:$0x1FF00]  }
0x10e: {  	v58 =	vld [tilespmem:$0x1FF10]  }
0x10f: {  	v59 =	vld [tilespmem:$0x1FF20]  }
0x110: {  	v60 =	vld [tilespmem:$0x1FF30]  }
0x111: {  	v20 =	vld [tilespmem:$0x1FF40]  }
0x112: {  	v21 =	vld [tilespmem:$0x1FF50]  }
0x113: {  	v22 =	vld [tilespmem:$0x1FF60]  }
0x114: {  	v23 =	vld [tilespmem:$0x1FF70]  }
0x115: {  	v24 =	vld [tilespmem:$0x1FF80]  }
0x116: {  	v25 =	vld [tilespmem:$0x1FF90]  }
0x117: {  	v26 =	vld [tilespmem:$0x1FFA0]  }
0x118: {  	v27 =	vld [tilespmem:$0x1FFB0]  }
0x119: {  	v28 =	vld [tilespmem:$0x1FFC0]  }
0x11a: {  	v29 =	vld [tilespmem:$0x1FFD0]  }
0x11b: {  	s20 =	simm.s32 $0x0;
	s21 =	simm.s32 $0x12410;
	[sflag:s12] =	ssyncset.done $0x0;
	v30 =	vld [tilespmem:$0x1FFE0]  }
0x11c: {  	s22 =	simm.s32 $0x210;
	s23 =	simm.s32 $0x10;
	v31 =	vld [tilespmem:$0x1FFF0];
	[sflag:s12] =	ssyncadd.s32 $0xFFFFF000  }
.LBB2_4:
0x11d: {  	v61 =	vld [tilespmem:s23+$0xFFFFFFF0];
	_ =	sdelay $0x4  }
0x11e: {  	v62 =	vshll.u32 v61, $0x4  }
0x11f: {  	(v2sf) =	vpush v62, $0x0  }
0x120: {  	v63 =	vld [tilespmem:s22+$0xFFFFFFF0];
	_ =	sdelay $0x4  }
0x121: {  	v4 =	vshll.u32 v63, $0x4  }
0x122: {  	(v2sf) =	vpush v4, $0x0;
	_ =	sdelay $0x2  }
0x123: {  	(v2sf) =	vpush v62, $0x1;
	_ =	sdelay $0x2  }
0x124: {  	(v2sf) =	vpush v4, $0x1;
	_ =	sdelay $0x1  }
0x125: {  	s24 =	spop (v2sf);
	(v2sf) =	vpush v62, $0x2;
	_ =	sdelay $0x5  }
0x126: {  	s24 =	sand.u32 $0x1FFFFF80, s24  }
0x127: {  	s28 =	spop (v2sf);
	s24 =	sadd.s32 s2, s24  }
0x128: {  	[tilespmem:s10], [sflag:$0x1] =	stream.linear.gather [hbm4b:s24+s1], $0x400, $0x38;
	[tilespmem:$0x12600] =	vst v63  }
0x129: {  	s24 =	sand.u32 $0x1FFFFF80, s28  }
0x12a: {  	s29 =	spop (v2sf);
	s24 =	sadd.s32 s3, s24  }
0x12b: {  	(v2sf) =	vpush v4, $0x2;
	[tilespmem:s13], [sflag:$0x2] =	stream.linear.gather [hbm4b:s24+s1], $0x400, $0x38;
	[tilespmem:$0x12600] =	vst v63  }
0x12c: {  	(v2sf) =	vpush v62, $0x3;
	s24 =	sand.u32 $0x1FFFFF80, s29  }
0x12d: {  	s25 =	rddreg [dreg:$0x9];
	s30 =	spop (v2sf);
	s24 =	sadd.s32 s2, s24  }
0x12e: {  	(v2sf) =	vpush v4, $0x3;
	[tilespmem:s25], [sflag:$0x1] =	stream.linear.gather [hbm4b:s24+s1], $0x400, $0x38;
	[tilespmem:$0x12600] =	vst v63  }
0x12f: {  	s25 =	spop (v2sf);
	(v2sf) =	vpush v62, $0x4;
	_ =	sdelay $0x7  }
0x130: {  	s24 =	sand.u32 $0x1FFFFF80, s30  }
0x131: {  	s31 =	rddreg [dreg:$0xa];
	s24 =	sadd.s32 s3, s24  }
0x132: {  	[tilespmem:s31], [sflag:$0x2] =	stream.linear.gather [hbm4b:s24+s1], $0x400, $0x38;
	[tilespmem:$0x12600] =	vst v63  }
0x133: {  	s24 =	sand.u32 $0x1FFFFF80, s25;
	s28 =	spop (v2sf)  }
0x134: {  	s26 =	rddreg [dreg:$0xb];
	s24 =	sadd.s32 s2, s24;
	s30 =	spop (v2sf)  }
0x135: {  	[tilespmem:s26], [sflag:$0x1] =	stream.linear.gather [hbm4b:s24+s1], $0x400, $0x38;
	[tilespmem:$0x12600] =	vst v63  }
0x136: {  	s25 =	spop (v2sf)  }
0x137: {  	s24 =	sand.u32 $0x1FFFFF80, s28;
	s28 =	spop (v2sf);
	(v2sf) =	vpush v4, $0x4;
	_ =	sdelay $0x1  }
0x138: {  	(v2sf) =	vpush v62, $0x5;
	_ =	sdelay $0x1  }
0x139: {  	s29 =	rddreg [dreg:$0xc];
	s24 =	sadd.s32 s3, s24  }
0x13a: {  	[tilespmem:s29], [sflag:$0x2] =	stream.linear.gather [hbm4b:s24+s1], $0x400, $0x38;
	(v2sf) =	vpush v4, $0x5;
	[tilespmem:$0x12600] =	vst v63  }
0x13b: {  	s24 =	sand.u32 $0x1FFFFF80, s30  }
0x13c: {  	s31 =	rddreg [dreg:$0xd];
	s24 =	sadd.s32 s2, s24  }
0x13d: {  	[tilespmem:s31], [sflag:$0x1] =	stream.linear.gather [hbm4b:s24+s1], $0x400, $0x38;
	[tilespmem:$0x12600] =	vst v63  }
0x13e: {  	s24 =	sand.u32 $0x1FFFFF80, s25  }
0x13f: {  	s26 =	rddreg [dreg:$0xe];
	s24 =	sadd.s32 s3, s24;
	(v2sf) =	vpush v62, $0x6  }
0x140: {  	[tilespmem:s26], [sflag:$0x2] =	stream.linear.gather [hbm4b:s24+s1], $0x400, $0x38;
	[tilespmem:$0x12600] =	vst v63  }
0x141: {  	s24 =	sand.u32 $0x1FFFFF80, s28  }
0x142: {  	s29 =	rddreg [dreg:$0xf];
	s24 =	sadd.s32 s2, s24  }
0x143: {  	[tilespmem:s29], [sflag:$0x1] =	stream.linear.gather [hbm4b:s24+s1], $0x400, $0x38;
	[tilespmem:$0x12600] =	vst v63  }
0x144: {  	s30 =	spop (v2sf);
	(v2sf) =	vpush v4, $0x6  }
0x145: {  	s24 =	sand.u32 $0x1FFFFF80, s30  }
0x146: {  	s31 =	rddreg [dreg:$0x10];
	s25 =	spop (v2sf);
	(v2sf) =	vpush v62, $0x7;
	s24 =	sadd.s32 s3, s24  }
0x147: {  	[tilespmem:s31], [sflag:$0x2] =	stream.linear.gather [hbm4b:s24+s1], $0x400, $0x38;
	[tilespmem:$0x12600] =	vst v63  }
0x148: {  	s24 =	sand.u32 $0x1FFFFF80, s25  }
0x149: {  	s26 =	rddreg [dreg:$0x11];
	s28 =	spop (v2sf);
	s24 =	sadd.s32 s2, s24  }
0x14a: {  	[tilespmem:s26], [sflag:$0x1] =	stream.linear.gather [hbm4b:s24+s1], $0x400, $0x38;
	[tilespmem:$0x12600] =	vst v63  }
0x14b: {  	s29 =	rddreg [dreg:$0x12];
	(v2sf) =	vpush v4, $0x7;
	_ =	sdelay $0x2  }
0x14c: {  	s30 =	spop (v2sf);
	(v2sf) =	vpush v62, $0x8;
	_ =	sdelay $0x4  }
0x14d: {  	s25 =	spop (v2sf);
	(v2sf) =	vpush v4, $0x8  }
0x14e: {  	s24 =	sand.u32 $0x1FFFFF80, s28  }
0x14f: {  	s24 =	sadd.s32 s3, s24;
	s28 =	spop (v2sf);
	(v2sf) =	vpush v62, $0x9  }
0x150: {  	[tilespmem:s29], [sflag:$0x2] =	stream.linear.gather [hbm4b:s24+s1], $0x400, $0x38;
	[tilespmem:$0x12600] =	vst v63  }
0x151: {  	s24 =	sand.u32 $0x1FFFFF80, s30  }
0x152: {  	s31 =	rddreg [dreg:$0x13];
	s24 =	sadd.s32 s2, s24  }
0x153: {  	[tilespmem:s31], [sflag:$0x1] =	stream.linear.gather [hbm4b:s24+s1], $0x400, $0x38;
	[tilespmem:$0x12600] =	vst v63  }
0x154: {  	s24 =	sand.u32 $0x1FFFFF80, s25;
	s30 =	spop (v2sf);
	(v2sf) =	vpush v4, $0x9  }
0x155: {  	s26 =	rddreg [dreg:$0x14];
	s24 =	sadd.s32 s3, s24  }
0x156: {  	[tilespmem:s26], [sflag:$0x2] =	stream.linear.gather [hbm4b:s24+s1], $0x400, $0x38;
	[tilespmem:$0x12600] =	vst v63  }
0x157: {  	s25 =	spop (v2sf);
	(v2sf) =	vpush v62, $0xA  }
0x158: {  	s24 =	sand.u32 $0x1FFFFF80, s28  }
0x159: {  	s29 =	rddreg [dreg:$0x15];
	s24 =	sadd.s32 s2, s24  }
0x15a: {  	[tilespmem:s29], [sflag:$0x1] =	stream.linear.gather [hbm4b:s24+s1], $0x400, $0x38;
	[tilespmem:$0x12600] =	vst v63  }
0x15b: {  	s24 =	sand.u32 $0x1FFFFF80, s30  }
0x15c: {  	s31 =	rddreg [dreg:$0x16];
	s24 =	sadd.s32 s3, s24;
	s28 =	spop (v2sf);
	(v2sf) =	vpush v4, $0xA  }
0x15d: {  	[tilespmem:s31], [sflag:$0x2] =	stream.linear.gather [hbm4b:s24+s1], $0x400, $0x38;
	[tilespmem:$0x12600] =	vst v63  }
0x15e: {  	s30 =	spop (v2sf);
	(v2sf) =	vpush v62, $0xB  }
0x15f: {  	s24 =	sand.u32 $0x1FFFFF80, s25  }
0x160: {  	s26 =	rddreg [dreg:$0x17];
	s24 =	sadd.s32 s2, s24  }
0x161: {  	[tilespmem:s26], [sflag:$0x1] =	stream.linear.gather [hbm4b:s24+s1], $0x400, $0x38;
	[tilespmem:$0x12600] =	vst v63  }
0x162: {  	s24 =	sand.u32 $0x1FFFFF80, s28  }
0x163: {  	s29 =	rddreg [dreg:$0x18];
	s24 =	sadd.s32 s3, s24;
	s25 =	spop (v2sf);
	(v2sf) =	vpush v4, $0xB  }
0x164: {  	[tilespmem:s29], [sflag:$0x2] =	stream.linear.gather [hbm4b:s24+s1], $0x400, $0x38;
	[tilespmem:$0x12600] =	vst v63  }
0x165: {  	s24 =	sand.u32 $0x1FFFFF80, s30  }
0x166: {  	s31 =	rddreg [dreg:$0x19];
	s24 =	sadd.s32 s2, s24;
	s28 =	spop (v2sf);
	(v2sf) =	vpush v62, $0xC  }
0x167: {  	[tilespmem:s31], [sflag:$0x1] =	stream.linear.gather [hbm4b:s24+s1], $0x400, $0x38;
	[tilespmem:$0x12600] =	vst v63  }
0x168: {  	s24 =	sand.u32 $0x1FFFFF80, s25  }
0x169: {  	s26 =	rddreg [dreg:$0x1a];
	s24 =	sadd.s32 s3, s24  }
0x16a: {  	[tilespmem:s26], [sflag:$0x2] =	stream.linear.gather [hbm4b:s24+s1], $0x400, $0x38;
	[tilespmem:$0x12600] =	vst v63  }
0x16b: {  	s30 =	spop (v2sf);
	(v2sf) =	vpush v4, $0xC  }
0x16c: {  	s24 =	sand.u32 $0x1FFFFF80, s28  }
0x16d: {  	s29 =	rddreg [dreg:$0x1b];
	s24 =	sadd.s32 s2, s24;
	s25 =	spop (v2sf);
	(v2sf) =	vpush v62, $0xD  }
0x16e: {  	[tilespmem:s29], [sflag:$0x1] =	stream.linear.gather [hbm4b:s24+s1], $0x400, $0x38;
	[tilespmem:$0x12600] =	vst v63  }
0x16f: {  	s24 =	sand.u32 $0x1FFFFF80, s30  }
0x170: {  	s31 =	rddreg [dreg:$0x1c];
	s24 =	sadd.s32 s3, s24  }
0x171: {  	[tilespmem:s31], [sflag:$0x2] =	stream.linear.gather [hbm4b:s24+s1], $0x400, $0x38;
	[tilespmem:$0x12600] =	vst v63  }
0x172: {  	s24 =	sand.u32 $0x1FFFFF80, s25;
	s28 =	spop (v2sf);
	(v2sf) =	vpush v4, $0xD  }
0x173: {  	s26 =	rddreg [dreg:$0x1d];
	s24 =	sadd.s32 s2, s24  }
0x174: {  	[tilespmem:s26], [sflag:$0x1] =	stream.linear.gather [hbm4b:s24+s1], $0x400, $0x38;
	[tilespmem:$0x12600] =	vst v63  }
0x175: {  	s30 =	spop (v2sf);
	(v2sf) =	vpush v62, $0xE  }
0x176: {  	s24 =	sand.u32 $0x1FFFFF80, s28  }
0x177: {  	s29 =	rddreg [dreg:$0x1e];
	s24 =	sadd.s32 s3, s24  }
0x178: {  	[tilespmem:s29], [sflag:$0x2] =	stream.linear.gather [hbm4b:s24+s1], $0x400, $0x38;
	[tilespmem:$0x12600] =	vst v63  }
0x179: {  	s24 =	sand.u32 $0x1FFFFF80, s30  }
0x17a: {  	s31 =	rddreg [dreg:$0x1f];
	s24 =	sadd.s32 s2, s24;
	s25 =	spop (v2sf);
	(v2sf) =	vpush v4, $0xE  }
0x17b: {  	[tilespmem:s31], [sflag:$0x1] =	stream.linear.gather [hbm4b:s24+s1], $0x400, $0x38;
	[tilespmem:$0x12600] =	vst v63  }
0x17c: {  	s26 =	sld [smem:$0x7D7];
	s28 =	spop (v2sf);
	(v2sf) =	vpush v62, $0xF  }
0x17d: {  	s24 =	sand.u32 $0x1FFFFF80, s25  }
0x17e: {  	s29 =	sld [smem:$0x7D8];
	s24 =	sadd.s32 s3, s24  }
0x17f: {  	[tilespmem:s26], [sflag:$0x2] =	stream.linear.gather [hbm4b:s24+s1], $0x400, $0x38;
	[tilespmem:$0x12600] =	vst v63  }
0x180: {  	s24 =	sand.u32 $0x1FFFFF80, s28  }
0x181: {  	s31 =	sld [smem:$0x7D9];
	s24 =	sadd.s32 s2, s24;
	s30 =	spop (v2sf);
	(v2sf) =	vpush v4, $0xF  }
0x182: {  	[tilespmem:s29], [sflag:$0x1] =	stream.linear.gather [hbm4b:s24+s1], $0x400, $0x38;
	[tilespmem:$0x12600] =	vst v63  }
0x183: {  	s24 =	sand.u32 $0x1FFFFF80, s30  }
0x184: {  	s26 =	sld [smem:$0x7DA];
	s25 =	spop (v2sf);
	s24 =	sadd.s32 s3, s24  }
0x185: {  	[tilespmem:s31], [sflag:$0x2] =	stream.linear.gather [hbm4b:s24+s1], $0x400, $0x38;
	[tilespmem:$0x12600] =	vst v63  }
0x186: {  	s24 =	sand.u32 $0x1FFFFF80, s25  }
0x187: {  	s24 =	sadd.s32 s2, s24  }
0x188: {  	[tilespmem:s26], [sflag:$0x1] =	stream.linear.gather [hbm4b:s24+s1], $0x400, $0x38;
	[tilespmem:$0x12600] =	vst v63  }
0x189: {  	s29 =	sld [smem:$0x7DB];
	s28 =	spop (v2sf)  }
0x18a: {  	s24 =	sand.u32 $0x1FFFFF80, s28  }
0x18b: {  	s31 =	sld [smem:$0x7DC];
	s30 =	spop (v2sf);
	s24 =	sadd.s32 s3, s24  }
0x18c: {  	[tilespmem:s29], [sflag:$0x2] =	stream.linear.gather [hbm4b:s24+s1], $0x400, $0x38;
	[tilespmem:$0x12600] =	vst v63  }
0x18d: {  	s24 =	sand.u32 $0x1FFFFF80, s30  }
0x18e: {  	s24 =	sadd.s32 s2, s24  }
0x18f: {  	[tilespmem:s31], [sflag:$0x1] =	stream.linear.gather [hbm4b:s24+s1], $0x400, $0x38;
	[tilespmem:$0x12600] =	vst v63  }
0x190: {  	s26 =	sld [smem:$0x7DD];
	s25 =	spop (v2sf)  }
0x191: {  	s24 =	sand.u32 $0x1FFFFF80, s25  }
0x192: {  	s24 =	sadd.s32 s3, s24  }
0x193: {  	[tilespmem:s26], [sflag:$0x2] =	stream.linear.gather [hbm4b:s24+s1], $0x400, $0x38;
	[tilespmem:$0x12600] =	vst v63  }
0x194: {  	v5 =	vld [tilespmem:s23+$0x0];
	_ =	sdelay $0x1  }
0x195: {  	v6 =	vld [tilespmem:s22+$0x0];
	_ =	sdelay $0x2  }
0x196: {  	v7 =	vshll.u32 v5, $0x4  }
0x197: {  	(v2sf) =	vpush v7, $0x0  }
0x198: {  	v8 =	vshll.u32 v6, $0x4  }
0x199: {  	(v2sf) =	vpush v8, $0x0;
	_ =	sdelay $0x1  }
0x19a: {  	(v2sf) =	vpush v7, $0x1;
	_ =	sdelay $0x2  }
0x19b: {  	(v2sf) =	vpush v8, $0x1;
	_ =	sdelay $0x7  }
0x19c: {  	s28 =	spop (v2sf);
	(v2sf) =	vpush v7, $0x2;
	_ =	sdelay $0x1  }
0x19d: {  	s30 =	spop (v2sf);
	(v2sf) =	vpush v8, $0x2;
	_ =	sdelay $0x1  }
0x19e: {  	s25 =	spop (v2sf);
	(v2sf) =	vpush v7, $0x3;
	_ =	sdelay $0x2  }
0x19f: {  	s24 =	sand.u32 $0x1FFFFF80, s28;
	s28 =	spop (v2sf);
	(v2sf) =	vpush v8, $0x3  }
0x1a0: {  	s29 =	sld [smem:$0x7DE];
	_ =	sdelay $0x1  }
0x1a1: {  	s31 =	sld [smem:$0x7DF];
	s24 =	sadd.s32 s2, s24  }
0x1a2: {  	[tilespmem:s29], [sflag:$0x1] =	stream.linear.gather [hbm4b:s24+s1], $0x400, $0x38;
	[tilespmem:$0x12600] =	vst v63  }
0x1a3: {  	s24 =	sand.u32 $0x1FFFFF80, s30  }
0x1a4: {  	s24 =	sadd.s32 s3, s24  }
0x1a5: {  	[tilespmem:s31], [sflag:$0x2] =	stream.linear.gather [hbm4b:s24+s1], $0x400, $0x38;
	[tilespmem:$0x12600] =	vst v63  }
0x1a6: {  	s26 =	sld [smem:$0x7E0];
	s30 =	spop (v2sf);
	(v2sf) =	vpush v7, $0x4  }
0x1a7: {  	s24 =	sand.u32 $0x1FFFFF80, s25  }
0x1a8: {  	s29 =	sld [smem:$0x7E1];
	s24 =	sadd.s32 s2, s24;
	s25 =	spop (v2sf);
	(v2sf) =	vpush v8, $0x4  }
0x1a9: {  	[tilespmem:s26], [sflag:$0x1] =	stream.linear.gather [hbm4b:s24+s1], $0x400, $0x38;
	[tilespmem:$0x12600] =	vst v63  }
0x1aa: {  	s24 =	sand.u32 $0x1FFFFF80, s28;
	s28 =	spop (v2sf);
	(v2sf) =	vpush v7, $0x5  }
0x1ab: {  	s24 =	sadd.s32 s3, s24  }
0x1ac: {  	[tilespmem:s29], [sflag:$0x2] =	stream.linear.gather [hbm4b:s24+s1], $0x400, $0x38;
	[tilespmem:$0x12600] =	vst v63  }
0x1ad: {  	s24 =	sand.u32 $0x1FFFFF80, s30;
	s30 =	spop (v2sf);
	(v2sf) =	vpush v8, $0x5  }
0x1ae: {  	s31 =	sld [smem:$0x7E2];
	_ =	sdelay $0x1  }
0x1af: {  	s26 =	sld [smem:$0x7E3];
	s24 =	sadd.s32 s2, s24  }
0x1b0: {  	[tilespmem:s31], [sflag:$0x1] =	stream.linear.gather [hbm4b:s24+s1], $0x400, $0x38;
	[tilespmem:$0x12600] =	vst v63  }
0x1b1: {  	s24 =	sand.u32 $0x1FFFFF80, s25  }
0x1b2: {  	s24 =	sadd.s32 s3, s24  }
0x1b3: {  	[tilespmem:s26], [sflag:$0x2] =	stream.linear.gather [hbm4b:s24+s1], $0x400, $0x38;
	[tilespmem:$0x12600] =	vst v63  }
0x1b4: {  	s29 =	sld [smem:$0x7E4];
	s25 =	spop (v2sf);
	(v2sf) =	vpush v7, $0x6  }
0x1b5: {  	s24 =	sand.u32 $0x1FFFFF80, s28  }
0x1b6: {  	s31 =	sld [smem:$0x7E5];
	s24 =	sadd.s32 s2, s24;
	s28 =	spop (v2sf);
	(v2sf) =	vpush v8, $0x6  }
0x1b7: {  	[tilespmem:s29], [sflag:$0x1] =	stream.linear.gather [hbm4b:s24+s1], $0x400, $0x38;
	[tilespmem:$0x12600] =	vst v63  }
0x1b8: {  	s24 =	sand.u32 $0x1FFFFF80, s30;
	s30 =	spop (v2sf);
	(v2sf) =	vpush v7, $0x7  }
0x1b9: {  	s24 =	sadd.s32 s3, s24  }
0x1ba: {  	[tilespmem:s31], [sflag:$0x2] =	stream.linear.gather [hbm4b:s24+s1], $0x400, $0x38;
	[tilespmem:$0x12600] =	vst v63  }
0x1bb: {  	s24 =	sand.u32 $0x1FFFFF80, s25;
	s25 =	spop (v2sf);
	(v2sf) =	vpush v8, $0x7  }
0x1bc: {  	s26 =	sld [smem:$0x7E6];
	_ =	sdelay $0x1  }
0x1bd: {  	s29 =	sld [smem:$0x7E7];
	s24 =	sadd.s32 s2, s24  }
0x1be: {  	[tilespmem:s26], [sflag:$0x1] =	stream.linear.gather [hbm4b:s24+s1], $0x400, $0x38;
	[tilespmem:$0x12600] =	vst v63  }
0x1bf: {  	s24 =	sand.u32 $0x1FFFFF80, s28  }
0x1c0: {  	s24 =	sadd.s32 s3, s24  }
0x1c1: {  	[tilespmem:s29], [sflag:$0x2] =	stream.linear.gather [hbm4b:s24+s1], $0x400, $0x38;
	[tilespmem:$0x12600] =	vst v63  }
0x1c2: {  	s31 =	sld [smem:$0x7E8];
	s28 =	spop (v2sf);
	(v2sf) =	vpush v7, $0x8  }
0x1c3: {  	s24 =	sand.u32 $0x1FFFFF80, s30  }
0x1c4: {  	s26 =	sld [smem:$0x7E9];
	s24 =	sadd.s32 s2, s24;
	s30 =	spop (v2sf);
	(v2sf) =	vpush v8, $0x8  }
0x1c5: {  	[tilespmem:s31], [sflag:$0x1] =	stream.linear.gather [hbm4b:s24+s1], $0x400, $0x38;
	[tilespmem:$0x12600] =	vst v63  }
0x1c6: {  	s24 =	sand.u32 $0x1FFFFF80, s25;
	s25 =	spop (v2sf);
	(v2sf) =	vpush v7, $0x9  }
0x1c7: {  	s24 =	sadd.s32 s3, s24  }
0x1c8: {  	[tilespmem:s26], [sflag:$0x2] =	stream.linear.gather [hbm4b:s24+s1], $0x400, $0x38;
	[tilespmem:$0x12600] =	vst v63  }
0x1c9: {  	s29 =	sld [smem:$0x7EA];
	s24 =	sand.u32 $0x1FFFFF80, s28;
	s28 =	spop (v2sf);
	(v2sf) =	vpush v8, $0x9  }
0x1ca: {  	_ = 	snop  }
0x1cb: {  	s31 =	sld [smem:$0x7EB];
	s24 =	sadd.s32 s2, s24  }
0x1cc: {  	[tilespmem:s29], [sflag:$0x1] =	stream.linear.gather [hbm4b:s24+s1], $0x400, $0x38;
	[tilespmem:$0x12600] =	vst v63  }
0x1cd: {  	s24 =	sand.u32 $0x1FFFFF80, s30  }
0x1ce: {  	s26 =	sld [smem:$0x7EC];
	s24 =	sadd.s32 s3, s24  }
0x1cf: {  	[tilespmem:s31], [sflag:$0x2] =	stream.linear.gather [hbm4b:s24+s1], $0x400, $0x38;
	[tilespmem:$0x12600] =	vst v63  }
0x1d0: {  	s24 =	sand.u32 $0x1FFFFF80, s25  }
0x1d1: {  	s24 =	sadd.s32 s2, s24;
	s30 =	spop (v2sf);
	(v2sf) =	vpush v7, $0xA  }
0x1d2: {  	[tilespmem:s26], [sflag:$0x1] =	stream.linear.gather [hbm4b:s24+s1], $0x400, $0x38;
	[tilespmem:$0x12600] =	vst v63  }
0x1d3: {  	s29 =	sld [smem:$0x7ED];
	s25 =	spop (v2sf);
	(v2sf) =	vpush v8, $0xA  }
0x1d4: {  	s24 =	sand.u32 $0x1FFFFF80, s28  }
0x1d5: {  	s31 =	sld [smem:$0x7EE];
	s24 =	sadd.s32 s3, s24;
	s28 =	spop (v2sf);
	(v2sf) =	vpush v7, $0xB  }
0x1d6: {  	[tilespmem:s29], [sflag:$0x2] =	stream.linear.gather [hbm4b:s24+s1], $0x400, $0x38;
	[tilespmem:$0x12600] =	vst v63  }
0x1d7: {  	s24 =	sand.u32 $0x1FFFFF80, s30  }
0x1d8: {  	s26 =	sld [smem:$0x7EF];
	s24 =	sadd.s32 s2, s24;
	s30 =	spop (v2sf);
	(v2sf) =	vpush v8, $0xB  }
0x1d9: {  	[tilespmem:s31], [sflag:$0x1] =	stream.linear.gather [hbm4b:s24+s1], $0x400, $0x38;
	[tilespmem:$0x12600] =	vst v63  }
0x1da: {  	s24 =	sand.u32 $0x1FFFFF80, s25  }
0x1db: {  	s29 =	sld [smem:$0x7F0];
	s24 =	sadd.s32 s3, s24  }
0x1dc: {  	[tilespmem:s26], [sflag:$0x2] =	stream.linear.gather [hbm4b:s24+s1], $0x400, $0x38;
	[tilespmem:$0x12600] =	vst v63  }
0x1dd: {  	s24 =	sand.u32 $0x1FFFFF80, s28  }
0x1de: {  	s24 =	sadd.s32 s2, s24  }
0x1df: {  	[tilespmem:s29], [sflag:$0x1] =	stream.linear.gather [hbm4b:s24+s1], $0x400, $0x38;
	[tilespmem:$0x12600] =	vst v63  }
0x1e0: {  	s31 =	sld [smem:$0x7F1];
	s25 =	spop (v2sf);
	(v2sf) =	vpush v7, $0xC  }
0x1e1: {  	s24 =	sand.u32 $0x1FFFFF80, s30  }
0x1e2: {  	s26 =	sld [smem:$0x7F2];
	s24 =	sadd.s32 s3, s24;
	s28 =	spop (v2sf);
	(v2sf) =	vpush v8, $0xC  }
0x1e3: {  	[tilespmem:s31], [sflag:$0x2] =	stream.linear.gather [hbm4b:s24+s1], $0x400, $0x38;
	[tilespmem:$0x12600] =	vst v63  }
0x1e4: {  	s24 =	sand.u32 $0x1FFFFF80, s25;
	s30 =	spop (v2sf);
	(v2sf) =	vpush v7, $0xD  }
0x1e5: {  	s24 =	sadd.s32 s2, s24  }
0x1e6: {  	[tilespmem:s26], [sflag:$0x1] =	stream.linear.gather [hbm4b:s24+s1], $0x400, $0x38;
	[tilespmem:$0x12600] =	vst v63  }
0x1e7: {  	s29 =	sld [smem:$0x7F3];
	s25 =	spop (v2sf);
	(v2sf) =	vpush v8, $0xD  }
0x1e8: {  	s24 =	sand.u32 $0x1FFFFF80, s28  }
0x1e9: {  	s31 =	sld [smem:$0x7F4];
	s24 =	sadd.s32 s3, s24  }
0x1ea: {  	[tilespmem:s29], [sflag:$0x2] =	stream.linear.gather [hbm4b:s24+s1], $0x400, $0x38;
	[tilespmem:$0x12600] =	vst v63  }
0x1eb: {  	s24 =	sand.u32 $0x1FFFFF80, s30  }
0x1ec: {  	s26 =	sld [smem:$0x7F5];
	s24 =	sadd.s32 s2, s24  }
0x1ed: {  	[tilespmem:s31], [sflag:$0x1] =	stream.linear.gather [hbm4b:s24+s1], $0x400, $0x38;
	[tilespmem:$0x12600] =	vst v63  }
0x1ee: {  	s24 =	sand.u32 $0x1FFFFF80, s25  }
0x1ef: {  	s24 =	sadd.s32 s3, s24;
	s28 =	spop (v2sf);
	(v2sf) =	vpush v7, $0xE  }
0x1f0: {  	[tilespmem:s26], [sflag:$0x2] =	stream.linear.gather [hbm4b:s24+s1], $0x400, $0x38;
	[tilespmem:$0x12600] =	vst v63  }
0x1f1: {  	s29 =	sld [smem:$0x7F6];
	s30 =	spop (v2sf);
	(v2sf) =	vpush v8, $0xE  }
0x1f2: {  	s24 =	sand.u32 $0x1FFFFF80, s28  }
0x1f3: {  	s31 =	sld [smem:$0x7F7];
	s24 =	sadd.s32 s2, s24;
	s25 =	spop (v2sf)  }
0x1f4: {  	(v2sf) =	vpush v7, $0xF;
	[tilespmem:s29], [sflag:$0x1] =	stream.linear.gather [hbm4b:s24+s1], $0x400, $0x38;
	[tilespmem:$0x12600] =	vst v63  }
0x1f5: {  	s24 =	sand.u32 $0x1FFFFF80, s30  }
0x1f6: {  	s26 =	sld [smem:$0x7F8];
	s28 =	spop (v2sf);
	s24 =	sadd.s32 s3, s24  }
0x1f7: {  	(v2sf) =	vpush v8, $0xF;
	[tilespmem:s31], [sflag:$0x2] =	stream.linear.gather [hbm4b:s24+s1], $0x400, $0x38;
	[tilespmem:$0x12600] =	vst v63  }
0x1f8: {  	s24 =	sand.u32 $0x1FFFFF80, s25  }
0x1f9: {  	s29 =	sld [smem:$0x7F9];
	s24 =	sadd.s32 s2, s24  }
0x1fa: {  	[tilespmem:s26], [sflag:$0x1] =	stream.linear.gather [hbm4b:s24+s1], $0x400, $0x38;
	[tilespmem:$0x12600] =	vst v63  }
0x1fb: {  	s24 =	sand.u32 $0x1FFFFF80, s28  }
0x1fc: {  	s24 =	sadd.s32 s3, s24  }
0x1fd: {  	[tilespmem:s29], [sflag:$0x2] =	stream.linear.gather [hbm4b:s24+s1], $0x400, $0x38;
	[tilespmem:$0x12600] =	vst v63  }
0x1fe: {  	s31 =	sld [smem:$0x7FA];
	s30 =	spop (v2sf)  }
0x1ff: {  	s24 =	sand.u32 $0x1FFFFF80, s30  }
0x200: {  	s26 =	sld [smem:$0x7FB];
	s25 =	spop (v2sf);
	s24 =	sadd.s32 s2, s24  }
0x201: {  	[tilespmem:s31], [sflag:$0x1] =	stream.linear.gather [hbm4b:s24+s1], $0x400, $0x38;
	[tilespmem:$0x12600] =	vst v63  }
0x202: {  	s24 =	sand.u32 $0x1FFFFF80, s25  }
0x203: {  	s29 =	sld [smem:$0x7FC];
	s28 =	spop (v2sf);
	s24 =	sadd.s32 s3, s24  }
0x204: {  	[tilespmem:s26], [sflag:$0x2] =	stream.linear.gather [hbm4b:s24+s1], $0x400, $0x38;
	[tilespmem:$0x12600] =	vst v63  }
0x205: {  	s24 =	sand.u32 $0x1FFFFF80, s28  }
0x206: {  	s30 =	spop (v2sf);
	s31 =	sld [smem:$0x7FD];
	s24 =	sadd.s32 s2, s24  }
0x207: {  	[tilespmem:s29], [sflag:$0x1] =	stream.linear.gather [hbm4b:s24+s1], $0x400, $0x38;
	[tilespmem:$0x12600] =	vst v63  }
0x208: {  	s24 =	sand.u32 $0x1FFFFF80, s30  }
0x209: {  	s24 =	sadd.s32 s3, s24  }
0x20a: {  	[tilespmem:s31], [sflag:$0x2] =	stream.linear.gather [hbm4b:s24+s1], $0x400, $0x38;
	[tilespmem:$0x12600] =	vst v63  }
0x20b: {  	_ =	swait.ge [sflag:s14], $0x8000  }
0x20c: {  	[sflag:s14] =	ssyncset.done $0x0  }
0x20d: {  	[sflag:s14] =	ssyncadd.s32 $0xFFFF8000  }
0x20e: {  	_ =	swait.ge [sflag:s15], $0x8000  }
0x20f: {  	[sflag:s15] =	ssyncset.done $0x0  }
0x210: {  	[sflag:s15] =	ssyncadd.s32 $0xFFFF8000  }
0x211: {  	v9 =	vld [tilespmem:s23+$0xFFFFFFF0]  }
0x212: {  	v10 =	vld [tilespmem:s22+$0xFFFFFFF0];
	_ =	sdelay $0x1  }
0x213: {  	v11 =	vmov s20  }
0x214: {  	v61 =	vshll.u32 v11, $0x3  }
0x215: {  	v0 =	vor.u32 v14, v61;
	v62 =	vand.u32 $0x7, v9  }
0x216: {  	v2 =	vand.u32 $0x7, v10;
	v3 =	vor.u32 v0, v62  }
0x217: {  	v0 =	vor.u32 v0, v2;
	v63 =	vshll.u32 v62, $0x7  }
0x218: {  	v62 =	vshll.u32 v2, $0x7;
	v4 =	vor.u32 v1, v63  }
0x219: {  	v2 =	vor.u32 v1, v62  }
0x21a: {  	v32 =	vld [tilespmem:$0x1FCB0];
	v5 =	vor.u32 v15, v63  }
0x21b: {  	v6 =	vor.u32 v15, v62;
	v3 =	vld.idx.msk [tilespmem:v3+s16+$0x0], $0xffff  }
0x21c: {  	v7 =	vor.u32 v16, v63;
	v0 =	vld.idx.msk [tilespmem:v0+s17+$0x0], $0xffff  }
0x21d: {  	v8 =	vor.u32 v16, v62;
	v4 =	vld.idx.msk [tilespmem:v4+s10+$0x0], $0xffff  }
0x21e: {  	v9 =	vor.u32 v17, v63;
	v2 =	vld.idx.msk [tilespmem:v2+s13+$0x0], $0xffff  }
0x21f: {  	v10 =	vor.u32 v17, v62;
	v5 =	vld.idx.msk [tilespmem:v5+s10+$0x0], $0xffff  }
0x220: {  	v6 =	vld.idx.msk [tilespmem:v6+s13+$0x0], $0xffff  }
0x221: {  	v7 =	vld.idx.msk [tilespmem:v7+s10+$0x0], $0xffff  }
0x222: {  	v8 =	vld.idx.msk [tilespmem:v8+s13+$0x0], $0xffff  }
0x223: {  	v11 =	vor.u32 v18, v63;
	v0 =	vadd.f32 v0, v3;
	v3 =	vld.idx.msk [tilespmem:v9+s10+$0x0], $0xffff;
	v2 =	vmul.f32 v2, v4  }
0x224: {  	v12 =	vor.u32 v18, v62;
	v9 =	vld.idx.msk [tilespmem:v10+s13+$0x0], $0xffff;
	v10 =	vor.u32 v32, v63  }
0x225: {  	v0 =	vadd.f32 v2, v0;
	v2 =	vmul.f32 v6, v5;
	v6 =	vor.u32 v32, v62;
	v32 =	vld [tilespmem:$0x1FCC0];
	_ =	sdelay $0x2  }
0x226: {  	v5 =	vld.idx.msk [tilespmem:v11+s10+$0x0], $0xffff  }
0x227: {  	v13 =	vor.u32 v19, v63;
	v11 =	vld.idx.msk [tilespmem:v12+s13+$0x0], $0xffff;
	v0 =	vadd.f32 v2, v0  }
0x228: {  	v2 =	vmul.f32 v8, v7;
	v12 =	vor.u32 v32, v63;
	v8 =	vor.u32 v32, v62;
	v32 =	vld [tilespmem:$0x1FCD0];
	_ =	sdelay $0x2  }
0x229: {  	v4 =	vor.u32 v19, v62  }
0x22a: {  	v7 =	vld.idx.msk [tilespmem:v13+s10+$0x0], $0xffff;
	v0 =	vadd.f32 v2, v0  }
0x22b: {  	v2 =	vmul.f32 v9, v3;
	v13 =	vor.u32 v32, v63;
	v9 =	vor.u32 v32, v62;
	v32 =	vld [tilespmem:$0x1FCE0];
	_ =	sdelay $0x2  }
0x22c: {  	v4 =	vld.idx.msk [tilespmem:v4+s13+$0x0], $0xffff  }
0x22d: {  	v3 =	vld.idx.msk [tilespmem:v10+s10+$0x0], $0xffff;
	v0 =	vadd.f32 v2, v0  }
0x22e: {  	v2 =	vmul.f32 v11, v5;
	v10 =	vor.u32 v32, v63;
	v11 =	vor.u32 v32, v62;
	v32 =	vld [tilespmem:$0x1FCF0];
	_ =	sdelay $0x2  }
0x22f: {  	v6 =	vld.idx.msk [tilespmem:v6+s13+$0x0], $0xffff  }
0x230: {  	v0 =	vadd.f32 v2, v0;
	v5 =	vld.idx.msk [tilespmem:v12+s10+$0x0], $0xffff  }
0x231: {  	v2 =	vmul.f32 v4, v7;
	v12 =	vor.u32 v32, v63;
	v7 =	vor.u32 v32, v62;
	v32 =	vld [tilespmem:$0x1FD00];
	_ =	sdelay $0x2  }
0x232: {  	v8 =	vld.idx.msk [tilespmem:v8+s13+$0x0], $0xffff  }
0x233: {  	v0 =	vadd.f32 v2, v0;
	v4 =	vld.idx.msk [tilespmem:v13+s10+$0x0], $0xffff  }
0x234: {  	v2 =	vmul.f32 v6, v3;
	v13 =	vor.u32 v32, v63;
	v6 =	vor.u32 v32, v62;
	v32 =	vld [tilespmem:$0x1FD10];
	_ =	sdelay $0x1  }
0x235: {  	v9 =	vld.idx.msk [tilespmem:v9+s13+$0x0], $0xffff  }
0x236: {  	v3 =	vld.idx.msk [tilespmem:v10+s10+$0x0], $0xffff  }
0x237: {  	v0 =	vadd.f32 v2, v0;
	v10 =	vld.idx.msk [tilespmem:v11+s13+$0x0], $0xffff  }
0x238: {  	v2 =	vmul.f32 v8, v5;
	v11 =	vor.u32 v32, v63;
	v8 =	vor.u32 v32, v62;
	v32 =	vld [tilespmem:$0x1FD20];
	_ =	sdelay $0x3  }
0x239: {  	v0 =	vadd.f32 v2, v0;
	v5 =	vld.idx.msk [tilespmem:v12+s10+$0x0], $0xffff  }
0x23a: {  	v2 =	vmul.f32 v9, v4;
	v12 =	vor.u32 v32, v63;
	v9 =	vor.u32 v32, v62;
	v32 =	vld [tilespmem:$0x1FD30];
	_ =	sdelay $0x2  }
0x23b: {  	v7 =	vld.idx.msk [tilespmem:v7+s13+$0x0], $0xffff  }
0x23c: {  	v0 =	vadd.f32 v2, v0;
	v4 =	vld.idx.msk [tilespmem:v13+s10+$0x0], $0xffff  }
0x23d: {  	v2 =	vmul.f32 v10, v3;
	v13 =	vor.u32 v32, v63;
	v10 =	vor.u32 v32, v62;
	v32 =	vld [tilespmem:$0x1FD40];
	_ =	sdelay $0x2  }
0x23e: {  	v6 =	vld.idx.msk [tilespmem:v6+s13+$0x0], $0xffff  }
0x23f: {  	v0 =	vadd.f32 v2, v0;
	v3 =	vld.idx.msk [tilespmem:v11+s10+$0x0], $0xffff  }
0x240: {  	v2 =	vmul.f32 v7, v5;
	v11 =	vor.u32 v32, v63;
	v7 =	vor.u32 v32, v62;
	v32 =	vld [tilespmem:$0x1FD50];
	_ =	sdelay $0x2  }
0x241: {  	v8 =	vld.idx.msk [tilespmem:v8+s13+$0x0], $0xffff  }
0x242: {  	v0 =	vadd.f32 v2, v0;
	v5 =	vld.idx.msk [tilespmem:v12+s10+$0x0], $0xffff  }
0x243: {  	v2 =	vmul.f32 v6, v4;
	v12 =	vor.u32 v32, v63;
	v6 =	vor.u32 v32, v62;
	v32 =	vld [tilespmem:$0x1FD60];
	_ =	sdelay $0x2  }
0x244: {  	v9 =	vld.idx.msk [tilespmem:v9+s13+$0x0], $0xffff  }
0x245: {  	v0 =	vadd.f32 v2, v0;
	v4 =	vld.idx.msk [tilespmem:v13+s10+$0x0], $0xffff  }
0x246: {  	v2 =	vmul.f32 v8, v3;
	v13 =	vor.u32 v32, v63;
	v8 =	vor.u32 v32, v62;
	v32 =	vld [tilespmem:$0x1FD70];
	_ =	sdelay $0x1  }
0x247: {  	v10 =	vld.idx.msk [tilespmem:v10+s13+$0x0], $0xffff  }
0x248: {  	v3 =	vld.idx.msk [tilespmem:v11+s10+$0x0], $0xffff  }
0x249: {  	v7 =	vld.idx.msk [tilespmem:v7+s13+$0x0], $0xffff  }
0x24a: {  	v0 =	vadd.f32 v2, v0;
	v2 =	vmul.f32 v9, v5;
	v5 =	vld.idx.msk [tilespmem:v12+s10+$0x0], $0xffff;
	v11 =	vor.u32 v32, v63  }
0x24b: {  	v6 =	vld.idx.msk [tilespmem:v6+s13+$0x0], $0xffff;
	v9 =	vor.u32 v32, v62  }
0x24c: {  	v0 =	vadd.f32 v2, v0;
	v2 =	vmul.f32 v10, v4;
	v12 =	vor.u32 v33, v63  }
0x24d: {  	v4 =	vld.idx.msk [tilespmem:v13+s10+$0x0], $0xffff;
	v32 =	vor.u32 v33, v62  }
0x24e: {  	v0 =	vadd.f32 v2, v0;
	v2 =	vmul.f32 v7, v3;
	v7 =	vor.u32 v34, v62;
	v8 =	vld.idx.msk [tilespmem:v8+s13+$0x0], $0xffff  }
0x24f: {  	v13 =	vor.u32 v34, v63;
	v3 =	vld.idx.msk [tilespmem:v11+s10+$0x0], $0xffff  }
0x250: {  	v0 =	vadd.f32 v2, v0;
	v2 =	vmul.f32 v6, v5;
	v6 =	vor.u32 v35, v62;
	v9 =	vld.idx.msk [tilespmem:v9+s13+$0x0], $0xffff  }
0x251: {  	v5 =	vld.idx.msk [tilespmem:v12+s10+$0x0], $0xffff;
	v11 =	vor.u32 v35, v63  }
0x252: {  	v10 =	vld.idx.msk [tilespmem:v32+s13+$0x0], $0xffff;
	v32 =	vor.u32 v36, v62  }
0x253: {  	v12 =	vor.u32 v36, v63;
	v7 =	vld.idx.msk [tilespmem:v7+s13+$0x0], $0xffff;
	v0 =	vadd.f32 v2, v0;
	v2 =	vmul.f32 v8, v4  }
0x254: {  	v4 =	vld.idx.msk [tilespmem:v13+s10+$0x0], $0xffff;
	v13 =	vor.u32 v37, v63  }
0x255: {  	v6 =	vld.idx.msk [tilespmem:v6+s13+$0x0], $0xffff;
	v0 =	vadd.f32 v2, v0;
	v2 =	vmul.f32 v9, v3;
	v9 =	vor.u32 v37, v62  }
0x256: {  	v3 =	vld.idx.msk [tilespmem:v11+s10+$0x0], $0xffff;
	v11 =	vor.u32 v38, v63  }
0x257: {  	v8 =	vld.idx.msk [tilespmem:v32+s13+$0x0], $0xffff;
	v0 =	vadd.f32 v2, v0;
	v2 =	vmul.f32 v10, v5;
	v10 =	vor.u32 v38, v62  }
0x258: {  	v32 =	vor.u32 v39, v62;
	v5 =	vld.idx.msk [tilespmem:v12+s10+$0x0], $0xffff  }
0x259: {  	v12 =	vor.u32 v39, v63;
	v0 =	vadd.f32 v2, v0;
	v2 =	vmul.f32 v7, v4;
	v4 =	vld.idx.msk [tilespmem:v13+s10+$0x0], $0xffff  }
0x25a: {  	v13 =	vor.u32 v40, v63;
	v9 =	vld.idx.msk [tilespmem:v9+s13+$0x0], $0xffff  }
0x25b: {  	v0 =	vadd.f32 v2, v0;
	v2 =	vmul.f32 v6, v3;
	v3 =	vld.idx.msk [tilespmem:v11+s10+$0x0], $0xffff;
	v6 =	vor.u32 v40, v62  }
0x25c: {  	v11 =	vor.u32 v41, v63;
	v10 =	vld.idx.msk [tilespmem:v10+s13+$0x0], $0xffff  }
0x25d: {  	v7 =	vld.idx.msk [tilespmem:v32+s13+$0x0], $0xffff;
	v0 =	vadd.f32 v2, v0;
	v2 =	vmul.f32 v8, v5;
	v8 =	vor.u32 v41, v62  }
0x25e: {  	v32 =	vor.u32 v42, v62;
	v5 =	vld.idx.msk [tilespmem:v12+s10+$0x0], $0xffff  }
0x25f: {  	v12 =	vor.u32 v42, v63;
	v0 =	vadd.f32 v2, v0;
	v2 =	vmul.f32 v9, v4;
	v4 =	vld.idx.msk [tilespmem:v13+s10+$0x0], $0xffff  }
0x260: {  	v13 =	vor.u32 v43, v63;
	v6 =	vld.idx.msk [tilespmem:v6+s13+$0x0], $0xffff  }
0x261: {  	v0 =	vadd.f32 v2, v0;
	v2 =	vmul.f32 v10, v3;
	v3 =	vld.idx.msk [tilespmem:v11+s10+$0x0], $0xffff;
	v10 =	vor.u32 v43, v62  }
0x262: {  	v11 =	vor.u32 v44, v63;
	v8 =	vld.idx.msk [tilespmem:v8+s13+$0x0], $0xffff  }
0x263: {  	v9 =	vld.idx.msk [tilespmem:v32+s13+$0x0], $0xffff;
	v0 =	vadd.f32 v2, v0;
	v2 =	vmul.f32 v7, v5;
	v7 =	vor.u32 v44, v62  }
0x264: {  	v32 =	vor.u32 v45, v62;
	v5 =	vld.idx.msk [tilespmem:v12+s10+$0x0], $0xffff  }
0x265: {  	v12 =	vor.u32 v45, v63;
	v0 =	vadd.f32 v2, v0;
	v2 =	vmul.f32 v6, v4;
	v4 =	vld.idx.msk [tilespmem:v13+s10+$0x0], $0xffff  }
0x266: {  	v13 =	vor.u32 v46, v63;
	v10 =	vld.idx.msk [tilespmem:v10+s13+$0x0], $0xffff  }
0x267: {  	v0 =	vadd.f32 v2, v0;
	v2 =	vmul.f32 v8, v3;
	v3 =	vld.idx.msk [tilespmem:v11+s10+$0x0], $0xffff;
	v8 =	vor.u32 v46, v62  }
0x268: {  	v11 =	vor.u32 v47, v63;
	v7 =	vld.idx.msk [tilespmem:v7+s13+$0x0], $0xffff  }
0x269: {  	v6 =	vld.idx.msk [tilespmem:v32+s13+$0x0], $0xffff;
	v0 =	vadd.f32 v2, v0;
	v2 =	vmul.f32 v9, v5;
	v9 =	vor.u32 v47, v62  }
0x26a: {  	v32 =	vor.u32 v48, v62;
	v5 =	vld.idx.msk [tilespmem:v12+s10+$0x0], $0xffff  }
0x26b: {  	v12 =	vor.u32 v48, v63;
	v0 =	vadd.f32 v2, v0;
	v2 =	vmul.f32 v10, v4;
	v4 =	vld.idx.msk [tilespmem:v13+s10+$0x0], $0xffff  }
0x26c: {  	v13 =	vor.u32 v49, v63;
	v8 =	vld.idx.msk [tilespmem:v8+s13+$0x0], $0xffff  }
0x26d: {  	v0 =	vadd.f32 v2, v0;
	v2 =	vmul.f32 v7, v3;
	v3 =	vld.idx.msk [tilespmem:v11+s10+$0x0], $0xffff;
	v7 =	vor.u32 v49, v62  }
0x26e: {  	v11 =	vor.u32 v50, v63;
	v9 =	vld.idx.msk [tilespmem:v9+s13+$0x0], $0xffff  }
0x26f: {  	v10 =	vld.idx.msk [tilespmem:v32+s13+$0x0], $0xffff;
	v0 =	vadd.f32 v2, v0;
	v2 =	vmul.f32 v6, v5;
	v6 =	vor.u32 v50, v62  }
0x270: {  	v32 =	vor.u32 v51, v62;
	v5 =	vld.idx.msk [tilespmem:v12+s10+$0x0], $0xffff  }
0x271: {  	v12 =	vor.u32 v51, v63;
	v0 =	vadd.f32 v2, v0;
	v2 =	vmul.f32 v8, v4;
	v4 =	vld.idx.msk [tilespmem:v13+s10+$0x0], $0xffff  }
0x272: {  	v13 =	vor.u32 v52, v63;
	v7 =	vld.idx.msk [tilespmem:v7+s13+$0x0], $0xffff  }
0x273: {  	v0 =	vadd.f32 v2, v0;
	v2 =	vmul.f32 v9, v3;
	v3 =	vld.idx.msk [tilespmem:v11+s10+$0x0], $0xffff;
	v9 =	vor.u32 v52, v62  }
0x274: {  	v11 =	vor.u32 v53, v63;
	v6 =	vld.idx.msk [tilespmem:v6+s13+$0x0], $0xffff  }
0x275: {  	v8 =	vld.idx.msk [tilespmem:v32+s13+$0x0], $0xffff;
	v0 =	vadd.f32 v2, v0;
	v2 =	vmul.f32 v10, v5;
	v10 =	vor.u32 v53, v62  }
0x276: {  	v32 =	vor.u32 v54, v62;
	v5 =	vld.idx.msk [tilespmem:v12+s10+$0x0], $0xffff  }
0x277: {  	v12 =	vor.u32 v54, v63;
	v0 =	vadd.f32 v2, v0;
	v2 =	vmul.f32 v7, v4;
	v4 =	vld.idx.msk [tilespmem:v13+s10+$0x0], $0xffff  }
0x278: {  	v13 =	vor.u32 v55, v63;
	v9 =	vld.idx.msk [tilespmem:v9+s13+$0x0], $0xffff  }
0x279: {  	v0 =	vadd.f32 v2, v0;
	v2 =	vmul.f32 v6, v3;
	v3 =	vld.idx.msk [tilespmem:v11+s10+$0x0], $0xffff;
	v6 =	vor.u32 v55, v62  }
0x27a: {  	v11 =	vor.u32 v56, v63;
	v10 =	vld.idx.msk [tilespmem:v10+s13+$0x0], $0xffff  }
0x27b: {  	v7 =	vld.idx.msk [tilespmem:v32+s13+$0x0], $0xffff;
	v0 =	vadd.f32 v2, v0;
	v2 =	vmul.f32 v8, v5;
	v8 =	vor.u32 v56, v62  }
0x27c: {  	v32 =	vor.u32 v57, v62;
	v5 =	vld.idx.msk [tilespmem:v12+s10+$0x0], $0xffff  }
0x27d: {  	v12 =	vor.u32 v57, v63;
	v0 =	vadd.f32 v2, v0;
	v2 =	vmul.f32 v9, v4;
	v4 =	vld.idx.msk [tilespmem:v13+s10+$0x0], $0xffff  }
0x27e: {  	v13 =	vor.u32 v58, v63;
	v6 =	vld.idx.msk [tilespmem:v6+s13+$0x0], $0xffff  }
0x27f: {  	v0 =	vadd.f32 v2, v0;
	v2 =	vmul.f32 v10, v3;
	v3 =	vld.idx.msk [tilespmem:v11+s10+$0x0], $0xffff;
	v10 =	vor.u32 v58, v62  }
0x280: {  	v11 =	vor.u32 v59, v63;
	v8 =	vld.idx.msk [tilespmem:v8+s13+$0x0], $0xffff  }
0x281: {  	v9 =	vld.idx.msk [tilespmem:v32+s13+$0x0], $0xffff;
	v0 =	vadd.f32 v2, v0;
	v2 =	vmul.f32 v7, v5;
	v7 =	vor.u32 v59, v62  }
0x282: {  	v32 =	vor.u32 v60, v62;
	v5 =	vld.idx.msk [tilespmem:v12+s10+$0x0], $0xffff  }
0x283: {  	v12 =	vor.u32 v60, v63;
	v0 =	vadd.f32 v2, v0;
	v2 =	vmul.f32 v6, v4;
	v4 =	vld.idx.msk [tilespmem:v13+s10+$0x0], $0xffff  }
0x284: {  	v13 =	vor.u32 v20, v63;
	v10 =	vld.idx.msk [tilespmem:v10+s13+$0x0], $0xffff  }
0x285: {  	v0 =	vadd.f32 v2, v0;
	v2 =	vmul.f32 v8, v3;
	v3 =	vld.idx.msk [tilespmem:v11+s10+$0x0], $0xffff;
	v8 =	vor.u32 v20, v62  }
0x286: {  	v11 =	vor.u32 v21, v63;
	v7 =	vld.idx.msk [tilespmem:v7+s13+$0x0], $0xffff  }
0x287: {  	v6 =	vld.idx.msk [tilespmem:v32+s13+$0x0], $0xffff;
	v0 =	vadd.f32 v2, v0;
	v2 =	vmul.f32 v9, v5;
	v9 =	vor.u32 v21, v62  }
0x288: {  	v32 =	vor.u32 v22, v62;
	v5 =	vld.idx.msk [tilespmem:v12+s10+$0x0], $0xffff  }
0x289: {  	v12 =	vor.u32 v22, v63;
	v0 =	vadd.f32 v2, v0;
	v2 =	vmul.f32 v10, v4;
	v4 =	vld.idx.msk [tilespmem:v13+s10+$0x0], $0xffff  }
0x28a: {  	v13 =	vor.u32 v23, v63;
	v8 =	vld.idx.msk [tilespmem:v8+s13+$0x0], $0xffff  }
0x28b: {  	v0 =	vadd.f32 v2, v0;
	v2 =	vmul.f32 v7, v3;
	v3 =	vld.idx.msk [tilespmem:v11+s10+$0x0], $0xffff;
	v7 =	vor.u32 v23, v62  }
0x28c: {  	v11 =	vor.u32 v24, v63;
	v9 =	vld.idx.msk [tilespmem:v9+s13+$0x0], $0xffff  }
0x28d: {  	v10 =	vld.idx.msk [tilespmem:v32+s13+$0x0], $0xffff;
	v0 =	vadd.f32 v2, v0;
	v2 =	vmul.f32 v6, v5;
	v6 =	vor.u32 v24, v62  }
0x28e: {  	v32 =	vor.u32 v25, v62;
	v5 =	vld.idx.msk [tilespmem:v12+s10+$0x0], $0xffff  }
0x28f: {  	v12 =	vor.u32 v25, v63;
	v0 =	vadd.f32 v2, v0;
	v2 =	vmul.f32 v8, v4;
	v4 =	vld.idx.msk [tilespmem:v13+s10+$0x0], $0xffff  }
0x290: {  	v13 =	vor.u32 v26, v63;
	v7 =	vld.idx.msk [tilespmem:v7+s13+$0x0], $0xffff  }
0x291: {  	v0 =	vadd.f32 v2, v0;
	v2 =	vmul.f32 v9, v3;
	v3 =	vld.idx.msk [tilespmem:v11+s10+$0x0], $0xffff;
	v9 =	vor.u32 v26, v62  }
0x292: {  	v11 =	vor.u32 v27, v63;
	v6 =	vld.idx.msk [tilespmem:v6+s13+$0x0], $0xffff  }
0x293: {  	v8 =	vld.idx.msk [tilespmem:v32+s13+$0x0], $0xffff;
	v0 =	vadd.f32 v2, v0;
	v2 =	vmul.f32 v10, v5;
	v10 =	vor.u32 v27, v62  }
0x294: {  	v32 =	vor.u32 v28, v62;
	v5 =	vld.idx.msk [tilespmem:v12+s10+$0x0], $0xffff  }
0x295: {  	v12 =	vor.u32 v28, v63;
	v0 =	vadd.f32 v2, v0;
	v2 =	vmul.f32 v7, v4;
	v4 =	vld.idx.msk [tilespmem:v13+s10+$0x0], $0xffff  }
0x296: {  	v13 =	vor.u32 v29, v63;
	v9 =	vld.idx.msk [tilespmem:v9+s13+$0x0], $0xffff  }
0x297: {  	v0 =	vadd.f32 v2, v0;
	v2 =	vmul.f32 v6, v3;
	v3 =	vld.idx.msk [tilespmem:v11+s10+$0x0], $0xffff;
	v6 =	vor.u32 v29, v62  }
0x298: {  	v10 =	vld.idx.msk [tilespmem:v10+s13+$0x0], $0xffff  }
0x299: {  	v7 =	vld.idx.msk [tilespmem:v32+s13+$0x0], $0xffff;
	v0 =	vadd.f32 v2, v0;
	v2 =	vmul.f32 v8, v5;
	v8 =	vor.u32 v30, v63  }
0x29a: {  	v11 =	vor.u32 v30, v62;
	v5 =	vld.idx.msk [tilespmem:v12+s10+$0x0], $0xffff  }
0x29b: {  	v32 =	vor.u32 v31, v63;
	v0 =	vadd.f32 v2, v0;
	v2 =	vmul.f32 v9, v4;
	v4 =	vld.idx.msk [tilespmem:v13+s10+$0x0], $0xffff  }
0x29c: {  	v12 =	vor.u32 v31, v62;
	v13 =	vor.u32 $0x3B, v1;
	v6 =	vld.idx.msk [tilespmem:v6+s13+$0x0], $0xffff  }
0x29d: {  	v0 =	vadd.f32 v2, v0;
	v2 =	vmul.f32 v10, v3;
	v3 =	vor.u32 v13, v63  }
0x29e: {  	v10 =	vor.u32 v13, v62;
	v13 =	vor.u32 $0x3C, v1;
	v8 =	vld.idx.msk [tilespmem:v8+s10+$0x0], $0xffff  }
0x29f: {  	v0 =	vadd.f32 v2, v0;
	v2 =	vmul.f32 v7, v5;
	v5 =	vld.idx.msk [tilespmem:v11+s13+$0x0], $0xffff;
	v7 =	vor.u32 v13, v63  }
0x2a0: {  	v9 =	vld.idx.msk [tilespmem:v32+s10+$0x0], $0xffff;
	v11 =	vor.u32 v13, v62;
	v13 =	vor.u32 $0x3D, v1  }
0x2a1: {  	v32 =	vor.u32 v13, v63;
	v0 =	vadd.f32 v2, v0;
	v2 =	vmul.f32 v6, v4;
	v4 =	vld.idx.msk [tilespmem:v12+s13+$0x0], $0xffff  }
0x2a2: {  	v12 =	vor.u32 v13, v62;
	v13 =	vor.u32 $0x3E, v1;
	v3 =	vld.idx.msk [tilespmem:v3+s10+$0x0], $0xffff  }
0x2a3: {  	v0 =	vadd.f32 v2, v0;
	v2 =	vld.idx.msk [tilespmem:v10+s13+$0x0], $0xffff;
	v10 =	vor.u32 v13, v63  }
0x2a4: {  	v5 =	vmul.f32 v5, v8;
	v7 =	vld.idx.msk [tilespmem:v7+s10+$0x0], $0xffff;
	v8 =	vor.u32 v13, v62;
	v13 =	vor.u32 $0x3F, v1  }
0x2a5: {  	v11 =	vld.idx.msk [tilespmem:v11+s13+$0x0], $0xffff;
	v63 =	vor.u32 v13, v63  }
0x2a6: {  	v6 =	vor.u32 v13, v62;
	v0 =	vadd.f32 v5, v0;
	v4 =	vmul.f32 v4, v9;
	v5 =	vld.idx.msk [tilespmem:v32+s10+$0x0], $0xffff  }
0x2a7: {  	v32 =	vld.idx.msk [tilespmem:v12+s13+$0x0], $0xffff  }
0x2a8: {  	v0 =	vadd.f32 v4, v0;
	v2 =	vmul.f32 v2, v3;
	v3 =	vld.idx.msk [tilespmem:v10+s10+$0x0], $0xffff  }
0x2a9: {  	v62 =	vld.idx.msk [tilespmem:v8+s13+$0x0], $0xffff  }
0x2aa: {  	v0 =	vadd.f32 v2, v0;
	v2 =	vmul.f32 v11, v7;
	v63 =	vld.idx.msk [tilespmem:v63+s10+$0x0], $0xffff  }
0x2ab: {  	v6 =	vld.idx.msk [tilespmem:v6+s13+$0x0], $0xffff  }
0x2ac: {  	v0 =	vadd.f32 v2, v0;
	v2 =	vmul.f32 v32, v5;
	_ =	sdelay $0x1  }
0x2ad: {  	v0 =	vadd.f32 v2, v0;
	v2 =	vmul.f32 v62, v3;
	_ =	sdelay $0x1  }
0x2ae: {  	v0 =	vadd.f32 v2, v0;
	v2 =	vmul.f32 v6, v63;
	_ =	sdelay $0x1  }
0x2af: {  	v0 =	vadd.f32 v2, v0;
	_ =	sdelay $0x1  }
0x2b0: {  	v0 =	vsub.f32 $0.0e+00, v0;
	_ =	sdelay $0x1  }
0x2b1: {  	v0 =	vmul.f32 $1.442695020e+00, v0;
	_ =	sdelay $0x1  }
0x2b2: {  	(erf) = vpow2.f32 v0;
	_ =	sdelay $0x8  }
0x2b3: {  	v0 =	vpop (erf)  }
0x2b4: {  	v0 =	vadd.f32 $1.000000000e+00, v0;
	_ =	sdelay $0x1  }
0x2b5: {  	(erf) = vrcp.f32 v0;
	_ =	sdelay $0x8  }
0x2b6: {  	v0 =	vpop (erf)  }
0x2b7: {  	v3 =	vld [tilespmem:$0x1FCA0];
	[tilespmem:s21+$0xFFFFFFF0] =	vst v0  }
0x2b8: {  	v0 =	vld [tilespmem:s23+$0x0]  }
0x2b9: {  	v2 =	vld [tilespmem:s22+$0x0];
	_ =	sdelay $0x3  }
0x2ba: {  	v3 =	vor.u32 v3, v61;
	v0 =	vand.u32 $0x7, v0  }
0x2bb: {  	v2 =	vand.u32 $0x7, v2;
	v10 =	vor.u32 v3, v0  }
0x2bc: {  	v3 =	vor.u32 v3, v2;
	v61 =	vshll.u32 v0, $0x7;
	v0 =	vor.u32 $0x4000, v1  }
0x2bd: {  	v62 =	vshll.u32 v2, $0x7;
	v11 =	vor.u32 v0, v61  }
0x2be: {  	v0 =	vor.u32 v0, v62  }
0x2bf: {  	v2 =	vor.u32 $0x4001, v1  }
0x2c0: {  	v6 =	vor.u32 v2, v61;
	v4 =	vld.idx.msk [tilespmem:v10+s16+$0x0], $0xffff  }
0x2c1: {  	v32 =	vor.u32 $0x4002, v1;
	v2 =	vor.u32 v2, v62;
	v3 =	vld.idx.msk [tilespmem:v3+s17+$0x0], $0xffff  }
0x2c2: {  	v8 =	vor.u32 v32, v61;
	v5 =	vld.idx.msk [tilespmem:v11+s10+$0x0], $0xffff  }
0x2c3: {  	v63 =	vor.u32 $0x4003, v1;
	v7 =	vor.u32 v32, v62;
	v0 =	vld.idx.msk [tilespmem:v0+s13+$0x0], $0xffff  }
0x2c4: {  	v32 =	vor.u32 v63, v61  }
0x2c5: {  	v9 =	vor.u32 v63, v62;
	v63 =	vor.u32 $0x4004, v1;
	v6 =	vld.idx.msk [tilespmem:v6+s10+$0x0], $0xffff  }
0x2c6: {  	v12 =	vor.u32 v63, v61;
	v2 =	vld.idx.msk [tilespmem:v2+s13+$0x0], $0xffff  }
0x2c7: {  	v13 =	vor.u32 $0x4005, v1;
	v8 =	vld.idx.msk [tilespmem:v8+s10+$0x0], $0xffff;
	v11 =	vor.u32 v63, v62  }
0x2c8: {  	v3 =	vadd.f32 v3, v4;
	v4 =	vld.idx.msk [tilespmem:v7+s13+$0x0], $0xffff;
	v0 =	vmul.f32 v0, v5;
	v5 =	vor.u32 v13, v61  }
0x2c9: {  	v10 =	vor.u32 v13, v62;
	v7 =	vld.idx.msk [tilespmem:v32+s10+$0x0], $0xffff;
	v13 =	vor.u32 $0x4006, v1  }
0x2ca: {  	v32 =	vor.u32 v13, v61;
	v0 =	vadd.f32 v0, v3;
	v3 =	vld.idx.msk [tilespmem:v9+s13+$0x0], $0xffff  }
0x2cb: {  	v2 =	vmul.f32 v2, v6;
	v6 =	vld.idx.msk [tilespmem:v12+s10+$0x0], $0xffff;
	v12 =	vor.u32 v13, v62;
	v13 =	vor.u32 $0x4007, v1  }
0x2cc: {  	v11 =	vld.idx.msk [tilespmem:v11+s13+$0x0], $0xffff;
	v63 =	vor.u32 v13, v61  }
0x2cd: {  	v0 =	vadd.f32 v2, v0;
	v2 =	vmul.f32 v4, v8;
	v4 =	vld.idx.msk [tilespmem:v5+s10+$0x0], $0xffff;
	v5 =	vor.u32 v13, v62  }
0x2ce: {  	v8 =	vld.idx.msk [tilespmem:v10+s13+$0x0], $0xffff;
	v10 =	vor.u32 $0x4008, v1  }
0x2cf: {  	v0 =	vadd.f32 v2, v0;
	v2 =	vmul.f32 v3, v7;
	v3 =	vld.idx.msk [tilespmem:v32+s10+$0x0], $0xffff;
	v7 =	vor.u32 v10, v61  }
0x2d0: {  	v32 =	vld.idx.msk [tilespmem:v12+s13+$0x0], $0xffff;
	v10 =	vor.u32 v10, v62;
	v12 =	vor.u32 $0x4009, v1  }
0x2d1: {  	v0 =	vadd.f32 v2, v0;
	v2 =	vmul.f32 v11, v6;
	v6 =	vld.idx.msk [tilespmem:v63+s10+$0x0], $0xffff;
	v63 =	vor.u32 v12, v61  }
0x2d2: {  	v13 =	vor.u32 $0x400A, v1;
	v12 =	vor.u32 v12, v62;
	v5 =	vld.idx.msk [tilespmem:v5+s13+$0x0], $0xffff  }
0x2d3: {  	v0 =	vadd.f32 v2, v0;
	v2 =	vmul.f32 v8, v4;
	v4 =	vor.u32 v13, v61  }
0x2d4: {  	v8 =	vor.u32 v13, v62;
	v13 =	vor.u32 $0x400B, v1;
	v7 =	vld.idx.msk [tilespmem:v7+s10+$0x0], $0xffff  }
0x2d5: {  	v0 =	vadd.f32 v2, v0;
	v2 =	vmul.f32 v32, v3;
	v3 =	vld.idx.msk [tilespmem:v10+s13+$0x0], $0xffff;
	v32 =	vor.u32 v13, v61  }
0x2d6: {  	v10 =	vld.idx.msk [tilespmem:v63+s10+$0x0], $0xffff;
	v63 =	vor.u32 v13, v62;
	v13 =	vor.u32 $0x400C, v1  }
0x2d7: {  	v0 =	vadd.f32 v2, v0;
	v2 =	vmul.f32 v5, v6;
	v5 =	vld.idx.msk [tilespmem:v12+s13+$0x0], $0xffff;
	v6 =	vor.u32 v13, v61  }
0x2d8: {  	v12 =	vor.u32 v13, v62;
	v13 =	vor.u32 $0x400D, v1;
	v4 =	vld.idx.msk [tilespmem:v4+s10+$0x0], $0xffff  }
0x2d9: {  	v0 =	vadd.f32 v2, v0;
	v2 =	vld.idx.msk [tilespmem:v8+s13+$0x0], $0xffff;
	v8 =	vor.u32 v13, v61  }
0x2da: {  	v3 =	vmul.f32 v3, v7;
	v7 =	vld.idx.msk [tilespmem:v32+s10+$0x0], $0xffff;
	v32 =	vor.u32 v13, v62;
	v13 =	vor.u32 $0x400E, v1  }
0x2db: {  	v11 =	vld.idx.msk [tilespmem:v63+s13+$0x0], $0xffff;
	v63 =	vor.u32 v13, v61  }
0x2dc: {  	v0 =	vadd.f32 v3, v0;
	v3 =	vmul.f32 v5, v10;
	v5 =	vld.idx.msk [tilespmem:v6+s10+$0x0], $0xffff;
	v6 =	vor.u32 v13, v62  }
0x2dd: {  	v10 =	vld.idx.msk [tilespmem:v12+s13+$0x0], $0xffff;
	v12 =	vor.u32 $0x400F, v1  }
0x2de: {  	v0 =	vadd.f32 v3, v0;
	v2 =	vmul.f32 v2, v4;
	v3 =	vld.idx.msk [tilespmem:v8+s10+$0x0], $0xffff;
	v4 =	vor.u32 v12, v61  }
0x2df: {  	v8 =	vld.idx.msk [tilespmem:v32+s13+$0x0], $0xffff;
	v32 =	vor.u32 v12, v62;
	v12 =	vor.u32 $0x4010, v1  }
0x2e0: {  	v0 =	vadd.f32 v2, v0;
	v2 =	vmul.f32 v11, v7;
	v7 =	vld.idx.msk [tilespmem:v63+s10+$0x0], $0xffff;
	v63 =	vor.u32 v12, v61  }
0x2e1: {  	v13 =	vor.u32 $0x4011, v1;
	v12 =	vor.u32 v12, v62;
	v6 =	vld.idx.msk [tilespmem:v6+s13+$0x0], $0xffff  }
0x2e2: {  	v0 =	vadd.f32 v2, v0;
	v2 =	vmul.f32 v10, v5;
	v5 =	vor.u32 v13, v61  }
0x2e3: {  	v10 =	vor.u32 v13, v62;
	v13 =	vor.u32 $0x4012, v1;
	v4 =	vld.idx.msk [tilespmem:v4+s10+$0x0], $0xffff  }
0x2e4: {  	v0 =	vadd.f32 v2, v0;
	v2 =	vmul.f32 v8, v3;
	v3 =	vld.idx.msk [tilespmem:v32+s13+$0x0], $0xffff;
	v32 =	vor.u32 v13, v61  }
0x2e5: {  	v9 =	vld.idx.msk [tilespmem:v63+s10+$0x0], $0xffff;
	v63 =	vor.u32 v13, v62;
	v13 =	vor.u32 $0x4013, v1  }
0x2e6: {  	v0 =	vadd.f32 v2, v0;
	v2 =	vmul.f32 v6, v7;
	v6 =	vld.idx.msk [tilespmem:v12+s13+$0x0], $0xffff;
	v7 =	vor.u32 v13, v61  }
0x2e7: {  	v12 =	vor.u32 v13, v62;
	v13 =	vor.u32 $0x4014, v1;
	v5 =	vld.idx.msk [tilespmem:v5+s10+$0x0], $0xffff  }
0x2e8: {  	v0 =	vadd.f32 v2, v0;
	v2 =	vld.idx.msk [tilespmem:v10+s13+$0x0], $0xffff;
	v10 =	vor.u32 v13, v61  }
0x2e9: {  	v3 =	vmul.f32 v3, v4;
	v4 =	vld.idx.msk [tilespmem:v32+s10+$0x0], $0xffff;
	v32 =	vor.u32 v13, v62;
	v13 =	vor.u32 $0x4015, v1  }
0x2ea: {  	v11 =	vld.idx.msk [tilespmem:v63+s13+$0x0], $0xffff;
	v63 =	vor.u32 v13, v61  }
0x2eb: {  	v0 =	vadd.f32 v3, v0;
	v3 =	vmul.f32 v6, v9;
	v6 =	vld.idx.msk [tilespmem:v7+s10+$0x0], $0xffff;
	v7 =	vor.u32 v13, v62  }
0x2ec: {  	v9 =	vld.idx.msk [tilespmem:v12+s13+$0x0], $0xffff;
	v12 =	vor.u32 $0x4016, v1  }
0x2ed: {  	v0 =	vadd.f32 v3, v0;
	v2 =	vmul.f32 v2, v5;
	v3 =	vld.idx.msk [tilespmem:v10+s10+$0x0], $0xffff;
	v5 =	vor.u32 v12, v61  }
0x2ee: {  	v8 =	vld.idx.msk [tilespmem:v32+s13+$0x0], $0xffff;
	v32 =	vor.u32 v12, v62;
	v12 =	vor.u32 $0x4017, v1  }
0x2ef: {  	v0 =	vadd.f32 v2, v0;
	v2 =	vmul.f32 v11, v4;
	v4 =	vld.idx.msk [tilespmem:v63+s10+$0x0], $0xffff;
	v63 =	vor.u32 v12, v61  }
0x2f0: {  	v13 =	vor.u32 $0x4018, v1;
	v12 =	vor.u32 v12, v62;
	v7 =	vld.idx.msk [tilespmem:v7+s13+$0x0], $0xffff  }
0x2f1: {  	v0 =	vadd.f32 v2, v0;
	v2 =	vmul.f32 v9, v6;
	v6 =	vor.u32 v13, v61  }
0x2f2: {  	v9 =	vor.u32 v13, v62;
	v13 =	vor.u32 $0x4019, v1;
	v5 =	vld.idx.msk [tilespmem:v5+s10+$0x0], $0xffff  }
0x2f3: {  	v0 =	vadd.f32 v2, v0;
	v2 =	vmul.f32 v8, v3;
	v3 =	vld.idx.msk [tilespmem:v32+s13+$0x0], $0xffff;
	v32 =	vor.u32 v13, v61  }
0x2f4: {  	v10 =	vld.idx.msk [tilespmem:v63+s10+$0x0], $0xffff;
	v63 =	vor.u32 v13, v62;
	v13 =	vor.u32 $0x401A, v1  }
0x2f5: {  	v0 =	vadd.f32 v2, v0;
	v2 =	vmul.f32 v7, v4;
	v4 =	vld.idx.msk [tilespmem:v12+s13+$0x0], $0xffff;
	v7 =	vor.u32 v13, v61  }
0x2f6: {  	v12 =	vor.u32 v13, v62;
	v13 =	vor.u32 $0x401B, v1;
	v6 =	vld.idx.msk [tilespmem:v6+s10+$0x0], $0xffff  }
0x2f7: {  	v0 =	vadd.f32 v2, v0;
	v2 =	vld.idx.msk [tilespmem:v9+s13+$0x0], $0xffff;
	v9 =	vor.u32 v13, v61  }
0x2f8: {  	v3 =	vmul.f32 v3, v5;
	v5 =	vld.idx.msk [tilespmem:v32+s10+$0x0], $0xffff;
	v32 =	vor.u32 v13, v62;
	v13 =	vor.u32 $0x401C, v1  }
0x2f9: {  	v11 =	vld.idx.msk [tilespmem:v63+s13+$0x0], $0xffff;
	v63 =	vor.u32 v13, v61  }
0x2fa: {  	v0 =	vadd.f32 v3, v0;
	v3 =	vmul.f32 v4, v10;
	v4 =	vld.idx.msk [tilespmem:v7+s10+$0x0], $0xffff;
	v7 =	vor.u32 v13, v62  }
0x2fb: {  	v10 =	vld.idx.msk [tilespmem:v12+s13+$0x0], $0xffff;
	v12 =	vor.u32 $0x401D, v1  }
0x2fc: {  	v0 =	vadd.f32 v3, v0;
	v2 =	vmul.f32 v2, v6;
	v3 =	vld.idx.msk [tilespmem:v9+s10+$0x0], $0xffff;
	v6 =	vor.u32 v12, v61  }
0x2fd: {  	v8 =	vld.idx.msk [tilespmem:v32+s13+$0x0], $0xffff;
	v32 =	vor.u32 v12, v62;
	v12 =	vor.u32 $0x401E, v1  }
0x2fe: {  	v0 =	vadd.f32 v2, v0;
	v2 =	vmul.f32 v11, v5;
	v5 =	vld.idx.msk [tilespmem:v63+s10+$0x0], $0xffff;
	v63 =	vor.u32 v12, v61  }
0x2ff: {  	v13 =	vor.u32 $0x401F, v1;
	v12 =	vor.u32 v12, v62;
	v7 =	vld.idx.msk [tilespmem:v7+s13+$0x0], $0xffff  }
0x300: {  	v0 =	vadd.f32 v2, v0;
	v2 =	vmul.f32 v10, v4;
	v4 =	vor.u32 v13, v61  }
0x301: {  	v10 =	vor.u32 v13, v62;
	v13 =	vor.u32 $0x4020, v1;
	v6 =	vld.idx.msk [tilespmem:v6+s10+$0x0], $0xffff  }
0x302: {  	v0 =	vadd.f32 v2, v0;
	v2 =	vmul.f32 v8, v3;
	v3 =	vld.idx.msk [tilespmem:v32+s13+$0x0], $0xffff;
	v32 =	vor.u32 v13, v61  }
0x303: {  	v9 =	vld.idx.msk [tilespmem:v63+s10+$0x0], $0xffff;
	v63 =	vor.u32 v13, v62;
	v13 =	vor.u32 $0x4021, v1  }
0x304: {  	v0 =	vadd.f32 v2, v0;
	v2 =	vmul.f32 v7, v5;
	v5 =	vld.idx.msk [tilespmem:v12+s13+$0x0], $0xffff;
	v7 =	vor.u32 v13, v61  }
0x305: {  	v12 =	vor.u32 v13, v62;
	v13 =	vor.u32 $0x4022, v1;
	v4 =	vld.idx.msk [tilespmem:v4+s10+$0x0], $0xffff  }
0x306: {  	v0 =	vadd.f32 v2, v0;
	v2 =	vld.idx.msk [tilespmem:v10+s13+$0x0], $0xffff;
	v10 =	vor.u32 v13, v61  }
0x307: {  	v3 =	vmul.f32 v3, v6;
	v6 =	vld.idx.msk [tilespmem:v32+s10+$0x0], $0xffff;
	v32 =	vor.u32 v13, v62;
	v13 =	vor.u32 $0x4023, v1  }
0x308: {  	v11 =	vld.idx.msk [tilespmem:v63+s13+$0x0], $0xffff;
	v63 =	vor.u32 v13, v61  }
0x309: {  	v0 =	vadd.f32 v3, v0;
	v3 =	vmul.f32 v5, v9;
	v5 =	vld.idx.msk [tilespmem:v7+s10+$0x0], $0xffff;
	v7 =	vor.u32 v13, v62  }
0x30a: {  	v9 =	vld.idx.msk [tilespmem:v12+s13+$0x0], $0xffff;
	v12 =	vor.u32 $0x4024, v1  }
0x30b: {  	v0 =	vadd.f32 v3, v0;
	v2 =	vmul.f32 v2, v4;
	v3 =	vld.idx.msk [tilespmem:v10+s10+$0x0], $0xffff;
	v4 =	vor.u32 v12, v61  }
0x30c: {  	v8 =	vld.idx.msk [tilespmem:v32+s13+$0x0], $0xffff;
	v32 =	vor.u32 v12, v62;
	v12 =	vor.u32 $0x4025, v1  }
0x30d: {  	v0 =	vadd.f32 v2, v0;
	v2 =	vmul.f32 v11, v6;
	v6 =	vld.idx.msk [tilespmem:v63+s10+$0x0], $0xffff;
	v63 =	vor.u32 v12, v61  }
0x30e: {  	v13 =	vor.u32 $0x4026, v1;
	v12 =	vor.u32 v12, v62;
	v7 =	vld.idx.msk [tilespmem:v7+s13+$0x0], $0xffff  }
0x30f: {  	v0 =	vadd.f32 v2, v0;
	v2 =	vmul.f32 v9, v5;
	v5 =	vor.u32 v13, v61  }
0x310: {  	v9 =	vor.u32 v13, v62;
	v13 =	vor.u32 $0x4027, v1;
	v4 =	vld.idx.msk [tilespmem:v4+s10+$0x0], $0xffff  }
0x311: {  	v0 =	vadd.f32 v2, v0;
	v2 =	vmul.f32 v8, v3;
	v3 =	vld.idx.msk [tilespmem:v32+s13+$0x0], $0xffff;
	v32 =	vor.u32 v13, v61  }
0x312: {  	v10 =	vld.idx.msk [tilespmem:v63+s10+$0x0], $0xffff;
	v63 =	vor.u32 v13, v62;
	v13 =	vor.u32 $0x4028, v1  }
0x313: {  	v0 =	vadd.f32 v2, v0;
	v2 =	vmul.f32 v7, v6;
	v6 =	vld.idx.msk [tilespmem:v12+s13+$0x0], $0xffff;
	v7 =	vor.u32 v13, v61  }
0x314: {  	v12 =	vor.u32 v13, v62;
	v13 =	vor.u32 $0x4029, v1;
	v5 =	vld.idx.msk [tilespmem:v5+s10+$0x0], $0xffff  }
0x315: {  	v0 =	vadd.f32 v2, v0;
	v2 =	vld.idx.msk [tilespmem:v9+s13+$0x0], $0xffff;
	v9 =	vor.u32 v13, v61  }
0x316: {  	v3 =	vmul.f32 v3, v4;
	v4 =	vld.idx.msk [tilespmem:v32+s10+$0x0], $0xffff;
	v32 =	vor.u32 v13, v62;
	v13 =	vor.u32 $0x402A, v1  }
0x317: {  	v11 =	vld.idx.msk [tilespmem:v63+s13+$0x0], $0xffff;
	v63 =	vor.u32 v13, v61  }
0x318: {  	v0 =	vadd.f32 v3, v0;
	v3 =	vmul.f32 v6, v10;
	v6 =	vld.idx.msk [tilespmem:v7+s10+$0x0], $0xffff;
	v7 =	vor.u32 v13, v62  }
0x319: {  	v10 =	vld.idx.msk [tilespmem:v12+s13+$0x0], $0xffff;
	v12 =	vor.u32 $0x402B, v1  }
0x31a: {  	v0 =	vadd.f32 v3, v0;
	v2 =	vmul.f32 v2, v5;
	v3 =	vld.idx.msk [tilespmem:v9+s10+$0x0], $0xffff;
	v5 =	vor.u32 v12, v61  }
0x31b: {  	v8 =	vld.idx.msk [tilespmem:v32+s13+$0x0], $0xffff;
	v32 =	vor.u32 v12, v62;
	v12 =	vor.u32 $0x402C, v1  }
0x31c: {  	v0 =	vadd.f32 v2, v0;
	v2 =	vmul.f32 v11, v4;
	v4 =	vld.idx.msk [tilespmem:v63+s10+$0x0], $0xffff;
	v63 =	vor.u32 v12, v61  }
0x31d: {  	v13 =	vor.u32 $0x402D, v1;
	v12 =	vor.u32 v12, v62;
	v7 =	vld.idx.msk [tilespmem:v7+s13+$0x0], $0xffff  }
0x31e: {  	v0 =	vadd.f32 v2, v0;
	v2 =	vmul.f32 v10, v6;
	v6 =	vor.u32 v13, v61  }
0x31f: {  	v10 =	vor.u32 v13, v62;
	v13 =	vor.u32 $0x402E, v1;
	v5 =	vld.idx.msk [tilespmem:v5+s10+$0x0], $0xffff  }
0x320: {  	v0 =	vadd.f32 v2, v0;
	v2 =	vmul.f32 v8, v3;
	v3 =	vld.idx.msk [tilespmem:v32+s13+$0x0], $0xffff;
	v32 =	vor.u32 v13, v61  }
0x321: {  	v9 =	vld.idx.msk [tilespmem:v63+s10+$0x0], $0xffff;
	v63 =	vor.u32 v13, v62;
	v13 =	vor.u32 $0x402F, v1  }
0x322: {  	v0 =	vadd.f32 v2, v0;
	v2 =	vmul.f32 v7, v4;
	v4 =	vld.idx.msk [tilespmem:v12+s13+$0x0], $0xffff;
	v7 =	vor.u32 v13, v61  }
0x323: {  	v12 =	vor.u32 v13, v62;
	v13 =	vor.u32 $0x4030, v1;
	v6 =	vld.idx.msk [tilespmem:v6+s10+$0x0], $0xffff  }
0x324: {  	v0 =	vadd.f32 v2, v0;
	v2 =	vld.idx.msk [tilespmem:v10+s13+$0x0], $0xffff;
	v10 =	vor.u32 v13, v61  }
0x325: {  	v3 =	vmul.f32 v3, v5;
	v5 =	vld.idx.msk [tilespmem:v32+s10+$0x0], $0xffff;
	v32 =	vor.u32 v13, v62;
	v13 =	vor.u32 $0x4031, v1  }
0x326: {  	v11 =	vld.idx.msk [tilespmem:v63+s13+$0x0], $0xffff;
	v63 =	vor.u32 v13, v61  }
0x327: {  	v0 =	vadd.f32 v3, v0;
	v3 =	vmul.f32 v4, v9;
	v4 =	vld.idx.msk [tilespmem:v7+s10+$0x0], $0xffff;
	v7 =	vor.u32 v13, v62  }
0x328: {  	v9 =	vld.idx.msk [tilespmem:v12+s13+$0x0], $0xffff;
	v12 =	vor.u32 $0x4032, v1  }
0x329: {  	v0 =	vadd.f32 v3, v0;
	v2 =	vmul.f32 v2, v6;
	v3 =	vld.idx.msk [tilespmem:v10+s10+$0x0], $0xffff;
	v6 =	vor.u32 v12, v61  }
0x32a: {  	v8 =	vld.idx.msk [tilespmem:v32+s13+$0x0], $0xffff;
	v32 =	vor.u32 v12, v62;
	v12 =	vor.u32 $0x4033, v1  }
0x32b: {  	v0 =	vadd.f32 v2, v0;
	v2 =	vmul.f32 v11, v5;
	v5 =	vld.idx.msk [tilespmem:v63+s10+$0x0], $0xffff;
	v63 =	vor.u32 v12, v61  }
0x32c: {  	v13 =	vor.u32 $0x4034, v1;
	v12 =	vor.u32 v12, v62;
	v7 =	vld.idx.msk [tilespmem:v7+s13+$0x0], $0xffff  }
0x32d: {  	v0 =	vadd.f32 v2, v0;
	v2 =	vmul.f32 v9, v4;
	v4 =	vor.u32 v13, v61  }
0x32e: {  	v9 =	vor.u32 v13, v62;
	v13 =	vor.u32 $0x4035, v1;
	v6 =	vld.idx.msk [tilespmem:v6+s10+$0x0], $0xffff  }
0x32f: {  	v0 =	vadd.f32 v2, v0;
	v2 =	vmul.f32 v8, v3;
	v3 =	vld.idx.msk [tilespmem:v32+s13+$0x0], $0xffff;
	v32 =	vor.u32 v13, v61  }
0x330: {  	v10 =	vld.idx.msk [tilespmem:v63+s10+$0x0], $0xffff;
	v63 =	vor.u32 v13, v62;
	v13 =	vor.u32 $0x4036, v1  }
0x331: {  	v0 =	vadd.f32 v2, v0;
	v2 =	vmul.f32 v7, v5;
	v5 =	vld.idx.msk [tilespmem:v12+s13+$0x0], $0xffff;
	v7 =	vor.u32 v13, v61  }
0x332: {  	v12 =	vor.u32 v13, v62;
	v13 =	vor.u32 $0x4037, v1;
	v4 =	vld.idx.msk [tilespmem:v4+s10+$0x0], $0xffff  }
0x333: {  	v8 =	vor.u32 v13, v62;
	v0 =	vadd.f32 v2, v0;
	v2 =	vld.idx.msk [tilespmem:v9+s13+$0x0], $0xffff  }
0x334: {  	v9 =	vor.u32 v13, v61;
	v13 =	vor.u32 $0x4038, v1;
	v3 =	vmul.f32 v3, v6;
	v6 =	vld.idx.msk [tilespmem:v32+s10+$0x0], $0xffff  }
0x335: {  	v32 =	vor.u32 v13, v61;
	v11 =	vld.idx.msk [tilespmem:v63+s13+$0x0], $0xffff  }
0x336: {  	v0 =	vadd.f32 v3, v0;
	v3 =	vmul.f32 v5, v10;
	v5 =	vld.idx.msk [tilespmem:v7+s10+$0x0], $0xffff;
	v7 =	vor.u32 v13, v62  }
0x337: {  	v10 =	vld.idx.msk [tilespmem:v12+s13+$0x0], $0xffff;
	v12 =	vor.u32 $0x4039, v1  }
0x338: {  	v8 =	vld.idx.msk [tilespmem:v8+s13+$0x0], $0xffff;
	v0 =	vadd.f32 v3, v0;
	v2 =	vmul.f32 v2, v4;
	v4 =	vor.u32 v12, v61  }
0x339: {  	v3 =	vld.idx.msk [tilespmem:v9+s10+$0x0], $0xffff;
	v9 =	vor.u32 v12, v62;
	v12 =	vor.u32 $0x403A, v1  }
0x33a: {  	v0 =	vadd.f32 v2, v0;
	v2 =	vmul.f32 v11, v6;
	v6 =	vld.idx.msk [tilespmem:v32+s10+$0x0], $0xffff;
	v32 =	vor.u32 v12, v61  }
0x33b: {  	v13 =	vor.u32 $0x403B, v1;
	v12 =	vor.u32 v12, v62;
	v7 =	vld.idx.msk [tilespmem:v7+s13+$0x0], $0xffff  }
0x33c: {  	v0 =	vadd.f32 v2, v0;
	v2 =	vmul.f32 v10, v5;
	v5 =	vor.u32 v13, v61  }
0x33d: {  	v10 =	vor.u32 v13, v62;
	v13 =	vor.u32 $0x403C, v1;
	v4 =	vld.idx.msk [tilespmem:v4+s10+$0x0], $0xffff  }
0x33e: {  	v0 =	vadd.f32 v2, v0;
	v2 =	vmul.f32 v8, v3;
	v3 =	vld.idx.msk [tilespmem:v9+s13+$0x0], $0xffff;
	v8 =	vor.u32 v13, v61  }
0x33f: {  	v63 =	vor.u32 v13, v62;
	v13 =	vor.u32 $0x403D, v1;
	v9 =	vld.idx.msk [tilespmem:v32+s10+$0x0], $0xffff  }
0x340: {  	v32 =	vor.u32 v13, v61;
	v0 =	vadd.f32 v2, v0;
	v2 =	vmul.f32 v7, v6;
	v6 =	vld.idx.msk [tilespmem:v12+s13+$0x0], $0xffff  }
0x341: {  	v12 =	vor.u32 v13, v62;
	v13 =	vor.u32 $0x403E, v1;
	v5 =	vld.idx.msk [tilespmem:v5+s10+$0x0], $0xffff  }
0x342: {  	v0 =	vadd.f32 v2, v0;
	v2 =	vld.idx.msk [tilespmem:v10+s13+$0x0], $0xffff;
	v10 =	vor.u32 v13, v61  }
0x343: {  	v3 =	vmul.f32 v3, v4;
	v4 =	vld.idx.msk [tilespmem:v8+s10+$0x0], $0xffff;
	v8 =	vor.u32 v13, v62;
	v13 =	vor.u32 $0x403F, v1  }
0x344: {  	v11 =	vld.idx.msk [tilespmem:v63+s13+$0x0], $0xffff;
	v61 =	vor.u32 v13, v61  }
0x345: {  	v7 =	vld.idx.msk [tilespmem:v32+s10+$0x0], $0xffff;
	v0 =	vadd.f32 v3, v0;
	v3 =	vmul.f32 v6, v9;
	v6 =	vor.u32 v13, v62  }
0x346: {  	v32 =	vld.idx.msk [tilespmem:v12+s13+$0x0], $0xffff  }
0x347: {  	v0 =	vadd.f32 v3, v0;
	v2 =	vmul.f32 v2, v5;
	v3 =	vld.idx.msk [tilespmem:v10+s10+$0x0], $0xffff  }
0x348: {  	v62 =	vld.idx.msk [tilespmem:v8+s13+$0x0], $0xffff  }
0x349: {  	v0 =	vadd.f32 v2, v0;
	v2 =	vmul.f32 v11, v4;
	v63 =	vld.idx.msk [tilespmem:v61+s10+$0x0], $0xffff  }
0x34a: {  	v6 =	vld.idx.msk [tilespmem:v6+s13+$0x0], $0xffff  }
0x34b: {  	v0 =	vadd.f32 v2, v0;
	v2 =	vmul.f32 v32, v7;
	_ =	sdelay $0x1  }
0x34c: {  	v0 =	vadd.f32 v2, v0;
	v2 =	vmul.f32 v62, v3;
	_ =	sdelay $0x1  }
0x34d: {  	v0 =	vadd.f32 v2, v0;
	v2 =	vmul.f32 v6, v63;
	_ =	sdelay $0x1  }
0x34e: {  	v0 =	vadd.f32 v2, v0;
	_ =	sdelay $0x1  }
0x34f: {  	v0 =	vsub.f32 $0.0e+00, v0;
	_ =	sdelay $0x1  }
0x350: {  	v0 =	vmul.f32 $1.442695020e+00, v0;
	_ =	sdelay $0x1  }
0x351: {  	(erf) = vpow2.f32 v0;
	_ =	sdelay $0x8  }
0x352: {  	v0 =	vpop (erf)  }
0x353: {  	v0 =	vadd.f32 $1.000000000e+00, v0;
	_ =	sdelay $0x1  }
0x354: {  	(erf) = vrcp.f32 v0;
	_ =	sdelay $0x4  }
0x355: {  	p0 =	sne.s32 s20, $0x1E0  }
.Ltmp1:
0x356: {  	_ = 	snop;
	(pc) =	sbr.rel @p0 .LBB2_4-.Ltmp1, $3  }
0x357: {  	_ =	sdelay $0x1  }
0x358: {  	s20 =	sadd.s32 $0x20, s20;
	v0 =	vpop (erf)  }
0x359: {  	s22 =	sadd.s32 $0x20, s22;
	s23 =	sadd.s32 $0x20, s23;
	[tilespmem:s21+$0x0] =	vst v0;
	s21 =	sadd.s32 $0x20, s21  }
0x35a: {  	s19 =	sadd.s32 $0x1, s19  }
0x35b: {  	p0 =	sne.s32 s19, s8  }
.Ltmp2:
0x35c: {  	_ = 	snop;
	(pc) =	sbr.rel @p0 .LBB2_1-.Ltmp2, $4  }
0x35d: {  	[hbm4b:s7+s1] =	stream.linear.scatter [tilespmem:s18], [sflag:$0x4], $0x200, $0x38;
	[tilespmem:$0x12600] =	vst v63  }
0x35e: {  	_ =	swait.ge [sflag:s11], $0x200  }
0x35f: {  	[sflag:s11] =	ssyncset.done $0x0  }
0x360: {  	[sflag:s11] =	ssyncadd.s32 $0xFFFFFE00  }
0x361: {  	_ =	sfence.sel $0x180000  }
0x362: {  	[bflag:$0x0] =	sbarrier.arrive $0xFFFF  }
0x363: {  	p0 =	sne.s32 s4, $0x0;
	_ =	strace $0x90000047  }
0x364: {  	s0 =	sadd.s32 @!p0 $0x100000, s0;
	[bflag:$0x2] =	sbarrier.arrive $0xFFFF  }
0x365: {  	[sflag:s0] =	ssyncadd.tile.s32 @!p0 $0x1;
	_ =	shalt  }
.Lfunc_end2:
_tile_overlayer_lowered:
.L_overlay_start_2:
0x366: {  	(tag) =	ssettag $0x2  }
0x367: {  	s0 =	rddreg [dreg:$0x0];
	s2 =	stileid.u32  }
0x368: {  	s1 =	rddreg [dreg:$0x1];
	p0 =	sne.s32 s2, $0x0  }
0x369: {  	s3 =	rddreg [dreg:$0x2];
	[bflag:$0x3] =	sbarrier.arrive $0xFFFF;
	s2 =	simm.s32 @!p0 $0x1C04  }
0x36a: {  	[timem:s3], [sflag:s2] =	dma.local @!p0 [hbm:s0], s1  }
0x36b: {  	s0 =	simm.s32 @!p0 $0x4  }
0x36c: {  	_ =	swait.ge @!p0 [sflag:s0], s1  }
0x36d: {  	s1 =	ssub.s32 @!p0 $0x0, s1;
	[sflag:s0] =	ssyncset.done @!p0 $0x0  }
0x36e: {  	[sflag:s0] =	ssyncadd.s32 @!p0 s1  }
0x36f: {  	[bflag:$0x3] =	sbarrier.arrive $0xFFFF  }
0x370: {  	_ =	shalt  }

</sc_bundles>
